<compile_context>
chip_gen: v7x
topology: tpu7x:2x2x1
jax: 0.10.2.dev20260603
libtpu: 0.0.44.dev20260713+nightly
codegen_flags: <defaults>
</compile_context>

<pallas_src>
import jax
import jax.numpy as jnp
from jax import lax
from jax.experimental import pallas as pl
from jax.experimental.pallas import tpu as pltpu
from jax.experimental.pallas import tpu_sc as plsc

N = 100000
D = 128
NUM_CLASSES = 5
EMB_DIM = 125
CHUNK = 400
TILES = N // CHUNK
HI_W = 26
HI_ROUNDS = 8
LO_ROUNDS = 7
ROWS_MAX = HI_ROUNDS * CHUNK
NBUF = 2


def _body(pt_hbm, eta_hbm, phi_hbm, cls_hbm, tab_hbm, out_hbm,
          idx_v, pt_v, eta_v, phi_v, rows_v, tab125_v, tab_tmp, tab_v,
          sem_g, sem_out):
    sid = lax.axis_index("s")
    wid = sid * 2 + lax.axis_index("c")

    @pl.when(sid == 0)
    def _():
        pltpu.sync_copy(tab_hbm, tab125_v)
        zeros16 = jnp.zeros((16,), jnp.float32)
        for row in range(NUM_CLASSES):
            tab_tmp[row, pl.ds(0, 16)] = zeros16
            for j in range(8):
                src0 = min(16 * j, EMB_DIM - 16)
                tab_tmp[row, pl.ds(3 + src0, 16)] = tab125_v[row, pl.ds(src0, 16)]
        pltpu.sync_copy(tab_tmp, tab_v)

    plsc.subcore_barrier()

    lanes = lax.iota(jnp.int32, 16)
    col0 = jnp.zeros((16,), jnp.int32)
    col1 = jnp.full((16,), 1, jnp.int32)
    col2 = jnp.full((16,), 2, jnp.int32)

    def pipeline(base, tile0, rounds):
        nrows = rounds * CHUNK
        pltpu.sync_copy(cls_hbm.at[pl.ds(base, nrows)], idx_v.at[pl.ds(0, nrows)])
        pltpu.sync_copy(pt_hbm.at[pl.ds(base, nrows)], pt_v.at[pl.ds(0, nrows)])
        pltpu.sync_copy(eta_hbm.at[pl.ds(base, nrows)], eta_v.at[pl.ds(0, nrows)])
        pltpu.sync_copy(phi_hbm.at[pl.ds(base, nrows)], phi_v.at[pl.ds(0, nrows)])

        def start_gather(r):
            b = r % NBUF
            return pltpu.async_copy(
                tab_v.at[idx_v.at[pl.ds(r * CHUNK, CHUNK)]], rows_v[b], sem_g[b])

        def wait_out(b):
            pltpu.make_async_copy(rows_v[b], out_hbm.at[0], sem_out[b]).wait()

        gathers = [None] * rounds
        gathers[0] = start_gather(0)
        for r in range(rounds):
            b = r % NBUF
            gathers[r].wait()
            if r + 1 < rounds:
                if r >= 1:
                    wait_out((r + 1) % NBUF)
                gathers[r + 1] = start_gather(r + 1)
            off = r * CHUNK

            def fix(j, carry, b=b):
                for u in range(5):
                    rows16 = lanes + (j * 5 + u) * 16
                    src = off + (j * 5 + u) * 16
                    plsc.store_scatter(rows_v[b], [rows16, col0], pt_v[pl.ds(src, 16)])
                    plsc.store_scatter(rows_v[b], [rows16, col1], eta_v[pl.ds(src, 16)])
                    plsc.store_scatter(rows_v[b], [rows16, col2], phi_v[pl.ds(src, 16)])
                return carry

            lax.fori_loop(0, CHUNK // 80, fix, 0)
            pltpu.async_copy(rows_v[b], out_hbm.at[tile0 + r], sem_out[b])

        for r in range(max(0, rounds - NBUF), rounds):
            wait_out(r % NBUF)

    @pl.when(wid < HI_W)
    def _():
        pipeline(wid * HI_ROUNDS * CHUNK, wid * HI_ROUNDS, HI_ROUNDS)

    @pl.when(wid >= HI_W)
    def _():
        tile0 = HI_W * HI_ROUNDS + (wid - HI_W) * LO_ROUNDS
        pipeline(tile0 * CHUNK, tile0, LO_ROUNDS)


@jax.jit
def kernel(pt, eta, phi, cls, class_embedding):
    mesh = plsc.VectorSubcoreMesh(core_axis_name="c", subcore_axis_name="s",
                                  num_cores=2, num_subcores=16)
    run = pl.kernel(
        _body,
        out_type=jax.ShapeDtypeStruct((TILES, CHUNK, D), jnp.float32),
        mesh=mesh,
        scratch_types=[
            pltpu.VMEM((ROWS_MAX,), jnp.int32),
            pltpu.VMEM((ROWS_MAX,), jnp.float32),
            pltpu.VMEM((ROWS_MAX,), jnp.float32),
            pltpu.VMEM((ROWS_MAX,), jnp.float32),
            [pltpu.VMEM((CHUNK, D), jnp.float32)] * NBUF,
            pltpu.VMEM((NUM_CLASSES, EMB_DIM), jnp.float32),
            pltpu.VMEM((NUM_CLASSES, D), jnp.float32),
            pltpu.VMEM_SHARED((NUM_CLASSES, D), jnp.float32),
            [pltpu.SemaphoreType.DMA] * NBUF,
            [pltpu.SemaphoreType.DMA] * NBUF,
        ],
        compiler_params=pltpu.CompilerParams(needs_layout_passes=False),
    )
    return run(pt, eta, phi, cls, class_embedding).reshape(N, D)

# --- scband reference (transcript-rebuilt; emitter-appended) ---
"""Pipeline reference for scband-fast-sim-model-42838003810429 (READ-ONLY COPY).

The authoritative reference and input builder live on the scoring server;
editing this copy changes nothing except your own understanding.
"""

import jax, jax.numpy as jnp
import numpy as np

N = 100000
NUM_CLASSES = 5
EMB = 125

def setup_inputs(seed: int = 0) -> dict:
    key = jax.random.key(seed)
    k1, k2, k3, k4, k5 = jax.random.split(key, 5)
    pt = jax.random.normal(k1, (N,), dtype=jnp.float32)
    eta = jax.random.normal(k2, (N,), dtype=jnp.float32)
    phi = jax.random.normal(k3, (N,), dtype=jnp.float32)
    cls = jax.random.randint(k4, (N,), 0, NUM_CLASSES, dtype=jnp.int32)
    class_embedding = jax.random.normal(k5, (NUM_CLASSES, EMB), dtype=jnp.float32)
    return {"pt": pt, "eta": eta, "phi": phi, "cls": cls, "class_embedding": class_embedding}

def reference(pt, eta, phi, cls, class_embedding):
    # FastSimModel.init_feat: features_0 = cat([pt, eta, phi, Embedding(class)], dim=1)
    emb = jnp.take(class_embedding, cls, axis=0)
    features = jnp.concatenate([
        pt.reshape(-1, 1),
        eta.reshape(-1, 1),
        phi.reshape(-1, 1),
        emb,
    ], axis=1)
    return features

if __name__ == "__main__":
    import jax
    _d = setup_inputs()
    print(jax.jit(kernel)(*tuple(_d.values())))

</pallas_src>

<mosaic_0001>
#map = affine_map<(d0, d1) -> (0)>
#map1 = affine_map<(d0, d1) -> (0, 0)>
#map2 = affine_map<(d0, d1) -> (0, 0, 0)>
module attributes {stable_mosaic.version = 14 : i64} {
  func.func @_body(%arg0: i32, %arg1: i32, %arg2: memref<100000xf32, #tpu.memory_space<hbm>>, %arg3: memref<100000xf32, #tpu.memory_space<hbm>>, %arg4: memref<100000xf32, #tpu.memory_space<hbm>>, %arg5: memref<100000xi32, #tpu.memory_space<hbm>>, %arg6: memref<5x125xf32, #tpu.memory_space<hbm>>, %arg7: memref<250x400x128xf32, #tpu.memory_space<hbm>>, %arg8: memref<3200xi32, #tpu.memory_space<vmem>>, %arg9: memref<3200xf32, #tpu.memory_space<vmem>>, %arg10: memref<3200xf32, #tpu.memory_space<vmem>>, %arg11: memref<3200xf32, #tpu.memory_space<vmem>>, %arg12: memref<400x128xf32, #tpu.memory_space<vmem>>, %arg13: memref<400x128xf32, #tpu.memory_space<vmem>>, %arg14: memref<5x125xf32, #tpu.memory_space<vmem>>, %arg15: memref<5x128xf32, #tpu.memory_space<vmem>>, %arg16: memref<5x128xf32, #tpu.memory_space<vmem_shared>>, %arg17: memref<!tpu.dma_semaphore, #tpu.memory_space<semaphore_mem>>, %arg18: memref<!tpu.dma_semaphore, #tpu.memory_space<semaphore_mem>>, %arg19: memref<!tpu.dma_semaphore, #tpu.memory_space<semaphore_mem>>, %arg20: memref<!tpu.dma_semaphore, #tpu.memory_space<semaphore_mem>>) attributes {dimension_semantics = [#tpu.dimension_semantics<core_parallel>, #tpu.dimension_semantics<subcore_parallel>], iteration_bounds = array<i64: 2, 16>, scalar_prefetch = 0 : i64, scratch_operands = 13 : i64, tpu.core_type = #tpu.core_type<sc_vector_subcore>, window_params = [{transform_indices = #map}, {transform_indices = #map}, {transform_indices = #map}, {transform_indices = #map}, {transform_indices = #map1}, {transform_indices = #map2}]} {
    %mul3A = arith.constant 2 : i32
    %mul3A_0 = arith.muli %arg1, %mul3A : i32
    %add3A = arith.addi %mul3A_0, %arg0 : i32
    %eq3A = arith.constant 0 : i32
    %eq3A_1 = arith.cmpi eq, %arg1, %eq3A : i32
    %convert_element_type3A = arith.extui %eq3A_1 : i1 to i32
    %cond3A = arith.constant 0 : i32
    %cond3A_2 = arith.cmpi ne, %convert_element_type3A, %cond3A : i32
    scf.if %cond3A_2 {
      "tpu.region"() ({
        %run_scoped3A = tpu.sem_alloc : memref<!tpu.dma_semaphore, #tpu.memory_space<semaphore_mem>>
        tpu.enqueue_dma source(%arg6 : memref<5x125xf32, #tpu.memory_space<hbm>>) target(%arg14 : memref<5x125xf32, #tpu.memory_space<vmem>>) target_semaphore(%run_scoped3A : memref<!tpu.dma_semaphore, #tpu.memory_space<semaphore_mem>>)
        tpu.wait_dma2 semaphore(%run_scoped3A : memref<!tpu.dma_semaphore, #tpu.memory_space<semaphore_mem>>) src(%arg6 : memref<5x125xf32, #tpu.memory_space<hbm>>) dst(%arg14 : memref<5x125xf32, #tpu.memory_space<vmem>>)
        tpu.yield
      }) : () -> ()
      %broadcast_in_dim3A_16 = arith.constant 0.000000e+00 : f32
      %broadcast_in_dim3A_17 = vector.broadcast %broadcast_in_dim3A_16 : f32 to vector<16xf32>
      %swap3A = arith.constant 0 : i32
      %swap3A_18 = arith.index_cast %swap3A : i32 to index
      %swap3A_19 = arith.constant 0 : index
      %swap3A_20 = tpu.vector_load %arg15[%swap3A_18, %swap3A_19] {strides = array<i32>} : memref<5x128xf32, #tpu.memory_space<vmem>>, vector<16xf32>,
      tpu.vector_store %arg15[%swap3A_18, %swap3A_19], %broadcast_in_dim3A_17 {strides = array<i32>} : memref<5x128xf32, #tpu.memory_space<vmem>>, vector<16xf32>,
      %get3A = arith.constant 0 : i32
      %get3A_21 = arith.index_cast %get3A : i32 to index
      %get3A_22 = arith.constant 0 : index
      %get3A_23 = tpu.vector_load %arg14[%get3A_21, %get3A_22] {strides = array<i32>} : memref<5x125xf32, #tpu.memory_space<vmem>>, vector<16xf32>,
      %swap3A_24 = arith.constant 0 : i32
      %swap3A_25 = arith.index_cast %swap3A_24 : i32 to index
      %swap3A_26 = arith.constant 3 : index
      %swap3A_27 = tpu.vector_load %arg15[%swap3A_25, %swap3A_26] {strides = array<i32>} : memref<5x128xf32, #tpu.memory_space<vmem>>, vector<16xf32>,
      tpu.vector_store %arg15[%swap3A_25, %swap3A_26], %get3A_23 {strides = array<i32>} : memref<5x128xf32, #tpu.memory_space<vmem>>, vector<16xf32>,
      %get3A_28 = arith.constant 0 : i32
      %get3A_29 = arith.index_cast %get3A_28 : i32 to index
      %get3A_30 = arith.constant 16 : index
      %get3A_31 = tpu.vector_load %arg14[%get3A_29, %get3A_30] {strides = array<i32>} : memref<5x125xf32, #tpu.memory_space<vmem>>, vector<16xf32>,
      %swap3A_32 = arith.constant 0 : i32
      %swap3A_33 = arith.index_cast %swap3A_32 : i32 to index
      %swap3A_34 = arith.constant 19 : index
      %swap3A_35 = tpu.vector_load %arg15[%swap3A_33, %swap3A_34] {strides = array<i32>} : memref<5x128xf32, #tpu.memory_space<vmem>>, vector<16xf32>,
      tpu.vector_store %arg15[%swap3A_33, %swap3A_34], %get3A_31 {strides = array<i32>} : memref<5x128xf32, #tpu.memory_space<vmem>>, vector<16xf32>,
      %get3A_36 = arith.constant 0 : i32
      %get3A_37 = arith.index_cast %get3A_36 : i32 to index
      %get3A_38 = arith.constant 32 : index
      %get3A_39 = tpu.vector_load %arg14[%get3A_37, %get3A_38] {strides = array<i32>} : memref<5x125xf32, #tpu.memory_space<vmem>>, vector<16xf32>,
      %swap3A_40 = arith.constant 0 : i32
      %swap3A_41 = arith.index_cast %swap3A_40 : i32 to index
      %swap3A_42 = arith.constant 35 : index
      %swap3A_43 = tpu.vector_load %arg15[%swap3A_41, %swap3A_42] {strides = array<i32>} : memref<5x128xf32, #tpu.memory_space<vmem>>, vector<16xf32>,
      tpu.vector_store %arg15[%swap3A_41, %swap3A_42], %get3A_39 {strides = array<i32>} : memref<5x128xf32, #tpu.memory_space<vmem>>, vector<16xf32>,
      %get3A_44 = arith.constant 0 : i32
      %get3A_45 = arith.index_cast %get3A_44 : i32 to index
      %get3A_46 = arith.constant 48 : index
      %get3A_47 = tpu.vector_load %arg14[%get3A_45, %get3A_46] {strides = array<i32>} : memref<5x125xf32, #tpu.memory_space<vmem>>, vector<16xf32>,
      %swap3A_48 = arith.constant 0 : i32
      %swap3A_49 = arith.index_cast %swap3A_48 : i32 to index
      %swap3A_50 = arith.constant 51 : index
      %swap3A_51 = tpu.vector_load %arg15[%swap3A_49, %swap3A_50] {strides = array<i32>} : memref<5x128xf32, #tpu.memory_space<vmem>>, vector<16xf32>,
      tpu.vector_store %arg15[%swap3A_49, %swap3A_50], %get3A_47 {strides = array<i32>} : memref<5x128xf32, #tpu.memory_space<vmem>>, vector<16xf32>,
      %get3A_52 = arith.constant 0 : i32
      %get3A_53 = arith.index_cast %get3A_52 : i32 to index
      %get3A_54 = arith.constant 64 : index
      %get3A_55 = tpu.vector_load %arg14[%get3A_53, %get3A_54] {strides = array<i32>} : memref<5x125xf32, #tpu.memory_space<vmem>>, vector<16xf32>,
      %swap3A_56 = arith.constant 0 : i32
      %swap3A_57 = arith.index_cast %swap3A_56 : i32 to index
      %swap3A_58 = arith.constant 67 : index
      %swap3A_59 = tpu.vector_load %arg15[%swap3A_57, %swap3A_58] {strides = array<i32>} : memref<5x128xf32, #tpu.memory_space<vmem>>, vector<16xf32>,
      tpu.vector_store %arg15[%swap3A_57, %swap3A_58], %get3A_55 {strides = array<i32>} : memref<5x128xf32, #tpu.memory_space<vmem>>, vector<16xf32>,
      %get3A_60 = arith.constant 0 : i32
      %get3A_61 = arith.index_cast %get3A_60 : i32 to index
      %get3A_62 = arith.constant 80 : index
      %get3A_63 = tpu.vector_load %arg14[%get3A_61, %get3A_62] {strides = array<i32>} : memref<5x125xf32, #tpu.memory_space<vmem>>, vector<16xf32>,
      %swap3A_64 = arith.constant 0 : i32
      %swap3A_65 = arith.index_cast %swap3A_64 : i32 to index
      %swap3A_66 = arith.constant 83 : index
      %swap3A_67 = tpu.vector_load %arg15[%swap3A_65, %swap3A_66] {strides = array<i32>} : memref<5x128xf32, #tpu.memory_space<vmem>>, vector<16xf32>,
      tpu.vector_store %arg15[%swap3A_65, %swap3A_66], %get3A_63 {strides = array<i32>} : memref<5x128xf32, #tpu.memory_space<vmem>>, vector<16xf32>,
      %get3A_68 = arith.constant 0 : i32
      %get3A_69 = arith.index_cast %get3A_68 : i32 to index
      %get3A_70 = arith.constant 96 : index
      %get3A_71 = tpu.vector_load %arg14[%get3A_69, %get3A_70] {strides = array<i32>} : memref<5x125xf32, #tpu.memory_space<vmem>>, vector<16xf32>,
      %swap3A_72 = arith.constant 0 : i32
      %swap3A_73 = arith.index_cast %swap3A_72 : i32 to index
      %swap3A_74 = arith.constant 99 : index
      %swap3A_75 = tpu.vector_load %arg15[%swap3A_73, %swap3A_74] {strides = array<i32>} : memref<5x128xf32, #tpu.memory_space<vmem>>, vector<16xf32>,
      tpu.vector_store %arg15[%swap3A_73, %swap3A_74], %get3A_71 {strides = array<i32>} : memref<5x128xf32, #tpu.memory_space<vmem>>, vector<16xf32>,
      %get3A_76 = arith.constant 0 : i32
      %get3A_77 = arith.index_cast %get3A_76 : i32 to index
      %get3A_78 = arith.constant 109 : index
      %get3A_79 = tpu.vector_load %arg14[%get3A_77, %get3A_78] {strides = array<i32>} : memref<5x125xf32, #tpu.memory_space<vmem>>, vector<16xf32>,
      %swap3A_80 = arith.constant 0 : i32
      %swap3A_81 = arith.index_cast %swap3A_80 : i32 to index
      %swap3A_82 = arith.constant 112 : index
      %swap3A_83 = tpu.vector_load %arg15[%swap3A_81, %swap3A_82] {strides = array<i32>} : memref<5x128xf32, #tpu.memory_space<vmem>>, vector<16xf32>,
      tpu.vector_store %arg15[%swap3A_81, %swap3A_82], %get3A_79 {strides = array<i32>} : memref<5x128xf32, #tpu.memory_space<vmem>>, vector<16xf32>,
      %swap3A_84 = arith.constant 1 : i32
      %swap3A_85 = arith.index_cast %swap3A_84 : i32 to index
      %swap3A_86 = arith.constant 0 : index
      %swap3A_87 = tpu.vector_load %arg15[%swap3A_85, %swap3A_86] {strides = array<i32>} : memref<5x128xf32, #tpu.memory_space<vmem>>, vector<16xf32>,
      tpu.vector_store %arg15[%swap3A_85, %swap3A_86], %broadcast_in_dim3A_17 {strides = array<i32>} : memref<5x128xf32, #tpu.memory_space<vmem>>, vector<16xf32>,
      %get3A_88 = arith.constant 1 : i32
      %get3A_89 = arith.index_cast %get3A_88 : i32 to index
      %get3A_90 = arith.constant 0 : index
      %get3A_91 = tpu.vector_load %arg14[%get3A_89, %get3A_90] {strides = array<i32>} : memref<5x125xf32, #tpu.memory_space<vmem>>, vector<16xf32>,
      %swap3A_92 = arith.constant 1 : i32
      %swap3A_93 = arith.index_cast %swap3A_92 : i32 to index
      %swap3A_94 = arith.constant 3 : index
      %swap3A_95 = tpu.vector_load %arg15[%swap3A_93, %swap3A_94] {strides = array<i32>} : memref<5x128xf32, #tpu.memory_space<vmem>>, vector<16xf32>,
      tpu.vector_store %arg15[%swap3A_93, %swap3A_94], %get3A_91 {strides = array<i32>} : memref<5x128xf32, #tpu.memory_space<vmem>>, vector<16xf32>,
      %get3A_96 = arith.constant 1 : i32
      %get3A_97 = arith.index_cast %get3A_96 : i32 to index
      %get3A_98 = arith.constant 16 : index
      %get3A_99 = tpu.vector_load %arg14[%get3A_97, %get3A_98] {strides = array<i32>} : memref<5x125xf32, #tpu.memory_space<vmem>>, vector<16xf32>,
      %swap3A_100 = arith.constant 1 : i32
      %swap3A_101 = arith.index_cast %swap3A_100 : i32 to index
      %swap3A_102 = arith.constant 19 : index
      %swap3A_103 = tpu.vector_load %arg15[%swap3A_101, %swap3A_102] {strides = array<i32>} : memref<5x128xf32, #tpu.memory_space<vmem>>, vector<16xf32>,
      tpu.vector_store %arg15[%swap3A_101, %swap3A_102], %get3A_99 {strides = array<i32>} : memref<5x128xf32, #tpu.memory_space<vmem>>, vector<16xf32>,
      %get3A_104 = arith.constant 1 : i32
      %get3A_105 = arith.index_cast %get3A_104 : i32 to index
      %get3A_106 = arith.constant 32 : index
      %get3A_107 = tpu.vector_load %arg14[%get3A_105, %get3A_106] {strides = array<i32>} : memref<5x125xf32, #tpu.memory_space<vmem>>, vector<16xf32>,
      %swap3A_108 = arith.constant 1 : i32
      %swap3A_109 = arith.index_cast %swap3A_108 : i32 to index
      %swap3A_110 = arith.constant 35 : index
      %swap3A_111 = tpu.vector_load %arg15[%swap3A_109, %swap3A_110] {strides = array<i32>} : memref<5x128xf32, #tpu.memory_space<vmem>>, vector<16xf32>,
      tpu.vector_store %arg15[%swap3A_109, %swap3A_110], %get3A_107 {strides = array<i32>} : memref<5x128xf32, #tpu.memory_space<vmem>>, vector<16xf32>,
      %get3A_112 = arith.constant 1 : i32
      %get3A_113 = arith.index_cast %get3A_112 : i32 to index
      %get3A_114 = arith.constant 48 : index
      %get3A_115 = tpu.vector_load %arg14[%get3A_113, %get3A_114] {strides = array<i32>} : memref<5x125xf32, #tpu.memory_space<vmem>>, vector<16xf32>,
      %swap3A_116 = arith.constant 1 : i32
      %swap3A_117 = arith.index_cast %swap3A_116 : i32 to index
      %swap3A_118 = arith.constant 51 : index
      %swap3A_119 = tpu.vector_load %arg15[%swap3A_117, %swap3A_118] {strides = array<i32>} : memref<5x128xf32, #tpu.memory_space<vmem>>, vector<16xf32>,
      tpu.vector_store %arg15[%swap3A_117, %swap3A_118], %get3A_115 {strides = array<i32>} : memref<5x128xf32, #tpu.memory_space<vmem>>, vector<16xf32>,
      %get3A_120 = arith.constant 1 : i32
      %get3A_121 = arith.index_cast %get3A_120 : i32 to index
      %get3A_122 = arith.constant 64 : index
      %get3A_123 = tpu.vector_load %arg14[%get3A_121, %get3A_122] {strides = array<i32>} : memref<5x125xf32, #tpu.memory_space<vmem>>, vector<16xf32>,
      %swap3A_124 = arith.constant 1 : i32
      %swap3A_125 = arith.index_cast %swap3A_124 : i32 to index
      %swap3A_126 = arith.constant 67 : index
      %swap3A_127 = tpu.vector_load %arg15[%swap3A_125, %swap3A_126] {strides = array<i32>} : memref<5x128xf32, #tpu.memory_space<vmem>>, vector<16xf32>,
      tpu.vector_store %arg15[%swap3A_125, %swap3A_126], %get3A_123 {strides = array<i32>} : memref<5x128xf32, #tpu.memory_space<vmem>>, vector<16xf32>,
      %get3A_128 = arith.constant 1 : i32
      %get3A_129 = arith.index_cast %get3A_128 : i32 to index
      %get3A_130 = arith.constant 80 : index
      %get3A_131 = tpu.vector_load %arg14[%get3A_129, %get3A_130] {strides = array<i32>} : memref<5x125xf32, #tpu.memory_space<vmem>>, vector<16xf32>,
      %swap3A_132 = arith.constant 1 : i32
      %swap3A_133 = arith.index_cast %swap3A_132 : i32 to index
      %swap3A_134 = arith.constant 83 : index
      %swap3A_135 = tpu.vector_load %arg15[%swap3A_133, %swap3A_134] {strides = array<i32>} : memref<5x128xf32, #tpu.memory_space<vmem>>, vector<16xf32>,
      tpu.vector_store %arg15[%swap3A_133, %swap3A_134], %get3A_131 {strides = array<i32>} : memref<5x128xf32, #tpu.memory_space<vmem>>, vector<16xf32>,
      %get3A_136 = arith.constant 1 : i32
      %get3A_137 = arith.index_cast %get3A_136 : i32 to index
      %get3A_138 = arith.constant 96 : index
      %get3A_139 = tpu.vector_load %arg14[%get3A_137, %get3A_138] {strides = array<i32>} : memref<5x125xf32, #tpu.memory_space<vmem>>, vector<16xf32>,
      %swap3A_140 = arith.constant 1 : i32
      %swap3A_141 = arith.index_cast %swap3A_140 : i32 to index
      %swap3A_142 = arith.constant 99 : index
      %swap3A_143 = tpu.vector_load %arg15[%swap3A_141, %swap3A_142] {strides = array<i32>} : memref<5x128xf32, #tpu.memory_space<vmem>>, vector<16xf32>,
      tpu.vector_store %arg15[%swap3A_141, %swap3A_142], %get3A_139 {strides = array<i32>} : memref<5x128xf32, #tpu.memory_space<vmem>>, vector<16xf32>,
      %get3A_144 = arith.constant 1 : i32
      %get3A_145 = arith.index_cast %get3A_144 : i32 to index
      %get3A_146 = arith.constant 109 : index
      %get3A_147 = tpu.vector_load %arg14[%get3A_145, %get3A_146] {strides = array<i32>} : memref<5x125xf32, #tpu.memory_space<vmem>>, vector<16xf32>,
      %swap3A_148 = arith.constant 1 : i32
      %swap3A_149 = arith.index_cast %swap3A_148 : i32 to index
      %swap3A_150 = arith.constant 112 : index
      %swap3A_151 = tpu.vector_load %arg15[%swap3A_149, %swap3A_150] {strides = array<i32>} : memref<5x128xf32, #tpu.memory_space<vmem>>, vector<16xf32>,
      tpu.vector_store %arg15[%swap3A_149, %swap3A_150], %get3A_147 {strides = array<i32>} : memref<5x128xf32, #tpu.memory_space<vmem>>, vector<16xf32>,
      %swap3A_152 = arith.constant 2 : i32
      %swap3A_153 = arith.index_cast %swap3A_152 : i32 to index
      %swap3A_154 = arith.constant 0 : index
      %swap3A_155 = tpu.vector_load %arg15[%swap3A_153, %swap3A_154] {strides = array<i32>} : memref<5x128xf32, #tpu.memory_space<vmem>>, vector<16xf32>,
      tpu.vector_store %arg15[%swap3A_153, %swap3A_154], %broadcast_in_dim3A_17 {strides = array<i32>} : memref<5x128xf32, #tpu.memory_space<vmem>>, vector<16xf32>,
      %get3A_156 = arith.constant 2 : i32
      %get3A_157 = arith.index_cast %get3A_156 : i32 to index
      %get3A_158 = arith.constant 0 : index
      %get3A_159 = tpu.vector_load %arg14[%get3A_157, %get3A_158] {strides = array<i32>} : memref<5x125xf32, #tpu.memory_space<vmem>>, vector<16xf32>,
      %swap3A_160 = arith.constant 2 : i32
      %swap3A_161 = arith.index_cast %swap3A_160 : i32 to index
      %swap3A_162 = arith.constant 3 : index
      %swap3A_163 = tpu.vector_load %arg15[%swap3A_161, %swap3A_162] {strides = array<i32>} : memref<5x128xf32, #tpu.memory_space<vmem>>, vector<16xf32>,
      tpu.vector_store %arg15[%swap3A_161, %swap3A_162], %get3A_159 {strides = array<i32>} : memref<5x128xf32, #tpu.memory_space<vmem>>, vector<16xf32>,
      %get3A_164 = arith.constant 2 : i32
      %get3A_165 = arith.index_cast %get3A_164 : i32 to index
      %get3A_166 = arith.constant 16 : index
      %get3A_167 = tpu.vector_load %arg14[%get3A_165, %get3A_166] {strides = array<i32>} : memref<5x125xf32, #tpu.memory_space<vmem>>, vector<16xf32>,
      %swap3A_168 = arith.constant 2 : i32
      %swap3A_169 = arith.index_cast %swap3A_168 : i32 to index
      %swap3A_170 = arith.constant 19 : index
      %swap3A_171 = tpu.vector_load %arg15[%swap3A_169, %swap3A_170] {strides = array<i32>} : memref<5x128xf32, #tpu.memory_space<vmem>>, vector<16xf32>,
      tpu.vector_store %arg15[%swap3A_169, %swap3A_170], %get3A_167 {strides = array<i32>} : memref<5x128xf32, #tpu.memory_space<vmem>>, vector<16xf32>,
      %get3A_172 = arith.constant 2 : i32
      %get3A_173 = arith.index_cast %get3A_172 : i32 to index
      %get3A_174 = arith.constant 32 : index
      %get3A_175 = tpu.vector_load %arg14[%get3A_173, %get3A_174] {strides = array<i32>} : memref<5x125xf32, #tpu.memory_space<vmem>>, vector<16xf32>,
      %swap3A_176 = arith.constant 2 : i32
      %swap3A_177 = arith.index_cast %swap3A_176 : i32 to index
      %swap3A_178 = arith.constant 35 : index
      %swap3A_179 = tpu.vector_load %arg15[%swap3A_177, %swap3A_178] {strides = array<i32>} : memref<5x128xf32, #tpu.memory_space<vmem>>, vector<16xf32>,
      tpu.vector_store %arg15[%swap3A_177, %swap3A_178], %get3A_175 {strides = array<i32>} : memref<5x128xf32, #tpu.memory_space<vmem>>, vector<16xf32>,
      %get3A_180 = arith.constant 2 : i32
      %get3A_181 = arith.index_cast %get3A_180 : i32 to index
      %get3A_182 = arith.constant 48 : index
      %get3A_183 = tpu.vector_load %arg14[%get3A_181, %get3A_182] {strides = array<i32>} : memref<5x125xf32, #tpu.memory_space<vmem>>, vector<16xf32>,
      %swap3A_184 = arith.constant 2 : i32
      %swap3A_185 = arith.index_cast %swap3A_184 : i32 to index
      %swap3A_186 = arith.constant 51 : index
      %swap3A_187 = tpu.vector_load %arg15[%swap3A_185, %swap3A_186] {strides = array<i32>} : memref<5x128xf32, #tpu.memory_space<vmem>>, vector<16xf32>,
      tpu.vector_store %arg15[%swap3A_185, %swap3A_186], %get3A_183 {strides = array<i32>} : memref<5x128xf32, #tpu.memory_space<vmem>>, vector<16xf32>,
      %get3A_188 = arith.constant 2 : i32
      %get3A_189 = arith.index_cast %get3A_188 : i32 to index
      %get3A_190 = arith.constant 64 : index
      %get3A_191 = tpu.vector_load %arg14[%get3A_189, %get3A_190] {strides = array<i32>} : memref<5x125xf32, #tpu.memory_space<vmem>>, vector<16xf32>,
      %swap3A_192 = arith.constant 2 : i32
      %swap3A_193 = arith.index_cast %swap3A_192 : i32 to index
      %swap3A_194 = arith.constant 67 : index
      %swap3A_195 = tpu.vector_load %arg15[%swap3A_193, %swap3A_194] {strides = array<i32>} : memref<5x128xf32, #tpu.memory_space<vmem>>, vector<16xf32>,
      tpu.vector_store %arg15[%swap3A_193, %swap3A_194], %get3A_191 {strides = array<i32>} : memref<5x128xf32, #tpu.memory_space<vmem>>, vector<16xf32>,
      %get3A_196 = arith.constant 2 : i32
      %get3A_197 = arith.index_cast %get3A_196 : i32 to index
      %get3A_198 = arith.constant 80 : index
      %get3A_199 = tpu.vector_load %arg14[%get3A_197, %get3A_198] {strides = array<i32>} : memref<5x125xf32, #tpu.memory_space<vmem>>, vector<16xf32>,
      %swap3A_200 = arith.constant 2 : i32
      %swap3A_201 = arith.index_cast %swap3A_200 : i32 to index
      %swap3A_202 = arith.constant 83 : index
      %swap3A_203 = tpu.vector_load %arg15[%swap3A_201, %swap3A_202] {strides = array<i32>} : memref<5x128xf32, #tpu.memory_space<vmem>>, vector<16xf32>,
      tpu.vector_store %arg15[%swap3A_201, %swap3A_202], %get3A_199 {strides = array<i32>} : memref<5x128xf32, #tpu.memory_space<vmem>>, vector<16xf32>,
      %get3A_204 = arith.constant 2 : i32
      %get3A_205 = arith.index_cast %get3A_204 : i32 to index
      %get3A_206 = arith.constant 96 : index
      %get3A_207 = tpu.vector_load %arg14[%get3A_205, %get3A_206] {strides = array<i32>} : memref<5x125xf32, #tpu.memory_space<vmem>>, vector<16xf32>,
      %swap3A_208 = arith.constant 2 : i32
      %swap3A_209 = arith.index_cast %swap3A_208 : i32 to index
      %swap3A_210 = arith.constant 99 : index
      %swap3A_211 = tpu.vector_load %arg15[%swap3A_209, %swap3A_210] {strides = array<i32>} : memref<5x128xf32, #tpu.memory_space<vmem>>, vector<16xf32>,
      tpu.vector_store %arg15[%swap3A_209, %swap3A_210], %get3A_207 {strides = array<i32>} : memref<5x128xf32, #tpu.memory_space<vmem>>, vector<16xf32>,
      %get3A_212 = arith.constant 2 : i32
      %get3A_213 = arith.index_cast %get3A_212 : i32 to index
      %get3A_214 = arith.constant 109 : index
      %get3A_215 = tpu.vector_load %arg14[%get3A_213, %get3A_214] {strides = array<i32>} : memref<5x125xf32, #tpu.memory_space<vmem>>, vector<16xf32>,
      %swap3A_216 = arith.constant 2 : i32
      %swap3A_217 = arith.index_cast %swap3A_216 : i32 to index
      %swap3A_218 = arith.constant 112 : index
      %swap3A_219 = tpu.vector_load %arg15[%swap3A_217, %swap3A_218] {strides = array<i32>} : memref<5x128xf32, #tpu.memory_space<vmem>>, vector<16xf32>,
      tpu.vector_store %arg15[%swap3A_217, %swap3A_218], %get3A_215 {strides = array<i32>} : memref<5x128xf32, #tpu.memory_space<vmem>>, vector<16xf32>,
      %swap3A_220 = arith.constant 3 : i32
      %swap3A_221 = arith.index_cast %swap3A_220 : i32 to index
      %swap3A_222 = arith.constant 0 : index
      %swap3A_223 = tpu.vector_load %arg15[%swap3A_221, %swap3A_222] {strides = array<i32>} : memref<5x128xf32, #tpu.memory_space<vmem>>, vector<16xf32>,
      tpu.vector_store %arg15[%swap3A_221, %swap3A_222], %broadcast_in_dim3A_17 {strides = array<i32>} : memref<5x128xf32, #tpu.memory_space<vmem>>, vector<16xf32>,
      %get3A_224 = arith.constant 3 : i32
      %get3A_225 = arith.index_cast %get3A_224 : i32 to index
      %get3A_226 = arith.constant 0 : index
      %get3A_227 = tpu.vector_load %arg14[%get3A_225, %get3A_226] {strides = array<i32>} : memref<5x125xf32, #tpu.memory_space<vmem>>, vector<16xf32>,
      %swap3A_228 = arith.constant 3 : i32
      %swap3A_229 = arith.index_cast %swap3A_228 : i32 to index
      %swap3A_230 = arith.constant 3 : index
      %swap3A_231 = tpu.vector_load %arg15[%swap3A_229, %swap3A_230] {strides = array<i32>} : memref<5x128xf32, #tpu.memory_space<vmem>>, vector<16xf32>,
      tpu.vector_store %arg15[%swap3A_229, %swap3A_230], %get3A_227 {strides = array<i32>} : memref<5x128xf32, #tpu.memory_space<vmem>>, vector<16xf32>,
      %get3A_232 = arith.constant 3 : i32
      %get3A_233 = arith.index_cast %get3A_232 : i32 to index
      %get3A_234 = arith.constant 16 : index
      %get3A_235 = tpu.vector_load %arg14[%get3A_233, %get3A_234] {strides = array<i32>} : memref<5x125xf32, #tpu.memory_space<vmem>>, vector<16xf32>,
      %swap3A_236 = arith.constant 3 : i32
      %swap3A_237 = arith.index_cast %swap3A_236 : i32 to index
      %swap3A_238 = arith.constant 19 : index
      %swap3A_239 = tpu.vector_load %arg15[%swap3A_237, %swap3A_238] {strides = array<i32>} : memref<5x128xf32, #tpu.memory_space<vmem>>, vector<16xf32>,
      tpu.vector_store %arg15[%swap3A_237, %swap3A_238], %get3A_235 {strides = array<i32>} : memref<5x128xf32, #tpu.memory_space<vmem>>, vector<16xf32>,
      %get3A_240 = arith.constant 3 : i32
      %get3A_241 = arith.index_cast %get3A_240 : i32 to index
      %get3A_242 = arith.constant 32 : index
      %get3A_243 = tpu.vector_load %arg14[%get3A_241, %get3A_242] {strides = array<i32>} : memref<5x125xf32, #tpu.memory_space<vmem>>, vector<16xf32>,
      %swap3A_244 = arith.constant 3 : i32
      %swap3A_245 = arith.index_cast %swap3A_244 : i32 to index
      %swap3A_246 = arith.constant 35 : index
      %swap3A_247 = tpu.vector_load %arg15[%swap3A_245, %swap3A_246] {strides = array<i32>} : memref<5x128xf32, #tpu.memory_space<vmem>>, vector<16xf32>,
      tpu.vector_store %arg15[%swap3A_245, %swap3A_246], %get3A_243 {strides = array<i32>} : memref<5x128xf32, #tpu.memory_space<vmem>>, vector<16xf32>,
      %get3A_248 = arith.constant 3 : i32
      %get3A_249 = arith.index_cast %get3A_248 : i32 to index
      %get3A_250 = arith.constant 48 : index
      %get3A_251 = tpu.vector_load %arg14[%get3A_249, %get3A_250] {strides = array<i32>} : memref<5x125xf32, #tpu.memory_space<vmem>>, vector<16xf32>,
      %swap3A_252 = arith.constant 3 : i32
      %swap3A_253 = arith.index_cast %swap3A_252 : i32 to index
      %swap3A_254 = arith.constant 51 : index
      %swap3A_255 = tpu.vector_load %arg15[%swap3A_253, %swap3A_254] {strides = array<i32>} : memref<5x128xf32, #tpu.memory_space<vmem>>, vector<16xf32>,
      tpu.vector_store %arg15[%swap3A_253, %swap3A_254], %get3A_251 {strides = array<i32>} : memref<5x128xf32, #tpu.memory_space<vmem>>, vector<16xf32>,
      %get3A_256 = arith.constant 3 : i32
      %get3A_257 = arith.index_cast %get3A_256 : i32 to index
      %get3A_258 = arith.constant 64 : index
      %get3A_259 = tpu.vector_load %arg14[%get3A_257, %get3A_258] {strides = array<i32>} : memref<5x125xf32, #tpu.memory_space<vmem>>, vector<16xf32>,
      %swap3A_260 = arith.constant 3 : i32
      %swap3A_261 = arith.index_cast %swap3A_260 : i32 to index
      %swap3A_262 = arith.constant 67 : index
      %swap3A_263 = tpu.vector_load %arg15[%swap3A_261, %swap3A_262] {strides = array<i32>} : memref<5x128xf32, #tpu.memory_space<vmem>>, vector<16xf32>,
      tpu.vector_store %arg15[%swap3A_261, %swap3A_262], %get3A_259 {strides = array<i32>} : memref<5x128xf32, #tpu.memory_space<vmem>>, vector<16xf32>,
      %get3A_264 = arith.constant 3 : i32
      %get3A_265 = arith.index_cast %get3A_264 : i32 to index
      %get3A_266 = arith.constant 80 : index
      %get3A_267 = tpu.vector_load %arg14[%get3A_265, %get3A_266] {strides = array<i32>} : memref<5x125xf32, #tpu.memory_space<vmem>>, vector<16xf32>,
      %swap3A_268 = arith.constant 3 : i32
      %swap3A_269 = arith.index_cast %swap3A_268 : i32 to index
      %swap3A_270 = arith.constant 83 : index
      %swap3A_271 = tpu.vector_load %arg15[%swap3A_269, %swap3A_270] {strides = array<i32>} : memref<5x128xf32, #tpu.memory_space<vmem>>, vector<16xf32>,
      tpu.vector_store %arg15[%swap3A_269, %swap3A_270], %get3A_267 {strides = array<i32>} : memref<5x128xf32, #tpu.memory_space<vmem>>, vector<16xf32>,
      %get3A_272 = arith.constant 3 : i32
      %get3A_273 = arith.index_cast %get3A_272 : i32 to index
      %get3A_274 = arith.constant 96 : index
      %get3A_275 = tpu.vector_load %arg14[%get3A_273, %get3A_274] {strides = array<i32>} : memref<5x125xf32, #tpu.memory_space<vmem>>, vector<16xf32>,
      %swap3A_276 = arith.constant 3 : i32
      %swap3A_277 = arith.index_cast %swap3A_276 : i32 to index
      %swap3A_278 = arith.constant 99 : index
      %swap3A_279 = tpu.vector_load %arg15[%swap3A_277, %swap3A_278] {strides = array<i32>} : memref<5x128xf32, #tpu.memory_space<vmem>>, vector<16xf32>,
      tpu.vector_store %arg15[%swap3A_277, %swap3A_278], %get3A_275 {strides = array<i32>} : memref<5x128xf32, #tpu.memory_space<vmem>>, vector<16xf32>,
      %get3A_280 = arith.constant 3 : i32
      %get3A_281 = arith.index_cast %get3A_280 : i32 to index
      %get3A_282 = arith.constant 109 : index
      %get3A_283 = tpu.vector_load %arg14[%get3A_281, %get3A_282] {strides = array<i32>} : memref<5x125xf32, #tpu.memory_space<vmem>>, vector<16xf32>,
      %swap3A_284 = arith.constant 3 : i32
      %swap3A_285 = arith.index_cast %swap3A_284 : i32 to index
      %swap3A_286 = arith.constant 112 : index
      %swap3A_287 = tpu.vector_load %arg15[%swap3A_285, %swap3A_286] {strides = array<i32>} : memref<5x128xf32, #tpu.memory_space<vmem>>, vector<16xf32>,
      tpu.vector_store %arg15[%swap3A_285, %swap3A_286], %get3A_283 {strides = array<i32>} : memref<5x128xf32, #tpu.memory_space<vmem>>, vector<16xf32>,
      %swap3A_288 = arith.constant 4 : i32
      %swap3A_289 = arith.index_cast %swap3A_288 : i32 to index
      %swap3A_290 = arith.constant 0 : index
      %swap3A_291 = tpu.vector_load %arg15[%swap3A_289, %swap3A_290] {strides = array<i32>} : memref<5x128xf32, #tpu.memory_space<vmem>>, vector<16xf32>,
      tpu.vector_store %arg15[%swap3A_289, %swap3A_290], %broadcast_in_dim3A_17 {strides = array<i32>} : memref<5x128xf32, #tpu.memory_space<vmem>>, vector<16xf32>,
      %get3A_292 = arith.constant 4 : i32
      %get3A_293 = arith.index_cast %get3A_292 : i32 to index
      %get3A_294 = arith.constant 0 : index
      %get3A_295 = tpu.vector_load %arg14[%get3A_293, %get3A_294] {strides = array<i32>} : memref<5x125xf32, #tpu.memory_space<vmem>>, vector<16xf32>,
      %swap3A_296 = arith.constant 4 : i32
      %swap3A_297 = arith.index_cast %swap3A_296 : i32 to index
      %swap3A_298 = arith.constant 3 : index
      %swap3A_299 = tpu.vector_load %arg15[%swap3A_297, %swap3A_298] {strides = array<i32>} : memref<5x128xf32, #tpu.memory_space<vmem>>, vector<16xf32>,
      tpu.vector_store %arg15[%swap3A_297, %swap3A_298], %get3A_295 {strides = array<i32>} : memref<5x128xf32, #tpu.memory_space<vmem>>, vector<16xf32>,
      %get3A_300 = arith.constant 4 : i32
      %get3A_301 = arith.index_cast %get3A_300 : i32 to index
      %get3A_302 = arith.constant 16 : index
      %get3A_303 = tpu.vector_load %arg14[%get3A_301, %get3A_302] {strides = array<i32>} : memref<5x125xf32, #tpu.memory_space<vmem>>, vector<16xf32>,
      %swap3A_304 = arith.constant 4 : i32
      %swap3A_305 = arith.index_cast %swap3A_304 : i32 to index
      %swap3A_306 = arith.constant 19 : index
      %swap3A_307 = tpu.vector_load %arg15[%swap3A_305, %swap3A_306] {strides = array<i32>} : memref<5x128xf32, #tpu.memory_space<vmem>>, vector<16xf32>,
      tpu.vector_store %arg15[%swap3A_305, %swap3A_306], %get3A_303 {strides = array<i32>} : memref<5x128xf32, #tpu.memory_space<vmem>>, vector<16xf32>,
      %get3A_308 = arith.constant 4 : i32
      %get3A_309 = arith.index_cast %get3A_308 : i32 to index
      %get3A_310 = arith.constant 32 : index
      %get3A_311 = tpu.vector_load %arg14[%get3A_309, %get3A_310] {strides = array<i32>} : memref<5x125xf32, #tpu.memory_space<vmem>>, vector<16xf32>,
      %swap3A_312 = arith.constant 4 : i32
      %swap3A_313 = arith.index_cast %swap3A_312 : i32 to index
      %swap3A_314 = arith.constant 35 : index
      %swap3A_315 = tpu.vector_load %arg15[%swap3A_313, %swap3A_314] {strides = array<i32>} : memref<5x128xf32, #tpu.memory_space<vmem>>, vector<16xf32>,
      tpu.vector_store %arg15[%swap3A_313, %swap3A_314], %get3A_311 {strides = array<i32>} : memref<5x128xf32, #tpu.memory_space<vmem>>, vector<16xf32>,
      %get3A_316 = arith.constant 4 : i32
      %get3A_317 = arith.index_cast %get3A_316 : i32 to index
      %get3A_318 = arith.constant 48 : index
      %get3A_319 = tpu.vector_load %arg14[%get3A_317, %get3A_318] {strides = array<i32>} : memref<5x125xf32, #tpu.memory_space<vmem>>, vector<16xf32>,
      %swap3A_320 = arith.constant 4 : i32
      %swap3A_321 = arith.index_cast %swap3A_320 : i32 to index
      %swap3A_322 = arith.constant 51 : index
      %swap3A_323 = tpu.vector_load %arg15[%swap3A_321, %swap3A_322] {strides = array<i32>} : memref<5x128xf32, #tpu.memory_space<vmem>>, vector<16xf32>,
      tpu.vector_store %arg15[%swap3A_321, %swap3A_322], %get3A_319 {strides = array<i32>} : memref<5x128xf32, #tpu.memory_space<vmem>>, vector<16xf32>,
      %get3A_324 = arith.constant 4 : i32
      %get3A_325 = arith.index_cast %get3A_324 : i32 to index
      %get3A_326 = arith.constant 64 : index
      %get3A_327 = tpu.vector_load %arg14[%get3A_325, %get3A_326] {strides = array<i32>} : memref<5x125xf32, #tpu.memory_space<vmem>>, vector<16xf32>,
      %swap3A_328 = arith.constant 4 : i32
      %swap3A_329 = arith.index_cast %swap3A_328 : i32 to index
      %swap3A_330 = arith.constant 67 : index
      %swap3A_331 = tpu.vector_load %arg15[%swap3A_329, %swap3A_330] {strides = array<i32>} : memref<5x128xf32, #tpu.memory_space<vmem>>, vector<16xf32>,
      tpu.vector_store %arg15[%swap3A_329, %swap3A_330], %get3A_327 {strides = array<i32>} : memref<5x128xf32, #tpu.memory_space<vmem>>, vector<16xf32>,
      %get3A_332 = arith.constant 4 : i32
      %get3A_333 = arith.index_cast %get3A_332 : i32 to index
      %get3A_334 = arith.constant 80 : index
      %get3A_335 = tpu.vector_load %arg14[%get3A_333, %get3A_334] {strides = array<i32>} : memref<5x125xf32, #tpu.memory_space<vmem>>, vector<16xf32>,
      %swap3A_336 = arith.constant 4 : i32
      %swap3A_337 = arith.index_cast %swap3A_336 : i32 to index
      %swap3A_338 = arith.constant 83 : index
      %swap3A_339 = tpu.vector_load %arg15[%swap3A_337, %swap3A_338] {strides = array<i32>} : memref<5x128xf32, #tpu.memory_space<vmem>>, vector<16xf32>,
      tpu.vector_store %arg15[%swap3A_337, %swap3A_338], %get3A_335 {strides = array<i32>} : memref<5x128xf32, #tpu.memory_space<vmem>>, vector<16xf32>,
      %get3A_340 = arith.constant 4 : i32
      %get3A_341 = arith.index_cast %get3A_340 : i32 to index
      %get3A_342 = arith.constant 96 : index
      %get3A_343 = tpu.vector_load %arg14[%get3A_341, %get3A_342] {strides = array<i32>} : memref<5x125xf32, #tpu.memory_space<vmem>>, vector<16xf32>,
      %swap3A_344 = arith.constant 4 : i32
      %swap3A_345 = arith.index_cast %swap3A_344 : i32 to index
      %swap3A_346 = arith.constant 99 : index
      %swap3A_347 = tpu.vector_load %arg15[%swap3A_345, %swap3A_346] {strides = array<i32>} : memref<5x128xf32, #tpu.memory_space<vmem>>, vector<16xf32>,
      tpu.vector_store %arg15[%swap3A_345, %swap3A_346], %get3A_343 {strides = array<i32>} : memref<5x128xf32, #tpu.memory_space<vmem>>, vector<16xf32>,
      %get3A_348 = arith.constant 4 : i32
      %get3A_349 = arith.index_cast %get3A_348 : i32 to index
      %get3A_350 = arith.constant 109 : index
      %get3A_351 = tpu.vector_load %arg14[%get3A_349, %get3A_350] {strides = array<i32>} : memref<5x125xf32, #tpu.memory_space<vmem>>, vector<16xf32>,
      %swap3A_352 = arith.constant 4 : i32
      %swap3A_353 = arith.index_cast %swap3A_352 : i32 to index
      %swap3A_354 = arith.constant 112 : index
      %swap3A_355 = tpu.vector_load %arg15[%swap3A_353, %swap3A_354] {strides = array<i32>} : memref<5x128xf32, #tpu.memory_space<vmem>>, vector<16xf32>,
      tpu.vector_store %arg15[%swap3A_353, %swap3A_354], %get3A_351 {strides = array<i32>} : memref<5x128xf32, #tpu.memory_space<vmem>>, vector<16xf32>,
      "tpu.region"() ({
        %run_scoped3A = tpu.sem_alloc : memref<!tpu.dma_semaphore, #tpu.memory_space<semaphore_mem>>
        tpu.enqueue_dma source(%arg15 : memref<5x128xf32, #tpu.memory_space<vmem>>) target(%arg16 : memref<5x128xf32, #tpu.memory_space<vmem_shared>>) target_semaphore(%run_scoped3A : memref<!tpu.dma_semaphore, #tpu.memory_space<semaphore_mem>>)
        tpu.wait_dma2 semaphore(%run_scoped3A : memref<!tpu.dma_semaphore, #tpu.memory_space<semaphore_mem>>) src(%arg15 : memref<5x128xf32, #tpu.memory_space<vmem>>) dst(%arg16 : memref<5x128xf32, #tpu.memory_space<vmem_shared>>)
        tpu.yield
      }) : () -> ()
    } else {
    }
    %barrier3A = arith.constant 0 : index
    tpu.barrier barrier_id(%barrier3A)
    %iota3A = tpu.iota {dimensions = array<i32: 0>} : vector<16xi32>
    %broadcast_in_dim3A = arith.constant 0 : i32
    %broadcast_in_dim3A_3 = vector.broadcast %broadcast_in_dim3A : i32 to vector<16xi32>
    %broadcast_in_dim3A_4 = arith.constant 1 : i32
    %broadcast_in_dim3A_5 = vector.broadcast %broadcast_in_dim3A_4 : i32 to vector<16xi32>
    %broadcast_in_dim3A_6 = arith.constant 2 : i32
    %broadcast_in_dim3A_7 = vector.broadcast %broadcast_in_dim3A_6 : i32 to vector<16xi32>
    %lt3A = arith.constant 26 : i32
    %lt3A_8 = arith.cmpi slt, %add3A, %lt3A : i32
    %convert_element_type3A_9 = arith.extui %lt3A_8 : i1 to i32
    %cond3A_10 = arith.constant 0 : i32
    %cond3A_11 = arith.cmpi ne, %convert_element_type3A_9, %cond3A_10 : i32
    scf.if %cond3A_11 {
      %mul3A_16 = arith.constant 8 : i32
      %mul3A_17 = arith.muli %add3A, %mul3A_16 : i32
      %mul3A_18 = arith.constant 400 : i32
      %mul3A_19 = arith.muli %mul3A_17, %mul3A_18 : i32
      %mul3A_20 = arith.constant 8 : i32
      %mul3A_21 = arith.muli %add3A, %mul3A_20 : i32
      "tpu.region"() ({
        %run_scoped3A = tpu.sem_alloc : memref<!tpu.dma_semaphore, #tpu.memory_space<semaphore_mem>>
        %dma_start3A_299 = arith.constant 0 : i32
        %dma_start3A_300 = tpu.memref_slice %arg8[%dma_start3A_299] : memref<3200xi32, #tpu.memory_space<vmem>> -> memref<3200xi32, #tpu.memory_space<vmem>>
        %dma_start3A_301 = tpu.memref_slice %arg5[%mul3A_19] : memref<100000xi32, #tpu.memory_space<hbm>> -> memref<3200xi32, #tpu.memory_space<hbm>>
        %dma_start3A_302 = arith.constant 0 : i32
        %dma_start3A_303 = tpu.memref_slice %arg8[%dma_start3A_302] : memref<3200xi32, #tpu.memory_space<vmem>> -> memref<3200xi32, #tpu.memory_space<vmem>>
        %dma_start3A_304 = tpu.memref_slice %arg5[%mul3A_19] : memref<100000xi32, #tpu.memory_space<hbm>> -> memref<3200xi32, #tpu.memory_space<hbm>>
        tpu.enqueue_dma source(%dma_start3A_304 : memref<3200xi32, #tpu.memory_space<hbm>>) target(%dma_start3A_303 : memref<3200xi32, #tpu.memory_space<vmem>>) target_semaphore(%run_scoped3A : memref<!tpu.dma_semaphore, #tpu.memory_space<semaphore_mem>>)
        %dma_wait3A_305 = arith.constant 0 : i32
        %dma_wait3A_306 = tpu.memref_slice %arg8[%dma_wait3A_305] : memref<3200xi32, #tpu.memory_space<vmem>> -> memref<3200xi32, #tpu.memory_space<vmem>>
        %dma_wait3A_307 = tpu.memref_slice %arg5[%mul3A_19] : memref<100000xi32, #tpu.memory_space<hbm>> -> memref<3200xi32, #tpu.memory_space<hbm>>
        %dma_wait3A_308 = arith.constant 0 : i32
        %dma_wait3A_309 = tpu.memref_slice %arg8[%dma_wait3A_308] : memref<3200xi32, #tpu.memory_space<vmem>> -> memref<3200xi32, #tpu.memory_space<vmem>>
        %dma_wait3A_310 = tpu.memref_slice %arg5[%mul3A_19] : memref<100000xi32, #tpu.memory_space<hbm>> -> memref<3200xi32, #tpu.memory_space<hbm>>
        tpu.wait_dma2 semaphore(%run_scoped3A : memref<!tpu.dma_semaphore, #tpu.memory_space<semaphore_mem>>) src(%dma_wait3A_310 : memref<3200xi32, #tpu.memory_space<hbm>>) dst(%dma_wait3A_309 : memref<3200xi32, #tpu.memory_space<vmem>>)
        tpu.yield
      }) : () -> ()
      "tpu.region"() ({
        %run_scoped3A = tpu.sem_alloc : memref<!tpu.dma_semaphore, #tpu.memory_space<semaphore_mem>>
        %dma_start3A_299 = arith.constant 0 : i32
        %dma_start3A_300 = tpu.memref_slice %arg9[%dma_start3A_299] : memref<3200xf32, #tpu.memory_space<vmem>> -> memref<3200xf32, #tpu.memory_space<vmem>>
        %dma_start3A_301 = tpu.memref_slice %arg2[%mul3A_19] : memref<100000xf32, #tpu.memory_space<hbm>> -> memref<3200xf32, #tpu.memory_space<hbm>>
        %dma_start3A_302 = arith.constant 0 : i32
        %dma_start3A_303 = tpu.memref_slice %arg9[%dma_start3A_302] : memref<3200xf32, #tpu.memory_space<vmem>> -> memref<3200xf32, #tpu.memory_space<vmem>>
        %dma_start3A_304 = tpu.memref_slice %arg2[%mul3A_19] : memref<100000xf32, #tpu.memory_space<hbm>> -> memref<3200xf32, #tpu.memory_space<hbm>>
        tpu.enqueue_dma source(%dma_start3A_304 : memref<3200xf32, #tpu.memory_space<hbm>>) target(%dma_start3A_303 : memref<3200xf32, #tpu.memory_space<vmem>>) target_semaphore(%run_scoped3A : memref<!tpu.dma_semaphore, #tpu.memory_space<semaphore_mem>>)
        %dma_wait3A_305 = arith.constant 0 : i32
        %dma_wait3A_306 = tpu.memref_slice %arg9[%dma_wait3A_305] : memref<3200xf32, #tpu.memory_space<vmem>> -> memref<3200xf32, #tpu.memory_space<vmem>>
        %dma_wait3A_307 = tpu.memref_slice %arg2[%mul3A_19] : memref<100000xf32, #tpu.memory_space<hbm>> -> memref<3200xf32, #tpu.memory_space<hbm>>
        %dma_wait3A_308 = arith.constant 0 : i32
        %dma_wait3A_309 = tpu.memref_slice %arg9[%dma_wait3A_308] : memref<3200xf32, #tpu.memory_space<vmem>> -> memref<3200xf32, #tpu.memory_space<vmem>>
        %dma_wait3A_310 = tpu.memref_slice %arg2[%mul3A_19] : memref<100000xf32, #tpu.memory_space<hbm>> -> memref<3200xf32, #tpu.memory_space<hbm>>
        tpu.wait_dma2 semaphore(%run_scoped3A : memref<!tpu.dma_semaphore, #tpu.memory_space<semaphore_mem>>) src(%dma_wait3A_310 : memref<3200xf32, #tpu.memory_space<hbm>>) dst(%dma_wait3A_309 : memref<3200xf32, #tpu.memory_space<vmem>>)
        tpu.yield
      }) : () -> ()
      "tpu.region"() ({
        %run_scoped3A = tpu.sem_alloc : memref<!tpu.dma_semaphore, #tpu.memory_space<semaphore_mem>>
        %dma_start3A_299 = arith.constant 0 : i32
        %dma_start3A_300 = tpu.memref_slice %arg10[%dma_start3A_299] : memref<3200xf32, #tpu.memory_space<vmem>> -> memref<3200xf32, #tpu.memory_space<vmem>>
        %dma_start3A_301 = tpu.memref_slice %arg3[%mul3A_19] : memref<100000xf32, #tpu.memory_space<hbm>> -> memref<3200xf32, #tpu.memory_space<hbm>>
        %dma_start3A_302 = arith.constant 0 : i32
        %dma_start3A_303 = tpu.memref_slice %arg10[%dma_start3A_302] : memref<3200xf32, #tpu.memory_space<vmem>> -> memref<3200xf32, #tpu.memory_space<vmem>>
        %dma_start3A_304 = tpu.memref_slice %arg3[%mul3A_19] : memref<100000xf32, #tpu.memory_space<hbm>> -> memref<3200xf32, #tpu.memory_space<hbm>>
        tpu.enqueue_dma source(%dma_start3A_304 : memref<3200xf32, #tpu.memory_space<hbm>>) target(%dma_start3A_303 : memref<3200xf32, #tpu.memory_space<vmem>>) target_semaphore(%run_scoped3A : memref<!tpu.dma_semaphore, #tpu.memory_space<semaphore_mem>>)
        %dma_wait3A_305 = arith.constant 0 : i32
        %dma_wait3A_306 = tpu.memref_slice %arg10[%dma_wait3A_305] : memref<3200xf32, #tpu.memory_space<vmem>> -> memref<3200xf32, #tpu.memory_space<vmem>>
        %dma_wait3A_307 = tpu.memref_slice %arg3[%mul3A_19] : memref<100000xf32, #tpu.memory_space<hbm>> -> memref<3200xf32, #tpu.memory_space<hbm>>
        %dma_wait3A_308 = arith.constant 0 : i32
        %dma_wait3A_309 = tpu.memref_slice %arg10[%dma_wait3A_308] : memref<3200xf32, #tpu.memory_space<vmem>> -> memref<3200xf32, #tpu.memory_space<vmem>>
        %dma_wait3A_310 = tpu.memref_slice %arg3[%mul3A_19] : memref<100000xf32, #tpu.memory_space<hbm>> -> memref<3200xf32, #tpu.memory_space<hbm>>
        tpu.wait_dma2 semaphore(%run_scoped3A : memref<!tpu.dma_semaphore, #tpu.memory_space<semaphore_mem>>) src(%dma_wait3A_310 : memref<3200xf32, #tpu.memory_space<hbm>>) dst(%dma_wait3A_309 : memref<3200xf32, #tpu.memory_space<vmem>>)
        tpu.yield
      }) : () -> ()
      "tpu.region"() ({
        %run_scoped3A = tpu.sem_alloc : memref<!tpu.dma_semaphore, #tpu.memory_space<semaphore_mem>>
        %dma_start3A_299 = arith.constant 0 : i32
        %dma_start3A_300 = tpu.memref_slice %arg11[%dma_start3A_299] : memref<3200xf32, #tpu.memory_space<vmem>> -> memref<3200xf32, #tpu.memory_space<vmem>>
        %dma_start3A_301 = tpu.memref_slice %arg4[%mul3A_19] : memref<100000xf32, #tpu.memory_space<hbm>> -> memref<3200xf32, #tpu.memory_space<hbm>>
        %dma_start3A_302 = arith.constant 0 : i32
        %dma_start3A_303 = tpu.memref_slice %arg11[%dma_start3A_302] : memref<3200xf32, #tpu.memory_space<vmem>> -> memref<3200xf32, #tpu.memory_space<vmem>>
        %dma_start3A_304 = tpu.memref_slice %arg4[%mul3A_19] : memref<100000xf32, #tpu.memory_space<hbm>> -> memref<3200xf32, #tpu.memory_space<hbm>>
        tpu.enqueue_dma source(%dma_start3A_304 : memref<3200xf32, #tpu.memory_space<hbm>>) target(%dma_start3A_303 : memref<3200xf32, #tpu.memory_space<vmem>>) target_semaphore(%run_scoped3A : memref<!tpu.dma_semaphore, #tpu.memory_space<semaphore_mem>>)
        %dma_wait3A_305 = arith.constant 0 : i32
        %dma_wait3A_306 = tpu.memref_slice %arg11[%dma_wait3A_305] : memref<3200xf32, #tpu.memory_space<vmem>> -> memref<3200xf32, #tpu.memory_space<vmem>>
        %dma_wait3A_307 = tpu.memref_slice %arg4[%mul3A_19] : memref<100000xf32, #tpu.memory_space<hbm>> -> memref<3200xf32, #tpu.memory_space<hbm>>
        %dma_wait3A_308 = arith.constant 0 : i32
        %dma_wait3A_309 = tpu.memref_slice %arg11[%dma_wait3A_308] : memref<3200xf32, #tpu.memory_space<vmem>> -> memref<3200xf32, #tpu.memory_space<vmem>>
        %dma_wait3A_310 = tpu.memref_slice %arg4[%mul3A_19] : memref<100000xf32, #tpu.memory_space<hbm>> -> memref<3200xf32, #tpu.memory_space<hbm>>
        tpu.wait_dma2 semaphore(%run_scoped3A : memref<!tpu.dma_semaphore, #tpu.memory_space<semaphore_mem>>) src(%dma_wait3A_310 : memref<3200xf32, #tpu.memory_space<hbm>>) dst(%dma_wait3A_309 : memref<3200xf32, #tpu.memory_space<vmem>>)
        tpu.yield
      }) : () -> ()
      %dma_start3A = arith.constant 0 : i32
      %dma_start3A_22 = tpu.memref_slice %arg8[%dma_start3A] : memref<3200xi32, #tpu.memory_space<vmem>> -> memref<400xi32, #tpu.memory_space<vmem>>
      %dma_start3A_23 = arith.constant 0 : i32
      %dma_start3A_24 = arith.constant 0 : i32
      %dma_start3A_25 = tpu.memref_slice %arg16[%dma_start3A_23, %dma_start3A_24] : memref<5x128xf32, #tpu.memory_space<vmem_shared>> -> memref<5x128xf32, #tpu.memory_space<vmem_shared>>
      tpu.enqueue_indirect_dma source(%dma_start3A_25 : memref<5x128xf32, #tpu.memory_space<vmem_shared>>) target(%arg12 : memref<400x128xf32, #tpu.memory_space<vmem>>) offsets(%dma_start3A_22 : memref<400xi32, #tpu.memory_space<vmem>>) semaphore(%arg17 : memref<!tpu.dma_semaphore, #tpu.memory_space<semaphore_mem>>)
      %dma_wait3A = arith.constant 0 : i32
      %dma_wait3A_26 = tpu.memref_slice %arg8[%dma_wait3A] : memref<3200xi32, #tpu.memory_space<vmem>> -> memref<400xi32, #tpu.memory_space<vmem>>
      %dma_wait3A_27 = arith.constant 0 : i32
      %dma_wait3A_28 = arith.constant 0 : i32
      %dma_wait3A_29 = tpu.memref_slice %arg16[%dma_wait3A_27, %dma_wait3A_28] : memref<5x128xf32, #tpu.memory_space<vmem_shared>> -> memref<5x128xf32, #tpu.memory_space<vmem_shared>>
      tpu.wait_indirect_dma semaphore(%arg17 : memref<!tpu.dma_semaphore, #tpu.memory_space<semaphore_mem>>) src(%dma_wait3A_29 : memref<5x128xf32, #tpu.memory_space<vmem_shared>>) dst(%arg12 : memref<400x128xf32, #tpu.memory_space<vmem>>)
      %dma_start3A_30 = arith.constant 400 : i32
      %dma_start3A_31 = tpu.memref_slice %arg8[%dma_start3A_30] : memref<3200xi32, #tpu.memory_space<vmem>> -> memref<400xi32, #tpu.memory_space<vmem>>
      %dma_start3A_32 = arith.constant 0 : i32
      %dma_start3A_33 = arith.constant 0 : i32
      %dma_start3A_34 = tpu.memref_slice %arg16[%dma_start3A_32, %dma_start3A_33] : memref<5x128xf32, #tpu.memory_space<vmem_shared>> -> memref<5x128xf32, #tpu.memory_space<vmem_shared>>
      tpu.enqueue_indirect_dma source(%dma_start3A_34 : memref<5x128xf32, #tpu.memory_space<vmem_shared>>) target(%arg13 : memref<400x128xf32, #tpu.memory_space<vmem>>) offsets(%dma_start3A_31 : memref<400xi32, #tpu.memory_space<vmem>>) semaphore(%arg18 : memref<!tpu.dma_semaphore, #tpu.memory_space<semaphore_mem>>)
      %scan3A = arith.constant 0 : i32
      %scan3A_35 = arith.constant 0 : i32
      %scan3A_36 = arith.constant 5 : i32
      %scan3A_37 = arith.addi %scan3A_35, %scan3A_36 : i32
      %scan3A_38 = arith.constant 1 : i32
      scf.for %scan3A_299 = %scan3A_35 to %scan3A_37 step %scan3A_38  : i32 {
        %mul3A_300 = arith.constant 5 : i32
        %mul3A_301 = arith.muli %scan3A_299, %mul3A_300 : i32
        %add3A_302 = arith.constant 0 : i32
        %add3A_303 = arith.addi %mul3A_301, %add3A_302 : i32
        %mul3A_304 = arith.constant 16 : i32
        %mul3A_305 = arith.muli %add3A_303, %mul3A_304 : i32
        %add3A_306 = vector.broadcast %mul3A_305 : i32 to vector<16xi32>
        %add3A_307 = arith.addi %iota3A, %add3A_306 : vector<16xi32>
        %mul3A_308 = arith.constant 5 : i32
        %mul3A_309 = arith.muli %scan3A_299, %mul3A_308 : i32
        %add3A_310 = arith.constant 0 : i32
        %add3A_311 = arith.addi %mul3A_309, %add3A_310 : i32
        %mul3A_312 = arith.constant 16 : i32
        %mul3A_313 = arith.muli %add3A_311, %mul3A_312 : i32
        %add3A_314 = arith.constant 0 : i32
        %add3A_315 = arith.addi %add3A_314, %mul3A_313 : i32
        %get3A = arith.index_cast %add3A_315 : i32 to index
        %get3A_316 = tpu.vector_load %arg9[%get3A] {strides = array<i32>} : memref<3200xf32, #tpu.memory_space<vmem>>, vector<16xf32>,
        tpu.vector_store_idx %arg12[%add3A_307, %broadcast_in_dim3A_3], %get3A_316 : memref<400x128xf32, #tpu.memory_space<vmem>>[vector<16xi32>, vector<16xi32>], vector<16xf32>,
        %get3A_317 = arith.index_cast %add3A_315 : i32 to index
        %get3A_318 = tpu.vector_load %arg10[%get3A_317] {strides = array<i32>} : memref<3200xf32, #tpu.memory_space<vmem>>, vector<16xf32>,
        tpu.vector_store_idx %arg12[%add3A_307, %broadcast_in_dim3A_5], %get3A_318 : memref<400x128xf32, #tpu.memory_space<vmem>>[vector<16xi32>, vector<16xi32>], vector<16xf32>,
        %get3A_319 = arith.index_cast %add3A_315 : i32 to index
        %get3A_320 = tpu.vector_load %arg11[%get3A_319] {strides = array<i32>} : memref<3200xf32, #tpu.memory_space<vmem>>, vector<16xf32>,
        tpu.vector_store_idx %arg12[%add3A_307, %broadcast_in_dim3A_7], %get3A_320 : memref<400x128xf32, #tpu.memory_space<vmem>>[vector<16xi32>, vector<16xi32>], vector<16xf32>,
        %mul3A_321 = arith.constant 5 : i32
        %mul3A_322 = arith.muli %scan3A_299, %mul3A_321 : i32
        %add3A_323 = arith.constant 1 : i32
        %add3A_324 = arith.addi %mul3A_322, %add3A_323 : i32
        %mul3A_325 = arith.constant 16 : i32
        %mul3A_326 = arith.muli %add3A_324, %mul3A_325 : i32
        %add3A_327 = vector.broadcast %mul3A_326 : i32 to vector<16xi32>
        %add3A_328 = arith.addi %iota3A, %add3A_327 : vector<16xi32>
        %mul3A_329 = arith.constant 5 : i32
        %mul3A_330 = arith.muli %scan3A_299, %mul3A_329 : i32
        %add3A_331 = arith.constant 1 : i32
        %add3A_332 = arith.addi %mul3A_330, %add3A_331 : i32
        %mul3A_333 = arith.constant 16 : i32
        %mul3A_334 = arith.muli %add3A_332, %mul3A_333 : i32
        %add3A_335 = arith.constant 0 : i32
        %add3A_336 = arith.addi %add3A_335, %mul3A_334 : i32
        %get3A_337 = arith.index_cast %add3A_336 : i32 to index
        %get3A_338 = tpu.vector_load %arg9[%get3A_337] {strides = array<i32>} : memref<3200xf32, #tpu.memory_space<vmem>>, vector<16xf32>,
        tpu.vector_store_idx %arg12[%add3A_328, %broadcast_in_dim3A_3], %get3A_338 : memref<400x128xf32, #tpu.memory_space<vmem>>[vector<16xi32>, vector<16xi32>], vector<16xf32>,
        %get3A_339 = arith.index_cast %add3A_336 : i32 to index
        %get3A_340 = tpu.vector_load %arg10[%get3A_339] {strides = array<i32>} : memref<3200xf32, #tpu.memory_space<vmem>>, vector<16xf32>,
        tpu.vector_store_idx %arg12[%add3A_328, %broadcast_in_dim3A_5], %get3A_340 : memref<400x128xf32, #tpu.memory_space<vmem>>[vector<16xi32>, vector<16xi32>], vector<16xf32>,
        %get3A_341 = arith.index_cast %add3A_336 : i32 to index
        %get3A_342 = tpu.vector_load %arg11[%get3A_341] {strides = array<i32>} : memref<3200xf32, #tpu.memory_space<vmem>>, vector<16xf32>,
        tpu.vector_store_idx %arg12[%add3A_328, %broadcast_in_dim3A_7], %get3A_342 : memref<400x128xf32, #tpu.memory_space<vmem>>[vector<16xi32>, vector<16xi32>], vector<16xf32>,
        %mul3A_343 = arith.constant 5 : i32
        %mul3A_344 = arith.muli %scan3A_299, %mul3A_343 : i32
        %add3A_345 = arith.constant 2 : i32
        %add3A_346 = arith.addi %mul3A_344, %add3A_345 : i32
        %mul3A_347 = arith.constant 16 : i32
        %mul3A_348 = arith.muli %add3A_346, %mul3A_347 : i32
        %add3A_349 = vector.broadcast %mul3A_348 : i32 to vector<16xi32>
        %add3A_350 = arith.addi %iota3A, %add3A_349 : vector<16xi32>
        %mul3A_351 = arith.constant 5 : i32
        %mul3A_352 = arith.muli %scan3A_299, %mul3A_351 : i32
        %add3A_353 = arith.constant 2 : i32
        %add3A_354 = arith.addi %mul3A_352, %add3A_353 : i32
        %mul3A_355 = arith.constant 16 : i32
        %mul3A_356 = arith.muli %add3A_354, %mul3A_355 : i32
        %add3A_357 = arith.constant 0 : i32
        %add3A_358 = arith.addi %add3A_357, %mul3A_356 : i32
        %get3A_359 = arith.index_cast %add3A_358 : i32 to index
        %get3A_360 = tpu.vector_load %arg9[%get3A_359] {strides = array<i32>} : memref<3200xf32, #tpu.memory_space<vmem>>, vector<16xf32>,
        tpu.vector_store_idx %arg12[%add3A_350, %broadcast_in_dim3A_3], %get3A_360 : memref<400x128xf32, #tpu.memory_space<vmem>>[vector<16xi32>, vector<16xi32>], vector<16xf32>,
        %get3A_361 = arith.index_cast %add3A_358 : i32 to index
        %get3A_362 = tpu.vector_load %arg10[%get3A_361] {strides = array<i32>} : memref<3200xf32, #tpu.memory_space<vmem>>, vector<16xf32>,
        tpu.vector_store_idx %arg12[%add3A_350, %broadcast_in_dim3A_5], %get3A_362 : memref<400x128xf32, #tpu.memory_space<vmem>>[vector<16xi32>, vector<16xi32>], vector<16xf32>,
        %get3A_363 = arith.index_cast %add3A_358 : i32 to index
        %get3A_364 = tpu.vector_load %arg11[%get3A_363] {strides = array<i32>} : memref<3200xf32, #tpu.memory_space<vmem>>, vector<16xf32>,
        tpu.vector_store_idx %arg12[%add3A_350, %broadcast_in_dim3A_7], %get3A_364 : memref<400x128xf32, #tpu.memory_space<vmem>>[vector<16xi32>, vector<16xi32>], vector<16xf32>,
        %mul3A_365 = arith.constant 5 : i32
        %mul3A_366 = arith.muli %scan3A_299, %mul3A_365 : i32
        %add3A_367 = arith.constant 3 : i32
        %add3A_368 = arith.addi %mul3A_366, %add3A_367 : i32
        %mul3A_369 = arith.constant 16 : i32
        %mul3A_370 = arith.muli %add3A_368, %mul3A_369 : i32
        %add3A_371 = vector.broadcast %mul3A_370 : i32 to vector<16xi32>
        %add3A_372 = arith.addi %iota3A, %add3A_371 : vector<16xi32>
        %mul3A_373 = arith.constant 5 : i32
        %mul3A_374 = arith.muli %scan3A_299, %mul3A_373 : i32
        %add3A_375 = arith.constant 3 : i32
        %add3A_376 = arith.addi %mul3A_374, %add3A_375 : i32
        %mul3A_377 = arith.constant 16 : i32
        %mul3A_378 = arith.muli %add3A_376, %mul3A_377 : i32
        %add3A_379 = arith.constant 0 : i32
        %add3A_380 = arith.addi %add3A_379, %mul3A_378 : i32
        %get3A_381 = arith.index_cast %add3A_380 : i32 to index
        %get3A_382 = tpu.vector_load %arg9[%get3A_381] {strides = array<i32>} : memref<3200xf32, #tpu.memory_space<vmem>>, vector<16xf32>,
        tpu.vector_store_idx %arg12[%add3A_372, %broadcast_in_dim3A_3], %get3A_382 : memref<400x128xf32, #tpu.memory_space<vmem>>[vector<16xi32>, vector<16xi32>], vector<16xf32>,
        %get3A_383 = arith.index_cast %add3A_380 : i32 to index
        %get3A_384 = tpu.vector_load %arg10[%get3A_383] {strides = array<i32>} : memref<3200xf32, #tpu.memory_space<vmem>>, vector<16xf32>,
        tpu.vector_store_idx %arg12[%add3A_372, %broadcast_in_dim3A_5], %get3A_384 : memref<400x128xf32, #tpu.memory_space<vmem>>[vector<16xi32>, vector<16xi32>], vector<16xf32>,
        %get3A_385 = arith.index_cast %add3A_380 : i32 to index
        %get3A_386 = tpu.vector_load %arg11[%get3A_385] {strides = array<i32>} : memref<3200xf32, #tpu.memory_space<vmem>>, vector<16xf32>,
        tpu.vector_store_idx %arg12[%add3A_372, %broadcast_in_dim3A_7], %get3A_386 : memref<400x128xf32, #tpu.memory_space<vmem>>[vector<16xi32>, vector<16xi32>], vector<16xf32>,
        %mul3A_387 = arith.constant 5 : i32
        %mul3A_388 = arith.muli %scan3A_299, %mul3A_387 : i32
        %add3A_389 = arith.constant 4 : i32
        %add3A_390 = arith.addi %mul3A_388, %add3A_389 : i32
        %mul3A_391 = arith.constant 16 : i32
        %mul3A_392 = arith.muli %add3A_390, %mul3A_391 : i32
        %add3A_393 = vector.broadcast %mul3A_392 : i32 to vector<16xi32>
        %add3A_394 = arith.addi %iota3A, %add3A_393 : vector<16xi32>
        %mul3A_395 = arith.constant 5 : i32
        %mul3A_396 = arith.muli %scan3A_299, %mul3A_395 : i32
        %add3A_397 = arith.constant 4 : i32
        %add3A_398 = arith.addi %mul3A_396, %add3A_397 : i32
        %mul3A_399 = arith.constant 16 : i32
        %mul3A_400 = arith.muli %add3A_398, %mul3A_399 : i32
        %add3A_401 = arith.constant 0 : i32
        %add3A_402 = arith.addi %add3A_401, %mul3A_400 : i32
        %get3A_403 = arith.index_cast %add3A_402 : i32 to index
        %get3A_404 = tpu.vector_load %arg9[%get3A_403] {strides = array<i32>} : memref<3200xf32, #tpu.memory_space<vmem>>, vector<16xf32>,
        tpu.vector_store_idx %arg12[%add3A_394, %broadcast_in_dim3A_3], %get3A_404 : memref<400x128xf32, #tpu.memory_space<vmem>>[vector<16xi32>, vector<16xi32>], vector<16xf32>,
        %get3A_405 = arith.index_cast %add3A_402 : i32 to index
        %get3A_406 = tpu.vector_load %arg10[%get3A_405] {strides = array<i32>} : memref<3200xf32, #tpu.memory_space<vmem>>, vector<16xf32>,
        tpu.vector_store_idx %arg12[%add3A_394, %broadcast_in_dim3A_5], %get3A_406 : memref<400x128xf32, #tpu.memory_space<vmem>>[vector<16xi32>, vector<16xi32>], vector<16xf32>,
        %get3A_407 = arith.index_cast %add3A_402 : i32 to index
        %get3A_408 = tpu.vector_load %arg11[%get3A_407] {strides = array<i32>} : memref<3200xf32, #tpu.memory_space<vmem>>, vector<16xf32>,
        tpu.vector_store_idx %arg12[%add3A_394, %broadcast_in_dim3A_7], %get3A_408 : memref<400x128xf32, #tpu.memory_space<vmem>>[vector<16xi32>, vector<16xi32>], vector<16xf32>,
      }
      %scan3A_39 = arith.constant 5 : i32
      %add3A_40 = arith.constant 0 : i32
      %add3A_41 = arith.addi %mul3A_21, %add3A_40 : i32
      %dma_start3A_42 = arith.constant 0 : i32
      %dma_start3A_43 = arith.constant 0 : i32
      %dma_start3A_44 = tpu.memref_slice %arg7[%add3A_41, %dma_start3A_42, %dma_start3A_43] : memref<250x400x128xf32, #tpu.memory_space<hbm>> -> memref<1x400x128xf32, #tpu.memory_space<hbm>>
      %dma_start3A_45 = tpu.memref_squeeze %dma_start3A_44 : memref<1x400x128xf32, #tpu.memory_space<hbm>> -> memref<400x128xf32, #tpu.memory_space<hbm>>
      %dma_start3A_46 = arith.constant 0 : i32
      %dma_start3A_47 = arith.constant 0 : i32
      %dma_start3A_48 = tpu.memref_slice %arg7[%add3A_41, %dma_start3A_46, %dma_start3A_47] : memref<250x400x128xf32, #tpu.memory_space<hbm>> -> memref<1x400x128xf32, #tpu.memory_space<hbm>>
      %dma_start3A_49 = tpu.memref_squeeze %dma_start3A_48 : memref<1x400x128xf32, #tpu.memory_space<hbm>> -> memref<400x128xf32, #tpu.memory_space<hbm>>
      tpu.enqueue_dma source(%arg12 : memref<400x128xf32, #tpu.memory_space<vmem>>) target(%dma_start3A_49 : memref<400x128xf32, #tpu.memory_space<hbm>>) target_semaphore(%arg19 : memref<!tpu.dma_semaphore, #tpu.memory_space<semaphore_mem>>)
      %dma_wait3A_50 = arith.constant 400 : i32
      %dma_wait3A_51 = tpu.memref_slice %arg8[%dma_wait3A_50] : memref<3200xi32, #tpu.memory_space<vmem>> -> memref<400xi32, #tpu.memory_space<vmem>>
      %dma_wait3A_52 = arith.constant 0 : i32
      %dma_wait3A_53 = arith.constant 0 : i32
      %dma_wait3A_54 = tpu.memref_slice %arg16[%dma_wait3A_52, %dma_wait3A_53] : memref<5x128xf32, #tpu.memory_space<vmem_shared>> -> memref<5x128xf32, #tpu.memory_space<vmem_shared>>
      tpu.wait_indirect_dma semaphore(%arg18 : memref<!tpu.dma_semaphore, #tpu.memory_space<semaphore_mem>>) src(%dma_wait3A_54 : memref<5x128xf32, #tpu.memory_space<vmem_shared>>) dst(%arg13 : memref<400x128xf32, #tpu.memory_space<vmem>>)
      %dma_wait3A_55 = arith.constant 0 : i32
      %dma_wait3A_56 = arith.constant 0 : i32
      %dma_wait3A_57 = arith.constant 0 : i32
      %dma_wait3A_58 = tpu.memref_slice %arg7[%dma_wait3A_55, %dma_wait3A_56, %dma_wait3A_57] : memref<250x400x128xf32, #tpu.memory_space<hbm>> -> memref<1x400x128xf32, #tpu.memory_space<hbm>>
      %dma_wait3A_59 = tpu.memref_squeeze %dma_wait3A_58 : memref<1x400x128xf32, #tpu.memory_space<hbm>> -> memref<400x128xf32, #tpu.memory_space<hbm>>
      %dma_wait3A_60 = arith.constant 0 : i32
      %dma_wait3A_61 = arith.constant 0 : i32
      %dma_wait3A_62 = tpu.memref_slice %arg7[%dma_wait3A_55, %dma_wait3A_60, %dma_wait3A_61] : memref<250x400x128xf32, #tpu.memory_space<hbm>> -> memref<1x400x128xf32, #tpu.memory_space<hbm>>
      %dma_wait3A_63 = tpu.memref_squeeze %dma_wait3A_62 : memref<1x400x128xf32, #tpu.memory_space<hbm>> -> memref<400x128xf32, #tpu.memory_space<hbm>>
      tpu.wait_dma2 semaphore(%arg19 : memref<!tpu.dma_semaphore, #tpu.memory_space<semaphore_mem>>) src(%arg12 : memref<400x128xf32, #tpu.memory_space<vmem>>) dst(%dma_wait3A_63 : memref<400x128xf32, #tpu.memory_space<hbm>>)
      %dma_start3A_64 = arith.constant 800 : i32
      %dma_start3A_65 = tpu.memref_slice %arg8[%dma_start3A_64] : memref<3200xi32, #tpu.memory_space<vmem>> -> memref<400xi32, #tpu.memory_space<vmem>>
      %dma_start3A_66 = arith.constant 0 : i32
      %dma_start3A_67 = arith.constant 0 : i32
      %dma_start3A_68 = tpu.memref_slice %arg16[%dma_start3A_66, %dma_start3A_67] : memref<5x128xf32, #tpu.memory_space<vmem_shared>> -> memref<5x128xf32, #tpu.memory_space<vmem_shared>>
      tpu.enqueue_indirect_dma source(%dma_start3A_68 : memref<5x128xf32, #tpu.memory_space<vmem_shared>>) target(%arg12 : memref<400x128xf32, #tpu.memory_space<vmem>>) offsets(%dma_start3A_65 : memref<400xi32, #tpu.memory_space<vmem>>) semaphore(%arg17 : memref<!tpu.dma_semaphore, #tpu.memory_space<semaphore_mem>>)
      %scan3A_69 = arith.constant 0 : i32
      %scan3A_70 = arith.constant 0 : i32
      %scan3A_71 = arith.constant 5 : i32
      %scan3A_72 = arith.addi %scan3A_70, %scan3A_71 : i32
      %scan3A_73 = arith.constant 1 : i32
      scf.for %scan3A_299 = %scan3A_70 to %scan3A_72 step %scan3A_73  : i32 {
        %mul3A_300 = arith.constant 5 : i32
        %mul3A_301 = arith.muli %scan3A_299, %mul3A_300 : i32
        %add3A_302 = arith.constant 0 : i32
        %add3A_303 = arith.addi %mul3A_301, %add3A_302 : i32
        %mul3A_304 = arith.constant 16 : i32
        %mul3A_305 = arith.muli %add3A_303, %mul3A_304 : i32
        %add3A_306 = vector.broadcast %mul3A_305 : i32 to vector<16xi32>
        %add3A_307 = arith.addi %iota3A, %add3A_306 : vector<16xi32>
        %mul3A_308 = arith.constant 5 : i32
        %mul3A_309 = arith.muli %scan3A_299, %mul3A_308 : i32
        %add3A_310 = arith.constant 0 : i32
        %add3A_311 = arith.addi %mul3A_309, %add3A_310 : i32
        %mul3A_312 = arith.constant 16 : i32
        %mul3A_313 = arith.muli %add3A_311, %mul3A_312 : i32
        %add3A_314 = arith.constant 400 : i32
        %add3A_315 = arith.addi %add3A_314, %mul3A_313 : i32
        %get3A = arith.index_cast %add3A_315 : i32 to index
        %get3A_316 = tpu.vector_load %arg9[%get3A] {strides = array<i32>} : memref<3200xf32, #tpu.memory_space<vmem>>, vector<16xf32>,
        tpu.vector_store_idx %arg13[%add3A_307, %broadcast_in_dim3A_3], %get3A_316 : memref<400x128xf32, #tpu.memory_space<vmem>>[vector<16xi32>, vector<16xi32>], vector<16xf32>,
        %get3A_317 = arith.index_cast %add3A_315 : i32 to index
        %get3A_318 = tpu.vector_load %arg10[%get3A_317] {strides = array<i32>} : memref<3200xf32, #tpu.memory_space<vmem>>, vector<16xf32>,
        tpu.vector_store_idx %arg13[%add3A_307, %broadcast_in_dim3A_5], %get3A_318 : memref<400x128xf32, #tpu.memory_space<vmem>>[vector<16xi32>, vector<16xi32>], vector<16xf32>,
        %get3A_319 = arith.index_cast %add3A_315 : i32 to index
        %get3A_320 = tpu.vector_load %arg11[%get3A_319] {strides = array<i32>} : memref<3200xf32, #tpu.memory_space<vmem>>, vector<16xf32>,
        tpu.vector_store_idx %arg13[%add3A_307, %broadcast_in_dim3A_7], %get3A_320 : memref<400x128xf32, #tpu.memory_space<vmem>>[vector<16xi32>, vector<16xi32>], vector<16xf32>,
        %mul3A_321 = arith.constant 5 : i32
        %mul3A_322 = arith.muli %scan3A_299, %mul3A_321 : i32
        %add3A_323 = arith.constant 1 : i32
        %add3A_324 = arith.addi %mul3A_322, %add3A_323 : i32
        %mul3A_325 = arith.constant 16 : i32
        %mul3A_326 = arith.muli %add3A_324, %mul3A_325 : i32
        %add3A_327 = vector.broadcast %mul3A_326 : i32 to vector<16xi32>
        %add3A_328 = arith.addi %iota3A, %add3A_327 : vector<16xi32>
        %mul3A_329 = arith.constant 5 : i32
        %mul3A_330 = arith.muli %scan3A_299, %mul3A_329 : i32
        %add3A_331 = arith.constant 1 : i32
        %add3A_332 = arith.addi %mul3A_330, %add3A_331 : i32
        %mul3A_333 = arith.constant 16 : i32
        %mul3A_334 = arith.muli %add3A_332, %mul3A_333 : i32
        %add3A_335 = arith.constant 400 : i32
        %add3A_336 = arith.addi %add3A_335, %mul3A_334 : i32
        %get3A_337 = arith.index_cast %add3A_336 : i32 to index
        %get3A_338 = tpu.vector_load %arg9[%get3A_337] {strides = array<i32>} : memref<3200xf32, #tpu.memory_space<vmem>>, vector<16xf32>,
        tpu.vector_store_idx %arg13[%add3A_328, %broadcast_in_dim3A_3], %get3A_338 : memref<400x128xf32, #tpu.memory_space<vmem>>[vector<16xi32>, vector<16xi32>], vector<16xf32>,
        %get3A_339 = arith.index_cast %add3A_336 : i32 to index
        %get3A_340 = tpu.vector_load %arg10[%get3A_339] {strides = array<i32>} : memref<3200xf32, #tpu.memory_space<vmem>>, vector<16xf32>,
        tpu.vector_store_idx %arg13[%add3A_328, %broadcast_in_dim3A_5], %get3A_340 : memref<400x128xf32, #tpu.memory_space<vmem>>[vector<16xi32>, vector<16xi32>], vector<16xf32>,
        %get3A_341 = arith.index_cast %add3A_336 : i32 to index
        %get3A_342 = tpu.vector_load %arg11[%get3A_341] {strides = array<i32>} : memref<3200xf32, #tpu.memory_space<vmem>>, vector<16xf32>,
        tpu.vector_store_idx %arg13[%add3A_328, %broadcast_in_dim3A_7], %get3A_342 : memref<400x128xf32, #tpu.memory_space<vmem>>[vector<16xi32>, vector<16xi32>], vector<16xf32>,
        %mul3A_343 = arith.constant 5 : i32
        %mul3A_344 = arith.muli %scan3A_299, %mul3A_343 : i32
        %add3A_345 = arith.constant 2 : i32
        %add3A_346 = arith.addi %mul3A_344, %add3A_345 : i32
        %mul3A_347 = arith.constant 16 : i32
        %mul3A_348 = arith.muli %add3A_346, %mul3A_347 : i32
        %add3A_349 = vector.broadcast %mul3A_348 : i32 to vector<16xi32>
        %add3A_350 = arith.addi %iota3A, %add3A_349 : vector<16xi32>
        %mul3A_351 = arith.constant 5 : i32
        %mul3A_352 = arith.muli %scan3A_299, %mul3A_351 : i32
        %add3A_353 = arith.constant 2 : i32
        %add3A_354 = arith.addi %mul3A_352, %add3A_353 : i32
        %mul3A_355 = arith.constant 16 : i32
        %mul3A_356 = arith.muli %add3A_354, %mul3A_355 : i32
        %add3A_357 = arith.constant 400 : i32
        %add3A_358 = arith.addi %add3A_357, %mul3A_356 : i32
        %get3A_359 = arith.index_cast %add3A_358 : i32 to index
        %get3A_360 = tpu.vector_load %arg9[%get3A_359] {strides = array<i32>} : memref<3200xf32, #tpu.memory_space<vmem>>, vector<16xf32>,
        tpu.vector_store_idx %arg13[%add3A_350, %broadcast_in_dim3A_3], %get3A_360 : memref<400x128xf32, #tpu.memory_space<vmem>>[vector<16xi32>, vector<16xi32>], vector<16xf32>,
        %get3A_361 = arith.index_cast %add3A_358 : i32 to index
        %get3A_362 = tpu.vector_load %arg10[%get3A_361] {strides = array<i32>} : memref<3200xf32, #tpu.memory_space<vmem>>, vector<16xf32>,
        tpu.vector_store_idx %arg13[%add3A_350, %broadcast_in_dim3A_5], %get3A_362 : memref<400x128xf32, #tpu.memory_space<vmem>>[vector<16xi32>, vector<16xi32>], vector<16xf32>,
        %get3A_363 = arith.index_cast %add3A_358 : i32 to index
        %get3A_364 = tpu.vector_load %arg11[%get3A_363] {strides = array<i32>} : memref<3200xf32, #tpu.memory_space<vmem>>, vector<16xf32>,
        tpu.vector_store_idx %arg13[%add3A_350, %broadcast_in_dim3A_7], %get3A_364 : memref<400x128xf32, #tpu.memory_space<vmem>>[vector<16xi32>, vector<16xi32>], vector<16xf32>,
        %mul3A_365 = arith.constant 5 : i32
        %mul3A_366 = arith.muli %scan3A_299, %mul3A_365 : i32
        %add3A_367 = arith.constant 3 : i32
        %add3A_368 = arith.addi %mul3A_366, %add3A_367 : i32
        %mul3A_369 = arith.constant 16 : i32
        %mul3A_370 = arith.muli %add3A_368, %mul3A_369 : i32
        %add3A_371 = vector.broadcast %mul3A_370 : i32 to vector<16xi32>
        %add3A_372 = arith.addi %iota3A, %add3A_371 : vector<16xi32>
        %mul3A_373 = arith.constant 5 : i32
        %mul3A_374 = arith.muli %scan3A_299, %mul3A_373 : i32
        %add3A_375 = arith.constant 3 : i32
        %add3A_376 = arith.addi %mul3A_374, %add3A_375 : i32
        %mul3A_377 = arith.constant 16 : i32
        %mul3A_378 = arith.muli %add3A_376, %mul3A_377 : i32
        %add3A_379 = arith.constant 400 : i32
        %add3A_380 = arith.addi %add3A_379, %mul3A_378 : i32
        %get3A_381 = arith.index_cast %add3A_380 : i32 to index
        %get3A_382 = tpu.vector_load %arg9[%get3A_381] {strides = array<i32>} : memref<3200xf32, #tpu.memory_space<vmem>>, vector<16xf32>,
        tpu.vector_store_idx %arg13[%add3A_372, %broadcast_in_dim3A_3], %get3A_382 : memref<400x128xf32, #tpu.memory_space<vmem>>[vector<16xi32>, vector<16xi32>], vector<16xf32>,
        %get3A_383 = arith.index_cast %add3A_380 : i32 to index
        %get3A_384 = tpu.vector_load %arg10[%get3A_383] {strides = array<i32>} : memref<3200xf32, #tpu.memory_space<vmem>>, vector<16xf32>,
        tpu.vector_store_idx %arg13[%add3A_372, %broadcast_in_dim3A_5], %get3A_384 : memref<400x128xf32, #tpu.memory_space<vmem>>[vector<16xi32>, vector<16xi32>], vector<16xf32>,
        %get3A_385 = arith.index_cast %add3A_380 : i32 to index
        %get3A_386 = tpu.vector_load %arg11[%get3A_385] {strides = array<i32>} : memref<3200xf32, #tpu.memory_space<vmem>>, vector<16xf32>,
        tpu.vector_store_idx %arg13[%add3A_372, %broadcast_in_dim3A_7], %get3A_386 : memref<400x128xf32, #tpu.memory_space<vmem>>[vector<16xi32>, vector<16xi32>], vector<16xf32>,
        %mul3A_387 = arith.constant 5 : i32
        %mul3A_388 = arith.muli %scan3A_299, %mul3A_387 : i32
        %add3A_389 = arith.constant 4 : i32
        %add3A_390 = arith.addi %mul3A_388, %add3A_389 : i32
        %mul3A_391 = arith.constant 16 : i32
        %mul3A_392 = arith.muli %add3A_390, %mul3A_391 : i32
        %add3A_393 = vector.broadcast %mul3A_392 : i32 to vector<16xi32>
        %add3A_394 = arith.addi %iota3A, %add3A_393 : vector<16xi32>
        %mul3A_395 = arith.constant 5 : i32
        %mul3A_396 = arith.muli %scan3A_299, %mul3A_395 : i32
        %add3A_397 = arith.constant 4 : i32
        %add3A_398 = arith.addi %mul3A_396, %add3A_397 : i32
        %mul3A_399 = arith.constant 16 : i32
        %mul3A_400 = arith.muli %add3A_398, %mul3A_399 : i32
        %add3A_401 = arith.constant 400 : i32
        %add3A_402 = arith.addi %add3A_401, %mul3A_400 : i32
        %get3A_403 = arith.index_cast %add3A_402 : i32 to index
        %get3A_404 = tpu.vector_load %arg9[%get3A_403] {strides = array<i32>} : memref<3200xf32, #tpu.memory_space<vmem>>, vector<16xf32>,
        tpu.vector_store_idx %arg13[%add3A_394, %broadcast_in_dim3A_3], %get3A_404 : memref<400x128xf32, #tpu.memory_space<vmem>>[vector<16xi32>, vector<16xi32>], vector<16xf32>,
        %get3A_405 = arith.index_cast %add3A_402 : i32 to index
        %get3A_406 = tpu.vector_load %arg10[%get3A_405] {strides = array<i32>} : memref<3200xf32, #tpu.memory_space<vmem>>, vector<16xf32>,
        tpu.vector_store_idx %arg13[%add3A_394, %broadcast_in_dim3A_5], %get3A_406 : memref<400x128xf32, #tpu.memory_space<vmem>>[vector<16xi32>, vector<16xi32>], vector<16xf32>,
        %get3A_407 = arith.index_cast %add3A_402 : i32 to index
        %get3A_408 = tpu.vector_load %arg11[%get3A_407] {strides = array<i32>} : memref<3200xf32, #tpu.memory_space<vmem>>, vector<16xf32>,
        tpu.vector_store_idx %arg13[%add3A_394, %broadcast_in_dim3A_7], %get3A_408 : memref<400x128xf32, #tpu.memory_space<vmem>>[vector<16xi32>, vector<16xi32>], vector<16xf32>,
      }
      %scan3A_74 = arith.constant 5 : i32
      %add3A_75 = arith.constant 1 : i32
      %add3A_76 = arith.addi %mul3A_21, %add3A_75 : i32
      %dma_start3A_77 = arith.constant 0 : i32
      %dma_start3A_78 = arith.constant 0 : i32
      %dma_start3A_79 = tpu.memref_slice %arg7[%add3A_76, %dma_start3A_77, %dma_start3A_78] : memref<250x400x128xf32, #tpu.memory_space<hbm>> -> memref<1x400x128xf32, #tpu.memory_space<hbm>>
      %dma_start3A_80 = tpu.memref_squeeze %dma_start3A_79 : memref<1x400x128xf32, #tpu.memory_space<hbm>> -> memref<400x128xf32, #tpu.memory_space<hbm>>
      %dma_start3A_81 = arith.constant 0 : i32
      %dma_start3A_82 = arith.constant 0 : i32
      %dma_start3A_83 = tpu.memref_slice %arg7[%add3A_76, %dma_start3A_81, %dma_start3A_82] : memref<250x400x128xf32, #tpu.memory_space<hbm>> -> memref<1x400x128xf32, #tpu.memory_space<hbm>>
      %dma_start3A_84 = tpu.memref_squeeze %dma_start3A_83 : memref<1x400x128xf32, #tpu.memory_space<hbm>> -> memref<400x128xf32, #tpu.memory_space<hbm>>
      tpu.enqueue_dma source(%arg13 : memref<400x128xf32, #tpu.memory_space<vmem>>) target(%dma_start3A_84 : memref<400x128xf32, #tpu.memory_space<hbm>>) target_semaphore(%arg20 : memref<!tpu.dma_semaphore, #tpu.memory_space<semaphore_mem>>)
      %dma_wait3A_85 = arith.constant 800 : i32
      %dma_wait3A_86 = tpu.memref_slice %arg8[%dma_wait3A_85] : memref<3200xi32, #tpu.memory_space<vmem>> -> memref<400xi32, #tpu.memory_space<vmem>>
      %dma_wait3A_87 = arith.constant 0 : i32
      %dma_wait3A_88 = arith.constant 0 : i32
      %dma_wait3A_89 = tpu.memref_slice %arg16[%dma_wait3A_87, %dma_wait3A_88] : memref<5x128xf32, #tpu.memory_space<vmem_shared>> -> memref<5x128xf32, #tpu.memory_space<vmem_shared>>
      tpu.wait_indirect_dma semaphore(%arg17 : memref<!tpu.dma_semaphore, #tpu.memory_space<semaphore_mem>>) src(%dma_wait3A_89 : memref<5x128xf32, #tpu.memory_space<vmem_shared>>) dst(%arg12 : memref<400x128xf32, #tpu.memory_space<vmem>>)
      %dma_wait3A_90 = arith.constant 0 : i32
      %dma_wait3A_91 = arith.constant 0 : i32
      %dma_wait3A_92 = arith.constant 0 : i32
      %dma_wait3A_93 = tpu.memref_slice %arg7[%dma_wait3A_90, %dma_wait3A_91, %dma_wait3A_92] : memref<250x400x128xf32, #tpu.memory_space<hbm>> -> memref<1x400x128xf32, #tpu.memory_space<hbm>>
      %dma_wait3A_94 = tpu.memref_squeeze %dma_wait3A_93 : memref<1x400x128xf32, #tpu.memory_space<hbm>> -> memref<400x128xf32, #tpu.memory_space<hbm>>
      %dma_wait3A_95 = arith.constant 0 : i32
      %dma_wait3A_96 = arith.constant 0 : i32
      %dma_wait3A_97 = tpu.memref_slice %arg7[%dma_wait3A_90, %dma_wait3A_95, %dma_wait3A_96] : memref<250x400x128xf32, #tpu.memory_space<hbm>> -> memref<1x400x128xf32, #tpu.memory_space<hbm>>
      %dma_wait3A_98 = tpu.memref_squeeze %dma_wait3A_97 : memref<1x400x128xf32, #tpu.memory_space<hbm>> -> memref<400x128xf32, #tpu.memory_space<hbm>>
      tpu.wait_dma2 semaphore(%arg20 : memref<!tpu.dma_semaphore, #tpu.memory_space<semaphore_mem>>) src(%arg13 : memref<400x128xf32, #tpu.memory_space<vmem>>) dst(%dma_wait3A_98 : memref<400x128xf32, #tpu.memory_space<hbm>>)
      %dma_start3A_99 = arith.constant 1200 : i32
      %dma_start3A_100 = tpu.memref_slice %arg8[%dma_start3A_99] : memref<3200xi32, #tpu.memory_space<vmem>> -> memref<400xi32, #tpu.memory_space<vmem>>
      %dma_start3A_101 = arith.constant 0 : i32
      %dma_start3A_102 = arith.constant 0 : i32
      %dma_start3A_103 = tpu.memref_slice %arg16[%dma_start3A_101, %dma_start3A_102] : memref<5x128xf32, #tpu.memory_space<vmem_shared>> -> memref<5x128xf32, #tpu.memory_space<vmem_shared>>
      tpu.enqueue_indirect_dma source(%dma_start3A_103 : memref<5x128xf32, #tpu.memory_space<vmem_shared>>) target(%arg13 : memref<400x128xf32, #tpu.memory_space<vmem>>) offsets(%dma_start3A_100 : memref<400xi32, #tpu.memory_space<vmem>>) semaphore(%arg18 : memref<!tpu.dma_semaphore, #tpu.memory_space<semaphore_mem>>)
      %scan3A_104 = arith.constant 0 : i32
      %scan3A_105 = arith.constant 0 : i32
      %scan3A_106 = arith.constant 5 : i32
      %scan3A_107 = arith.addi %scan3A_105, %scan3A_106 : i32
      %scan3A_108 = arith.constant 1 : i32
      scf.for %scan3A_299 = %scan3A_105 to %scan3A_107 step %scan3A_108  : i32 {
        %mul3A_300 = arith.constant 5 : i32
        %mul3A_301 = arith.muli %scan3A_299, %mul3A_300 : i32
        %add3A_302 = arith.constant 0 : i32
        %add3A_303 = arith.addi %mul3A_301, %add3A_302 : i32
        %mul3A_304 = arith.constant 16 : i32
        %mul3A_305 = arith.muli %add3A_303, %mul3A_304 : i32
        %add3A_306 = vector.broadcast %mul3A_305 : i32 to vector<16xi32>
        %add3A_307 = arith.addi %iota3A, %add3A_306 : vector<16xi32>
        %mul3A_308 = arith.constant 5 : i32
        %mul3A_309 = arith.muli %scan3A_299, %mul3A_308 : i32
        %add3A_310 = arith.constant 0 : i32
        %add3A_311 = arith.addi %mul3A_309, %add3A_310 : i32
        %mul3A_312 = arith.constant 16 : i32
        %mul3A_313 = arith.muli %add3A_311, %mul3A_312 : i32
        %add3A_314 = arith.constant 800 : i32
        %add3A_315 = arith.addi %add3A_314, %mul3A_313 : i32
        %get3A = arith.index_cast %add3A_315 : i32 to index
        %get3A_316 = tpu.vector_load %arg9[%get3A] {strides = array<i32>} : memref<3200xf32, #tpu.memory_space<vmem>>, vector<16xf32>,
        tpu.vector_store_idx %arg12[%add3A_307, %broadcast_in_dim3A_3], %get3A_316 : memref<400x128xf32, #tpu.memory_space<vmem>>[vector<16xi32>, vector<16xi32>], vector<16xf32>,
        %get3A_317 = arith.index_cast %add3A_315 : i32 to index
        %get3A_318 = tpu.vector_load %arg10[%get3A_317] {strides = array<i32>} : memref<3200xf32, #tpu.memory_space<vmem>>, vector<16xf32>,
        tpu.vector_store_idx %arg12[%add3A_307, %broadcast_in_dim3A_5], %get3A_318 : memref<400x128xf32, #tpu.memory_space<vmem>>[vector<16xi32>, vector<16xi32>], vector<16xf32>,
        %get3A_319 = arith.index_cast %add3A_315 : i32 to index
        %get3A_320 = tpu.vector_load %arg11[%get3A_319] {strides = array<i32>} : memref<3200xf32, #tpu.memory_space<vmem>>, vector<16xf32>,
        tpu.vector_store_idx %arg12[%add3A_307, %broadcast_in_dim3A_7], %get3A_320 : memref<400x128xf32, #tpu.memory_space<vmem>>[vector<16xi32>, vector<16xi32>], vector<16xf32>,
        %mul3A_321 = arith.constant 5 : i32
        %mul3A_322 = arith.muli %scan3A_299, %mul3A_321 : i32
        %add3A_323 = arith.constant 1 : i32
        %add3A_324 = arith.addi %mul3A_322, %add3A_323 : i32
        %mul3A_325 = arith.constant 16 : i32
        %mul3A_326 = arith.muli %add3A_324, %mul3A_325 : i32
        %add3A_327 = vector.broadcast %mul3A_326 : i32 to vector<16xi32>
        %add3A_328 = arith.addi %iota3A, %add3A_327 : vector<16xi32>
        %mul3A_329 = arith.constant 5 : i32
        %mul3A_330 = arith.muli %scan3A_299, %mul3A_329 : i32
        %add3A_331 = arith.constant 1 : i32
        %add3A_332 = arith.addi %mul3A_330, %add3A_331 : i32
        %mul3A_333 = arith.constant 16 : i32
        %mul3A_334 = arith.muli %add3A_332, %mul3A_333 : i32
        %add3A_335 = arith.constant 800 : i32
        %add3A_336 = arith.addi %add3A_335, %mul3A_334 : i32
        %get3A_337 = arith.index_cast %add3A_336 : i32 to index
        %get3A_338 = tpu.vector_load %arg9[%get3A_337] {strides = array<i32>} : memref<3200xf32, #tpu.memory_space<vmem>>, vector<16xf32>,
        tpu.vector_store_idx %arg12[%add3A_328, %broadcast_in_dim3A_3], %get3A_338 : memref<400x128xf32, #tpu.memory_space<vmem>>[vector<16xi32>, vector<16xi32>], vector<16xf32>,
        %get3A_339 = arith.index_cast %add3A_336 : i32 to index
        %get3A_340 = tpu.vector_load %arg10[%get3A_339] {strides = array<i32>} : memref<3200xf32, #tpu.memory_space<vmem>>, vector<16xf32>,
        tpu.vector_store_idx %arg12[%add3A_328, %broadcast_in_dim3A_5], %get3A_340 : memref<400x128xf32, #tpu.memory_space<vmem>>[vector<16xi32>, vector<16xi32>], vector<16xf32>,
        %get3A_341 = arith.index_cast %add3A_336 : i32 to index
        %get3A_342 = tpu.vector_load %arg11[%get3A_341] {strides = array<i32>} : memref<3200xf32, #tpu.memory_space<vmem>>, vector<16xf32>,
        tpu.vector_store_idx %arg12[%add3A_328, %broadcast_in_dim3A_7], %get3A_342 : memref<400x128xf32, #tpu.memory_space<vmem>>[vector<16xi32>, vector<16xi32>], vector<16xf32>,
        %mul3A_343 = arith.constant 5 : i32
        %mul3A_344 = arith.muli %scan3A_299, %mul3A_343 : i32
        %add3A_345 = arith.constant 2 : i32
        %add3A_346 = arith.addi %mul3A_344, %add3A_345 : i32
        %mul3A_347 = arith.constant 16 : i32
        %mul3A_348 = arith.muli %add3A_346, %mul3A_347 : i32
        %add3A_349 = vector.broadcast %mul3A_348 : i32 to vector<16xi32>
        %add3A_350 = arith.addi %iota3A, %add3A_349 : vector<16xi32>
        %mul3A_351 = arith.constant 5 : i32
        %mul3A_352 = arith.muli %scan3A_299, %mul3A_351 : i32
        %add3A_353 = arith.constant 2 : i32
        %add3A_354 = arith.addi %mul3A_352, %add3A_353 : i32
        %mul3A_355 = arith.constant 16 : i32
        %mul3A_356 = arith.muli %add3A_354, %mul3A_355 : i32
        %add3A_357 = arith.constant 800 : i32
        %add3A_358 = arith.addi %add3A_357, %mul3A_356 : i32
        %get3A_359 = arith.index_cast %add3A_358 : i32 to index
        %get3A_360 = tpu.vector_load %arg9[%get3A_359] {strides = array<i32>} : memref<3200xf32, #tpu.memory_space<vmem>>, vector<16xf32>,
        tpu.vector_store_idx %arg12[%add3A_350, %broadcast_in_dim3A_3], %get3A_360 : memref<400x128xf32, #tpu.memory_space<vmem>>[vector<16xi32>, vector<16xi32>], vector<16xf32>,
        %get3A_361 = arith.index_cast %add3A_358 : i32 to index
        %get3A_362 = tpu.vector_load %arg10[%get3A_361] {strides = array<i32>} : memref<3200xf32, #tpu.memory_space<vmem>>, vector<16xf32>,
        tpu.vector_store_idx %arg12[%add3A_350, %broadcast_in_dim3A_5], %get3A_362 : memref<400x128xf32, #tpu.memory_space<vmem>>[vector<16xi32>, vector<16xi32>], vector<16xf32>,
        %get3A_363 = arith.index_cast %add3A_358 : i32 to index
        %get3A_364 = tpu.vector_load %arg11[%get3A_363] {strides = array<i32>} : memref<3200xf32, #tpu.memory_space<vmem>>, vector<16xf32>,
        tpu.vector_store_idx %arg12[%add3A_350, %broadcast_in_dim3A_7], %get3A_364 : memref<400x128xf32, #tpu.memory_space<vmem>>[vector<16xi32>, vector<16xi32>], vector<16xf32>,
        %mul3A_365 = arith.constant 5 : i32
        %mul3A_366 = arith.muli %scan3A_299, %mul3A_365 : i32
        %add3A_367 = arith.constant 3 : i32
        %add3A_368 = arith.addi %mul3A_366, %add3A_367 : i32
        %mul3A_369 = arith.constant 16 : i32
        %mul3A_370 = arith.muli %add3A_368, %mul3A_369 : i32
        %add3A_371 = vector.broadcast %mul3A_370 : i32 to vector<16xi32>
        %add3A_372 = arith.addi %iota3A, %add3A_371 : vector<16xi32>
        %mul3A_373 = arith.constant 5 : i32
        %mul3A_374 = arith.muli %scan3A_299, %mul3A_373 : i32
        %add3A_375 = arith.constant 3 : i32
        %add3A_376 = arith.addi %mul3A_374, %add3A_375 : i32
        %mul3A_377 = arith.constant 16 : i32
        %mul3A_378 = arith.muli %add3A_376, %mul3A_377 : i32
        %add3A_379 = arith.constant 800 : i32
        %add3A_380 = arith.addi %add3A_379, %mul3A_378 : i32
        %get3A_381 = arith.index_cast %add3A_380 : i32 to index
        %get3A_382 = tpu.vector_load %arg9[%get3A_381] {strides = array<i32>} : memref<3200xf32, #tpu.memory_space<vmem>>, vector<16xf32>,
        tpu.vector_store_idx %arg12[%add3A_372, %broadcast_in_dim3A_3], %get3A_382 : memref<400x128xf32, #tpu.memory_space<vmem>>[vector<16xi32>, vector<16xi32>], vector<16xf32>,
        %get3A_383 = arith.index_cast %add3A_380 : i32 to index
        %get3A_384 = tpu.vector_load %arg10[%get3A_383] {strides = array<i32>} : memref<3200xf32, #tpu.memory_space<vmem>>, vector<16xf32>,
        tpu.vector_store_idx %arg12[%add3A_372, %broadcast_in_dim3A_5], %get3A_384 : memref<400x128xf32, #tpu.memory_space<vmem>>[vector<16xi32>, vector<16xi32>], vector<16xf32>,
        %get3A_385 = arith.index_cast %add3A_380 : i32 to index
        %get3A_386 = tpu.vector_load %arg11[%get3A_385] {strides = array<i32>} : memref<3200xf32, #tpu.memory_space<vmem>>, vector<16xf32>,
        tpu.vector_store_idx %arg12[%add3A_372, %broadcast_in_dim3A_7], %get3A_386 : memref<400x128xf32, #tpu.memory_space<vmem>>[vector<16xi32>, vector<16xi32>], vector<16xf32>,
        %mul3A_387 = arith.constant 5 : i32
        %mul3A_388 = arith.muli %scan3A_299, %mul3A_387 : i32
        %add3A_389 = arith.constant 4 : i32
        %add3A_390 = arith.addi %mul3A_388, %add3A_389 : i32
        %mul3A_391 = arith.constant 16 : i32
        %mul3A_392 = arith.muli %add3A_390, %mul3A_391 : i32
        %add3A_393 = vector.broadcast %mul3A_392 : i32 to vector<16xi32>
        %add3A_394 = arith.addi %iota3A, %add3A_393 : vector<16xi32>
        %mul3A_395 = arith.constant 5 : i32
        %mul3A_396 = arith.muli %scan3A_299, %mul3A_395 : i32
        %add3A_397 = arith.constant 4 : i32
        %add3A_398 = arith.addi %mul3A_396, %add3A_397 : i32
        %mul3A_399 = arith.constant 16 : i32
        %mul3A_400 = arith.muli %add3A_398, %mul3A_399 : i32
        %add3A_401 = arith.constant 800 : i32
        %add3A_402 = arith.addi %add3A_401, %mul3A_400 : i32
        %get3A_403 = arith.index_cast %add3A_402 : i32 to index
        %get3A_404 = tpu.vector_load %arg9[%get3A_403] {strides = array<i32>} : memref<3200xf32, #tpu.memory_space<vmem>>, vector<16xf32>,
        tpu.vector_store_idx %arg12[%add3A_394, %broadcast_in_dim3A_3], %get3A_404 : memref<400x128xf32, #tpu.memory_space<vmem>>[vector<16xi32>, vector<16xi32>], vector<16xf32>,
        %get3A_405 = arith.index_cast %add3A_402 : i32 to index
        %get3A_406 = tpu.vector_load %arg10[%get3A_405] {strides = array<i32>} : memref<3200xf32, #tpu.memory_space<vmem>>, vector<16xf32>,
        tpu.vector_store_idx %arg12[%add3A_394, %broadcast_in_dim3A_5], %get3A_406 : memref<400x128xf32, #tpu.memory_space<vmem>>[vector<16xi32>, vector<16xi32>], vector<16xf32>,
        %get3A_407 = arith.index_cast %add3A_402 : i32 to index
        %get3A_408 = tpu.vector_load %arg11[%get3A_407] {strides = array<i32>} : memref<3200xf32, #tpu.memory_space<vmem>>, vector<16xf32>,
        tpu.vector_store_idx %arg12[%add3A_394, %broadcast_in_dim3A_7], %get3A_408 : memref<400x128xf32, #tpu.memory_space<vmem>>[vector<16xi32>, vector<16xi32>], vector<16xf32>,
      }
      %scan3A_109 = arith.constant 5 : i32
      %add3A_110 = arith.constant 2 : i32
      %add3A_111 = arith.addi %mul3A_21, %add3A_110 : i32
      %dma_start3A_112 = arith.constant 0 : i32
      %dma_start3A_113 = arith.constant 0 : i32
      %dma_start3A_114 = tpu.memref_slice %arg7[%add3A_111, %dma_start3A_112, %dma_start3A_113] : memref<250x400x128xf32, #tpu.memory_space<hbm>> -> memref<1x400x128xf32, #tpu.memory_space<hbm>>
      %dma_start3A_115 = tpu.memref_squeeze %dma_start3A_114 : memref<1x400x128xf32, #tpu.memory_space<hbm>> -> memref<400x128xf32, #tpu.memory_space<hbm>>
      %dma_start3A_116 = arith.constant 0 : i32
      %dma_start3A_117 = arith.constant 0 : i32
      %dma_start3A_118 = tpu.memref_slice %arg7[%add3A_111, %dma_start3A_116, %dma_start3A_117] : memref<250x400x128xf32, #tpu.memory_space<hbm>> -> memref<1x400x128xf32, #tpu.memory_space<hbm>>
      %dma_start3A_119 = tpu.memref_squeeze %dma_start3A_118 : memref<1x400x128xf32, #tpu.memory_space<hbm>> -> memref<400x128xf32, #tpu.memory_space<hbm>>
      tpu.enqueue_dma source(%arg12 : memref<400x128xf32, #tpu.memory_space<vmem>>) target(%dma_start3A_119 : memref<400x128xf32, #tpu.memory_space<hbm>>) target_semaphore(%arg19 : memref<!tpu.dma_semaphore, #tpu.memory_space<semaphore_mem>>)
      %dma_wait3A_120 = arith.constant 1200 : i32
      %dma_wait3A_121 = tpu.memref_slice %arg8[%dma_wait3A_120] : memref<3200xi32, #tpu.memory_space<vmem>> -> memref<400xi32, #tpu.memory_space<vmem>>
      %dma_wait3A_122 = arith.constant 0 : i32
      %dma_wait3A_123 = arith.constant 0 : i32
      %dma_wait3A_124 = tpu.memref_slice %arg16[%dma_wait3A_122, %dma_wait3A_123] : memref<5x128xf32, #tpu.memory_space<vmem_shared>> -> memref<5x128xf32, #tpu.memory_space<vmem_shared>>
      tpu.wait_indirect_dma semaphore(%arg18 : memref<!tpu.dma_semaphore, #tpu.memory_space<semaphore_mem>>) src(%dma_wait3A_124 : memref<5x128xf32, #tpu.memory_space<vmem_shared>>) dst(%arg13 : memref<400x128xf32, #tpu.memory_space<vmem>>)
      %dma_wait3A_125 = arith.constant 0 : i32
      %dma_wait3A_126 = arith.constant 0 : i32
      %dma_wait3A_127 = arith.constant 0 : i32
      %dma_wait3A_128 = tpu.memref_slice %arg7[%dma_wait3A_125, %dma_wait3A_126, %dma_wait3A_127] : memref<250x400x128xf32, #tpu.memory_space<hbm>> -> memref<1x400x128xf32, #tpu.memory_space<hbm>>
      %dma_wait3A_129 = tpu.memref_squeeze %dma_wait3A_128 : memref<1x400x128xf32, #tpu.memory_space<hbm>> -> memref<400x128xf32, #tpu.memory_space<hbm>>
      %dma_wait3A_130 = arith.constant 0 : i32
      %dma_wait3A_131 = arith.constant 0 : i32
      %dma_wait3A_132 = tpu.memref_slice %arg7[%dma_wait3A_125, %dma_wait3A_130, %dma_wait3A_131] : memref<250x400x128xf32, #tpu.memory_space<hbm>> -> memref<1x400x128xf32, #tpu.memory_space<hbm>>
      %dma_wait3A_133 = tpu.memref_squeeze %dma_wait3A_132 : memref<1x400x128xf32, #tpu.memory_space<hbm>> -> memref<400x128xf32, #tpu.memory_space<hbm>>
      tpu.wait_dma2 semaphore(%arg19 : memref<!tpu.dma_semaphore, #tpu.memory_space<semaphore_mem>>) src(%arg12 : memref<400x128xf32, #tpu.memory_space<vmem>>) dst(%dma_wait3A_133 : memref<400x128xf32, #tpu.memory_space<hbm>>)
      %dma_start3A_134 = arith.constant 1600 : i32
      %dma_start3A_135 = tpu.memref_slice %arg8[%dma_start3A_134] : memref<3200xi32, #tpu.memory_space<vmem>> -> memref<400xi32, #tpu.memory_space<vmem>>
      %dma_start3A_136 = arith.constant 0 : i32
      %dma_start3A_137 = arith.constant 0 : i32
      %dma_start3A_138 = tpu.memref_slice %arg16[%dma_start3A_136, %dma_start3A_137] : memref<5x128xf32, #tpu.memory_space<vmem_shared>> -> memref<5x128xf32, #tpu.memory_space<vmem_shared>>
      tpu.enqueue_indirect_dma source(%dma_start3A_138 : memref<5x128xf32, #tpu.memory_space<vmem_shared>>) target(%arg12 : memref<400x128xf32, #tpu.memory_space<vmem>>) offsets(%dma_start3A_135 : memref<400xi32, #tpu.memory_space<vmem>>) semaphore(%arg17 : memref<!tpu.dma_semaphore, #tpu.memory_space<semaphore_mem>>)
      %scan3A_139 = arith.constant 0 : i32
      %scan3A_140 = arith.constant 0 : i32
      %scan3A_141 = arith.constant 5 : i32
      %scan3A_142 = arith.addi %scan3A_140, %scan3A_141 : i32
      %scan3A_143 = arith.constant 1 : i32
      scf.for %scan3A_299 = %scan3A_140 to %scan3A_142 step %scan3A_143  : i32 {
        %mul3A_300 = arith.constant 5 : i32
        %mul3A_301 = arith.muli %scan3A_299, %mul3A_300 : i32
        %add3A_302 = arith.constant 0 : i32
        %add3A_303 = arith.addi %mul3A_301, %add3A_302 : i32
        %mul3A_304 = arith.constant 16 : i32
        %mul3A_305 = arith.muli %add3A_303, %mul3A_304 : i32
        %add3A_306 = vector.broadcast %mul3A_305 : i32 to vector<16xi32>
        %add3A_307 = arith.addi %iota3A, %add3A_306 : vector<16xi32>
        %mul3A_308 = arith.constant 5 : i32
        %mul3A_309 = arith.muli %scan3A_299, %mul3A_308 : i32
        %add3A_310 = arith.constant 0 : i32
        %add3A_311 = arith.addi %mul3A_309, %add3A_310 : i32
        %mul3A_312 = arith.constant 16 : i32
        %mul3A_313 = arith.muli %add3A_311, %mul3A_312 : i32
        %add3A_314 = arith.constant 1200 : i32
        %add3A_315 = arith.addi %add3A_314, %mul3A_313 : i32
        %get3A = arith.index_cast %add3A_315 : i32 to index
        %get3A_316 = tpu.vector_load %arg9[%get3A] {strides = array<i32>} : memref<3200xf32, #tpu.memory_space<vmem>>, vector<16xf32>,
        tpu.vector_store_idx %arg13[%add3A_307, %broadcast_in_dim3A_3], %get3A_316 : memref<400x128xf32, #tpu.memory_space<vmem>>[vector<16xi32>, vector<16xi32>], vector<16xf32>,
        %get3A_317 = arith.index_cast %add3A_315 : i32 to index
        %get3A_318 = tpu.vector_load %arg10[%get3A_317] {strides = array<i32>} : memref<3200xf32, #tpu.memory_space<vmem>>, vector<16xf32>,
        tpu.vector_store_idx %arg13[%add3A_307, %broadcast_in_dim3A_5], %get3A_318 : memref<400x128xf32, #tpu.memory_space<vmem>>[vector<16xi32>, vector<16xi32>], vector<16xf32>,
        %get3A_319 = arith.index_cast %add3A_315 : i32 to index
        %get3A_320 = tpu.vector_load %arg11[%get3A_319] {strides = array<i32>} : memref<3200xf32, #tpu.memory_space<vmem>>, vector<16xf32>,
        tpu.vector_store_idx %arg13[%add3A_307, %broadcast_in_dim3A_7], %get3A_320 : memref<400x128xf32, #tpu.memory_space<vmem>>[vector<16xi32>, vector<16xi32>], vector<16xf32>,
        %mul3A_321 = arith.constant 5 : i32
        %mul3A_322 = arith.muli %scan3A_299, %mul3A_321 : i32
        %add3A_323 = arith.constant 1 : i32
        %add3A_324 = arith.addi %mul3A_322, %add3A_323 : i32
        %mul3A_325 = arith.constant 16 : i32
        %mul3A_326 = arith.muli %add3A_324, %mul3A_325 : i32
        %add3A_327 = vector.broadcast %mul3A_326 : i32 to vector<16xi32>
        %add3A_328 = arith.addi %iota3A, %add3A_327 : vector<16xi32>
        %mul3A_329 = arith.constant 5 : i32
        %mul3A_330 = arith.muli %scan3A_299, %mul3A_329 : i32
        %add3A_331 = arith.constant 1 : i32
        %add3A_332 = arith.addi %mul3A_330, %add3A_331 : i32
        %mul3A_333 = arith.constant 16 : i32
        %mul3A_334 = arith.muli %add3A_332, %mul3A_333 : i32
        %add3A_335 = arith.constant 1200 : i32
        %add3A_336 = arith.addi %add3A_335, %mul3A_334 : i32
        %get3A_337 = arith.index_cast %add3A_336 : i32 to index
        %get3A_338 = tpu.vector_load %arg9[%get3A_337] {strides = array<i32>} : memref<3200xf32, #tpu.memory_space<vmem>>, vector<16xf32>,
        tpu.vector_store_idx %arg13[%add3A_328, %broadcast_in_dim3A_3], %get3A_338 : memref<400x128xf32, #tpu.memory_space<vmem>>[vector<16xi32>, vector<16xi32>], vector<16xf32>,
        %get3A_339 = arith.index_cast %add3A_336 : i32 to index
        %get3A_340 = tpu.vector_load %arg10[%get3A_339] {strides = array<i32>} : memref<3200xf32, #tpu.memory_space<vmem>>, vector<16xf32>,
        tpu.vector_store_idx %arg13[%add3A_328, %broadcast_in_dim3A_5], %get3A_340 : memref<400x128xf32, #tpu.memory_space<vmem>>[vector<16xi32>, vector<16xi32>], vector<16xf32>,
        %get3A_341 = arith.index_cast %add3A_336 : i32 to index
        %get3A_342 = tpu.vector_load %arg11[%get3A_341] {strides = array<i32>} : memref<3200xf32, #tpu.memory_space<vmem>>, vector<16xf32>,
        tpu.vector_store_idx %arg13[%add3A_328, %broadcast_in_dim3A_7], %get3A_342 : memref<400x128xf32, #tpu.memory_space<vmem>>[vector<16xi32>, vector<16xi32>], vector<16xf32>,
        %mul3A_343 = arith.constant 5 : i32
        %mul3A_344 = arith.muli %scan3A_299, %mul3A_343 : i32
        %add3A_345 = arith.constant 2 : i32
        %add3A_346 = arith.addi %mul3A_344, %add3A_345 : i32
        %mul3A_347 = arith.constant 16 : i32
        %mul3A_348 = arith.muli %add3A_346, %mul3A_347 : i32
        %add3A_349 = vector.broadcast %mul3A_348 : i32 to vector<16xi32>
        %add3A_350 = arith.addi %iota3A, %add3A_349 : vector<16xi32>
        %mul3A_351 = arith.constant 5 : i32
        %mul3A_352 = arith.muli %scan3A_299, %mul3A_351 : i32
        %add3A_353 = arith.constant 2 : i32
        %add3A_354 = arith.addi %mul3A_352, %add3A_353 : i32
        %mul3A_355 = arith.constant 16 : i32
        %mul3A_356 = arith.muli %add3A_354, %mul3A_355 : i32
        %add3A_357 = arith.constant 1200 : i32
        %add3A_358 = arith.addi %add3A_357, %mul3A_356 : i32
        %get3A_359 = arith.index_cast %add3A_358 : i32 to index
        %get3A_360 = tpu.vector_load %arg9[%get3A_359] {strides = array<i32>} : memref<3200xf32, #tpu.memory_space<vmem>>, vector<16xf32>,
        tpu.vector_store_idx %arg13[%add3A_350, %broadcast_in_dim3A_3], %get3A_360 : memref<400x128xf32, #tpu.memory_space<vmem>>[vector<16xi32>, vector<16xi32>], vector<16xf32>,
        %get3A_361 = arith.index_cast %add3A_358 : i32 to index
        %get3A_362 = tpu.vector_load %arg10[%get3A_361] {strides = array<i32>} : memref<3200xf32, #tpu.memory_space<vmem>>, vector<16xf32>,
        tpu.vector_store_idx %arg13[%add3A_350, %broadcast_in_dim3A_5], %get3A_362 : memref<400x128xf32, #tpu.memory_space<vmem>>[vector<16xi32>, vector<16xi32>], vector<16xf32>,
        %get3A_363 = arith.index_cast %add3A_358 : i32 to index
        %get3A_364 = tpu.vector_load %arg11[%get3A_363] {strides = array<i32>} : memref<3200xf32, #tpu.memory_space<vmem>>, vector<16xf32>,
        tpu.vector_store_idx %arg13[%add3A_350, %broadcast_in_dim3A_7], %get3A_364 : memref<400x128xf32, #tpu.memory_space<vmem>>[vector<16xi32>, vector<16xi32>], vector<16xf32>,
        %mul3A_365 = arith.constant 5 : i32
        %mul3A_366 = arith.muli %scan3A_299, %mul3A_365 : i32
        %add3A_367 = arith.constant 3 : i32
        %add3A_368 = arith.addi %mul3A_366, %add3A_367 : i32
        %mul3A_369 = arith.constant 16 : i32
        %mul3A_370 = arith.muli %add3A_368, %mul3A_369 : i32
        %add3A_371 = vector.broadcast %mul3A_370 : i32 to vector<16xi32>
        %add3A_372 = arith.addi %iota3A, %add3A_371 : vector<16xi32>
        %mul3A_373 = arith.constant 5 : i32
        %mul3A_374 = arith.muli %scan3A_299, %mul3A_373 : i32
        %add3A_375 = arith.constant 3 : i32
        %add3A_376 = arith.addi %mul3A_374, %add3A_375 : i32
        %mul3A_377 = arith.constant 16 : i32
        %mul3A_378 = arith.muli %add3A_376, %mul3A_377 : i32
        %add3A_379 = arith.constant 1200 : i32
        %add3A_380 = arith.addi %add3A_379, %mul3A_378 : i32
        %get3A_381 = arith.index_cast %add3A_380 : i32 to index
        %get3A_382 = tpu.vector_load %arg9[%get3A_381] {strides = array<i32>} : memref<3200xf32, #tpu.memory_space<vmem>>, vector<16xf32>,
        tpu.vector_store_idx %arg13[%add3A_372, %broadcast_in_dim3A_3], %get3A_382 : memref<400x128xf32, #tpu.memory_space<vmem>>[vector<16xi32>, vector<16xi32>], vector<16xf32>,
        %get3A_383 = arith.index_cast %add3A_380 : i32 to index
        %get3A_384 = tpu.vector_load %arg10[%get3A_383] {strides = array<i32>} : memref<3200xf32, #tpu.memory_space<vmem>>, vector<16xf32>,
        tpu.vector_store_idx %arg13[%add3A_372, %broadcast_in_dim3A_5], %get3A_384 : memref<400x128xf32, #tpu.memory_space<vmem>>[vector<16xi32>, vector<16xi32>], vector<16xf32>,
        %get3A_385 = arith.index_cast %add3A_380 : i32 to index
        %get3A_386 = tpu.vector_load %arg11[%get3A_385] {strides = array<i32>} : memref<3200xf32, #tpu.memory_space<vmem>>, vector<16xf32>,
        tpu.vector_store_idx %arg13[%add3A_372, %broadcast_in_dim3A_7], %get3A_386 : memref<400x128xf32, #tpu.memory_space<vmem>>[vector<16xi32>, vector<16xi32>], vector<16xf32>,
        %mul3A_387 = arith.constant 5 : i32
        %mul3A_388 = arith.muli %scan3A_299, %mul3A_387 : i32
        %add3A_389 = arith.constant 4 : i32
        %add3A_390 = arith.addi %mul3A_388, %add3A_389 : i32
        %mul3A_391 = arith.constant 16 : i32
        %mul3A_392 = arith.muli %add3A_390, %mul3A_391 : i32
        %add3A_393 = vector.broadcast %mul3A_392 : i32 to vector<16xi32>
        %add3A_394 = arith.addi %iota3A, %add3A_393 : vector<16xi32>
        %mul3A_395 = arith.constant 5 : i32
        %mul3A_396 = arith.muli %scan3A_299, %mul3A_395 : i32
        %add3A_397 = arith.constant 4 : i32
        %add3A_398 = arith.addi %mul3A_396, %add3A_397 : i32
        %mul3A_399 = arith.constant 16 : i32
        %mul3A_400 = arith.muli %add3A_398, %mul3A_399 : i32
        %add3A_401 = arith.constant 1200 : i32
        %add3A_402 = arith.addi %add3A_401, %mul3A_400 : i32
        %get3A_403 = arith.index_cast %add3A_402 : i32 to index
        %get3A_404 = tpu.vector_load %arg9[%get3A_403] {strides = array<i32>} : memref<3200xf32, #tpu.memory_space<vmem>>, vector<16xf32>,
        tpu.vector_store_idx %arg13[%add3A_394, %broadcast_in_dim3A_3], %get3A_404 : memref<400x128xf32, #tpu.memory_space<vmem>>[vector<16xi32>, vector<16xi32>], vector<16xf32>,
        %get3A_405 = arith.index_cast %add3A_402 : i32 to index
        %get3A_406 = tpu.vector_load %arg10[%get3A_405] {strides = array<i32>} : memref<3200xf32, #tpu.memory_space<vmem>>, vector<16xf32>,
        tpu.vector_store_idx %arg13[%add3A_394, %broadcast_in_dim3A_5], %get3A_406 : memref<400x128xf32, #tpu.memory_space<vmem>>[vector<16xi32>, vector<16xi32>], vector<16xf32>,
        %get3A_407 = arith.index_cast %add3A_402 : i32 to index
        %get3A_408 = tpu.vector_load %arg11[%get3A_407] {strides = array<i32>} : memref<3200xf32, #tpu.memory_space<vmem>>, vector<16xf32>,
        tpu.vector_store_idx %arg13[%add3A_394, %broadcast_in_dim3A_7], %get3A_408 : memref<400x128xf32, #tpu.memory_space<vmem>>[vector<16xi32>, vector<16xi32>], vector<16xf32>,
      }
      %scan3A_144 = arith.constant 5 : i32
      %add3A_145 = arith.constant 3 : i32
      %add3A_146 = arith.addi %mul3A_21, %add3A_145 : i32
      %dma_start3A_147 = arith.constant 0 : i32
      %dma_start3A_148 = arith.constant 0 : i32
      %dma_start3A_149 = tpu.memref_slice %arg7[%add3A_146, %dma_start3A_147, %dma_start3A_148] : memref<250x400x128xf32, #tpu.memory_space<hbm>> -> memref<1x400x128xf32, #tpu.memory_space<hbm>>
      %dma_start3A_150 = tpu.memref_squeeze %dma_start3A_149 : memref<1x400x128xf32, #tpu.memory_space<hbm>> -> memref<400x128xf32, #tpu.memory_space<hbm>>
      %dma_start3A_151 = arith.constant 0 : i32
      %dma_start3A_152 = arith.constant 0 : i32
      %dma_start3A_153 = tpu.memref_slice %arg7[%add3A_146, %dma_start3A_151, %dma_start3A_152] : memref<250x400x128xf32, #tpu.memory_space<hbm>> -> memref<1x400x128xf32, #tpu.memory_space<hbm>>
      %dma_start3A_154 = tpu.memref_squeeze %dma_start3A_153 : memref<1x400x128xf32, #tpu.memory_space<hbm>> -> memref<400x128xf32, #tpu.memory_space<hbm>>
      tpu.enqueue_dma source(%arg13 : memref<400x128xf32, #tpu.memory_space<vmem>>) target(%dma_start3A_154 : memref<400x128xf32, #tpu.memory_space<hbm>>) target_semaphore(%arg20 : memref<!tpu.dma_semaphore, #tpu.memory_space<semaphore_mem>>)
      %dma_wait3A_155 = arith.constant 1600 : i32
      %dma_wait3A_156 = tpu.memref_slice %arg8[%dma_wait3A_155] : memref<3200xi32, #tpu.memory_space<vmem>> -> memref<400xi32, #tpu.memory_space<vmem>>
      %dma_wait3A_157 = arith.constant 0 : i32
      %dma_wait3A_158 = arith.constant 0 : i32
      %dma_wait3A_159 = tpu.memref_slice %arg16[%dma_wait3A_157, %dma_wait3A_158] : memref<5x128xf32, #tpu.memory_space<vmem_shared>> -> memref<5x128xf32, #tpu.memory_space<vmem_shared>>
      tpu.wait_indirect_dma semaphore(%arg17 : memref<!tpu.dma_semaphore, #tpu.memory_space<semaphore_mem>>) src(%dma_wait3A_159 : memref<5x128xf32, #tpu.memory_space<vmem_shared>>) dst(%arg12 : memref<400x128xf32, #tpu.memory_space<vmem>>)
      %dma_wait3A_160 = arith.constant 0 : i32
      %dma_wait3A_161 = arith.constant 0 : i32
      %dma_wait3A_162 = arith.constant 0 : i32
      %dma_wait3A_163 = tpu.memref_slice %arg7[%dma_wait3A_160, %dma_wait3A_161, %dma_wait3A_162] : memref<250x400x128xf32, #tpu.memory_space<hbm>> -> memref<1x400x128xf32, #tpu.memory_space<hbm>>
      %dma_wait3A_164 = tpu.memref_squeeze %dma_wait3A_163 : memref<1x400x128xf32, #tpu.memory_space<hbm>> -> memref<400x128xf32, #tpu.memory_space<hbm>>
      %dma_wait3A_165 = arith.constant 0 : i32
      %dma_wait3A_166 = arith.constant 0 : i32
      %dma_wait3A_167 = tpu.memref_slice %arg7[%dma_wait3A_160, %dma_wait3A_165, %dma_wait3A_166] : memref<250x400x128xf32, #tpu.memory_space<hbm>> -> memref<1x400x128xf32, #tpu.memory_space<hbm>>
      %dma_wait3A_168 = tpu.memref_squeeze %dma_wait3A_167 : memref<1x400x128xf32, #tpu.memory_space<hbm>> -> memref<400x128xf32, #tpu.memory_space<hbm>>
      tpu.wait_dma2 semaphore(%arg20 : memref<!tpu.dma_semaphore, #tpu.memory_space<semaphore_mem>>) src(%arg13 : memref<400x128xf32, #tpu.memory_space<vmem>>) dst(%dma_wait3A_168 : memref<400x128xf32, #tpu.memory_space<hbm>>)
      %dma_start3A_169 = arith.constant 2000 : i32
      %dma_start3A_170 = tpu.memref_slice %arg8[%dma_start3A_169] : memref<3200xi32, #tpu.memory_space<vmem>> -> memref<400xi32, #tpu.memory_space<vmem>>
      %dma_start3A_171 = arith.constant 0 : i32
      %dma_start3A_172 = arith.constant 0 : i32
      %dma_start3A_173 = tpu.memref_slice %arg16[%dma_start3A_171, %dma_start3A_172] : memref<5x128xf32, #tpu.memory_space<vmem_shared>> -> memref<5x128xf32, #tpu.memory_space<vmem_shared>>
      tpu.enqueue_indirect_dma source(%dma_start3A_173 : memref<5x128xf32, #tpu.memory_space<vmem_shared>>) target(%arg13 : memref<400x128xf32, #tpu.memory_space<vmem>>) offsets(%dma_start3A_170 : memref<400xi32, #tpu.memory_space<vmem>>) semaphore(%arg18 : memref<!tpu.dma_semaphore, #tpu.memory_space<semaphore_mem>>)
      %scan3A_174 = arith.constant 0 : i32
      %scan3A_175 = arith.constant 0 : i32
      %scan3A_176 = arith.constant 5 : i32
      %scan3A_177 = arith.addi %scan3A_175, %scan3A_176 : i32
      %scan3A_178 = arith.constant 1 : i32
      scf.for %scan3A_299 = %scan3A_175 to %scan3A_177 step %scan3A_178  : i32 {
        %mul3A_300 = arith.constant 5 : i32
        %mul3A_301 = arith.muli %scan3A_299, %mul3A_300 : i32
        %add3A_302 = arith.constant 0 : i32
        %add3A_303 = arith.addi %mul3A_301, %add3A_302 : i32
        %mul3A_304 = arith.constant 16 : i32
        %mul3A_305 = arith.muli %add3A_303, %mul3A_304 : i32
        %add3A_306 = vector.broadcast %mul3A_305 : i32 to vector<16xi32>
        %add3A_307 = arith.addi %iota3A, %add3A_306 : vector<16xi32>
        %mul3A_308 = arith.constant 5 : i32
        %mul3A_309 = arith.muli %scan3A_299, %mul3A_308 : i32
        %add3A_310 = arith.constant 0 : i32
        %add3A_311 = arith.addi %mul3A_309, %add3A_310 : i32
        %mul3A_312 = arith.constant 16 : i32
        %mul3A_313 = arith.muli %add3A_311, %mul3A_312 : i32
        %add3A_314 = arith.constant 1600 : i32
        %add3A_315 = arith.addi %add3A_314, %mul3A_313 : i32
        %get3A = arith.index_cast %add3A_315 : i32 to index
        %get3A_316 = tpu.vector_load %arg9[%get3A] {strides = array<i32>} : memref<3200xf32, #tpu.memory_space<vmem>>, vector<16xf32>,
        tpu.vector_store_idx %arg12[%add3A_307, %broadcast_in_dim3A_3], %get3A_316 : memref<400x128xf32, #tpu.memory_space<vmem>>[vector<16xi32>, vector<16xi32>], vector<16xf32>,
        %get3A_317 = arith.index_cast %add3A_315 : i32 to index
        %get3A_318 = tpu.vector_load %arg10[%get3A_317] {strides = array<i32>} : memref<3200xf32, #tpu.memory_space<vmem>>, vector<16xf32>,
        tpu.vector_store_idx %arg12[%add3A_307, %broadcast_in_dim3A_5], %get3A_318 : memref<400x128xf32, #tpu.memory_space<vmem>>[vector<16xi32>, vector<16xi32>], vector<16xf32>,
        %get3A_319 = arith.index_cast %add3A_315 : i32 to index
        %get3A_320 = tpu.vector_load %arg11[%get3A_319] {strides = array<i32>} : memref<3200xf32, #tpu.memory_space<vmem>>, vector<16xf32>,
        tpu.vector_store_idx %arg12[%add3A_307, %broadcast_in_dim3A_7], %get3A_320 : memref<400x128xf32, #tpu.memory_space<vmem>>[vector<16xi32>, vector<16xi32>], vector<16xf32>,
        %mul3A_321 = arith.constant 5 : i32
        %mul3A_322 = arith.muli %scan3A_299, %mul3A_321 : i32
        %add3A_323 = arith.constant 1 : i32
        %add3A_324 = arith.addi %mul3A_322, %add3A_323 : i32
        %mul3A_325 = arith.constant 16 : i32
        %mul3A_326 = arith.muli %add3A_324, %mul3A_325 : i32
        %add3A_327 = vector.broadcast %mul3A_326 : i32 to vector<16xi32>
        %add3A_328 = arith.addi %iota3A, %add3A_327 : vector<16xi32>
        %mul3A_329 = arith.constant 5 : i32
        %mul3A_330 = arith.muli %scan3A_299, %mul3A_329 : i32
        %add3A_331 = arith.constant 1 : i32
        %add3A_332 = arith.addi %mul3A_330, %add3A_331 : i32
        %mul3A_333 = arith.constant 16 : i32
        %mul3A_334 = arith.muli %add3A_332, %mul3A_333 : i32
        %add3A_335 = arith.constant 1600 : i32
        %add3A_336 = arith.addi %add3A_335, %mul3A_334 : i32
        %get3A_337 = arith.index_cast %add3A_336 : i32 to index
        %get3A_338 = tpu.vector_load %arg9[%get3A_337] {strides = array<i32>} : memref<3200xf32, #tpu.memory_space<vmem>>, vector<16xf32>,
        tpu.vector_store_idx %arg12[%add3A_328, %broadcast_in_dim3A_3], %get3A_338 : memref<400x128xf32, #tpu.memory_space<vmem>>[vector<16xi32>, vector<16xi32>], vector<16xf32>,
        %get3A_339 = arith.index_cast %add3A_336 : i32 to index
        %get3A_340 = tpu.vector_load %arg10[%get3A_339] {strides = array<i32>} : memref<3200xf32, #tpu.memory_space<vmem>>, vector<16xf32>,
        tpu.vector_store_idx %arg12[%add3A_328, %broadcast_in_dim3A_5], %get3A_340 : memref<400x128xf32, #tpu.memory_space<vmem>>[vector<16xi32>, vector<16xi32>], vector<16xf32>,
        %get3A_341 = arith.index_cast %add3A_336 : i32 to index
        %get3A_342 = tpu.vector_load %arg11[%get3A_341] {strides = array<i32>} : memref<3200xf32, #tpu.memory_space<vmem>>, vector<16xf32>,
        tpu.vector_store_idx %arg12[%add3A_328, %broadcast_in_dim3A_7], %get3A_342 : memref<400x128xf32, #tpu.memory_space<vmem>>[vector<16xi32>, vector<16xi32>], vector<16xf32>,
        %mul3A_343 = arith.constant 5 : i32
        %mul3A_344 = arith.muli %scan3A_299, %mul3A_343 : i32
        %add3A_345 = arith.constant 2 : i32
        %add3A_346 = arith.addi %mul3A_344, %add3A_345 : i32
        %mul3A_347 = arith.constant 16 : i32
        %mul3A_348 = arith.muli %add3A_346, %mul3A_347 : i32
        %add3A_349 = vector.broadcast %mul3A_348 : i32 to vector<16xi32>
        %add3A_350 = arith.addi %iota3A, %add3A_349 : vector<16xi32>
        %mul3A_351 = arith.constant 5 : i32
        %mul3A_352 = arith.muli %scan3A_299, %mul3A_351 : i32
        %add3A_353 = arith.constant 2 : i32
        %add3A_354 = arith.addi %mul3A_352, %add3A_353 : i32
        %mul3A_355 = arith.constant 16 : i32
        %mul3A_356 = arith.muli %add3A_354, %mul3A_355 : i32
        %add3A_357 = arith.constant 1600 : i32
        %add3A_358 = arith.addi %add3A_357, %mul3A_356 : i32
        %get3A_359 = arith.index_cast %add3A_358 : i32 to index
        %get3A_360 = tpu.vector_load %arg9[%get3A_359] {strides = array<i32>} : memref<3200xf32, #tpu.memory_space<vmem>>, vector<16xf32>,
        tpu.vector_store_idx %arg12[%add3A_350, %broadcast_in_dim3A_3], %get3A_360 : memref<400x128xf32, #tpu.memory_space<vmem>>[vector<16xi32>, vector<16xi32>], vector<16xf32>,
        %get3A_361 = arith.index_cast %add3A_358 : i32 to index
        %get3A_362 = tpu.vector_load %arg10[%get3A_361] {strides = array<i32>} : memref<3200xf32, #tpu.memory_space<vmem>>, vector<16xf32>,
        tpu.vector_store_idx %arg12[%add3A_350, %broadcast_in_dim3A_5], %get3A_362 : memref<400x128xf32, #tpu.memory_space<vmem>>[vector<16xi32>, vector<16xi32>], vector<16xf32>,
        %get3A_363 = arith.index_cast %add3A_358 : i32 to index
        %get3A_364 = tpu.vector_load %arg11[%get3A_363] {strides = array<i32>} : memref<3200xf32, #tpu.memory_space<vmem>>, vector<16xf32>,
        tpu.vector_store_idx %arg12[%add3A_350, %broadcast_in_dim3A_7], %get3A_364 : memref<400x128xf32, #tpu.memory_space<vmem>>[vector<16xi32>, vector<16xi32>], vector<16xf32>,
        %mul3A_365 = arith.constant 5 : i32
        %mul3A_366 = arith.muli %scan3A_299, %mul3A_365 : i32
        %add3A_367 = arith.constant 3 : i32
        %add3A_368 = arith.addi %mul3A_366, %add3A_367 : i32
        %mul3A_369 = arith.constant 16 : i32
        %mul3A_370 = arith.muli %add3A_368, %mul3A_369 : i32
        %add3A_371 = vector.broadcast %mul3A_370 : i32 to vector<16xi32>
        %add3A_372 = arith.addi %iota3A, %add3A_371 : vector<16xi32>
        %mul3A_373 = arith.constant 5 : i32
        %mul3A_374 = arith.muli %scan3A_299, %mul3A_373 : i32
        %add3A_375 = arith.constant 3 : i32
        %add3A_376 = arith.addi %mul3A_374, %add3A_375 : i32
        %mul3A_377 = arith.constant 16 : i32
        %mul3A_378 = arith.muli %add3A_376, %mul3A_377 : i32
        %add3A_379 = arith.constant 1600 : i32
        %add3A_380 = arith.addi %add3A_379, %mul3A_378 : i32
        %get3A_381 = arith.index_cast %add3A_380 : i32 to index
        %get3A_382 = tpu.vector_load %arg9[%get3A_381] {strides = array<i32>} : memref<3200xf32, #tpu.memory_space<vmem>>, vector<16xf32>,
        tpu.vector_store_idx %arg12[%add3A_372, %broadcast_in_dim3A_3], %get3A_382 : memref<400x128xf32, #tpu.memory_space<vmem>>[vector<16xi32>, vector<16xi32>], vector<16xf32>,
        %get3A_383 = arith.index_cast %add3A_380 : i32 to index
        %get3A_384 = tpu.vector_load %arg10[%get3A_383] {strides = array<i32>} : memref<3200xf32, #tpu.memory_space<vmem>>, vector<16xf32>,
        tpu.vector_store_idx %arg12[%add3A_372, %broadcast_in_dim3A_5], %get3A_384 : memref<400x128xf32, #tpu.memory_space<vmem>>[vector<16xi32>, vector<16xi32>], vector<16xf32>,
        %get3A_385 = arith.index_cast %add3A_380 : i32 to index
        %get3A_386 = tpu.vector_load %arg11[%get3A_385] {strides = array<i32>} : memref<3200xf32, #tpu.memory_space<vmem>>, vector<16xf32>,
        tpu.vector_store_idx %arg12[%add3A_372, %broadcast_in_dim3A_7], %get3A_386 : memref<400x128xf32, #tpu.memory_space<vmem>>[vector<16xi32>, vector<16xi32>], vector<16xf32>,
        %mul3A_387 = arith.constant 5 : i32
        %mul3A_388 = arith.muli %scan3A_299, %mul3A_387 : i32
        %add3A_389 = arith.constant 4 : i32
        %add3A_390 = arith.addi %mul3A_388, %add3A_389 : i32
        %mul3A_391 = arith.constant 16 : i32
        %mul3A_392 = arith.muli %add3A_390, %mul3A_391 : i32
        %add3A_393 = vector.broadcast %mul3A_392 : i32 to vector<16xi32>
        %add3A_394 = arith.addi %iota3A, %add3A_393 : vector<16xi32>
        %mul3A_395 = arith.constant 5 : i32
        %mul3A_396 = arith.muli %scan3A_299, %mul3A_395 : i32
        %add3A_397 = arith.constant 4 : i32
        %add3A_398 = arith.addi %mul3A_396, %add3A_397 : i32
        %mul3A_399 = arith.constant 16 : i32
        %mul3A_400 = arith.muli %add3A_398, %mul3A_399 : i32
        %add3A_401 = arith.constant 1600 : i32
        %add3A_402 = arith.addi %add3A_401, %mul3A_400 : i32
        %get3A_403 = arith.index_cast %add3A_402 : i32 to index
        %get3A_404 = tpu.vector_load %arg9[%get3A_403] {strides = array<i32>} : memref<3200xf32, #tpu.memory_space<vmem>>, vector<16xf32>,
        tpu.vector_store_idx %arg12[%add3A_394, %broadcast_in_dim3A_3], %get3A_404 : memref<400x128xf32, #tpu.memory_space<vmem>>[vector<16xi32>, vector<16xi32>], vector<16xf32>,
        %get3A_405 = arith.index_cast %add3A_402 : i32 to index
        %get3A_406 = tpu.vector_load %arg10[%get3A_405] {strides = array<i32>} : memref<3200xf32, #tpu.memory_space<vmem>>, vector<16xf32>,
        tpu.vector_store_idx %arg12[%add3A_394, %broadcast_in_dim3A_5], %get3A_406 : memref<400x128xf32, #tpu.memory_space<vmem>>[vector<16xi32>, vector<16xi32>], vector<16xf32>,
        %get3A_407 = arith.index_cast %add3A_402 : i32 to index
        %get3A_408 = tpu.vector_load %arg11[%get3A_407] {strides = array<i32>} : memref<3200xf32, #tpu.memory_space<vmem>>, vector<16xf32>,
        tpu.vector_store_idx %arg12[%add3A_394, %broadcast_in_dim3A_7], %get3A_408 : memref<400x128xf32, #tpu.memory_space<vmem>>[vector<16xi32>, vector<16xi32>], vector<16xf32>,
      }
      %scan3A_179 = arith.constant 5 : i32
      %add3A_180 = arith.constant 4 : i32
      %add3A_181 = arith.addi %mul3A_21, %add3A_180 : i32
      %dma_start3A_182 = arith.constant 0 : i32
      %dma_start3A_183 = arith.constant 0 : i32
      %dma_start3A_184 = tpu.memref_slice %arg7[%add3A_181, %dma_start3A_182, %dma_start3A_183] : memref<250x400x128xf32, #tpu.memory_space<hbm>> -> memref<1x400x128xf32, #tpu.memory_space<hbm>>
      %dma_start3A_185 = tpu.memref_squeeze %dma_start3A_184 : memref<1x400x128xf32, #tpu.memory_space<hbm>> -> memref<400x128xf32, #tpu.memory_space<hbm>>
      %dma_start3A_186 = arith.constant 0 : i32
      %dma_start3A_187 = arith.constant 0 : i32
      %dma_start3A_188 = tpu.memref_slice %arg7[%add3A_181, %dma_start3A_186, %dma_start3A_187] : memref<250x400x128xf32, #tpu.memory_space<hbm>> -> memref<1x400x128xf32, #tpu.memory_space<hbm>>
      %dma_start3A_189 = tpu.memref_squeeze %dma_start3A_188 : memref<1x400x128xf32, #tpu.memory_space<hbm>> -> memref<400x128xf32, #tpu.memory_space<hbm>>
      tpu.enqueue_dma source(%arg12 : memref<400x128xf32, #tpu.memory_space<vmem>>) target(%dma_start3A_189 : memref<400x128xf32, #tpu.memory_space<hbm>>) target_semaphore(%arg19 : memref<!tpu.dma_semaphore, #tpu.memory_space<semaphore_mem>>)
      %dma_wait3A_190 = arith.constant 2000 : i32
      %dma_wait3A_191 = tpu.memref_slice %arg8[%dma_wait3A_190] : memref<3200xi32, #tpu.memory_space<vmem>> -> memref<400xi32, #tpu.memory_space<vmem>>
      %dma_wait3A_192 = arith.constant 0 : i32
      %dma_wait3A_193 = arith.constant 0 : i32
      %dma_wait3A_194 = tpu.memref_slice %arg16[%dma_wait3A_192, %dma_wait3A_193] : memref<5x128xf32, #tpu.memory_space<vmem_shared>> -> memref<5x128xf32, #tpu.memory_space<vmem_shared>>
      tpu.wait_indirect_dma semaphore(%arg18 : memref<!tpu.dma_semaphore, #tpu.memory_space<semaphore_mem>>) src(%dma_wait3A_194 : memref<5x128xf32, #tpu.memory_space<vmem_shared>>) dst(%arg13 : memref<400x128xf32, #tpu.memory_space<vmem>>)
      %dma_wait3A_195 = arith.constant 0 : i32
      %dma_wait3A_196 = arith.constant 0 : i32
      %dma_wait3A_197 = arith.constant 0 : i32
      %dma_wait3A_198 = tpu.memref_slice %arg7[%dma_wait3A_195, %dma_wait3A_196, %dma_wait3A_197] : memref<250x400x128xf32, #tpu.memory_space<hbm>> -> memref<1x400x128xf32, #tpu.memory_space<hbm>>
      %dma_wait3A_199 = tpu.memref_squeeze %dma_wait3A_198 : memref<1x400x128xf32, #tpu.memory_space<hbm>> -> memref<400x128xf32, #tpu.memory_space<hbm>>
      %dma_wait3A_200 = arith.constant 0 : i32
      %dma_wait3A_201 = arith.constant 0 : i32
      %dma_wait3A_202 = tpu.memref_slice %arg7[%dma_wait3A_195, %dma_wait3A_200, %dma_wait3A_201] : memref<250x400x128xf32, #tpu.memory_space<hbm>> -> memref<1x400x128xf32, #tpu.memory_space<hbm>>
      %dma_wait3A_203 = tpu.memref_squeeze %dma_wait3A_202 : memref<1x400x128xf32, #tpu.memory_space<hbm>> -> memref<400x128xf32, #tpu.memory_space<hbm>>
      tpu.wait_dma2 semaphore(%arg19 : memref<!tpu.dma_semaphore, #tpu.memory_space<semaphore_mem>>) src(%arg12 : memref<400x128xf32, #tpu.memory_space<vmem>>) dst(%dma_wait3A_203 : memref<400x128xf32, #tpu.memory_space<hbm>>)
      %dma_start3A_204 = arith.constant 2400 : i32
      %dma_start3A_205 = tpu.memref_slice %arg8[%dma_start3A_204] : memref<3200xi32, #tpu.memory_space<vmem>> -> memref<400xi32, #tpu.memory_space<vmem>>
      %dma_start3A_206 = arith.constant 0 : i32
      %dma_start3A_207 = arith.constant 0 : i32
      %dma_start3A_208 = tpu.memref_slice %arg16[%dma_start3A_206, %dma_start3A_207] : memref<5x128xf32, #tpu.memory_space<vmem_shared>> -> memref<5x128xf32, #tpu.memory_space<vmem_shared>>
      tpu.enqueue_indirect_dma source(%dma_start3A_208 : memref<5x128xf32, #tpu.memory_space<vmem_shared>>) target(%arg12 : memref<400x128xf32, #tpu.memory_space<vmem>>) offsets(%dma_start3A_205 : memref<400xi32, #tpu.memory_space<vmem>>) semaphore(%arg17 : memref<!tpu.dma_semaphore, #tpu.memory_space<semaphore_mem>>)
      %scan3A_209 = arith.constant 0 : i32
      %scan3A_210 = arith.constant 0 : i32
      %scan3A_211 = arith.constant 5 : i32
      %scan3A_212 = arith.addi %scan3A_210, %scan3A_211 : i32
      %scan3A_213 = arith.constant 1 : i32
      scf.for %scan3A_299 = %scan3A_210 to %scan3A_212 step %scan3A_213  : i32 {
        %mul3A_300 = arith.constant 5 : i32
        %mul3A_301 = arith.muli %scan3A_299, %mul3A_300 : i32
        %add3A_302 = arith.constant 0 : i32
        %add3A_303 = arith.addi %mul3A_301, %add3A_302 : i32
        %mul3A_304 = arith.constant 16 : i32
        %mul3A_305 = arith.muli %add3A_303, %mul3A_304 : i32
        %add3A_306 = vector.broadcast %mul3A_305 : i32 to vector<16xi32>
        %add3A_307 = arith.addi %iota3A, %add3A_306 : vector<16xi32>
        %mul3A_308 = arith.constant 5 : i32
        %mul3A_309 = arith.muli %scan3A_299, %mul3A_308 : i32
        %add3A_310 = arith.constant 0 : i32
        %add3A_311 = arith.addi %mul3A_309, %add3A_310 : i32
        %mul3A_312 = arith.constant 16 : i32
        %mul3A_313 = arith.muli %add3A_311, %mul3A_312 : i32
        %add3A_314 = arith.constant 2000 : i32
        %add3A_315 = arith.addi %add3A_314, %mul3A_313 : i32
        %get3A = arith.index_cast %add3A_315 : i32 to index
        %get3A_316 = tpu.vector_load %arg9[%get3A] {strides = array<i32>} : memref<3200xf32, #tpu.memory_space<vmem>>, vector<16xf32>,
        tpu.vector_store_idx %arg13[%add3A_307, %broadcast_in_dim3A_3], %get3A_316 : memref<400x128xf32, #tpu.memory_space<vmem>>[vector<16xi32>, vector<16xi32>], vector<16xf32>,
        %get3A_317 = arith.index_cast %add3A_315 : i32 to index
        %get3A_318 = tpu.vector_load %arg10[%get3A_317] {strides = array<i32>} : memref<3200xf32, #tpu.memory_space<vmem>>, vector<16xf32>,
        tpu.vector_store_idx %arg13[%add3A_307, %broadcast_in_dim3A_5], %get3A_318 : memref<400x128xf32, #tpu.memory_space<vmem>>[vector<16xi32>, vector<16xi32>], vector<16xf32>,
        %get3A_319 = arith.index_cast %add3A_315 : i32 to index
        %get3A_320 = tpu.vector_load %arg11[%get3A_319] {strides = array<i32>} : memref<3200xf32, #tpu.memory_space<vmem>>, vector<16xf32>,
        tpu.vector_store_idx %arg13[%add3A_307, %broadcast_in_dim3A_7], %get3A_320 : memref<400x128xf32, #tpu.memory_space<vmem>>[vector<16xi32>, vector<16xi32>], vector<16xf32>,
        %mul3A_321 = arith.constant 5 : i32
        %mul3A_322 = arith.muli %scan3A_299, %mul3A_321 : i32
        %add3A_323 = arith.constant 1 : i32
        %add3A_324 = arith.addi %mul3A_322, %add3A_323 : i32
        %mul3A_325 = arith.constant 16 : i32
        %mul3A_326 = arith.muli %add3A_324, %mul3A_325 : i32
        %add3A_327 = vector.broadcast %mul3A_326 : i32 to vector<16xi32>
        %add3A_328 = arith.addi %iota3A, %add3A_327 : vector<16xi32>
        %mul3A_329 = arith.constant 5 : i32
        %mul3A_330 = arith.muli %scan3A_299, %mul3A_329 : i32
        %add3A_331 = arith.constant 1 : i32
        %add3A_332 = arith.addi %mul3A_330, %add3A_331 : i32
        %mul3A_333 = arith.constant 16 : i32
        %mul3A_334 = arith.muli %add3A_332, %mul3A_333 : i32
        %add3A_335 = arith.constant 2000 : i32
        %add3A_336 = arith.addi %add3A_335, %mul3A_334 : i32
        %get3A_337 = arith.index_cast %add3A_336 : i32 to index
        %get3A_338 = tpu.vector_load %arg9[%get3A_337] {strides = array<i32>} : memref<3200xf32, #tpu.memory_space<vmem>>, vector<16xf32>,
        tpu.vector_store_idx %arg13[%add3A_328, %broadcast_in_dim3A_3], %get3A_338 : memref<400x128xf32, #tpu.memory_space<vmem>>[vector<16xi32>, vector<16xi32>], vector<16xf32>,
        %get3A_339 = arith.index_cast %add3A_336 : i32 to index
        %get3A_340 = tpu.vector_load %arg10[%get3A_339] {strides = array<i32>} : memref<3200xf32, #tpu.memory_space<vmem>>, vector<16xf32>,
        tpu.vector_store_idx %arg13[%add3A_328, %broadcast_in_dim3A_5], %get3A_340 : memref<400x128xf32, #tpu.memory_space<vmem>>[vector<16xi32>, vector<16xi32>], vector<16xf32>,
        %get3A_341 = arith.index_cast %add3A_336 : i32 to index
        %get3A_342 = tpu.vector_load %arg11[%get3A_341] {strides = array<i32>} : memref<3200xf32, #tpu.memory_space<vmem>>, vector<16xf32>,
        tpu.vector_store_idx %arg13[%add3A_328, %broadcast_in_dim3A_7], %get3A_342 : memref<400x128xf32, #tpu.memory_space<vmem>>[vector<16xi32>, vector<16xi32>], vector<16xf32>,
        %mul3A_343 = arith.constant 5 : i32
        %mul3A_344 = arith.muli %scan3A_299, %mul3A_343 : i32
        %add3A_345 = arith.constant 2 : i32
        %add3A_346 = arith.addi %mul3A_344, %add3A_345 : i32
        %mul3A_347 = arith.constant 16 : i32
        %mul3A_348 = arith.muli %add3A_346, %mul3A_347 : i32
        %add3A_349 = vector.broadcast %mul3A_348 : i32 to vector<16xi32>
        %add3A_350 = arith.addi %iota3A, %add3A_349 : vector<16xi32>
        %mul3A_351 = arith.constant 5 : i32
        %mul3A_352 = arith.muli %scan3A_299, %mul3A_351 : i32
        %add3A_353 = arith.constant 2 : i32
        %add3A_354 = arith.addi %mul3A_352, %add3A_353 : i32
        %mul3A_355 = arith.constant 16 : i32
        %mul3A_356 = arith.muli %add3A_354, %mul3A_355 : i32
        %add3A_357 = arith.constant 2000 : i32
        %add3A_358 = arith.addi %add3A_357, %mul3A_356 : i32
        %get3A_359 = arith.index_cast %add3A_358 : i32 to index
        %get3A_360 = tpu.vector_load %arg9[%get3A_359] {strides = array<i32>} : memref<3200xf32, #tpu.memory_space<vmem>>, vector<16xf32>,
        tpu.vector_store_idx %arg13[%add3A_350, %broadcast_in_dim3A_3], %get3A_360 : memref<400x128xf32, #tpu.memory_space<vmem>>[vector<16xi32>, vector<16xi32>], vector<16xf32>,
        %get3A_361 = arith.index_cast %add3A_358 : i32 to index
        %get3A_362 = tpu.vector_load %arg10[%get3A_361] {strides = array<i32>} : memref<3200xf32, #tpu.memory_space<vmem>>, vector<16xf32>,
        tpu.vector_store_idx %arg13[%add3A_350, %broadcast_in_dim3A_5], %get3A_362 : memref<400x128xf32, #tpu.memory_space<vmem>>[vector<16xi32>, vector<16xi32>], vector<16xf32>,
        %get3A_363 = arith.index_cast %add3A_358 : i32 to index
        %get3A_364 = tpu.vector_load %arg11[%get3A_363] {strides = array<i32>} : memref<3200xf32, #tpu.memory_space<vmem>>, vector<16xf32>,
        tpu.vector_store_idx %arg13[%add3A_350, %broadcast_in_dim3A_7], %get3A_364 : memref<400x128xf32, #tpu.memory_space<vmem>>[vector<16xi32>, vector<16xi32>], vector<16xf32>,
        %mul3A_365 = arith.constant 5 : i32
        %mul3A_366 = arith.muli %scan3A_299, %mul3A_365 : i32
        %add3A_367 = arith.constant 3 : i32
        %add3A_368 = arith.addi %mul3A_366, %add3A_367 : i32
        %mul3A_369 = arith.constant 16 : i32
        %mul3A_370 = arith.muli %add3A_368, %mul3A_369 : i32
        %add3A_371 = vector.broadcast %mul3A_370 : i32 to vector<16xi32>
        %add3A_372 = arith.addi %iota3A, %add3A_371 : vector<16xi32>
        %mul3A_373 = arith.constant 5 : i32
        %mul3A_374 = arith.muli %scan3A_299, %mul3A_373 : i32
        %add3A_375 = arith.constant 3 : i32
        %add3A_376 = arith.addi %mul3A_374, %add3A_375 : i32
        %mul3A_377 = arith.constant 16 : i32
        %mul3A_378 = arith.muli %add3A_376, %mul3A_377 : i32
        %add3A_379 = arith.constant 2000 : i32
        %add3A_380 = arith.addi %add3A_379, %mul3A_378 : i32
        %get3A_381 = arith.index_cast %add3A_380 : i32 to index
        %get3A_382 = tpu.vector_load %arg9[%get3A_381] {strides = array<i32>} : memref<3200xf32, #tpu.memory_space<vmem>>, vector<16xf32>,
        tpu.vector_store_idx %arg13[%add3A_372, %broadcast_in_dim3A_3], %get3A_382 : memref<400x128xf32, #tpu.memory_space<vmem>>[vector<16xi32>, vector<16xi32>], vector<16xf32>,
        %get3A_383 = arith.index_cast %add3A_380 : i32 to index
        %get3A_384 = tpu.vector_load %arg10[%get3A_383] {strides = array<i32>} : memref<3200xf32, #tpu.memory_space<vmem>>, vector<16xf32>,
        tpu.vector_store_idx %arg13[%add3A_372, %broadcast_in_dim3A_5], %get3A_384 : memref<400x128xf32, #tpu.memory_space<vmem>>[vector<16xi32>, vector<16xi32>], vector<16xf32>,
        %get3A_385 = arith.index_cast %add3A_380 : i32 to index
        %get3A_386 = tpu.vector_load %arg11[%get3A_385] {strides = array<i32>} : memref<3200xf32, #tpu.memory_space<vmem>>, vector<16xf32>,
        tpu.vector_store_idx %arg13[%add3A_372, %broadcast_in_dim3A_7], %get3A_386 : memref<400x128xf32, #tpu.memory_space<vmem>>[vector<16xi32>, vector<16xi32>], vector<16xf32>,
        %mul3A_387 = arith.constant 5 : i32
        %mul3A_388 = arith.muli %scan3A_299, %mul3A_387 : i32
        %add3A_389 = arith.constant 4 : i32
        %add3A_390 = arith.addi %mul3A_388, %add3A_389 : i32
        %mul3A_391 = arith.constant 16 : i32
        %mul3A_392 = arith.muli %add3A_390, %mul3A_391 : i32
        %add3A_393 = vector.broadcast %mul3A_392 : i32 to vector<16xi32>
        %add3A_394 = arith.addi %iota3A, %add3A_393 : vector<16xi32>
        %mul3A_395 = arith.constant 5 : i32
        %mul3A_396 = arith.muli %scan3A_299, %mul3A_395 : i32
        %add3A_397 = arith.constant 4 : i32
        %add3A_398 = arith.addi %mul3A_396, %add3A_397 : i32
        %mul3A_399 = arith.constant 16 : i32
        %mul3A_400 = arith.muli %add3A_398, %mul3A_399 : i32
        %add3A_401 = arith.constant 2000 : i32
        %add3A_402 = arith.addi %add3A_401, %mul3A_400 : i32
        %get3A_403 = arith.index_cast %add3A_402 : i32 to index
        %get3A_404 = tpu.vector_load %arg9[%get3A_403] {strides = array<i32>} : memref<3200xf32, #tpu.memory_space<vmem>>, vector<16xf32>,
        tpu.vector_store_idx %arg13[%add3A_394, %broadcast_in_dim3A_3], %get3A_404 : memref<400x128xf32, #tpu.memory_space<vmem>>[vector<16xi32>, vector<16xi32>], vector<16xf32>,
        %get3A_405 = arith.index_cast %add3A_402 : i32 to index
        %get3A_406 = tpu.vector_load %arg10[%get3A_405] {strides = array<i32>} : memref<3200xf32, #tpu.memory_space<vmem>>, vector<16xf32>,
        tpu.vector_store_idx %arg13[%add3A_394, %broadcast_in_dim3A_5], %get3A_406 : memref<400x128xf32, #tpu.memory_space<vmem>>[vector<16xi32>, vector<16xi32>], vector<16xf32>,
        %get3A_407 = arith.index_cast %add3A_402 : i32 to index
        %get3A_408 = tpu.vector_load %arg11[%get3A_407] {strides = array<i32>} : memref<3200xf32, #tpu.memory_space<vmem>>, vector<16xf32>,
        tpu.vector_store_idx %arg13[%add3A_394, %broadcast_in_dim3A_7], %get3A_408 : memref<400x128xf32, #tpu.memory_space<vmem>>[vector<16xi32>, vector<16xi32>], vector<16xf32>,
      }
      %scan3A_214 = arith.constant 5 : i32
      %add3A_215 = arith.constant 5 : i32
      %add3A_216 = arith.addi %mul3A_21, %add3A_215 : i32
      %dma_start3A_217 = arith.constant 0 : i32
      %dma_start3A_218 = arith.constant 0 : i32
      %dma_start3A_219 = tpu.memref_slice %arg7[%add3A_216, %dma_start3A_217, %dma_start3A_218] : memref<250x400x128xf32, #tpu.memory_space<hbm>> -> memref<1x400x128xf32, #tpu.memory_space<hbm>>
      %dma_start3A_220 = tpu.memref_squeeze %dma_start3A_219 : memref<1x400x128xf32, #tpu.memory_space<hbm>> -> memref<400x128xf32, #tpu.memory_space<hbm>>
      %dma_start3A_221 = arith.constant 0 : i32
      %dma_start3A_222 = arith.constant 0 : i32
      %dma_start3A_223 = tpu.memref_slice %arg7[%add3A_216, %dma_start3A_221, %dma_start3A_222] : memref<250x400x128xf32, #tpu.memory_space<hbm>> -> memref<1x400x128xf32, #tpu.memory_space<hbm>>
      %dma_start3A_224 = tpu.memref_squeeze %dma_start3A_223 : memref<1x400x128xf32, #tpu.memory_space<hbm>> -> memref<400x128xf32, #tpu.memory_space<hbm>>
      tpu.enqueue_dma source(%arg13 : memref<400x128xf32, #tpu.memory_space<vmem>>) target(%dma_start3A_224 : memref<400x128xf32, #tpu.memory_space<hbm>>) target_semaphore(%arg20 : memref<!tpu.dma_semaphore, #tpu.memory_space<semaphore_mem>>)
      %dma_wait3A_225 = arith.constant 2400 : i32
      %dma_wait3A_226 = tpu.memref_slice %arg8[%dma_wait3A_225] : memref<3200xi32, #tpu.memory_space<vmem>> -> memref<400xi32, #tpu.memory_space<vmem>>
      %dma_wait3A_227 = arith.constant 0 : i32
      %dma_wait3A_228 = arith.constant 0 : i32
      %dma_wait3A_229 = tpu.memref_slice %arg16[%dma_wait3A_227, %dma_wait3A_228] : memref<5x128xf32, #tpu.memory_space<vmem_shared>> -> memref<5x128xf32, #tpu.memory_space<vmem_shared>>
      tpu.wait_indirect_dma semaphore(%arg17 : memref<!tpu.dma_semaphore, #tpu.memory_space<semaphore_mem>>) src(%dma_wait3A_229 : memref<5x128xf32, #tpu.memory_space<vmem_shared>>) dst(%arg12 : memref<400x128xf32, #tpu.memory_space<vmem>>)
      %dma_wait3A_230 = arith.constant 0 : i32
      %dma_wait3A_231 = arith.constant 0 : i32
      %dma_wait3A_232 = arith.constant 0 : i32
      %dma_wait3A_233 = tpu.memref_slice %arg7[%dma_wait3A_230, %dma_wait3A_231, %dma_wait3A_232] : memref<250x400x128xf32, #tpu.memory_space<hbm>> -> memref<1x400x128xf32, #tpu.memory_space<hbm>>
      %dma_wait3A_234 = tpu.memref_squeeze %dma_wait3A_233 : memref<1x400x128xf32, #tpu.memory_space<hbm>> -> memref<400x128xf32, #tpu.memory_space<hbm>>
      %dma_wait3A_235 = arith.constant 0 : i32
      %dma_wait3A_236 = arith.constant 0 : i32
      %dma_wait3A_237 = tpu.memref_slice %arg7[%dma_wait3A_230, %dma_wait3A_235, %dma_wait3A_236] : memref<250x400x128xf32, #tpu.memory_space<hbm>> -> memref<1x400x128xf32, #tpu.memory_space<hbm>>
      %dma_wait3A_238 = tpu.memref_squeeze %dma_wait3A_237 : memref<1x400x128xf32, #tpu.memory_space<hbm>> -> memref<400x128xf32, #tpu.memory_space<hbm>>
      tpu.wait_dma2 semaphore(%arg20 : memref<!tpu.dma_semaphore, #tpu.memory_space<semaphore_mem>>) src(%arg13 : memref<400x128xf32, #tpu.memory_space<vmem>>) dst(%dma_wait3A_238 : memref<400x128xf32, #tpu.memory_space<hbm>>)
      %dma_start3A_239 = arith.constant 2800 : i32
      %dma_start3A_240 = tpu.memref_slice %arg8[%dma_start3A_239] : memref<3200xi32, #tpu.memory_space<vmem>> -> memref<400xi32, #tpu.memory_space<vmem>>
      %dma_start3A_241 = arith.constant 0 : i32
      %dma_start3A_242 = arith.constant 0 : i32
      %dma_start3A_243 = tpu.memref_slice %arg16[%dma_start3A_241, %dma_start3A_242] : memref<5x128xf32, #tpu.memory_space<vmem_shared>> -> memref<5x128xf32, #tpu.memory_space<vmem_shared>>
      tpu.enqueue_indirect_dma source(%dma_start3A_243 : memref<5x128xf32, #tpu.memory_space<vmem_shared>>) target(%arg13 : memref<400x128xf32, #tpu.memory_space<vmem>>) offsets(%dma_start3A_240 : memref<400xi32, #tpu.memory_space<vmem>>) semaphore(%arg18 : memref<!tpu.dma_semaphore, #tpu.memory_space<semaphore_mem>>)
      %scan3A_244 = arith.constant 0 : i32
      %scan3A_245 = arith.constant 0 : i32
      %scan3A_246 = arith.constant 5 : i32
      %scan3A_247 = arith.addi %scan3A_245, %scan3A_246 : i32
      %scan3A_248 = arith.constant 1 : i32
      scf.for %scan3A_299 = %scan3A_245 to %scan3A_247 step %scan3A_248  : i32 {
        %mul3A_300 = arith.constant 5 : i32
        %mul3A_301 = arith.muli %scan3A_299, %mul3A_300 : i32
        %add3A_302 = arith.constant 0 : i32
        %add3A_303 = arith.addi %mul3A_301, %add3A_302 : i32
        %mul3A_304 = arith.constant 16 : i32
        %mul3A_305 = arith.muli %add3A_303, %mul3A_304 : i32
        %add3A_306 = vector.broadcast %mul3A_305 : i32 to vector<16xi32>
        %add3A_307 = arith.addi %iota3A, %add3A_306 : vector<16xi32>
        %mul3A_308 = arith.constant 5 : i32
        %mul3A_309 = arith.muli %scan3A_299, %mul3A_308 : i32
        %add3A_310 = arith.constant 0 : i32
        %add3A_311 = arith.addi %mul3A_309, %add3A_310 : i32
        %mul3A_312 = arith.constant 16 : i32
        %mul3A_313 = arith.muli %add3A_311, %mul3A_312 : i32
        %add3A_314 = arith.constant 2400 : i32
        %add3A_315 = arith.addi %add3A_314, %mul3A_313 : i32
        %get3A = arith.index_cast %add3A_315 : i32 to index
        %get3A_316 = tpu.vector_load %arg9[%get3A] {strides = array<i32>} : memref<3200xf32, #tpu.memory_space<vmem>>, vector<16xf32>,
        tpu.vector_store_idx %arg12[%add3A_307, %broadcast_in_dim3A_3], %get3A_316 : memref<400x128xf32, #tpu.memory_space<vmem>>[vector<16xi32>, vector<16xi32>], vector<16xf32>,
        %get3A_317 = arith.index_cast %add3A_315 : i32 to index
        %get3A_318 = tpu.vector_load %arg10[%get3A_317] {strides = array<i32>} : memref<3200xf32, #tpu.memory_space<vmem>>, vector<16xf32>,
        tpu.vector_store_idx %arg12[%add3A_307, %broadcast_in_dim3A_5], %get3A_318 : memref<400x128xf32, #tpu.memory_space<vmem>>[vector<16xi32>, vector<16xi32>], vector<16xf32>,
        %get3A_319 = arith.index_cast %add3A_315 : i32 to index
        %get3A_320 = tpu.vector_load %arg11[%get3A_319] {strides = array<i32>} : memref<3200xf32, #tpu.memory_space<vmem>>, vector<16xf32>,
        tpu.vector_store_idx %arg12[%add3A_307, %broadcast_in_dim3A_7], %get3A_320 : memref<400x128xf32, #tpu.memory_space<vmem>>[vector<16xi32>, vector<16xi32>], vector<16xf32>,
        %mul3A_321 = arith.constant 5 : i32
        %mul3A_322 = arith.muli %scan3A_299, %mul3A_321 : i32
        %add3A_323 = arith.constant 1 : i32
        %add3A_324 = arith.addi %mul3A_322, %add3A_323 : i32
        %mul3A_325 = arith.constant 16 : i32
        %mul3A_326 = arith.muli %add3A_324, %mul3A_325 : i32
        %add3A_327 = vector.broadcast %mul3A_326 : i32 to vector<16xi32>
        %add3A_328 = arith.addi %iota3A, %add3A_327 : vector<16xi32>
        %mul3A_329 = arith.constant 5 : i32
        %mul3A_330 = arith.muli %scan3A_299, %mul3A_329 : i32
        %add3A_331 = arith.constant 1 : i32
        %add3A_332 = arith.addi %mul3A_330, %add3A_331 : i32
        %mul3A_333 = arith.constant 16 : i32
        %mul3A_334 = arith.muli %add3A_332, %mul3A_333 : i32
        %add3A_335 = arith.constant 2400 : i32
        %add3A_336 = arith.addi %add3A_335, %mul3A_334 : i32
        %get3A_337 = arith.index_cast %add3A_336 : i32 to index
        %get3A_338 = tpu.vector_load %arg9[%get3A_337] {strides = array<i32>} : memref<3200xf32, #tpu.memory_space<vmem>>, vector<16xf32>,
        tpu.vector_store_idx %arg12[%add3A_328, %broadcast_in_dim3A_3], %get3A_338 : memref<400x128xf32, #tpu.memory_space<vmem>>[vector<16xi32>, vector<16xi32>], vector<16xf32>,
        %get3A_339 = arith.index_cast %add3A_336 : i32 to index
        %get3A_340 = tpu.vector_load %arg10[%get3A_339] {strides = array<i32>} : memref<3200xf32, #tpu.memory_space<vmem>>, vector<16xf32>,
        tpu.vector_store_idx %arg12[%add3A_328, %broadcast_in_dim3A_5], %get3A_340 : memref<400x128xf32, #tpu.memory_space<vmem>>[vector<16xi32>, vector<16xi32>], vector<16xf32>,
        %get3A_341 = arith.index_cast %add3A_336 : i32 to index
        %get3A_342 = tpu.vector_load %arg11[%get3A_341] {strides = array<i32>} : memref<3200xf32, #tpu.memory_space<vmem>>, vector<16xf32>,
        tpu.vector_store_idx %arg12[%add3A_328, %broadcast_in_dim3A_7], %get3A_342 : memref<400x128xf32, #tpu.memory_space<vmem>>[vector<16xi32>, vector<16xi32>], vector<16xf32>,
        %mul3A_343 = arith.constant 5 : i32
        %mul3A_344 = arith.muli %scan3A_299, %mul3A_343 : i32
        %add3A_345 = arith.constant 2 : i32
        %add3A_346 = arith.addi %mul3A_344, %add3A_345 : i32
        %mul3A_347 = arith.constant 16 : i32
        %mul3A_348 = arith.muli %add3A_346, %mul3A_347 : i32
        %add3A_349 = vector.broadcast %mul3A_348 : i32 to vector<16xi32>
        %add3A_350 = arith.addi %iota3A, %add3A_349 : vector<16xi32>
        %mul3A_351 = arith.constant 5 : i32
        %mul3A_352 = arith.muli %scan3A_299, %mul3A_351 : i32
        %add3A_353 = arith.constant 2 : i32
        %add3A_354 = arith.addi %mul3A_352, %add3A_353 : i32
        %mul3A_355 = arith.constant 16 : i32
        %mul3A_356 = arith.muli %add3A_354, %mul3A_355 : i32
        %add3A_357 = arith.constant 2400 : i32
        %add3A_358 = arith.addi %add3A_357, %mul3A_356 : i32
        %get3A_359 = arith.index_cast %add3A_358 : i32 to index
        %get3A_360 = tpu.vector_load %arg9[%get3A_359] {strides = array<i32>} : memref<3200xf32, #tpu.memory_space<vmem>>, vector<16xf32>,
        tpu.vector_store_idx %arg12[%add3A_350, %broadcast_in_dim3A_3], %get3A_360 : memref<400x128xf32, #tpu.memory_space<vmem>>[vector<16xi32>, vector<16xi32>], vector<16xf32>,
        %get3A_361 = arith.index_cast %add3A_358 : i32 to index
        %get3A_362 = tpu.vector_load %arg10[%get3A_361] {strides = array<i32>} : memref<3200xf32, #tpu.memory_space<vmem>>, vector<16xf32>,
        tpu.vector_store_idx %arg12[%add3A_350, %broadcast_in_dim3A_5], %get3A_362 : memref<400x128xf32, #tpu.memory_space<vmem>>[vector<16xi32>, vector<16xi32>], vector<16xf32>,
        %get3A_363 = arith.index_cast %add3A_358 : i32 to index
        %get3A_364 = tpu.vector_load %arg11[%get3A_363] {strides = array<i32>} : memref<3200xf32, #tpu.memory_space<vmem>>, vector<16xf32>,
        tpu.vector_store_idx %arg12[%add3A_350, %broadcast_in_dim3A_7], %get3A_364 : memref<400x128xf32, #tpu.memory_space<vmem>>[vector<16xi32>, vector<16xi32>], vector<16xf32>,
        %mul3A_365 = arith.constant 5 : i32
        %mul3A_366 = arith.muli %scan3A_299, %mul3A_365 : i32
        %add3A_367 = arith.constant 3 : i32
        %add3A_368 = arith.addi %mul3A_366, %add3A_367 : i32
        %mul3A_369 = arith.constant 16 : i32
        %mul3A_370 = arith.muli %add3A_368, %mul3A_369 : i32
        %add3A_371 = vector.broadcast %mul3A_370 : i32 to vector<16xi32>
        %add3A_372 = arith.addi %iota3A, %add3A_371 : vector<16xi32>
        %mul3A_373 = arith.constant 5 : i32
        %mul3A_374 = arith.muli %scan3A_299, %mul3A_373 : i32
        %add3A_375 = arith.constant 3 : i32
        %add3A_376 = arith.addi %mul3A_374, %add3A_375 : i32
        %mul3A_377 = arith.constant 16 : i32
        %mul3A_378 = arith.muli %add3A_376, %mul3A_377 : i32
        %add3A_379 = arith.constant 2400 : i32
        %add3A_380 = arith.addi %add3A_379, %mul3A_378 : i32
        %get3A_381 = arith.index_cast %add3A_380 : i32 to index
        %get3A_382 = tpu.vector_load %arg9[%get3A_381] {strides = array<i32>} : memref<3200xf32, #tpu.memory_space<vmem>>, vector<16xf32>,
        tpu.vector_store_idx %arg12[%add3A_372, %broadcast_in_dim3A_3], %get3A_382 : memref<400x128xf32, #tpu.memory_space<vmem>>[vector<16xi32>, vector<16xi32>], vector<16xf32>,
        %get3A_383 = arith.index_cast %add3A_380 : i32 to index
        %get3A_384 = tpu.vector_load %arg10[%get3A_383] {strides = array<i32>} : memref<3200xf32, #tpu.memory_space<vmem>>, vector<16xf32>,
        tpu.vector_store_idx %arg12[%add3A_372, %broadcast_in_dim3A_5], %get3A_384 : memref<400x128xf32, #tpu.memory_space<vmem>>[vector<16xi32>, vector<16xi32>], vector<16xf32>,
        %get3A_385 = arith.index_cast %add3A_380 : i32 to index
        %get3A_386 = tpu.vector_load %arg11[%get3A_385] {strides = array<i32>} : memref<3200xf32, #tpu.memory_space<vmem>>, vector<16xf32>,
        tpu.vector_store_idx %arg12[%add3A_372, %broadcast_in_dim3A_7], %get3A_386 : memref<400x128xf32, #tpu.memory_space<vmem>>[vector<16xi32>, vector<16xi32>], vector<16xf32>,
        %mul3A_387 = arith.constant 5 : i32
        %mul3A_388 = arith.muli %scan3A_299, %mul3A_387 : i32
        %add3A_389 = arith.constant 4 : i32
        %add3A_390 = arith.addi %mul3A_388, %add3A_389 : i32
        %mul3A_391 = arith.constant 16 : i32
        %mul3A_392 = arith.muli %add3A_390, %mul3A_391 : i32
        %add3A_393 = vector.broadcast %mul3A_392 : i32 to vector<16xi32>
        %add3A_394 = arith.addi %iota3A, %add3A_393 : vector<16xi32>
        %mul3A_395 = arith.constant 5 : i32
        %mul3A_396 = arith.muli %scan3A_299, %mul3A_395 : i32
        %add3A_397 = arith.constant 4 : i32
        %add3A_398 = arith.addi %mul3A_396, %add3A_397 : i32
        %mul3A_399 = arith.constant 16 : i32
        %mul3A_400 = arith.muli %add3A_398, %mul3A_399 : i32
        %add3A_401 = arith.constant 2400 : i32
        %add3A_402 = arith.addi %add3A_401, %mul3A_400 : i32
        %get3A_403 = arith.index_cast %add3A_402 : i32 to index
        %get3A_404 = tpu.vector_load %arg9[%get3A_403] {strides = array<i32>} : memref<3200xf32, #tpu.memory_space<vmem>>, vector<16xf32>,
        tpu.vector_store_idx %arg12[%add3A_394, %broadcast_in_dim3A_3], %get3A_404 : memref<400x128xf32, #tpu.memory_space<vmem>>[vector<16xi32>, vector<16xi32>], vector<16xf32>,
        %get3A_405 = arith.index_cast %add3A_402 : i32 to index
        %get3A_406 = tpu.vector_load %arg10[%get3A_405] {strides = array<i32>} : memref<3200xf32, #tpu.memory_space<vmem>>, vector<16xf32>,
        tpu.vector_store_idx %arg12[%add3A_394, %broadcast_in_dim3A_5], %get3A_406 : memref<400x128xf32, #tpu.memory_space<vmem>>[vector<16xi32>, vector<16xi32>], vector<16xf32>,
        %get3A_407 = arith.index_cast %add3A_402 : i32 to index
        %get3A_408 = tpu.vector_load %arg11[%get3A_407] {strides = array<i32>} : memref<3200xf32, #tpu.memory_space<vmem>>, vector<16xf32>,
        tpu.vector_store_idx %arg12[%add3A_394, %broadcast_in_dim3A_7], %get3A_408 : memref<400x128xf32, #tpu.memory_space<vmem>>[vector<16xi32>, vector<16xi32>], vector<16xf32>,
      }
      %scan3A_249 = arith.constant 5 : i32
      %add3A_250 = arith.constant 6 : i32
      %add3A_251 = arith.addi %mul3A_21, %add3A_250 : i32
      %dma_start3A_252 = arith.constant 0 : i32
      %dma_start3A_253 = arith.constant 0 : i32
      %dma_start3A_254 = tpu.memref_slice %arg7[%add3A_251, %dma_start3A_252, %dma_start3A_253] : memref<250x400x128xf32, #tpu.memory_space<hbm>> -> memref<1x400x128xf32, #tpu.memory_space<hbm>>
      %dma_start3A_255 = tpu.memref_squeeze %dma_start3A_254 : memref<1x400x128xf32, #tpu.memory_space<hbm>> -> memref<400x128xf32, #tpu.memory_space<hbm>>
      %dma_start3A_256 = arith.constant 0 : i32
      %dma_start3A_257 = arith.constant 0 : i32
      %dma_start3A_258 = tpu.memref_slice %arg7[%add3A_251, %dma_start3A_256, %dma_start3A_257] : memref<250x400x128xf32, #tpu.memory_space<hbm>> -> memref<1x400x128xf32, #tpu.memory_space<hbm>>
      %dma_start3A_259 = tpu.memref_squeeze %dma_start3A_258 : memref<1x400x128xf32, #tpu.memory_space<hbm>> -> memref<400x128xf32, #tpu.memory_space<hbm>>
      tpu.enqueue_dma source(%arg12 : memref<400x128xf32, #tpu.memory_space<vmem>>) target(%dma_start3A_259 : memref<400x128xf32, #tpu.memory_space<hbm>>) target_semaphore(%arg19 : memref<!tpu.dma_semaphore, #tpu.memory_space<semaphore_mem>>)
      %dma_wait3A_260 = arith.constant 2800 : i32
      %dma_wait3A_261 = tpu.memref_slice %arg8[%dma_wait3A_260] : memref<3200xi32, #tpu.memory_space<vmem>> -> memref<400xi32, #tpu.memory_space<vmem>>
      %dma_wait3A_262 = arith.constant 0 : i32
      %dma_wait3A_263 = arith.constant 0 : i32
      %dma_wait3A_264 = tpu.memref_slice %arg16[%dma_wait3A_262, %dma_wait3A_263] : memref<5x128xf32, #tpu.memory_space<vmem_shared>> -> memref<5x128xf32, #tpu.memory_space<vmem_shared>>
      tpu.wait_indirect_dma semaphore(%arg18 : memref<!tpu.dma_semaphore, #tpu.memory_space<semaphore_mem>>) src(%dma_wait3A_264 : memref<5x128xf32, #tpu.memory_space<vmem_shared>>) dst(%arg13 : memref<400x128xf32, #tpu.memory_space<vmem>>)
      %scan3A_265 = arith.constant 0 : i32
      %scan3A_266 = arith.constant 0 : i32
      %scan3A_267 = arith.constant 5 : i32
      %scan3A_268 = arith.addi %scan3A_266, %scan3A_267 : i32
      %scan3A_269 = arith.constant 1 : i32
      scf.for %scan3A_299 = %scan3A_266 to %scan3A_268 step %scan3A_269  : i32 {
        %mul3A_300 = arith.constant 5 : i32
        %mul3A_301 = arith.muli %scan3A_299, %mul3A_300 : i32
        %add3A_302 = arith.constant 0 : i32
        %add3A_303 = arith.addi %mul3A_301, %add3A_302 : i32
        %mul3A_304 = arith.constant 16 : i32
        %mul3A_305 = arith.muli %add3A_303, %mul3A_304 : i32
        %add3A_306 = vector.broadcast %mul3A_305 : i32 to vector<16xi32>
        %add3A_307 = arith.addi %iota3A, %add3A_306 : vector<16xi32>
        %mul3A_308 = arith.constant 5 : i32
        %mul3A_309 = arith.muli %scan3A_299, %mul3A_308 : i32
        %add3A_310 = arith.constant 0 : i32
        %add3A_311 = arith.addi %mul3A_309, %add3A_310 : i32
        %mul3A_312 = arith.constant 16 : i32
        %mul3A_313 = arith.muli %add3A_311, %mul3A_312 : i32
        %add3A_314 = arith.constant 2800 : i32
        %add3A_315 = arith.addi %add3A_314, %mul3A_313 : i32
        %get3A = arith.index_cast %add3A_315 : i32 to index
        %get3A_316 = tpu.vector_load %arg9[%get3A] {strides = array<i32>} : memref<3200xf32, #tpu.memory_space<vmem>>, vector<16xf32>,
        tpu.vector_store_idx %arg13[%add3A_307, %broadcast_in_dim3A_3], %get3A_316 : memref<400x128xf32, #tpu.memory_space<vmem>>[vector<16xi32>, vector<16xi32>], vector<16xf32>,
        %get3A_317 = arith.index_cast %add3A_315 : i32 to index
        %get3A_318 = tpu.vector_load %arg10[%get3A_317] {strides = array<i32>} : memref<3200xf32, #tpu.memory_space<vmem>>, vector<16xf32>,
        tpu.vector_store_idx %arg13[%add3A_307, %broadcast_in_dim3A_5], %get3A_318 : memref<400x128xf32, #tpu.memory_space<vmem>>[vector<16xi32>, vector<16xi32>], vector<16xf32>,
        %get3A_319 = arith.index_cast %add3A_315 : i32 to index
        %get3A_320 = tpu.vector_load %arg11[%get3A_319] {strides = array<i32>} : memref<3200xf32, #tpu.memory_space<vmem>>, vector<16xf32>,
        tpu.vector_store_idx %arg13[%add3A_307, %broadcast_in_dim3A_7], %get3A_320 : memref<400x128xf32, #tpu.memory_space<vmem>>[vector<16xi32>, vector<16xi32>], vector<16xf32>,
        %mul3A_321 = arith.constant 5 : i32
        %mul3A_322 = arith.muli %scan3A_299, %mul3A_321 : i32
        %add3A_323 = arith.constant 1 : i32
        %add3A_324 = arith.addi %mul3A_322, %add3A_323 : i32
        %mul3A_325 = arith.constant 16 : i32
        %mul3A_326 = arith.muli %add3A_324, %mul3A_325 : i32
        %add3A_327 = vector.broadcast %mul3A_326 : i32 to vector<16xi32>
        %add3A_328 = arith.addi %iota3A, %add3A_327 : vector<16xi32>
        %mul3A_329 = arith.constant 5 : i32
        %mul3A_330 = arith.muli %scan3A_299, %mul3A_329 : i32
        %add3A_331 = arith.constant 1 : i32
        %add3A_332 = arith.addi %mul3A_330, %add3A_331 : i32
        %mul3A_333 = arith.constant 16 : i32
        %mul3A_334 = arith.muli %add3A_332, %mul3A_333 : i32
        %add3A_335 = arith.constant 2800 : i32
        %add3A_336 = arith.addi %add3A_335, %mul3A_334 : i32
        %get3A_337 = arith.index_cast %add3A_336 : i32 to index
        %get3A_338 = tpu.vector_load %arg9[%get3A_337] {strides = array<i32>} : memref<3200xf32, #tpu.memory_space<vmem>>, vector<16xf32>,
        tpu.vector_store_idx %arg13[%add3A_328, %broadcast_in_dim3A_3], %get3A_338 : memref<400x128xf32, #tpu.memory_space<vmem>>[vector<16xi32>, vector<16xi32>], vector<16xf32>,
        %get3A_339 = arith.index_cast %add3A_336 : i32 to index
        %get3A_340 = tpu.vector_load %arg10[%get3A_339] {strides = array<i32>} : memref<3200xf32, #tpu.memory_space<vmem>>, vector<16xf32>,
        tpu.vector_store_idx %arg13[%add3A_328, %broadcast_in_dim3A_5], %get3A_340 : memref<400x128xf32, #tpu.memory_space<vmem>>[vector<16xi32>, vector<16xi32>], vector<16xf32>,
        %get3A_341 = arith.index_cast %add3A_336 : i32 to index
        %get3A_342 = tpu.vector_load %arg11[%get3A_341] {strides = array<i32>} : memref<3200xf32, #tpu.memory_space<vmem>>, vector<16xf32>,
        tpu.vector_store_idx %arg13[%add3A_328, %broadcast_in_dim3A_7], %get3A_342 : memref<400x128xf32, #tpu.memory_space<vmem>>[vector<16xi32>, vector<16xi32>], vector<16xf32>,
        %mul3A_343 = arith.constant 5 : i32
        %mul3A_344 = arith.muli %scan3A_299, %mul3A_343 : i32
        %add3A_345 = arith.constant 2 : i32
        %add3A_346 = arith.addi %mul3A_344, %add3A_345 : i32
        %mul3A_347 = arith.constant 16 : i32
        %mul3A_348 = arith.muli %add3A_346, %mul3A_347 : i32
        %add3A_349 = vector.broadcast %mul3A_348 : i32 to vector<16xi32>
        %add3A_350 = arith.addi %iota3A, %add3A_349 : vector<16xi32>
        %mul3A_351 = arith.constant 5 : i32
        %mul3A_352 = arith.muli %scan3A_299, %mul3A_351 : i32
        %add3A_353 = arith.constant 2 : i32
        %add3A_354 = arith.addi %mul3A_352, %add3A_353 : i32
        %mul3A_355 = arith.constant 16 : i32
        %mul3A_356 = arith.muli %add3A_354, %mul3A_355 : i32
        %add3A_357 = arith.constant 2800 : i32
        %add3A_358 = arith.addi %add3A_357, %mul3A_356 : i32
        %get3A_359 = arith.index_cast %add3A_358 : i32 to index
        %get3A_360 = tpu.vector_load %arg9[%get3A_359] {strides = array<i32>} : memref<3200xf32, #tpu.memory_space<vmem>>, vector<16xf32>,
        tpu.vector_store_idx %arg13[%add3A_350, %broadcast_in_dim3A_3], %get3A_360 : memref<400x128xf32, #tpu.memory_space<vmem>>[vector<16xi32>, vector<16xi32>], vector<16xf32>,
        %get3A_361 = arith.index_cast %add3A_358 : i32 to index
        %get3A_362 = tpu.vector_load %arg10[%get3A_361] {strides = array<i32>} : memref<3200xf32, #tpu.memory_space<vmem>>, vector<16xf32>,
        tpu.vector_store_idx %arg13[%add3A_350, %broadcast_in_dim3A_5], %get3A_362 : memref<400x128xf32, #tpu.memory_space<vmem>>[vector<16xi32>, vector<16xi32>], vector<16xf32>,
        %get3A_363 = arith.index_cast %add3A_358 : i32 to index
        %get3A_364 = tpu.vector_load %arg11[%get3A_363] {strides = array<i32>} : memref<3200xf32, #tpu.memory_space<vmem>>, vector<16xf32>,
        tpu.vector_store_idx %arg13[%add3A_350, %broadcast_in_dim3A_7], %get3A_364 : memref<400x128xf32, #tpu.memory_space<vmem>>[vector<16xi32>, vector<16xi32>], vector<16xf32>,
        %mul3A_365 = arith.constant 5 : i32
        %mul3A_366 = arith.muli %scan3A_299, %mul3A_365 : i32
        %add3A_367 = arith.constant 3 : i32
        %add3A_368 = arith.addi %mul3A_366, %add3A_367 : i32
        %mul3A_369 = arith.constant 16 : i32
        %mul3A_370 = arith.muli %add3A_368, %mul3A_369 : i32
        %add3A_371 = vector.broadcast %mul3A_370 : i32 to vector<16xi32>
        %add3A_372 = arith.addi %iota3A, %add3A_371 : vector<16xi32>
        %mul3A_373 = arith.constant 5 : i32
        %mul3A_374 = arith.muli %scan3A_299, %mul3A_373 : i32
        %add3A_375 = arith.constant 3 : i32
        %add3A_376 = arith.addi %mul3A_374, %add3A_375 : i32
        %mul3A_377 = arith.constant 16 : i32
        %mul3A_378 = arith.muli %add3A_376, %mul3A_377 : i32
        %add3A_379 = arith.constant 2800 : i32
        %add3A_380 = arith.addi %add3A_379, %mul3A_378 : i32
        %get3A_381 = arith.index_cast %add3A_380 : i32 to index
        %get3A_382 = tpu.vector_load %arg9[%get3A_381] {strides = array<i32>} : memref<3200xf32, #tpu.memory_space<vmem>>, vector<16xf32>,
        tpu.vector_store_idx %arg13[%add3A_372, %broadcast_in_dim3A_3], %get3A_382 : memref<400x128xf32, #tpu.memory_space<vmem>>[vector<16xi32>, vector<16xi32>], vector<16xf32>,
        %get3A_383 = arith.index_cast %add3A_380 : i32 to index
        %get3A_384 = tpu.vector_load %arg10[%get3A_383] {strides = array<i32>} : memref<3200xf32, #tpu.memory_space<vmem>>, vector<16xf32>,
        tpu.vector_store_idx %arg13[%add3A_372, %broadcast_in_dim3A_5], %get3A_384 : memref<400x128xf32, #tpu.memory_space<vmem>>[vector<16xi32>, vector<16xi32>], vector<16xf32>,
        %get3A_385 = arith.index_cast %add3A_380 : i32 to index
        %get3A_386 = tpu.vector_load %arg11[%get3A_385] {strides = array<i32>} : memref<3200xf32, #tpu.memory_space<vmem>>, vector<16xf32>,
        tpu.vector_store_idx %arg13[%add3A_372, %broadcast_in_dim3A_7], %get3A_386 : memref<400x128xf32, #tpu.memory_space<vmem>>[vector<16xi32>, vector<16xi32>], vector<16xf32>,
        %mul3A_387 = arith.constant 5 : i32
        %mul3A_388 = arith.muli %scan3A_299, %mul3A_387 : i32
        %add3A_389 = arith.constant 4 : i32
        %add3A_390 = arith.addi %mul3A_388, %add3A_389 : i32
        %mul3A_391 = arith.constant 16 : i32
        %mul3A_392 = arith.muli %add3A_390, %mul3A_391 : i32
        %add3A_393 = vector.broadcast %mul3A_392 : i32 to vector<16xi32>
        %add3A_394 = arith.addi %iota3A, %add3A_393 : vector<16xi32>
        %mul3A_395 = arith.constant 5 : i32
        %mul3A_396 = arith.muli %scan3A_299, %mul3A_395 : i32
        %add3A_397 = arith.constant 4 : i32
        %add3A_398 = arith.addi %mul3A_396, %add3A_397 : i32
        %mul3A_399 = arith.constant 16 : i32
        %mul3A_400 = arith.muli %add3A_398, %mul3A_399 : i32
        %add3A_401 = arith.constant 2800 : i32
        %add3A_402 = arith.addi %add3A_401, %mul3A_400 : i32
        %get3A_403 = arith.index_cast %add3A_402 : i32 to index
        %get3A_404 = tpu.vector_load %arg9[%get3A_403] {strides = array<i32>} : memref<3200xf32, #tpu.memory_space<vmem>>, vector<16xf32>,
        tpu.vector_store_idx %arg13[%add3A_394, %broadcast_in_dim3A_3], %get3A_404 : memref<400x128xf32, #tpu.memory_space<vmem>>[vector<16xi32>, vector<16xi32>], vector<16xf32>,
        %get3A_405 = arith.index_cast %add3A_402 : i32 to index
        %get3A_406 = tpu.vector_load %arg10[%get3A_405] {strides = array<i32>} : memref<3200xf32, #tpu.memory_space<vmem>>, vector<16xf32>,
        tpu.vector_store_idx %arg13[%add3A_394, %broadcast_in_dim3A_5], %get3A_406 : memref<400x128xf32, #tpu.memory_space<vmem>>[vector<16xi32>, vector<16xi32>], vector<16xf32>,
        %get3A_407 = arith.index_cast %add3A_402 : i32 to index
        %get3A_408 = tpu.vector_load %arg11[%get3A_407] {strides = array<i32>} : memref<3200xf32, #tpu.memory_space<vmem>>, vector<16xf32>,
        tpu.vector_store_idx %arg13[%add3A_394, %broadcast_in_dim3A_7], %get3A_408 : memref<400x128xf32, #tpu.memory_space<vmem>>[vector<16xi32>, vector<16xi32>], vector<16xf32>,
      }
      %scan3A_270 = arith.constant 5 : i32
      %add3A_271 = arith.constant 7 : i32
      %add3A_272 = arith.addi %mul3A_21, %add3A_271 : i32
      %dma_start3A_273 = arith.constant 0 : i32
      %dma_start3A_274 = arith.constant 0 : i32
      %dma_start3A_275 = tpu.memref_slice %arg7[%add3A_272, %dma_start3A_273, %dma_start3A_274] : memref<250x400x128xf32, #tpu.memory_space<hbm>> -> memref<1x400x128xf32, #tpu.memory_space<hbm>>
      %dma_start3A_276 = tpu.memref_squeeze %dma_start3A_275 : memref<1x400x128xf32, #tpu.memory_space<hbm>> -> memref<400x128xf32, #tpu.memory_space<hbm>>
      %dma_start3A_277 = arith.constant 0 : i32
      %dma_start3A_278 = arith.constant 0 : i32
      %dma_start3A_279 = tpu.memref_slice %arg7[%add3A_272, %dma_start3A_277, %dma_start3A_278] : memref<250x400x128xf32, #tpu.memory_space<hbm>> -> memref<1x400x128xf32, #tpu.memory_space<hbm>>
      %dma_start3A_280 = tpu.memref_squeeze %dma_start3A_279 : memref<1x400x128xf32, #tpu.memory_space<hbm>> -> memref<400x128xf32, #tpu.memory_space<hbm>>
      tpu.enqueue_dma source(%arg13 : memref<400x128xf32, #tpu.memory_space<vmem>>) target(%dma_start3A_280 : memref<400x128xf32, #tpu.memory_space<hbm>>) target_semaphore(%arg20 : memref<!tpu.dma_semaphore, #tpu.memory_space<semaphore_mem>>)
      %dma_wait3A_281 = arith.constant 0 : i32
      %dma_wait3A_282 = arith.constant 0 : i32
      %dma_wait3A_283 = arith.constant 0 : i32
      %dma_wait3A_284 = tpu.memref_slice %arg7[%dma_wait3A_281, %dma_wait3A_282, %dma_wait3A_283] : memref<250x400x128xf32, #tpu.memory_space<hbm>> -> memref<1x400x128xf32, #tpu.memory_space<hbm>>
      %dma_wait3A_285 = tpu.memref_squeeze %dma_wait3A_284 : memref<1x400x128xf32, #tpu.memory_space<hbm>> -> memref<400x128xf32, #tpu.memory_space<hbm>>
      %dma_wait3A_286 = arith.constant 0 : i32
      %dma_wait3A_287 = arith.constant 0 : i32
      %dma_wait3A_288 = tpu.memref_slice %arg7[%dma_wait3A_281, %dma_wait3A_286, %dma_wait3A_287] : memref<250x400x128xf32, #tpu.memory_space<hbm>> -> memref<1x400x128xf32, #tpu.memory_space<hbm>>
      %dma_wait3A_289 = tpu.memref_squeeze %dma_wait3A_288 : memref<1x400x128xf32, #tpu.memory_space<hbm>> -> memref<400x128xf32, #tpu.memory_space<hbm>>
      tpu.wait_dma2 semaphore(%arg19 : memref<!tpu.dma_semaphore, #tpu.memory_space<semaphore_mem>>) src(%arg12 : memref<400x128xf32, #tpu.memory_space<vmem>>) dst(%dma_wait3A_289 : memref<400x128xf32, #tpu.memory_space<hbm>>)
      %dma_wait3A_290 = arith.constant 0 : i32
      %dma_wait3A_291 = arith.constant 0 : i32
      %dma_wait3A_292 = arith.constant 0 : i32
      %dma_wait3A_293 = tpu.memref_slice %arg7[%dma_wait3A_290, %dma_wait3A_291, %dma_wait3A_292] : memref<250x400x128xf32, #tpu.memory_space<hbm>> -> memref<1x400x128xf32, #tpu.memory_space<hbm>>
      %dma_wait3A_294 = tpu.memref_squeeze %dma_wait3A_293 : memref<1x400x128xf32, #tpu.memory_space<hbm>> -> memref<400x128xf32, #tpu.memory_space<hbm>>
      %dma_wait3A_295 = arith.constant 0 : i32
      %dma_wait3A_296 = arith.constant 0 : i32
      %dma_wait3A_297 = tpu.memref_slice %arg7[%dma_wait3A_290, %dma_wait3A_295, %dma_wait3A_296] : memref<250x400x128xf32, #tpu.memory_space<hbm>> -> memref<1x400x128xf32, #tpu.memory_space<hbm>>
      %dma_wait3A_298 = tpu.memref_squeeze %dma_wait3A_297 : memref<1x400x128xf32, #tpu.memory_space<hbm>> -> memref<400x128xf32, #tpu.memory_space<hbm>>
      tpu.wait_dma2 semaphore(%arg20 : memref<!tpu.dma_semaphore, #tpu.memory_space<semaphore_mem>>) src(%arg13 : memref<400x128xf32, #tpu.memory_space<vmem>>) dst(%dma_wait3A_298 : memref<400x128xf32, #tpu.memory_space<hbm>>)
    } else {
    }
    %ge3A = arith.constant 26 : i32
    %ge3A_12 = arith.cmpi sge, %add3A, %ge3A : i32
    %convert_element_type3A_13 = arith.extui %ge3A_12 : i1 to i32
    %cond3A_14 = arith.constant 0 : i32
    %cond3A_15 = arith.cmpi ne, %convert_element_type3A_13, %cond3A_14 : i32
    scf.if %cond3A_15 {
      %sub3A = arith.constant 26 : i32
      %sub3A_16 = arith.subi %add3A, %sub3A : i32
      %mul3A_17 = arith.constant 7 : i32
      %mul3A_18 = arith.muli %sub3A_16, %mul3A_17 : i32
      %add3A_19 = arith.constant 208 : i32
      %add3A_20 = arith.addi %add3A_19, %mul3A_18 : i32
      %mul3A_21 = arith.constant 400 : i32
      %mul3A_22 = arith.muli %add3A_20, %mul3A_21 : i32
      "tpu.region"() ({
        %run_scoped3A = tpu.sem_alloc : memref<!tpu.dma_semaphore, #tpu.memory_space<semaphore_mem>>
        %dma_start3A_265 = arith.constant 0 : i32
        %dma_start3A_266 = tpu.memref_slice %arg8[%dma_start3A_265] : memref<3200xi32, #tpu.memory_space<vmem>> -> memref<2800xi32, #tpu.memory_space<vmem>>
        %dma_start3A_267 = tpu.memref_slice %arg5[%mul3A_22] : memref<100000xi32, #tpu.memory_space<hbm>> -> memref<2800xi32, #tpu.memory_space<hbm>>
        %dma_start3A_268 = arith.constant 0 : i32
        %dma_start3A_269 = tpu.memref_slice %arg8[%dma_start3A_268] : memref<3200xi32, #tpu.memory_space<vmem>> -> memref<2800xi32, #tpu.memory_space<vmem>>
        %dma_start3A_270 = tpu.memref_slice %arg5[%mul3A_22] : memref<100000xi32, #tpu.memory_space<hbm>> -> memref<2800xi32, #tpu.memory_space<hbm>>
        tpu.enqueue_dma source(%dma_start3A_270 : memref<2800xi32, #tpu.memory_space<hbm>>) target(%dma_start3A_269 : memref<2800xi32, #tpu.memory_space<vmem>>) target_semaphore(%run_scoped3A : memref<!tpu.dma_semaphore, #tpu.memory_space<semaphore_mem>>)
        %dma_wait3A_271 = arith.constant 0 : i32
        %dma_wait3A_272 = tpu.memref_slice %arg8[%dma_wait3A_271] : memref<3200xi32, #tpu.memory_space<vmem>> -> memref<2800xi32, #tpu.memory_space<vmem>>
        %dma_wait3A_273 = tpu.memref_slice %arg5[%mul3A_22] : memref<100000xi32, #tpu.memory_space<hbm>> -> memref<2800xi32, #tpu.memory_space<hbm>>
        %dma_wait3A_274 = arith.constant 0 : i32
        %dma_wait3A_275 = tpu.memref_slice %arg8[%dma_wait3A_274] : memref<3200xi32, #tpu.memory_space<vmem>> -> memref<2800xi32, #tpu.memory_space<vmem>>
        %dma_wait3A_276 = tpu.memref_slice %arg5[%mul3A_22] : memref<100000xi32, #tpu.memory_space<hbm>> -> memref<2800xi32, #tpu.memory_space<hbm>>
        tpu.wait_dma2 semaphore(%run_scoped3A : memref<!tpu.dma_semaphore, #tpu.memory_space<semaphore_mem>>) src(%dma_wait3A_276 : memref<2800xi32, #tpu.memory_space<hbm>>) dst(%dma_wait3A_275 : memref<2800xi32, #tpu.memory_space<vmem>>)
        tpu.yield
      }) : () -> ()
      "tpu.region"() ({
        %run_scoped3A = tpu.sem_alloc : memref<!tpu.dma_semaphore, #tpu.memory_space<semaphore_mem>>
        %dma_start3A_265 = arith.constant 0 : i32
        %dma_start3A_266 = tpu.memref_slice %arg9[%dma_start3A_265] : memref<3200xf32, #tpu.memory_space<vmem>> -> memref<2800xf32, #tpu.memory_space<vmem>>
        %dma_start3A_267 = tpu.memref_slice %arg2[%mul3A_22] : memref<100000xf32, #tpu.memory_space<hbm>> -> memref<2800xf32, #tpu.memory_space<hbm>>
        %dma_start3A_268 = arith.constant 0 : i32
        %dma_start3A_269 = tpu.memref_slice %arg9[%dma_start3A_268] : memref<3200xf32, #tpu.memory_space<vmem>> -> memref<2800xf32, #tpu.memory_space<vmem>>
        %dma_start3A_270 = tpu.memref_slice %arg2[%mul3A_22] : memref<100000xf32, #tpu.memory_space<hbm>> -> memref<2800xf32, #tpu.memory_space<hbm>>
        tpu.enqueue_dma source(%dma_start3A_270 : memref<2800xf32, #tpu.memory_space<hbm>>) target(%dma_start3A_269 : memref<2800xf32, #tpu.memory_space<vmem>>) target_semaphore(%run_scoped3A : memref<!tpu.dma_semaphore, #tpu.memory_space<semaphore_mem>>)
        %dma_wait3A_271 = arith.constant 0 : i32
        %dma_wait3A_272 = tpu.memref_slice %arg9[%dma_wait3A_271] : memref<3200xf32, #tpu.memory_space<vmem>> -> memref<2800xf32, #tpu.memory_space<vmem>>
        %dma_wait3A_273 = tpu.memref_slice %arg2[%mul3A_22] : memref<100000xf32, #tpu.memory_space<hbm>> -> memref<2800xf32, #tpu.memory_space<hbm>>
        %dma_wait3A_274 = arith.constant 0 : i32
        %dma_wait3A_275 = tpu.memref_slice %arg9[%dma_wait3A_274] : memref<3200xf32, #tpu.memory_space<vmem>> -> memref<2800xf32, #tpu.memory_space<vmem>>
        %dma_wait3A_276 = tpu.memref_slice %arg2[%mul3A_22] : memref<100000xf32, #tpu.memory_space<hbm>> -> memref<2800xf32, #tpu.memory_space<hbm>>
        tpu.wait_dma2 semaphore(%run_scoped3A : memref<!tpu.dma_semaphore, #tpu.memory_space<semaphore_mem>>) src(%dma_wait3A_276 : memref<2800xf32, #tpu.memory_space<hbm>>) dst(%dma_wait3A_275 : memref<2800xf32, #tpu.memory_space<vmem>>)
        tpu.yield
      }) : () -> ()
      "tpu.region"() ({
        %run_scoped3A = tpu.sem_alloc : memref<!tpu.dma_semaphore, #tpu.memory_space<semaphore_mem>>
        %dma_start3A_265 = arith.constant 0 : i32
        %dma_start3A_266 = tpu.memref_slice %arg10[%dma_start3A_265] : memref<3200xf32, #tpu.memory_space<vmem>> -> memref<2800xf32, #tpu.memory_space<vmem>>
        %dma_start3A_267 = tpu.memref_slice %arg3[%mul3A_22] : memref<100000xf32, #tpu.memory_space<hbm>> -> memref<2800xf32, #tpu.memory_space<hbm>>
        %dma_start3A_268 = arith.constant 0 : i32
        %dma_start3A_269 = tpu.memref_slice %arg10[%dma_start3A_268] : memref<3200xf32, #tpu.memory_space<vmem>> -> memref<2800xf32, #tpu.memory_space<vmem>>
        %dma_start3A_270 = tpu.memref_slice %arg3[%mul3A_22] : memref<100000xf32, #tpu.memory_space<hbm>> -> memref<2800xf32, #tpu.memory_space<hbm>>
        tpu.enqueue_dma source(%dma_start3A_270 : memref<2800xf32, #tpu.memory_space<hbm>>) target(%dma_start3A_269 : memref<2800xf32, #tpu.memory_space<vmem>>) target_semaphore(%run_scoped3A : memref<!tpu.dma_semaphore, #tpu.memory_space<semaphore_mem>>)
        %dma_wait3A_271 = arith.constant 0 : i32
        %dma_wait3A_272 = tpu.memref_slice %arg10[%dma_wait3A_271] : memref<3200xf32, #tpu.memory_space<vmem>> -> memref<2800xf32, #tpu.memory_space<vmem>>
        %dma_wait3A_273 = tpu.memref_slice %arg3[%mul3A_22] : memref<100000xf32, #tpu.memory_space<hbm>> -> memref<2800xf32, #tpu.memory_space<hbm>>
        %dma_wait3A_274 = arith.constant 0 : i32
        %dma_wait3A_275 = tpu.memref_slice %arg10[%dma_wait3A_274] : memref<3200xf32, #tpu.memory_space<vmem>> -> memref<2800xf32, #tpu.memory_space<vmem>>
        %dma_wait3A_276 = tpu.memref_slice %arg3[%mul3A_22] : memref<100000xf32, #tpu.memory_space<hbm>> -> memref<2800xf32, #tpu.memory_space<hbm>>
        tpu.wait_dma2 semaphore(%run_scoped3A : memref<!tpu.dma_semaphore, #tpu.memory_space<semaphore_mem>>) src(%dma_wait3A_276 : memref<2800xf32, #tpu.memory_space<hbm>>) dst(%dma_wait3A_275 : memref<2800xf32, #tpu.memory_space<vmem>>)
        tpu.yield
      }) : () -> ()
      "tpu.region"() ({
        %run_scoped3A = tpu.sem_alloc : memref<!tpu.dma_semaphore, #tpu.memory_space<semaphore_mem>>
        %dma_start3A_265 = arith.constant 0 : i32
        %dma_start3A_266 = tpu.memref_slice %arg11[%dma_start3A_265] : memref<3200xf32, #tpu.memory_space<vmem>> -> memref<2800xf32, #tpu.memory_space<vmem>>
        %dma_start3A_267 = tpu.memref_slice %arg4[%mul3A_22] : memref<100000xf32, #tpu.memory_space<hbm>> -> memref<2800xf32, #tpu.memory_space<hbm>>
        %dma_start3A_268 = arith.constant 0 : i32
        %dma_start3A_269 = tpu.memref_slice %arg11[%dma_start3A_268] : memref<3200xf32, #tpu.memory_space<vmem>> -> memref<2800xf32, #tpu.memory_space<vmem>>
        %dma_start3A_270 = tpu.memref_slice %arg4[%mul3A_22] : memref<100000xf32, #tpu.memory_space<hbm>> -> memref<2800xf32, #tpu.memory_space<hbm>>
        tpu.enqueue_dma source(%dma_start3A_270 : memref<2800xf32, #tpu.memory_space<hbm>>) target(%dma_start3A_269 : memref<2800xf32, #tpu.memory_space<vmem>>) target_semaphore(%run_scoped3A : memref<!tpu.dma_semaphore, #tpu.memory_space<semaphore_mem>>)
        %dma_wait3A_271 = arith.constant 0 : i32
        %dma_wait3A_272 = tpu.memref_slice %arg11[%dma_wait3A_271] : memref<3200xf32, #tpu.memory_space<vmem>> -> memref<2800xf32, #tpu.memory_space<vmem>>
        %dma_wait3A_273 = tpu.memref_slice %arg4[%mul3A_22] : memref<100000xf32, #tpu.memory_space<hbm>> -> memref<2800xf32, #tpu.memory_space<hbm>>
        %dma_wait3A_274 = arith.constant 0 : i32
        %dma_wait3A_275 = tpu.memref_slice %arg11[%dma_wait3A_274] : memref<3200xf32, #tpu.memory_space<vmem>> -> memref<2800xf32, #tpu.memory_space<vmem>>
        %dma_wait3A_276 = tpu.memref_slice %arg4[%mul3A_22] : memref<100000xf32, #tpu.memory_space<hbm>> -> memref<2800xf32, #tpu.memory_space<hbm>>
        tpu.wait_dma2 semaphore(%run_scoped3A : memref<!tpu.dma_semaphore, #tpu.memory_space<semaphore_mem>>) src(%dma_wait3A_276 : memref<2800xf32, #tpu.memory_space<hbm>>) dst(%dma_wait3A_275 : memref<2800xf32, #tpu.memory_space<vmem>>)
        tpu.yield
      }) : () -> ()
      %dma_start3A = arith.constant 0 : i32
      %dma_start3A_23 = tpu.memref_slice %arg8[%dma_start3A] : memref<3200xi32, #tpu.memory_space<vmem>> -> memref<400xi32, #tpu.memory_space<vmem>>
      %dma_start3A_24 = arith.constant 0 : i32
      %dma_start3A_25 = arith.constant 0 : i32
      %dma_start3A_26 = tpu.memref_slice %arg16[%dma_start3A_24, %dma_start3A_25] : memref<5x128xf32, #tpu.memory_space<vmem_shared>> -> memref<5x128xf32, #tpu.memory_space<vmem_shared>>
      tpu.enqueue_indirect_dma source(%dma_start3A_26 : memref<5x128xf32, #tpu.memory_space<vmem_shared>>) target(%arg12 : memref<400x128xf32, #tpu.memory_space<vmem>>) offsets(%dma_start3A_23 : memref<400xi32, #tpu.memory_space<vmem>>) semaphore(%arg17 : memref<!tpu.dma_semaphore, #tpu.memory_space<semaphore_mem>>)
      %dma_wait3A = arith.constant 0 : i32
      %dma_wait3A_27 = tpu.memref_slice %arg8[%dma_wait3A] : memref<3200xi32, #tpu.memory_space<vmem>> -> memref<400xi32, #tpu.memory_space<vmem>>
      %dma_wait3A_28 = arith.constant 0 : i32
      %dma_wait3A_29 = arith.constant 0 : i32
      %dma_wait3A_30 = tpu.memref_slice %arg16[%dma_wait3A_28, %dma_wait3A_29] : memref<5x128xf32, #tpu.memory_space<vmem_shared>> -> memref<5x128xf32, #tpu.memory_space<vmem_shared>>
      tpu.wait_indirect_dma semaphore(%arg17 : memref<!tpu.dma_semaphore, #tpu.memory_space<semaphore_mem>>) src(%dma_wait3A_30 : memref<5x128xf32, #tpu.memory_space<vmem_shared>>) dst(%arg12 : memref<400x128xf32, #tpu.memory_space<vmem>>)
      %dma_start3A_31 = arith.constant 400 : i32
      %dma_start3A_32 = tpu.memref_slice %arg8[%dma_start3A_31] : memref<3200xi32, #tpu.memory_space<vmem>> -> memref<400xi32, #tpu.memory_space<vmem>>
      %dma_start3A_33 = arith.constant 0 : i32
      %dma_start3A_34 = arith.constant 0 : i32
      %dma_start3A_35 = tpu.memref_slice %arg16[%dma_start3A_33, %dma_start3A_34] : memref<5x128xf32, #tpu.memory_space<vmem_shared>> -> memref<5x128xf32, #tpu.memory_space<vmem_shared>>
      tpu.enqueue_indirect_dma source(%dma_start3A_35 : memref<5x128xf32, #tpu.memory_space<vmem_shared>>) target(%arg13 : memref<400x128xf32, #tpu.memory_space<vmem>>) offsets(%dma_start3A_32 : memref<400xi32, #tpu.memory_space<vmem>>) semaphore(%arg18 : memref<!tpu.dma_semaphore, #tpu.memory_space<semaphore_mem>>)
      %scan3A = arith.constant 0 : i32
      %scan3A_36 = arith.constant 0 : i32
      %scan3A_37 = arith.constant 5 : i32
      %scan3A_38 = arith.addi %scan3A_36, %scan3A_37 : i32
      %scan3A_39 = arith.constant 1 : i32
      scf.for %scan3A_265 = %scan3A_36 to %scan3A_38 step %scan3A_39  : i32 {
        %mul3A_266 = arith.constant 5 : i32
        %mul3A_267 = arith.muli %scan3A_265, %mul3A_266 : i32
        %add3A_268 = arith.constant 0 : i32
        %add3A_269 = arith.addi %mul3A_267, %add3A_268 : i32
        %mul3A_270 = arith.constant 16 : i32
        %mul3A_271 = arith.muli %add3A_269, %mul3A_270 : i32
        %add3A_272 = vector.broadcast %mul3A_271 : i32 to vector<16xi32>
        %add3A_273 = arith.addi %iota3A, %add3A_272 : vector<16xi32>
        %mul3A_274 = arith.constant 5 : i32
        %mul3A_275 = arith.muli %scan3A_265, %mul3A_274 : i32
        %add3A_276 = arith.constant 0 : i32
        %add3A_277 = arith.addi %mul3A_275, %add3A_276 : i32
        %mul3A_278 = arith.constant 16 : i32
        %mul3A_279 = arith.muli %add3A_277, %mul3A_278 : i32
        %add3A_280 = arith.constant 0 : i32
        %add3A_281 = arith.addi %add3A_280, %mul3A_279 : i32
        %get3A = arith.index_cast %add3A_281 : i32 to index
        %get3A_282 = tpu.vector_load %arg9[%get3A] {strides = array<i32>} : memref<3200xf32, #tpu.memory_space<vmem>>, vector<16xf32>,
        tpu.vector_store_idx %arg12[%add3A_273, %broadcast_in_dim3A_3], %get3A_282 : memref<400x128xf32, #tpu.memory_space<vmem>>[vector<16xi32>, vector<16xi32>], vector<16xf32>,
        %get3A_283 = arith.index_cast %add3A_281 : i32 to index
        %get3A_284 = tpu.vector_load %arg10[%get3A_283] {strides = array<i32>} : memref<3200xf32, #tpu.memory_space<vmem>>, vector<16xf32>,
        tpu.vector_store_idx %arg12[%add3A_273, %broadcast_in_dim3A_5], %get3A_284 : memref<400x128xf32, #tpu.memory_space<vmem>>[vector<16xi32>, vector<16xi32>], vector<16xf32>,
        %get3A_285 = arith.index_cast %add3A_281 : i32 to index
        %get3A_286 = tpu.vector_load %arg11[%get3A_285] {strides = array<i32>} : memref<3200xf32, #tpu.memory_space<vmem>>, vector<16xf32>,
        tpu.vector_store_idx %arg12[%add3A_273, %broadcast_in_dim3A_7], %get3A_286 : memref<400x128xf32, #tpu.memory_space<vmem>>[vector<16xi32>, vector<16xi32>], vector<16xf32>,
        %mul3A_287 = arith.constant 5 : i32
        %mul3A_288 = arith.muli %scan3A_265, %mul3A_287 : i32
        %add3A_289 = arith.constant 1 : i32
        %add3A_290 = arith.addi %mul3A_288, %add3A_289 : i32
        %mul3A_291 = arith.constant 16 : i32
        %mul3A_292 = arith.muli %add3A_290, %mul3A_291 : i32
        %add3A_293 = vector.broadcast %mul3A_292 : i32 to vector<16xi32>
        %add3A_294 = arith.addi %iota3A, %add3A_293 : vector<16xi32>
        %mul3A_295 = arith.constant 5 : i32
        %mul3A_296 = arith.muli %scan3A_265, %mul3A_295 : i32
        %add3A_297 = arith.constant 1 : i32
        %add3A_298 = arith.addi %mul3A_296, %add3A_297 : i32
        %mul3A_299 = arith.constant 16 : i32
        %mul3A_300 = arith.muli %add3A_298, %mul3A_299 : i32
        %add3A_301 = arith.constant 0 : i32
        %add3A_302 = arith.addi %add3A_301, %mul3A_300 : i32
        %get3A_303 = arith.index_cast %add3A_302 : i32 to index
        %get3A_304 = tpu.vector_load %arg9[%get3A_303] {strides = array<i32>} : memref<3200xf32, #tpu.memory_space<vmem>>, vector<16xf32>,
        tpu.vector_store_idx %arg12[%add3A_294, %broadcast_in_dim3A_3], %get3A_304 : memref<400x128xf32, #tpu.memory_space<vmem>>[vector<16xi32>, vector<16xi32>], vector<16xf32>,
        %get3A_305 = arith.index_cast %add3A_302 : i32 to index
        %get3A_306 = tpu.vector_load %arg10[%get3A_305] {strides = array<i32>} : memref<3200xf32, #tpu.memory_space<vmem>>, vector<16xf32>,
        tpu.vector_store_idx %arg12[%add3A_294, %broadcast_in_dim3A_5], %get3A_306 : memref<400x128xf32, #tpu.memory_space<vmem>>[vector<16xi32>, vector<16xi32>], vector<16xf32>,
        %get3A_307 = arith.index_cast %add3A_302 : i32 to index
        %get3A_308 = tpu.vector_load %arg11[%get3A_307] {strides = array<i32>} : memref<3200xf32, #tpu.memory_space<vmem>>, vector<16xf32>,
        tpu.vector_store_idx %arg12[%add3A_294, %broadcast_in_dim3A_7], %get3A_308 : memref<400x128xf32, #tpu.memory_space<vmem>>[vector<16xi32>, vector<16xi32>], vector<16xf32>,
        %mul3A_309 = arith.constant 5 : i32
        %mul3A_310 = arith.muli %scan3A_265, %mul3A_309 : i32
        %add3A_311 = arith.constant 2 : i32
        %add3A_312 = arith.addi %mul3A_310, %add3A_311 : i32
        %mul3A_313 = arith.constant 16 : i32
        %mul3A_314 = arith.muli %add3A_312, %mul3A_313 : i32
        %add3A_315 = vector.broadcast %mul3A_314 : i32 to vector<16xi32>
        %add3A_316 = arith.addi %iota3A, %add3A_315 : vector<16xi32>
        %mul3A_317 = arith.constant 5 : i32
        %mul3A_318 = arith.muli %scan3A_265, %mul3A_317 : i32
        %add3A_319 = arith.constant 2 : i32
        %add3A_320 = arith.addi %mul3A_318, %add3A_319 : i32
        %mul3A_321 = arith.constant 16 : i32
        %mul3A_322 = arith.muli %add3A_320, %mul3A_321 : i32
        %add3A_323 = arith.constant 0 : i32
        %add3A_324 = arith.addi %add3A_323, %mul3A_322 : i32
        %get3A_325 = arith.index_cast %add3A_324 : i32 to index
        %get3A_326 = tpu.vector_load %arg9[%get3A_325] {strides = array<i32>} : memref<3200xf32, #tpu.memory_space<vmem>>, vector<16xf32>,
        tpu.vector_store_idx %arg12[%add3A_316, %broadcast_in_dim3A_3], %get3A_326 : memref<400x128xf32, #tpu.memory_space<vmem>>[vector<16xi32>, vector<16xi32>], vector<16xf32>,
        %get3A_327 = arith.index_cast %add3A_324 : i32 to index
        %get3A_328 = tpu.vector_load %arg10[%get3A_327] {strides = array<i32>} : memref<3200xf32, #tpu.memory_space<vmem>>, vector<16xf32>,
        tpu.vector_store_idx %arg12[%add3A_316, %broadcast_in_dim3A_5], %get3A_328 : memref<400x128xf32, #tpu.memory_space<vmem>>[vector<16xi32>, vector<16xi32>], vector<16xf32>,
        %get3A_329 = arith.index_cast %add3A_324 : i32 to index
        %get3A_330 = tpu.vector_load %arg11[%get3A_329] {strides = array<i32>} : memref<3200xf32, #tpu.memory_space<vmem>>, vector<16xf32>,
        tpu.vector_store_idx %arg12[%add3A_316, %broadcast_in_dim3A_7], %get3A_330 : memref<400x128xf32, #tpu.memory_space<vmem>>[vector<16xi32>, vector<16xi32>], vector<16xf32>,
        %mul3A_331 = arith.constant 5 : i32
        %mul3A_332 = arith.muli %scan3A_265, %mul3A_331 : i32
        %add3A_333 = arith.constant 3 : i32
        %add3A_334 = arith.addi %mul3A_332, %add3A_333 : i32
        %mul3A_335 = arith.constant 16 : i32
        %mul3A_336 = arith.muli %add3A_334, %mul3A_335 : i32
        %add3A_337 = vector.broadcast %mul3A_336 : i32 to vector<16xi32>
        %add3A_338 = arith.addi %iota3A, %add3A_337 : vector<16xi32>
        %mul3A_339 = arith.constant 5 : i32
        %mul3A_340 = arith.muli %scan3A_265, %mul3A_339 : i32
        %add3A_341 = arith.constant 3 : i32
        %add3A_342 = arith.addi %mul3A_340, %add3A_341 : i32
        %mul3A_343 = arith.constant 16 : i32
        %mul3A_344 = arith.muli %add3A_342, %mul3A_343 : i32
        %add3A_345 = arith.constant 0 : i32
        %add3A_346 = arith.addi %add3A_345, %mul3A_344 : i32
        %get3A_347 = arith.index_cast %add3A_346 : i32 to index
        %get3A_348 = tpu.vector_load %arg9[%get3A_347] {strides = array<i32>} : memref<3200xf32, #tpu.memory_space<vmem>>, vector<16xf32>,
        tpu.vector_store_idx %arg12[%add3A_338, %broadcast_in_dim3A_3], %get3A_348 : memref<400x128xf32, #tpu.memory_space<vmem>>[vector<16xi32>, vector<16xi32>], vector<16xf32>,
        %get3A_349 = arith.index_cast %add3A_346 : i32 to index
        %get3A_350 = tpu.vector_load %arg10[%get3A_349] {strides = array<i32>} : memref<3200xf32, #tpu.memory_space<vmem>>, vector<16xf32>,
        tpu.vector_store_idx %arg12[%add3A_338, %broadcast_in_dim3A_5], %get3A_350 : memref<400x128xf32, #tpu.memory_space<vmem>>[vector<16xi32>, vector<16xi32>], vector<16xf32>,
        %get3A_351 = arith.index_cast %add3A_346 : i32 to index
        %get3A_352 = tpu.vector_load %arg11[%get3A_351] {strides = array<i32>} : memref<3200xf32, #tpu.memory_space<vmem>>, vector<16xf32>,
        tpu.vector_store_idx %arg12[%add3A_338, %broadcast_in_dim3A_7], %get3A_352 : memref<400x128xf32, #tpu.memory_space<vmem>>[vector<16xi32>, vector<16xi32>], vector<16xf32>,
        %mul3A_353 = arith.constant 5 : i32
        %mul3A_354 = arith.muli %scan3A_265, %mul3A_353 : i32
        %add3A_355 = arith.constant 4 : i32
        %add3A_356 = arith.addi %mul3A_354, %add3A_355 : i32
        %mul3A_357 = arith.constant 16 : i32
        %mul3A_358 = arith.muli %add3A_356, %mul3A_357 : i32
        %add3A_359 = vector.broadcast %mul3A_358 : i32 to vector<16xi32>
        %add3A_360 = arith.addi %iota3A, %add3A_359 : vector<16xi32>
        %mul3A_361 = arith.constant 5 : i32
        %mul3A_362 = arith.muli %scan3A_265, %mul3A_361 : i32
        %add3A_363 = arith.constant 4 : i32
        %add3A_364 = arith.addi %mul3A_362, %add3A_363 : i32
        %mul3A_365 = arith.constant 16 : i32
        %mul3A_366 = arith.muli %add3A_364, %mul3A_365 : i32
        %add3A_367 = arith.constant 0 : i32
        %add3A_368 = arith.addi %add3A_367, %mul3A_366 : i32
        %get3A_369 = arith.index_cast %add3A_368 : i32 to index
        %get3A_370 = tpu.vector_load %arg9[%get3A_369] {strides = array<i32>} : memref<3200xf32, #tpu.memory_space<vmem>>, vector<16xf32>,
        tpu.vector_store_idx %arg12[%add3A_360, %broadcast_in_dim3A_3], %get3A_370 : memref<400x128xf32, #tpu.memory_space<vmem>>[vector<16xi32>, vector<16xi32>], vector<16xf32>,
        %get3A_371 = arith.index_cast %add3A_368 : i32 to index
        %get3A_372 = tpu.vector_load %arg10[%get3A_371] {strides = array<i32>} : memref<3200xf32, #tpu.memory_space<vmem>>, vector<16xf32>,
        tpu.vector_store_idx %arg12[%add3A_360, %broadcast_in_dim3A_5], %get3A_372 : memref<400x128xf32, #tpu.memory_space<vmem>>[vector<16xi32>, vector<16xi32>], vector<16xf32>,
        %get3A_373 = arith.index_cast %add3A_368 : i32 to index
        %get3A_374 = tpu.vector_load %arg11[%get3A_373] {strides = array<i32>} : memref<3200xf32, #tpu.memory_space<vmem>>, vector<16xf32>,
        tpu.vector_store_idx %arg12[%add3A_360, %broadcast_in_dim3A_7], %get3A_374 : memref<400x128xf32, #tpu.memory_space<vmem>>[vector<16xi32>, vector<16xi32>], vector<16xf32>,
      }
      %scan3A_40 = arith.constant 5 : i32
      %add3A_41 = arith.constant 0 : i32
      %add3A_42 = arith.addi %add3A_20, %add3A_41 : i32
      %dma_start3A_43 = arith.constant 0 : i32
      %dma_start3A_44 = arith.constant 0 : i32
      %dma_start3A_45 = tpu.memref_slice %arg7[%add3A_42, %dma_start3A_43, %dma_start3A_44] : memref<250x400x128xf32, #tpu.memory_space<hbm>> -> memref<1x400x128xf32, #tpu.memory_space<hbm>>
      %dma_start3A_46 = tpu.memref_squeeze %dma_start3A_45 : memref<1x400x128xf32, #tpu.memory_space<hbm>> -> memref<400x128xf32, #tpu.memory_space<hbm>>
      %dma_start3A_47 = arith.constant 0 : i32
      %dma_start3A_48 = arith.constant 0 : i32
      %dma_start3A_49 = tpu.memref_slice %arg7[%add3A_42, %dma_start3A_47, %dma_start3A_48] : memref<250x400x128xf32, #tpu.memory_space<hbm>> -> memref<1x400x128xf32, #tpu.memory_space<hbm>>
      %dma_start3A_50 = tpu.memref_squeeze %dma_start3A_49 : memref<1x400x128xf32, #tpu.memory_space<hbm>> -> memref<400x128xf32, #tpu.memory_space<hbm>>
      tpu.enqueue_dma source(%arg12 : memref<400x128xf32, #tpu.memory_space<vmem>>) target(%dma_start3A_50 : memref<400x128xf32, #tpu.memory_space<hbm>>) target_semaphore(%arg19 : memref<!tpu.dma_semaphore, #tpu.memory_space<semaphore_mem>>)
      %dma_wait3A_51 = arith.constant 400 : i32
      %dma_wait3A_52 = tpu.memref_slice %arg8[%dma_wait3A_51] : memref<3200xi32, #tpu.memory_space<vmem>> -> memref<400xi32, #tpu.memory_space<vmem>>
      %dma_wait3A_53 = arith.constant 0 : i32
      %dma_wait3A_54 = arith.constant 0 : i32
      %dma_wait3A_55 = tpu.memref_slice %arg16[%dma_wait3A_53, %dma_wait3A_54] : memref<5x128xf32, #tpu.memory_space<vmem_shared>> -> memref<5x128xf32, #tpu.memory_space<vmem_shared>>
      tpu.wait_indirect_dma semaphore(%arg18 : memref<!tpu.dma_semaphore, #tpu.memory_space<semaphore_mem>>) src(%dma_wait3A_55 : memref<5x128xf32, #tpu.memory_space<vmem_shared>>) dst(%arg13 : memref<400x128xf32, #tpu.memory_space<vmem>>)
      %dma_wait3A_56 = arith.constant 0 : i32
      %dma_wait3A_57 = arith.constant 0 : i32
      %dma_wait3A_58 = arith.constant 0 : i32
      %dma_wait3A_59 = tpu.memref_slice %arg7[%dma_wait3A_56, %dma_wait3A_57, %dma_wait3A_58] : memref<250x400x128xf32, #tpu.memory_space<hbm>> -> memref<1x400x128xf32, #tpu.memory_space<hbm>>
      %dma_wait3A_60 = tpu.memref_squeeze %dma_wait3A_59 : memref<1x400x128xf32, #tpu.memory_space<hbm>> -> memref<400x128xf32, #tpu.memory_space<hbm>>
      %dma_wait3A_61 = arith.constant 0 : i32
      %dma_wait3A_62 = arith.constant 0 : i32
      %dma_wait3A_63 = tpu.memref_slice %arg7[%dma_wait3A_56, %dma_wait3A_61, %dma_wait3A_62] : memref<250x400x128xf32, #tpu.memory_space<hbm>> -> memref<1x400x128xf32, #tpu.memory_space<hbm>>
      %dma_wait3A_64 = tpu.memref_squeeze %dma_wait3A_63 : memref<1x400x128xf32, #tpu.memory_space<hbm>> -> memref<400x128xf32, #tpu.memory_space<hbm>>
      tpu.wait_dma2 semaphore(%arg19 : memref<!tpu.dma_semaphore, #tpu.memory_space<semaphore_mem>>) src(%arg12 : memref<400x128xf32, #tpu.memory_space<vmem>>) dst(%dma_wait3A_64 : memref<400x128xf32, #tpu.memory_space<hbm>>)
      %dma_start3A_65 = arith.constant 800 : i32
      %dma_start3A_66 = tpu.memref_slice %arg8[%dma_start3A_65] : memref<3200xi32, #tpu.memory_space<vmem>> -> memref<400xi32, #tpu.memory_space<vmem>>
      %dma_start3A_67 = arith.constant 0 : i32
      %dma_start3A_68 = arith.constant 0 : i32
      %dma_start3A_69 = tpu.memref_slice %arg16[%dma_start3A_67, %dma_start3A_68] : memref<5x128xf32, #tpu.memory_space<vmem_shared>> -> memref<5x128xf32, #tpu.memory_space<vmem_shared>>
      tpu.enqueue_indirect_dma source(%dma_start3A_69 : memref<5x128xf32, #tpu.memory_space<vmem_shared>>) target(%arg12 : memref<400x128xf32, #tpu.memory_space<vmem>>) offsets(%dma_start3A_66 : memref<400xi32, #tpu.memory_space<vmem>>) semaphore(%arg17 : memref<!tpu.dma_semaphore, #tpu.memory_space<semaphore_mem>>)
      %scan3A_70 = arith.constant 0 : i32
      %scan3A_71 = arith.constant 0 : i32
      %scan3A_72 = arith.constant 5 : i32
      %scan3A_73 = arith.addi %scan3A_71, %scan3A_72 : i32
      %scan3A_74 = arith.constant 1 : i32
      scf.for %scan3A_265 = %scan3A_71 to %scan3A_73 step %scan3A_74  : i32 {
        %mul3A_266 = arith.constant 5 : i32
        %mul3A_267 = arith.muli %scan3A_265, %mul3A_266 : i32
        %add3A_268 = arith.constant 0 : i32
        %add3A_269 = arith.addi %mul3A_267, %add3A_268 : i32
        %mul3A_270 = arith.constant 16 : i32
        %mul3A_271 = arith.muli %add3A_269, %mul3A_270 : i32
        %add3A_272 = vector.broadcast %mul3A_271 : i32 to vector<16xi32>
        %add3A_273 = arith.addi %iota3A, %add3A_272 : vector<16xi32>
        %mul3A_274 = arith.constant 5 : i32
        %mul3A_275 = arith.muli %scan3A_265, %mul3A_274 : i32
        %add3A_276 = arith.constant 0 : i32
        %add3A_277 = arith.addi %mul3A_275, %add3A_276 : i32
        %mul3A_278 = arith.constant 16 : i32
        %mul3A_279 = arith.muli %add3A_277, %mul3A_278 : i32
        %add3A_280 = arith.constant 400 : i32
        %add3A_281 = arith.addi %add3A_280, %mul3A_279 : i32
        %get3A = arith.index_cast %add3A_281 : i32 to index
        %get3A_282 = tpu.vector_load %arg9[%get3A] {strides = array<i32>} : memref<3200xf32, #tpu.memory_space<vmem>>, vector<16xf32>,
        tpu.vector_store_idx %arg13[%add3A_273, %broadcast_in_dim3A_3], %get3A_282 : memref<400x128xf32, #tpu.memory_space<vmem>>[vector<16xi32>, vector<16xi32>], vector<16xf32>,
        %get3A_283 = arith.index_cast %add3A_281 : i32 to index
        %get3A_284 = tpu.vector_load %arg10[%get3A_283] {strides = array<i32>} : memref<3200xf32, #tpu.memory_space<vmem>>, vector<16xf32>,
        tpu.vector_store_idx %arg13[%add3A_273, %broadcast_in_dim3A_5], %get3A_284 : memref<400x128xf32, #tpu.memory_space<vmem>>[vector<16xi32>, vector<16xi32>], vector<16xf32>,
        %get3A_285 = arith.index_cast %add3A_281 : i32 to index
        %get3A_286 = tpu.vector_load %arg11[%get3A_285] {strides = array<i32>} : memref<3200xf32, #tpu.memory_space<vmem>>, vector<16xf32>,
        tpu.vector_store_idx %arg13[%add3A_273, %broadcast_in_dim3A_7], %get3A_286 : memref<400x128xf32, #tpu.memory_space<vmem>>[vector<16xi32>, vector<16xi32>], vector<16xf32>,
        %mul3A_287 = arith.constant 5 : i32
        %mul3A_288 = arith.muli %scan3A_265, %mul3A_287 : i32
        %add3A_289 = arith.constant 1 : i32
        %add3A_290 = arith.addi %mul3A_288, %add3A_289 : i32
        %mul3A_291 = arith.constant 16 : i32
        %mul3A_292 = arith.muli %add3A_290, %mul3A_291 : i32
        %add3A_293 = vector.broadcast %mul3A_292 : i32 to vector<16xi32>
        %add3A_294 = arith.addi %iota3A, %add3A_293 : vector<16xi32>
        %mul3A_295 = arith.constant 5 : i32
        %mul3A_296 = arith.muli %scan3A_265, %mul3A_295 : i32
        %add3A_297 = arith.constant 1 : i32
        %add3A_298 = arith.addi %mul3A_296, %add3A_297 : i32
        %mul3A_299 = arith.constant 16 : i32
        %mul3A_300 = arith.muli %add3A_298, %mul3A_299 : i32
        %add3A_301 = arith.constant 400 : i32
        %add3A_302 = arith.addi %add3A_301, %mul3A_300 : i32
        %get3A_303 = arith.index_cast %add3A_302 : i32 to index
        %get3A_304 = tpu.vector_load %arg9[%get3A_303] {strides = array<i32>} : memref<3200xf32, #tpu.memory_space<vmem>>, vector<16xf32>,
        tpu.vector_store_idx %arg13[%add3A_294, %broadcast_in_dim3A_3], %get3A_304 : memref<400x128xf32, #tpu.memory_space<vmem>>[vector<16xi32>, vector<16xi32>], vector<16xf32>,
        %get3A_305 = arith.index_cast %add3A_302 : i32 to index
        %get3A_306 = tpu.vector_load %arg10[%get3A_305] {strides = array<i32>} : memref<3200xf32, #tpu.memory_space<vmem>>, vector<16xf32>,
        tpu.vector_store_idx %arg13[%add3A_294, %broadcast_in_dim3A_5], %get3A_306 : memref<400x128xf32, #tpu.memory_space<vmem>>[vector<16xi32>, vector<16xi32>], vector<16xf32>,
        %get3A_307 = arith.index_cast %add3A_302 : i32 to index
        %get3A_308 = tpu.vector_load %arg11[%get3A_307] {strides = array<i32>} : memref<3200xf32, #tpu.memory_space<vmem>>, vector<16xf32>,
        tpu.vector_store_idx %arg13[%add3A_294, %broadcast_in_dim3A_7], %get3A_308 : memref<400x128xf32, #tpu.memory_space<vmem>>[vector<16xi32>, vector<16xi32>], vector<16xf32>,
        %mul3A_309 = arith.constant 5 : i32
        %mul3A_310 = arith.muli %scan3A_265, %mul3A_309 : i32
        %add3A_311 = arith.constant 2 : i32
        %add3A_312 = arith.addi %mul3A_310, %add3A_311 : i32
        %mul3A_313 = arith.constant 16 : i32
        %mul3A_314 = arith.muli %add3A_312, %mul3A_313 : i32
        %add3A_315 = vector.broadcast %mul3A_314 : i32 to vector<16xi32>
        %add3A_316 = arith.addi %iota3A, %add3A_315 : vector<16xi32>
        %mul3A_317 = arith.constant 5 : i32
        %mul3A_318 = arith.muli %scan3A_265, %mul3A_317 : i32
        %add3A_319 = arith.constant 2 : i32
        %add3A_320 = arith.addi %mul3A_318, %add3A_319 : i32
        %mul3A_321 = arith.constant 16 : i32
        %mul3A_322 = arith.muli %add3A_320, %mul3A_321 : i32
        %add3A_323 = arith.constant 400 : i32
        %add3A_324 = arith.addi %add3A_323, %mul3A_322 : i32
        %get3A_325 = arith.index_cast %add3A_324 : i32 to index
        %get3A_326 = tpu.vector_load %arg9[%get3A_325] {strides = array<i32>} : memref<3200xf32, #tpu.memory_space<vmem>>, vector<16xf32>,
        tpu.vector_store_idx %arg13[%add3A_316, %broadcast_in_dim3A_3], %get3A_326 : memref<400x128xf32, #tpu.memory_space<vmem>>[vector<16xi32>, vector<16xi32>], vector<16xf32>,
        %get3A_327 = arith.index_cast %add3A_324 : i32 to index
        %get3A_328 = tpu.vector_load %arg10[%get3A_327] {strides = array<i32>} : memref<3200xf32, #tpu.memory_space<vmem>>, vector<16xf32>,
        tpu.vector_store_idx %arg13[%add3A_316, %broadcast_in_dim3A_5], %get3A_328 : memref<400x128xf32, #tpu.memory_space<vmem>>[vector<16xi32>, vector<16xi32>], vector<16xf32>,
        %get3A_329 = arith.index_cast %add3A_324 : i32 to index
        %get3A_330 = tpu.vector_load %arg11[%get3A_329] {strides = array<i32>} : memref<3200xf32, #tpu.memory_space<vmem>>, vector<16xf32>,
        tpu.vector_store_idx %arg13[%add3A_316, %broadcast_in_dim3A_7], %get3A_330 : memref<400x128xf32, #tpu.memory_space<vmem>>[vector<16xi32>, vector<16xi32>], vector<16xf32>,
        %mul3A_331 = arith.constant 5 : i32
        %mul3A_332 = arith.muli %scan3A_265, %mul3A_331 : i32
        %add3A_333 = arith.constant 3 : i32
        %add3A_334 = arith.addi %mul3A_332, %add3A_333 : i32
        %mul3A_335 = arith.constant 16 : i32
        %mul3A_336 = arith.muli %add3A_334, %mul3A_335 : i32
        %add3A_337 = vector.broadcast %mul3A_336 : i32 to vector<16xi32>
        %add3A_338 = arith.addi %iota3A, %add3A_337 : vector<16xi32>
        %mul3A_339 = arith.constant 5 : i32
        %mul3A_340 = arith.muli %scan3A_265, %mul3A_339 : i32
        %add3A_341 = arith.constant 3 : i32
        %add3A_342 = arith.addi %mul3A_340, %add3A_341 : i32
        %mul3A_343 = arith.constant 16 : i32
        %mul3A_344 = arith.muli %add3A_342, %mul3A_343 : i32
        %add3A_345 = arith.constant 400 : i32
        %add3A_346 = arith.addi %add3A_345, %mul3A_344 : i32
        %get3A_347 = arith.index_cast %add3A_346 : i32 to index
        %get3A_348 = tpu.vector_load %arg9[%get3A_347] {strides = array<i32>} : memref<3200xf32, #tpu.memory_space<vmem>>, vector<16xf32>,
        tpu.vector_store_idx %arg13[%add3A_338, %broadcast_in_dim3A_3], %get3A_348 : memref<400x128xf32, #tpu.memory_space<vmem>>[vector<16xi32>, vector<16xi32>], vector<16xf32>,
        %get3A_349 = arith.index_cast %add3A_346 : i32 to index
        %get3A_350 = tpu.vector_load %arg10[%get3A_349] {strides = array<i32>} : memref<3200xf32, #tpu.memory_space<vmem>>, vector<16xf32>,
        tpu.vector_store_idx %arg13[%add3A_338, %broadcast_in_dim3A_5], %get3A_350 : memref<400x128xf32, #tpu.memory_space<vmem>>[vector<16xi32>, vector<16xi32>], vector<16xf32>,
        %get3A_351 = arith.index_cast %add3A_346 : i32 to index
        %get3A_352 = tpu.vector_load %arg11[%get3A_351] {strides = array<i32>} : memref<3200xf32, #tpu.memory_space<vmem>>, vector<16xf32>,
        tpu.vector_store_idx %arg13[%add3A_338, %broadcast_in_dim3A_7], %get3A_352 : memref<400x128xf32, #tpu.memory_space<vmem>>[vector<16xi32>, vector<16xi32>], vector<16xf32>,
        %mul3A_353 = arith.constant 5 : i32
        %mul3A_354 = arith.muli %scan3A_265, %mul3A_353 : i32
        %add3A_355 = arith.constant 4 : i32
        %add3A_356 = arith.addi %mul3A_354, %add3A_355 : i32
        %mul3A_357 = arith.constant 16 : i32
        %mul3A_358 = arith.muli %add3A_356, %mul3A_357 : i32
        %add3A_359 = vector.broadcast %mul3A_358 : i32 to vector<16xi32>
        %add3A_360 = arith.addi %iota3A, %add3A_359 : vector<16xi32>
        %mul3A_361 = arith.constant 5 : i32
        %mul3A_362 = arith.muli %scan3A_265, %mul3A_361 : i32
        %add3A_363 = arith.constant 4 : i32
        %add3A_364 = arith.addi %mul3A_362, %add3A_363 : i32
        %mul3A_365 = arith.constant 16 : i32
        %mul3A_366 = arith.muli %add3A_364, %mul3A_365 : i32
        %add3A_367 = arith.constant 400 : i32
        %add3A_368 = arith.addi %add3A_367, %mul3A_366 : i32
        %get3A_369 = arith.index_cast %add3A_368 : i32 to index
        %get3A_370 = tpu.vector_load %arg9[%get3A_369] {strides = array<i32>} : memref<3200xf32, #tpu.memory_space<vmem>>, vector<16xf32>,
        tpu.vector_store_idx %arg13[%add3A_360, %broadcast_in_dim3A_3], %get3A_370 : memref<400x128xf32, #tpu.memory_space<vmem>>[vector<16xi32>, vector<16xi32>], vector<16xf32>,
        %get3A_371 = arith.index_cast %add3A_368 : i32 to index
        %get3A_372 = tpu.vector_load %arg10[%get3A_371] {strides = array<i32>} : memref<3200xf32, #tpu.memory_space<vmem>>, vector<16xf32>,
        tpu.vector_store_idx %arg13[%add3A_360, %broadcast_in_dim3A_5], %get3A_372 : memref<400x128xf32, #tpu.memory_space<vmem>>[vector<16xi32>, vector<16xi32>], vector<16xf32>,
        %get3A_373 = arith.index_cast %add3A_368 : i32 to index
        %get3A_374 = tpu.vector_load %arg11[%get3A_373] {strides = array<i32>} : memref<3200xf32, #tpu.memory_space<vmem>>, vector<16xf32>,
        tpu.vector_store_idx %arg13[%add3A_360, %broadcast_in_dim3A_7], %get3A_374 : memref<400x128xf32, #tpu.memory_space<vmem>>[vector<16xi32>, vector<16xi32>], vector<16xf32>,
      }
      %scan3A_75 = arith.constant 5 : i32
      %add3A_76 = arith.constant 1 : i32
      %add3A_77 = arith.addi %add3A_20, %add3A_76 : i32
      %dma_start3A_78 = arith.constant 0 : i32
      %dma_start3A_79 = arith.constant 0 : i32
      %dma_start3A_80 = tpu.memref_slice %arg7[%add3A_77, %dma_start3A_78, %dma_start3A_79] : memref<250x400x128xf32, #tpu.memory_space<hbm>> -> memref<1x400x128xf32, #tpu.memory_space<hbm>>
      %dma_start3A_81 = tpu.memref_squeeze %dma_start3A_80 : memref<1x400x128xf32, #tpu.memory_space<hbm>> -> memref<400x128xf32, #tpu.memory_space<hbm>>
      %dma_start3A_82 = arith.constant 0 : i32
      %dma_start3A_83 = arith.constant 0 : i32
      %dma_start3A_84 = tpu.memref_slice %arg7[%add3A_77, %dma_start3A_82, %dma_start3A_83] : memref<250x400x128xf32, #tpu.memory_space<hbm>> -> memref<1x400x128xf32, #tpu.memory_space<hbm>>
      %dma_start3A_85 = tpu.memref_squeeze %dma_start3A_84 : memref<1x400x128xf32, #tpu.memory_space<hbm>> -> memref<400x128xf32, #tpu.memory_space<hbm>>
      tpu.enqueue_dma source(%arg13 : memref<400x128xf32, #tpu.memory_space<vmem>>) target(%dma_start3A_85 : memref<400x128xf32, #tpu.memory_space<hbm>>) target_semaphore(%arg20 : memref<!tpu.dma_semaphore, #tpu.memory_space<semaphore_mem>>)
      %dma_wait3A_86 = arith.constant 800 : i32
      %dma_wait3A_87 = tpu.memref_slice %arg8[%dma_wait3A_86] : memref<3200xi32, #tpu.memory_space<vmem>> -> memref<400xi32, #tpu.memory_space<vmem>>
      %dma_wait3A_88 = arith.constant 0 : i32
      %dma_wait3A_89 = arith.constant 0 : i32
      %dma_wait3A_90 = tpu.memref_slice %arg16[%dma_wait3A_88, %dma_wait3A_89] : memref<5x128xf32, #tpu.memory_space<vmem_shared>> -> memref<5x128xf32, #tpu.memory_space<vmem_shared>>
      tpu.wait_indirect_dma semaphore(%arg17 : memref<!tpu.dma_semaphore, #tpu.memory_space<semaphore_mem>>) src(%dma_wait3A_90 : memref<5x128xf32, #tpu.memory_space<vmem_shared>>) dst(%arg12 : memref<400x128xf32, #tpu.memory_space<vmem>>)
      %dma_wait3A_91 = arith.constant 0 : i32
      %dma_wait3A_92 = arith.constant 0 : i32
      %dma_wait3A_93 = arith.constant 0 : i32
      %dma_wait3A_94 = tpu.memref_slice %arg7[%dma_wait3A_91, %dma_wait3A_92, %dma_wait3A_93] : memref<250x400x128xf32, #tpu.memory_space<hbm>> -> memref<1x400x128xf32, #tpu.memory_space<hbm>>
      %dma_wait3A_95 = tpu.memref_squeeze %dma_wait3A_94 : memref<1x400x128xf32, #tpu.memory_space<hbm>> -> memref<400x128xf32, #tpu.memory_space<hbm>>
      %dma_wait3A_96 = arith.constant 0 : i32
      %dma_wait3A_97 = arith.constant 0 : i32
      %dma_wait3A_98 = tpu.memref_slice %arg7[%dma_wait3A_91, %dma_wait3A_96, %dma_wait3A_97] : memref<250x400x128xf32, #tpu.memory_space<hbm>> -> memref<1x400x128xf32, #tpu.memory_space<hbm>>
      %dma_wait3A_99 = tpu.memref_squeeze %dma_wait3A_98 : memref<1x400x128xf32, #tpu.memory_space<hbm>> -> memref<400x128xf32, #tpu.memory_space<hbm>>
      tpu.wait_dma2 semaphore(%arg20 : memref<!tpu.dma_semaphore, #tpu.memory_space<semaphore_mem>>) src(%arg13 : memref<400x128xf32, #tpu.memory_space<vmem>>) dst(%dma_wait3A_99 : memref<400x128xf32, #tpu.memory_space<hbm>>)
      %dma_start3A_100 = arith.constant 1200 : i32
      %dma_start3A_101 = tpu.memref_slice %arg8[%dma_start3A_100] : memref<3200xi32, #tpu.memory_space<vmem>> -> memref<400xi32, #tpu.memory_space<vmem>>
      %dma_start3A_102 = arith.constant 0 : i32
      %dma_start3A_103 = arith.constant 0 : i32
      %dma_start3A_104 = tpu.memref_slice %arg16[%dma_start3A_102, %dma_start3A_103] : memref<5x128xf32, #tpu.memory_space<vmem_shared>> -> memref<5x128xf32, #tpu.memory_space<vmem_shared>>
      tpu.enqueue_indirect_dma source(%dma_start3A_104 : memref<5x128xf32, #tpu.memory_space<vmem_shared>>) target(%arg13 : memref<400x128xf32, #tpu.memory_space<vmem>>) offsets(%dma_start3A_101 : memref<400xi32, #tpu.memory_space<vmem>>) semaphore(%arg18 : memref<!tpu.dma_semaphore, #tpu.memory_space<semaphore_mem>>)
      %scan3A_105 = arith.constant 0 : i32
      %scan3A_106 = arith.constant 0 : i32
      %scan3A_107 = arith.constant 5 : i32
      %scan3A_108 = arith.addi %scan3A_106, %scan3A_107 : i32
      %scan3A_109 = arith.constant 1 : i32
      scf.for %scan3A_265 = %scan3A_106 to %scan3A_108 step %scan3A_109  : i32 {
        %mul3A_266 = arith.constant 5 : i32
        %mul3A_267 = arith.muli %scan3A_265, %mul3A_266 : i32
        %add3A_268 = arith.constant 0 : i32
        %add3A_269 = arith.addi %mul3A_267, %add3A_268 : i32
        %mul3A_270 = arith.constant 16 : i32
        %mul3A_271 = arith.muli %add3A_269, %mul3A_270 : i32
        %add3A_272 = vector.broadcast %mul3A_271 : i32 to vector<16xi32>
        %add3A_273 = arith.addi %iota3A, %add3A_272 : vector<16xi32>
        %mul3A_274 = arith.constant 5 : i32
        %mul3A_275 = arith.muli %scan3A_265, %mul3A_274 : i32
        %add3A_276 = arith.constant 0 : i32
        %add3A_277 = arith.addi %mul3A_275, %add3A_276 : i32
        %mul3A_278 = arith.constant 16 : i32
        %mul3A_279 = arith.muli %add3A_277, %mul3A_278 : i32
        %add3A_280 = arith.constant 800 : i32
        %add3A_281 = arith.addi %add3A_280, %mul3A_279 : i32
        %get3A = arith.index_cast %add3A_281 : i32 to index
        %get3A_282 = tpu.vector_load %arg9[%get3A] {strides = array<i32>} : memref<3200xf32, #tpu.memory_space<vmem>>, vector<16xf32>,
        tpu.vector_store_idx %arg12[%add3A_273, %broadcast_in_dim3A_3], %get3A_282 : memref<400x128xf32, #tpu.memory_space<vmem>>[vector<16xi32>, vector<16xi32>], vector<16xf32>,
        %get3A_283 = arith.index_cast %add3A_281 : i32 to index
        %get3A_284 = tpu.vector_load %arg10[%get3A_283] {strides = array<i32>} : memref<3200xf32, #tpu.memory_space<vmem>>, vector<16xf32>,
        tpu.vector_store_idx %arg12[%add3A_273, %broadcast_in_dim3A_5], %get3A_284 : memref<400x128xf32, #tpu.memory_space<vmem>>[vector<16xi32>, vector<16xi32>], vector<16xf32>,
        %get3A_285 = arith.index_cast %add3A_281 : i32 to index
        %get3A_286 = tpu.vector_load %arg11[%get3A_285] {strides = array<i32>} : memref<3200xf32, #tpu.memory_space<vmem>>, vector<16xf32>,
        tpu.vector_store_idx %arg12[%add3A_273, %broadcast_in_dim3A_7], %get3A_286 : memref<400x128xf32, #tpu.memory_space<vmem>>[vector<16xi32>, vector<16xi32>], vector<16xf32>,
        %mul3A_287 = arith.constant 5 : i32
        %mul3A_288 = arith.muli %scan3A_265, %mul3A_287 : i32
        %add3A_289 = arith.constant 1 : i32
        %add3A_290 = arith.addi %mul3A_288, %add3A_289 : i32
        %mul3A_291 = arith.constant 16 : i32
        %mul3A_292 = arith.muli %add3A_290, %mul3A_291 : i32
        %add3A_293 = vector.broadcast %mul3A_292 : i32 to vector<16xi32>
        %add3A_294 = arith.addi %iota3A, %add3A_293 : vector<16xi32>
        %mul3A_295 = arith.constant 5 : i32
        %mul3A_296 = arith.muli %scan3A_265, %mul3A_295 : i32
        %add3A_297 = arith.constant 1 : i32
        %add3A_298 = arith.addi %mul3A_296, %add3A_297 : i32
        %mul3A_299 = arith.constant 16 : i32
        %mul3A_300 = arith.muli %add3A_298, %mul3A_299 : i32
        %add3A_301 = arith.constant 800 : i32
        %add3A_302 = arith.addi %add3A_301, %mul3A_300 : i32
        %get3A_303 = arith.index_cast %add3A_302 : i32 to index
        %get3A_304 = tpu.vector_load %arg9[%get3A_303] {strides = array<i32>} : memref<3200xf32, #tpu.memory_space<vmem>>, vector<16xf32>,
        tpu.vector_store_idx %arg12[%add3A_294, %broadcast_in_dim3A_3], %get3A_304 : memref<400x128xf32, #tpu.memory_space<vmem>>[vector<16xi32>, vector<16xi32>], vector<16xf32>,
        %get3A_305 = arith.index_cast %add3A_302 : i32 to index
        %get3A_306 = tpu.vector_load %arg10[%get3A_305] {strides = array<i32>} : memref<3200xf32, #tpu.memory_space<vmem>>, vector<16xf32>,
        tpu.vector_store_idx %arg12[%add3A_294, %broadcast_in_dim3A_5], %get3A_306 : memref<400x128xf32, #tpu.memory_space<vmem>>[vector<16xi32>, vector<16xi32>], vector<16xf32>,
        %get3A_307 = arith.index_cast %add3A_302 : i32 to index
        %get3A_308 = tpu.vector_load %arg11[%get3A_307] {strides = array<i32>} : memref<3200xf32, #tpu.memory_space<vmem>>, vector<16xf32>,
        tpu.vector_store_idx %arg12[%add3A_294, %broadcast_in_dim3A_7], %get3A_308 : memref<400x128xf32, #tpu.memory_space<vmem>>[vector<16xi32>, vector<16xi32>], vector<16xf32>,
        %mul3A_309 = arith.constant 5 : i32
        %mul3A_310 = arith.muli %scan3A_265, %mul3A_309 : i32
        %add3A_311 = arith.constant 2 : i32
        %add3A_312 = arith.addi %mul3A_310, %add3A_311 : i32
        %mul3A_313 = arith.constant 16 : i32
        %mul3A_314 = arith.muli %add3A_312, %mul3A_313 : i32
        %add3A_315 = vector.broadcast %mul3A_314 : i32 to vector<16xi32>
        %add3A_316 = arith.addi %iota3A, %add3A_315 : vector<16xi32>
        %mul3A_317 = arith.constant 5 : i32
        %mul3A_318 = arith.muli %scan3A_265, %mul3A_317 : i32
        %add3A_319 = arith.constant 2 : i32
        %add3A_320 = arith.addi %mul3A_318, %add3A_319 : i32
        %mul3A_321 = arith.constant 16 : i32
        %mul3A_322 = arith.muli %add3A_320, %mul3A_321 : i32
        %add3A_323 = arith.constant 800 : i32
        %add3A_324 = arith.addi %add3A_323, %mul3A_322 : i32
        %get3A_325 = arith.index_cast %add3A_324 : i32 to index
        %get3A_326 = tpu.vector_load %arg9[%get3A_325] {strides = array<i32>} : memref<3200xf32, #tpu.memory_space<vmem>>, vector<16xf32>,
        tpu.vector_store_idx %arg12[%add3A_316, %broadcast_in_dim3A_3], %get3A_326 : memref<400x128xf32, #tpu.memory_space<vmem>>[vector<16xi32>, vector<16xi32>], vector<16xf32>,
        %get3A_327 = arith.index_cast %add3A_324 : i32 to index
        %get3A_328 = tpu.vector_load %arg10[%get3A_327] {strides = array<i32>} : memref<3200xf32, #tpu.memory_space<vmem>>, vector<16xf32>,
        tpu.vector_store_idx %arg12[%add3A_316, %broadcast_in_dim3A_5], %get3A_328 : memref<400x128xf32, #tpu.memory_space<vmem>>[vector<16xi32>, vector<16xi32>], vector<16xf32>,
        %get3A_329 = arith.index_cast %add3A_324 : i32 to index
        %get3A_330 = tpu.vector_load %arg11[%get3A_329] {strides = array<i32>} : memref<3200xf32, #tpu.memory_space<vmem>>, vector<16xf32>,
        tpu.vector_store_idx %arg12[%add3A_316, %broadcast_in_dim3A_7], %get3A_330 : memref<400x128xf32, #tpu.memory_space<vmem>>[vector<16xi32>, vector<16xi32>], vector<16xf32>,
        %mul3A_331 = arith.constant 5 : i32
        %mul3A_332 = arith.muli %scan3A_265, %mul3A_331 : i32
        %add3A_333 = arith.constant 3 : i32
        %add3A_334 = arith.addi %mul3A_332, %add3A_333 : i32
        %mul3A_335 = arith.constant 16 : i32
        %mul3A_336 = arith.muli %add3A_334, %mul3A_335 : i32
        %add3A_337 = vector.broadcast %mul3A_336 : i32 to vector<16xi32>
        %add3A_338 = arith.addi %iota3A, %add3A_337 : vector<16xi32>
        %mul3A_339 = arith.constant 5 : i32
        %mul3A_340 = arith.muli %scan3A_265, %mul3A_339 : i32
        %add3A_341 = arith.constant 3 : i32
        %add3A_342 = arith.addi %mul3A_340, %add3A_341 : i32
        %mul3A_343 = arith.constant 16 : i32
        %mul3A_344 = arith.muli %add3A_342, %mul3A_343 : i32
        %add3A_345 = arith.constant 800 : i32
        %add3A_346 = arith.addi %add3A_345, %mul3A_344 : i32
        %get3A_347 = arith.index_cast %add3A_346 : i32 to index
        %get3A_348 = tpu.vector_load %arg9[%get3A_347] {strides = array<i32>} : memref<3200xf32, #tpu.memory_space<vmem>>, vector<16xf32>,
        tpu.vector_store_idx %arg12[%add3A_338, %broadcast_in_dim3A_3], %get3A_348 : memref<400x128xf32, #tpu.memory_space<vmem>>[vector<16xi32>, vector<16xi32>], vector<16xf32>,
        %get3A_349 = arith.index_cast %add3A_346 : i32 to index
        %get3A_350 = tpu.vector_load %arg10[%get3A_349] {strides = array<i32>} : memref<3200xf32, #tpu.memory_space<vmem>>, vector<16xf32>,
        tpu.vector_store_idx %arg12[%add3A_338, %broadcast_in_dim3A_5], %get3A_350 : memref<400x128xf32, #tpu.memory_space<vmem>>[vector<16xi32>, vector<16xi32>], vector<16xf32>,
        %get3A_351 = arith.index_cast %add3A_346 : i32 to index
        %get3A_352 = tpu.vector_load %arg11[%get3A_351] {strides = array<i32>} : memref<3200xf32, #tpu.memory_space<vmem>>, vector<16xf32>,
        tpu.vector_store_idx %arg12[%add3A_338, %broadcast_in_dim3A_7], %get3A_352 : memref<400x128xf32, #tpu.memory_space<vmem>>[vector<16xi32>, vector<16xi32>], vector<16xf32>,
        %mul3A_353 = arith.constant 5 : i32
        %mul3A_354 = arith.muli %scan3A_265, %mul3A_353 : i32
        %add3A_355 = arith.constant 4 : i32
        %add3A_356 = arith.addi %mul3A_354, %add3A_355 : i32
        %mul3A_357 = arith.constant 16 : i32
        %mul3A_358 = arith.muli %add3A_356, %mul3A_357 : i32
        %add3A_359 = vector.broadcast %mul3A_358 : i32 to vector<16xi32>
        %add3A_360 = arith.addi %iota3A, %add3A_359 : vector<16xi32>
        %mul3A_361 = arith.constant 5 : i32
        %mul3A_362 = arith.muli %scan3A_265, %mul3A_361 : i32
        %add3A_363 = arith.constant 4 : i32
        %add3A_364 = arith.addi %mul3A_362, %add3A_363 : i32
        %mul3A_365 = arith.constant 16 : i32
        %mul3A_366 = arith.muli %add3A_364, %mul3A_365 : i32
        %add3A_367 = arith.constant 800 : i32
        %add3A_368 = arith.addi %add3A_367, %mul3A_366 : i32
        %get3A_369 = arith.index_cast %add3A_368 : i32 to index
        %get3A_370 = tpu.vector_load %arg9[%get3A_369] {strides = array<i32>} : memref<3200xf32, #tpu.memory_space<vmem>>, vector<16xf32>,
        tpu.vector_store_idx %arg12[%add3A_360, %broadcast_in_dim3A_3], %get3A_370 : memref<400x128xf32, #tpu.memory_space<vmem>>[vector<16xi32>, vector<16xi32>], vector<16xf32>,
        %get3A_371 = arith.index_cast %add3A_368 : i32 to index
        %get3A_372 = tpu.vector_load %arg10[%get3A_371] {strides = array<i32>} : memref<3200xf32, #tpu.memory_space<vmem>>, vector<16xf32>,
        tpu.vector_store_idx %arg12[%add3A_360, %broadcast_in_dim3A_5], %get3A_372 : memref<400x128xf32, #tpu.memory_space<vmem>>[vector<16xi32>, vector<16xi32>], vector<16xf32>,
        %get3A_373 = arith.index_cast %add3A_368 : i32 to index
        %get3A_374 = tpu.vector_load %arg11[%get3A_373] {strides = array<i32>} : memref<3200xf32, #tpu.memory_space<vmem>>, vector<16xf32>,
        tpu.vector_store_idx %arg12[%add3A_360, %broadcast_in_dim3A_7], %get3A_374 : memref<400x128xf32, #tpu.memory_space<vmem>>[vector<16xi32>, vector<16xi32>], vector<16xf32>,
      }
      %scan3A_110 = arith.constant 5 : i32
      %add3A_111 = arith.constant 2 : i32
      %add3A_112 = arith.addi %add3A_20, %add3A_111 : i32
      %dma_start3A_113 = arith.constant 0 : i32
      %dma_start3A_114 = arith.constant 0 : i32
      %dma_start3A_115 = tpu.memref_slice %arg7[%add3A_112, %dma_start3A_113, %dma_start3A_114] : memref<250x400x128xf32, #tpu.memory_space<hbm>> -> memref<1x400x128xf32, #tpu.memory_space<hbm>>
      %dma_start3A_116 = tpu.memref_squeeze %dma_start3A_115 : memref<1x400x128xf32, #tpu.memory_space<hbm>> -> memref<400x128xf32, #tpu.memory_space<hbm>>
      %dma_start3A_117 = arith.constant 0 : i32
      %dma_start3A_118 = arith.constant 0 : i32
      %dma_start3A_119 = tpu.memref_slice %arg7[%add3A_112, %dma_start3A_117, %dma_start3A_118] : memref<250x400x128xf32, #tpu.memory_space<hbm>> -> memref<1x400x128xf32, #tpu.memory_space<hbm>>
      %dma_start3A_120 = tpu.memref_squeeze %dma_start3A_119 : memref<1x400x128xf32, #tpu.memory_space<hbm>> -> memref<400x128xf32, #tpu.memory_space<hbm>>
      tpu.enqueue_dma source(%arg12 : memref<400x128xf32, #tpu.memory_space<vmem>>) target(%dma_start3A_120 : memref<400x128xf32, #tpu.memory_space<hbm>>) target_semaphore(%arg19 : memref<!tpu.dma_semaphore, #tpu.memory_space<semaphore_mem>>)
      %dma_wait3A_121 = arith.constant 1200 : i32
      %dma_wait3A_122 = tpu.memref_slice %arg8[%dma_wait3A_121] : memref<3200xi32, #tpu.memory_space<vmem>> -> memref<400xi32, #tpu.memory_space<vmem>>
      %dma_wait3A_123 = arith.constant 0 : i32
      %dma_wait3A_124 = arith.constant 0 : i32
      %dma_wait3A_125 = tpu.memref_slice %arg16[%dma_wait3A_123, %dma_wait3A_124] : memref<5x128xf32, #tpu.memory_space<vmem_shared>> -> memref<5x128xf32, #tpu.memory_space<vmem_shared>>
      tpu.wait_indirect_dma semaphore(%arg18 : memref<!tpu.dma_semaphore, #tpu.memory_space<semaphore_mem>>) src(%dma_wait3A_125 : memref<5x128xf32, #tpu.memory_space<vmem_shared>>) dst(%arg13 : memref<400x128xf32, #tpu.memory_space<vmem>>)
      %dma_wait3A_126 = arith.constant 0 : i32
      %dma_wait3A_127 = arith.constant 0 : i32
      %dma_wait3A_128 = arith.constant 0 : i32
      %dma_wait3A_129 = tpu.memref_slice %arg7[%dma_wait3A_126, %dma_wait3A_127, %dma_wait3A_128] : memref<250x400x128xf32, #tpu.memory_space<hbm>> -> memref<1x400x128xf32, #tpu.memory_space<hbm>>
      %dma_wait3A_130 = tpu.memref_squeeze %dma_wait3A_129 : memref<1x400x128xf32, #tpu.memory_space<hbm>> -> memref<400x128xf32, #tpu.memory_space<hbm>>
      %dma_wait3A_131 = arith.constant 0 : i32
      %dma_wait3A_132 = arith.constant 0 : i32
      %dma_wait3A_133 = tpu.memref_slice %arg7[%dma_wait3A_126, %dma_wait3A_131, %dma_wait3A_132] : memref<250x400x128xf32, #tpu.memory_space<hbm>> -> memref<1x400x128xf32, #tpu.memory_space<hbm>>
      %dma_wait3A_134 = tpu.memref_squeeze %dma_wait3A_133 : memref<1x400x128xf32, #tpu.memory_space<hbm>> -> memref<400x128xf32, #tpu.memory_space<hbm>>
      tpu.wait_dma2 semaphore(%arg19 : memref<!tpu.dma_semaphore, #tpu.memory_space<semaphore_mem>>) src(%arg12 : memref<400x128xf32, #tpu.memory_space<vmem>>) dst(%dma_wait3A_134 : memref<400x128xf32, #tpu.memory_space<hbm>>)
      %dma_start3A_135 = arith.constant 1600 : i32
      %dma_start3A_136 = tpu.memref_slice %arg8[%dma_start3A_135] : memref<3200xi32, #tpu.memory_space<vmem>> -> memref<400xi32, #tpu.memory_space<vmem>>
      %dma_start3A_137 = arith.constant 0 : i32
      %dma_start3A_138 = arith.constant 0 : i32
      %dma_start3A_139 = tpu.memref_slice %arg16[%dma_start3A_137, %dma_start3A_138] : memref<5x128xf32, #tpu.memory_space<vmem_shared>> -> memref<5x128xf32, #tpu.memory_space<vmem_shared>>
      tpu.enqueue_indirect_dma source(%dma_start3A_139 : memref<5x128xf32, #tpu.memory_space<vmem_shared>>) target(%arg12 : memref<400x128xf32, #tpu.memory_space<vmem>>) offsets(%dma_start3A_136 : memref<400xi32, #tpu.memory_space<vmem>>) semaphore(%arg17 : memref<!tpu.dma_semaphore, #tpu.memory_space<semaphore_mem>>)
      %scan3A_140 = arith.constant 0 : i32
      %scan3A_141 = arith.constant 0 : i32
      %scan3A_142 = arith.constant 5 : i32
      %scan3A_143 = arith.addi %scan3A_141, %scan3A_142 : i32
      %scan3A_144 = arith.constant 1 : i32
      scf.for %scan3A_265 = %scan3A_141 to %scan3A_143 step %scan3A_144  : i32 {
        %mul3A_266 = arith.constant 5 : i32
        %mul3A_267 = arith.muli %scan3A_265, %mul3A_266 : i32
        %add3A_268 = arith.constant 0 : i32
        %add3A_269 = arith.addi %mul3A_267, %add3A_268 : i32
        %mul3A_270 = arith.constant 16 : i32
        %mul3A_271 = arith.muli %add3A_269, %mul3A_270 : i32
        %add3A_272 = vector.broadcast %mul3A_271 : i32 to vector<16xi32>
        %add3A_273 = arith.addi %iota3A, %add3A_272 : vector<16xi32>
        %mul3A_274 = arith.constant 5 : i32
        %mul3A_275 = arith.muli %scan3A_265, %mul3A_274 : i32
        %add3A_276 = arith.constant 0 : i32
        %add3A_277 = arith.addi %mul3A_275, %add3A_276 : i32
        %mul3A_278 = arith.constant 16 : i32
        %mul3A_279 = arith.muli %add3A_277, %mul3A_278 : i32
        %add3A_280 = arith.constant 1200 : i32
        %add3A_281 = arith.addi %add3A_280, %mul3A_279 : i32
        %get3A = arith.index_cast %add3A_281 : i32 to index
        %get3A_282 = tpu.vector_load %arg9[%get3A] {strides = array<i32>} : memref<3200xf32, #tpu.memory_space<vmem>>, vector<16xf32>,
        tpu.vector_store_idx %arg13[%add3A_273, %broadcast_in_dim3A_3], %get3A_282 : memref<400x128xf32, #tpu.memory_space<vmem>>[vector<16xi32>, vector<16xi32>], vector<16xf32>,
        %get3A_283 = arith.index_cast %add3A_281 : i32 to index
        %get3A_284 = tpu.vector_load %arg10[%get3A_283] {strides = array<i32>} : memref<3200xf32, #tpu.memory_space<vmem>>, vector<16xf32>,
        tpu.vector_store_idx %arg13[%add3A_273, %broadcast_in_dim3A_5], %get3A_284 : memref<400x128xf32, #tpu.memory_space<vmem>>[vector<16xi32>, vector<16xi32>], vector<16xf32>,
        %get3A_285 = arith.index_cast %add3A_281 : i32 to index
        %get3A_286 = tpu.vector_load %arg11[%get3A_285] {strides = array<i32>} : memref<3200xf32, #tpu.memory_space<vmem>>, vector<16xf32>,
        tpu.vector_store_idx %arg13[%add3A_273, %broadcast_in_dim3A_7], %get3A_286 : memref<400x128xf32, #tpu.memory_space<vmem>>[vector<16xi32>, vector<16xi32>], vector<16xf32>,
        %mul3A_287 = arith.constant 5 : i32
        %mul3A_288 = arith.muli %scan3A_265, %mul3A_287 : i32
        %add3A_289 = arith.constant 1 : i32
        %add3A_290 = arith.addi %mul3A_288, %add3A_289 : i32
        %mul3A_291 = arith.constant 16 : i32
        %mul3A_292 = arith.muli %add3A_290, %mul3A_291 : i32
        %add3A_293 = vector.broadcast %mul3A_292 : i32 to vector<16xi32>
        %add3A_294 = arith.addi %iota3A, %add3A_293 : vector<16xi32>
        %mul3A_295 = arith.constant 5 : i32
        %mul3A_296 = arith.muli %scan3A_265, %mul3A_295 : i32
        %add3A_297 = arith.constant 1 : i32
        %add3A_298 = arith.addi %mul3A_296, %add3A_297 : i32
        %mul3A_299 = arith.constant 16 : i32
        %mul3A_300 = arith.muli %add3A_298, %mul3A_299 : i32
        %add3A_301 = arith.constant 1200 : i32
        %add3A_302 = arith.addi %add3A_301, %mul3A_300 : i32
        %get3A_303 = arith.index_cast %add3A_302 : i32 to index
        %get3A_304 = tpu.vector_load %arg9[%get3A_303] {strides = array<i32>} : memref<3200xf32, #tpu.memory_space<vmem>>, vector<16xf32>,
        tpu.vector_store_idx %arg13[%add3A_294, %broadcast_in_dim3A_3], %get3A_304 : memref<400x128xf32, #tpu.memory_space<vmem>>[vector<16xi32>, vector<16xi32>], vector<16xf32>,
        %get3A_305 = arith.index_cast %add3A_302 : i32 to index
        %get3A_306 = tpu.vector_load %arg10[%get3A_305] {strides = array<i32>} : memref<3200xf32, #tpu.memory_space<vmem>>, vector<16xf32>,
        tpu.vector_store_idx %arg13[%add3A_294, %broadcast_in_dim3A_5], %get3A_306 : memref<400x128xf32, #tpu.memory_space<vmem>>[vector<16xi32>, vector<16xi32>], vector<16xf32>,
        %get3A_307 = arith.index_cast %add3A_302 : i32 to index
        %get3A_308 = tpu.vector_load %arg11[%get3A_307] {strides = array<i32>} : memref<3200xf32, #tpu.memory_space<vmem>>, vector<16xf32>,
        tpu.vector_store_idx %arg13[%add3A_294, %broadcast_in_dim3A_7], %get3A_308 : memref<400x128xf32, #tpu.memory_space<vmem>>[vector<16xi32>, vector<16xi32>], vector<16xf32>,
        %mul3A_309 = arith.constant 5 : i32
        %mul3A_310 = arith.muli %scan3A_265, %mul3A_309 : i32
        %add3A_311 = arith.constant 2 : i32
        %add3A_312 = arith.addi %mul3A_310, %add3A_311 : i32
        %mul3A_313 = arith.constant 16 : i32
        %mul3A_314 = arith.muli %add3A_312, %mul3A_313 : i32
        %add3A_315 = vector.broadcast %mul3A_314 : i32 to vector<16xi32>
        %add3A_316 = arith.addi %iota3A, %add3A_315 : vector<16xi32>
        %mul3A_317 = arith.constant 5 : i32
        %mul3A_318 = arith.muli %scan3A_265, %mul3A_317 : i32
        %add3A_319 = arith.constant 2 : i32
        %add3A_320 = arith.addi %mul3A_318, %add3A_319 : i32
        %mul3A_321 = arith.constant 16 : i32
        %mul3A_322 = arith.muli %add3A_320, %mul3A_321 : i32
        %add3A_323 = arith.constant 1200 : i32
        %add3A_324 = arith.addi %add3A_323, %mul3A_322 : i32
        %get3A_325 = arith.index_cast %add3A_324 : i32 to index
        %get3A_326 = tpu.vector_load %arg9[%get3A_325] {strides = array<i32>} : memref<3200xf32, #tpu.memory_space<vmem>>, vector<16xf32>,
        tpu.vector_store_idx %arg13[%add3A_316, %broadcast_in_dim3A_3], %get3A_326 : memref<400x128xf32, #tpu.memory_space<vmem>>[vector<16xi32>, vector<16xi32>], vector<16xf32>,
        %get3A_327 = arith.index_cast %add3A_324 : i32 to index
        %get3A_328 = tpu.vector_load %arg10[%get3A_327] {strides = array<i32>} : memref<3200xf32, #tpu.memory_space<vmem>>, vector<16xf32>,
        tpu.vector_store_idx %arg13[%add3A_316, %broadcast_in_dim3A_5], %get3A_328 : memref<400x128xf32, #tpu.memory_space<vmem>>[vector<16xi32>, vector<16xi32>], vector<16xf32>,
        %get3A_329 = arith.index_cast %add3A_324 : i32 to index
        %get3A_330 = tpu.vector_load %arg11[%get3A_329] {strides = array<i32>} : memref<3200xf32, #tpu.memory_space<vmem>>, vector<16xf32>,
        tpu.vector_store_idx %arg13[%add3A_316, %broadcast_in_dim3A_7], %get3A_330 : memref<400x128xf32, #tpu.memory_space<vmem>>[vector<16xi32>, vector<16xi32>], vector<16xf32>,
        %mul3A_331 = arith.constant 5 : i32
        %mul3A_332 = arith.muli %scan3A_265, %mul3A_331 : i32
        %add3A_333 = arith.constant 3 : i32
        %add3A_334 = arith.addi %mul3A_332, %add3A_333 : i32
        %mul3A_335 = arith.constant 16 : i32
        %mul3A_336 = arith.muli %add3A_334, %mul3A_335 : i32
        %add3A_337 = vector.broadcast %mul3A_336 : i32 to vector<16xi32>
        %add3A_338 = arith.addi %iota3A, %add3A_337 : vector<16xi32>
        %mul3A_339 = arith.constant 5 : i32
        %mul3A_340 = arith.muli %scan3A_265, %mul3A_339 : i32
        %add3A_341 = arith.constant 3 : i32
        %add3A_342 = arith.addi %mul3A_340, %add3A_341 : i32
        %mul3A_343 = arith.constant 16 : i32
        %mul3A_344 = arith.muli %add3A_342, %mul3A_343 : i32
        %add3A_345 = arith.constant 1200 : i32
        %add3A_346 = arith.addi %add3A_345, %mul3A_344 : i32
        %get3A_347 = arith.index_cast %add3A_346 : i32 to index
        %get3A_348 = tpu.vector_load %arg9[%get3A_347] {strides = array<i32>} : memref<3200xf32, #tpu.memory_space<vmem>>, vector<16xf32>,
        tpu.vector_store_idx %arg13[%add3A_338, %broadcast_in_dim3A_3], %get3A_348 : memref<400x128xf32, #tpu.memory_space<vmem>>[vector<16xi32>, vector<16xi32>], vector<16xf32>,
        %get3A_349 = arith.index_cast %add3A_346 : i32 to index
        %get3A_350 = tpu.vector_load %arg10[%get3A_349] {strides = array<i32>} : memref<3200xf32, #tpu.memory_space<vmem>>, vector<16xf32>,
        tpu.vector_store_idx %arg13[%add3A_338, %broadcast_in_dim3A_5], %get3A_350 : memref<400x128xf32, #tpu.memory_space<vmem>>[vector<16xi32>, vector<16xi32>], vector<16xf32>,
        %get3A_351 = arith.index_cast %add3A_346 : i32 to index
        %get3A_352 = tpu.vector_load %arg11[%get3A_351] {strides = array<i32>} : memref<3200xf32, #tpu.memory_space<vmem>>, vector<16xf32>,
        tpu.vector_store_idx %arg13[%add3A_338, %broadcast_in_dim3A_7], %get3A_352 : memref<400x128xf32, #tpu.memory_space<vmem>>[vector<16xi32>, vector<16xi32>], vector<16xf32>,
        %mul3A_353 = arith.constant 5 : i32
        %mul3A_354 = arith.muli %scan3A_265, %mul3A_353 : i32
        %add3A_355 = arith.constant 4 : i32
        %add3A_356 = arith.addi %mul3A_354, %add3A_355 : i32
        %mul3A_357 = arith.constant 16 : i32
        %mul3A_358 = arith.muli %add3A_356, %mul3A_357 : i32
        %add3A_359 = vector.broadcast %mul3A_358 : i32 to vector<16xi32>
        %add3A_360 = arith.addi %iota3A, %add3A_359 : vector<16xi32>
        %mul3A_361 = arith.constant 5 : i32
        %mul3A_362 = arith.muli %scan3A_265, %mul3A_361 : i32
        %add3A_363 = arith.constant 4 : i32
        %add3A_364 = arith.addi %mul3A_362, %add3A_363 : i32
        %mul3A_365 = arith.constant 16 : i32
        %mul3A_366 = arith.muli %add3A_364, %mul3A_365 : i32
        %add3A_367 = arith.constant 1200 : i32
        %add3A_368 = arith.addi %add3A_367, %mul3A_366 : i32
        %get3A_369 = arith.index_cast %add3A_368 : i32 to index
        %get3A_370 = tpu.vector_load %arg9[%get3A_369] {strides = array<i32>} : memref<3200xf32, #tpu.memory_space<vmem>>, vector<16xf32>,
        tpu.vector_store_idx %arg13[%add3A_360, %broadcast_in_dim3A_3], %get3A_370 : memref<400x128xf32, #tpu.memory_space<vmem>>[vector<16xi32>, vector<16xi32>], vector<16xf32>,
        %get3A_371 = arith.index_cast %add3A_368 : i32 to index
        %get3A_372 = tpu.vector_load %arg10[%get3A_371] {strides = array<i32>} : memref<3200xf32, #tpu.memory_space<vmem>>, vector<16xf32>,
        tpu.vector_store_idx %arg13[%add3A_360, %broadcast_in_dim3A_5], %get3A_372 : memref<400x128xf32, #tpu.memory_space<vmem>>[vector<16xi32>, vector<16xi32>], vector<16xf32>,
        %get3A_373 = arith.index_cast %add3A_368 : i32 to index
        %get3A_374 = tpu.vector_load %arg11[%get3A_373] {strides = array<i32>} : memref<3200xf32, #tpu.memory_space<vmem>>, vector<16xf32>,
        tpu.vector_store_idx %arg13[%add3A_360, %broadcast_in_dim3A_7], %get3A_374 : memref<400x128xf32, #tpu.memory_space<vmem>>[vector<16xi32>, vector<16xi32>], vector<16xf32>,
      }
      %scan3A_145 = arith.constant 5 : i32
      %add3A_146 = arith.constant 3 : i32
      %add3A_147 = arith.addi %add3A_20, %add3A_146 : i32
      %dma_start3A_148 = arith.constant 0 : i32
      %dma_start3A_149 = arith.constant 0 : i32
      %dma_start3A_150 = tpu.memref_slice %arg7[%add3A_147, %dma_start3A_148, %dma_start3A_149] : memref<250x400x128xf32, #tpu.memory_space<hbm>> -> memref<1x400x128xf32, #tpu.memory_space<hbm>>
      %dma_start3A_151 = tpu.memref_squeeze %dma_start3A_150 : memref<1x400x128xf32, #tpu.memory_space<hbm>> -> memref<400x128xf32, #tpu.memory_space<hbm>>
      %dma_start3A_152 = arith.constant 0 : i32
      %dma_start3A_153 = arith.constant 0 : i32
      %dma_start3A_154 = tpu.memref_slice %arg7[%add3A_147, %dma_start3A_152, %dma_start3A_153] : memref<250x400x128xf32, #tpu.memory_space<hbm>> -> memref<1x400x128xf32, #tpu.memory_space<hbm>>
      %dma_start3A_155 = tpu.memref_squeeze %dma_start3A_154 : memref<1x400x128xf32, #tpu.memory_space<hbm>> -> memref<400x128xf32, #tpu.memory_space<hbm>>
      tpu.enqueue_dma source(%arg13 : memref<400x128xf32, #tpu.memory_space<vmem>>) target(%dma_start3A_155 : memref<400x128xf32, #tpu.memory_space<hbm>>) target_semaphore(%arg20 : memref<!tpu.dma_semaphore, #tpu.memory_space<semaphore_mem>>)
      %dma_wait3A_156 = arith.constant 1600 : i32
      %dma_wait3A_157 = tpu.memref_slice %arg8[%dma_wait3A_156] : memref<3200xi32, #tpu.memory_space<vmem>> -> memref<400xi32, #tpu.memory_space<vmem>>
      %dma_wait3A_158 = arith.constant 0 : i32
      %dma_wait3A_159 = arith.constant 0 : i32
      %dma_wait3A_160 = tpu.memref_slice %arg16[%dma_wait3A_158, %dma_wait3A_159] : memref<5x128xf32, #tpu.memory_space<vmem_shared>> -> memref<5x128xf32, #tpu.memory_space<vmem_shared>>
      tpu.wait_indirect_dma semaphore(%arg17 : memref<!tpu.dma_semaphore, #tpu.memory_space<semaphore_mem>>) src(%dma_wait3A_160 : memref<5x128xf32, #tpu.memory_space<vmem_shared>>) dst(%arg12 : memref<400x128xf32, #tpu.memory_space<vmem>>)
      %dma_wait3A_161 = arith.constant 0 : i32
      %dma_wait3A_162 = arith.constant 0 : i32
      %dma_wait3A_163 = arith.constant 0 : i32
      %dma_wait3A_164 = tpu.memref_slice %arg7[%dma_wait3A_161, %dma_wait3A_162, %dma_wait3A_163] : memref<250x400x128xf32, #tpu.memory_space<hbm>> -> memref<1x400x128xf32, #tpu.memory_space<hbm>>
      %dma_wait3A_165 = tpu.memref_squeeze %dma_wait3A_164 : memref<1x400x128xf32, #tpu.memory_space<hbm>> -> memref<400x128xf32, #tpu.memory_space<hbm>>
      %dma_wait3A_166 = arith.constant 0 : i32
      %dma_wait3A_167 = arith.constant 0 : i32
      %dma_wait3A_168 = tpu.memref_slice %arg7[%dma_wait3A_161, %dma_wait3A_166, %dma_wait3A_167] : memref<250x400x128xf32, #tpu.memory_space<hbm>> -> memref<1x400x128xf32, #tpu.memory_space<hbm>>
      %dma_wait3A_169 = tpu.memref_squeeze %dma_wait3A_168 : memref<1x400x128xf32, #tpu.memory_space<hbm>> -> memref<400x128xf32, #tpu.memory_space<hbm>>
      tpu.wait_dma2 semaphore(%arg20 : memref<!tpu.dma_semaphore, #tpu.memory_space<semaphore_mem>>) src(%arg13 : memref<400x128xf32, #tpu.memory_space<vmem>>) dst(%dma_wait3A_169 : memref<400x128xf32, #tpu.memory_space<hbm>>)
      %dma_start3A_170 = arith.constant 2000 : i32
      %dma_start3A_171 = tpu.memref_slice %arg8[%dma_start3A_170] : memref<3200xi32, #tpu.memory_space<vmem>> -> memref<400xi32, #tpu.memory_space<vmem>>
      %dma_start3A_172 = arith.constant 0 : i32
      %dma_start3A_173 = arith.constant 0 : i32
      %dma_start3A_174 = tpu.memref_slice %arg16[%dma_start3A_172, %dma_start3A_173] : memref<5x128xf32, #tpu.memory_space<vmem_shared>> -> memref<5x128xf32, #tpu.memory_space<vmem_shared>>
      tpu.enqueue_indirect_dma source(%dma_start3A_174 : memref<5x128xf32, #tpu.memory_space<vmem_shared>>) target(%arg13 : memref<400x128xf32, #tpu.memory_space<vmem>>) offsets(%dma_start3A_171 : memref<400xi32, #tpu.memory_space<vmem>>) semaphore(%arg18 : memref<!tpu.dma_semaphore, #tpu.memory_space<semaphore_mem>>)
      %scan3A_175 = arith.constant 0 : i32
      %scan3A_176 = arith.constant 0 : i32
      %scan3A_177 = arith.constant 5 : i32
      %scan3A_178 = arith.addi %scan3A_176, %scan3A_177 : i32
      %scan3A_179 = arith.constant 1 : i32
      scf.for %scan3A_265 = %scan3A_176 to %scan3A_178 step %scan3A_179  : i32 {
        %mul3A_266 = arith.constant 5 : i32
        %mul3A_267 = arith.muli %scan3A_265, %mul3A_266 : i32
        %add3A_268 = arith.constant 0 : i32
        %add3A_269 = arith.addi %mul3A_267, %add3A_268 : i32
        %mul3A_270 = arith.constant 16 : i32
        %mul3A_271 = arith.muli %add3A_269, %mul3A_270 : i32
        %add3A_272 = vector.broadcast %mul3A_271 : i32 to vector<16xi32>
        %add3A_273 = arith.addi %iota3A, %add3A_272 : vector<16xi32>
        %mul3A_274 = arith.constant 5 : i32
        %mul3A_275 = arith.muli %scan3A_265, %mul3A_274 : i32
        %add3A_276 = arith.constant 0 : i32
        %add3A_277 = arith.addi %mul3A_275, %add3A_276 : i32
        %mul3A_278 = arith.constant 16 : i32
        %mul3A_279 = arith.muli %add3A_277, %mul3A_278 : i32
        %add3A_280 = arith.constant 1600 : i32
        %add3A_281 = arith.addi %add3A_280, %mul3A_279 : i32
        %get3A = arith.index_cast %add3A_281 : i32 to index
        %get3A_282 = tpu.vector_load %arg9[%get3A] {strides = array<i32>} : memref<3200xf32, #tpu.memory_space<vmem>>, vector<16xf32>,
        tpu.vector_store_idx %arg12[%add3A_273, %broadcast_in_dim3A_3], %get3A_282 : memref<400x128xf32, #tpu.memory_space<vmem>>[vector<16xi32>, vector<16xi32>], vector<16xf32>,
        %get3A_283 = arith.index_cast %add3A_281 : i32 to index
        %get3A_284 = tpu.vector_load %arg10[%get3A_283] {strides = array<i32>} : memref<3200xf32, #tpu.memory_space<vmem>>, vector<16xf32>,
        tpu.vector_store_idx %arg12[%add3A_273, %broadcast_in_dim3A_5], %get3A_284 : memref<400x128xf32, #tpu.memory_space<vmem>>[vector<16xi32>, vector<16xi32>], vector<16xf32>,
        %get3A_285 = arith.index_cast %add3A_281 : i32 to index
        %get3A_286 = tpu.vector_load %arg11[%get3A_285] {strides = array<i32>} : memref<3200xf32, #tpu.memory_space<vmem>>, vector<16xf32>,
        tpu.vector_store_idx %arg12[%add3A_273, %broadcast_in_dim3A_7], %get3A_286 : memref<400x128xf32, #tpu.memory_space<vmem>>[vector<16xi32>, vector<16xi32>], vector<16xf32>,
        %mul3A_287 = arith.constant 5 : i32
        %mul3A_288 = arith.muli %scan3A_265, %mul3A_287 : i32
        %add3A_289 = arith.constant 1 : i32
        %add3A_290 = arith.addi %mul3A_288, %add3A_289 : i32
        %mul3A_291 = arith.constant 16 : i32
        %mul3A_292 = arith.muli %add3A_290, %mul3A_291 : i32
        %add3A_293 = vector.broadcast %mul3A_292 : i32 to vector<16xi32>
        %add3A_294 = arith.addi %iota3A, %add3A_293 : vector<16xi32>
        %mul3A_295 = arith.constant 5 : i32
        %mul3A_296 = arith.muli %scan3A_265, %mul3A_295 : i32
        %add3A_297 = arith.constant 1 : i32
        %add3A_298 = arith.addi %mul3A_296, %add3A_297 : i32
        %mul3A_299 = arith.constant 16 : i32
        %mul3A_300 = arith.muli %add3A_298, %mul3A_299 : i32
        %add3A_301 = arith.constant 1600 : i32
        %add3A_302 = arith.addi %add3A_301, %mul3A_300 : i32
        %get3A_303 = arith.index_cast %add3A_302 : i32 to index
        %get3A_304 = tpu.vector_load %arg9[%get3A_303] {strides = array<i32>} : memref<3200xf32, #tpu.memory_space<vmem>>, vector<16xf32>,
        tpu.vector_store_idx %arg12[%add3A_294, %broadcast_in_dim3A_3], %get3A_304 : memref<400x128xf32, #tpu.memory_space<vmem>>[vector<16xi32>, vector<16xi32>], vector<16xf32>,
        %get3A_305 = arith.index_cast %add3A_302 : i32 to index
        %get3A_306 = tpu.vector_load %arg10[%get3A_305] {strides = array<i32>} : memref<3200xf32, #tpu.memory_space<vmem>>, vector<16xf32>,
        tpu.vector_store_idx %arg12[%add3A_294, %broadcast_in_dim3A_5], %get3A_306 : memref<400x128xf32, #tpu.memory_space<vmem>>[vector<16xi32>, vector<16xi32>], vector<16xf32>,
        %get3A_307 = arith.index_cast %add3A_302 : i32 to index
        %get3A_308 = tpu.vector_load %arg11[%get3A_307] {strides = array<i32>} : memref<3200xf32, #tpu.memory_space<vmem>>, vector<16xf32>,
        tpu.vector_store_idx %arg12[%add3A_294, %broadcast_in_dim3A_7], %get3A_308 : memref<400x128xf32, #tpu.memory_space<vmem>>[vector<16xi32>, vector<16xi32>], vector<16xf32>,
        %mul3A_309 = arith.constant 5 : i32
        %mul3A_310 = arith.muli %scan3A_265, %mul3A_309 : i32
        %add3A_311 = arith.constant 2 : i32
        %add3A_312 = arith.addi %mul3A_310, %add3A_311 : i32
        %mul3A_313 = arith.constant 16 : i32
        %mul3A_314 = arith.muli %add3A_312, %mul3A_313 : i32
        %add3A_315 = vector.broadcast %mul3A_314 : i32 to vector<16xi32>
        %add3A_316 = arith.addi %iota3A, %add3A_315 : vector<16xi32>
        %mul3A_317 = arith.constant 5 : i32
        %mul3A_318 = arith.muli %scan3A_265, %mul3A_317 : i32
        %add3A_319 = arith.constant 2 : i32
        %add3A_320 = arith.addi %mul3A_318, %add3A_319 : i32
        %mul3A_321 = arith.constant 16 : i32
        %mul3A_322 = arith.muli %add3A_320, %mul3A_321 : i32
        %add3A_323 = arith.constant 1600 : i32
        %add3A_324 = arith.addi %add3A_323, %mul3A_322 : i32
        %get3A_325 = arith.index_cast %add3A_324 : i32 to index
        %get3A_326 = tpu.vector_load %arg9[%get3A_325] {strides = array<i32>} : memref<3200xf32, #tpu.memory_space<vmem>>, vector<16xf32>,
        tpu.vector_store_idx %arg12[%add3A_316, %broadcast_in_dim3A_3], %get3A_326 : memref<400x128xf32, #tpu.memory_space<vmem>>[vector<16xi32>, vector<16xi32>], vector<16xf32>,
        %get3A_327 = arith.index_cast %add3A_324 : i32 to index
        %get3A_328 = tpu.vector_load %arg10[%get3A_327] {strides = array<i32>} : memref<3200xf32, #tpu.memory_space<vmem>>, vector<16xf32>,
        tpu.vector_store_idx %arg12[%add3A_316, %broadcast_in_dim3A_5], %get3A_328 : memref<400x128xf32, #tpu.memory_space<vmem>>[vector<16xi32>, vector<16xi32>], vector<16xf32>,
        %get3A_329 = arith.index_cast %add3A_324 : i32 to index
        %get3A_330 = tpu.vector_load %arg11[%get3A_329] {strides = array<i32>} : memref<3200xf32, #tpu.memory_space<vmem>>, vector<16xf32>,
        tpu.vector_store_idx %arg12[%add3A_316, %broadcast_in_dim3A_7], %get3A_330 : memref<400x128xf32, #tpu.memory_space<vmem>>[vector<16xi32>, vector<16xi32>], vector<16xf32>,
        %mul3A_331 = arith.constant 5 : i32
        %mul3A_332 = arith.muli %scan3A_265, %mul3A_331 : i32
        %add3A_333 = arith.constant 3 : i32
        %add3A_334 = arith.addi %mul3A_332, %add3A_333 : i32
        %mul3A_335 = arith.constant 16 : i32
        %mul3A_336 = arith.muli %add3A_334, %mul3A_335 : i32
        %add3A_337 = vector.broadcast %mul3A_336 : i32 to vector<16xi32>
        %add3A_338 = arith.addi %iota3A, %add3A_337 : vector<16xi32>
        %mul3A_339 = arith.constant 5 : i32
        %mul3A_340 = arith.muli %scan3A_265, %mul3A_339 : i32
        %add3A_341 = arith.constant 3 : i32
        %add3A_342 = arith.addi %mul3A_340, %add3A_341 : i32
        %mul3A_343 = arith.constant 16 : i32
        %mul3A_344 = arith.muli %add3A_342, %mul3A_343 : i32
        %add3A_345 = arith.constant 1600 : i32
        %add3A_346 = arith.addi %add3A_345, %mul3A_344 : i32
        %get3A_347 = arith.index_cast %add3A_346 : i32 to index
        %get3A_348 = tpu.vector_load %arg9[%get3A_347] {strides = array<i32>} : memref<3200xf32, #tpu.memory_space<vmem>>, vector<16xf32>,
        tpu.vector_store_idx %arg12[%add3A_338, %broadcast_in_dim3A_3], %get3A_348 : memref<400x128xf32, #tpu.memory_space<vmem>>[vector<16xi32>, vector<16xi32>], vector<16xf32>,
        %get3A_349 = arith.index_cast %add3A_346 : i32 to index
        %get3A_350 = tpu.vector_load %arg10[%get3A_349] {strides = array<i32>} : memref<3200xf32, #tpu.memory_space<vmem>>, vector<16xf32>,
        tpu.vector_store_idx %arg12[%add3A_338, %broadcast_in_dim3A_5], %get3A_350 : memref<400x128xf32, #tpu.memory_space<vmem>>[vector<16xi32>, vector<16xi32>], vector<16xf32>,
        %get3A_351 = arith.index_cast %add3A_346 : i32 to index
        %get3A_352 = tpu.vector_load %arg11[%get3A_351] {strides = array<i32>} : memref<3200xf32, #tpu.memory_space<vmem>>, vector<16xf32>,
        tpu.vector_store_idx %arg12[%add3A_338, %broadcast_in_dim3A_7], %get3A_352 : memref<400x128xf32, #tpu.memory_space<vmem>>[vector<16xi32>, vector<16xi32>], vector<16xf32>,
        %mul3A_353 = arith.constant 5 : i32
        %mul3A_354 = arith.muli %scan3A_265, %mul3A_353 : i32
        %add3A_355 = arith.constant 4 : i32
        %add3A_356 = arith.addi %mul3A_354, %add3A_355 : i32
        %mul3A_357 = arith.constant 16 : i32
        %mul3A_358 = arith.muli %add3A_356, %mul3A_357 : i32
        %add3A_359 = vector.broadcast %mul3A_358 : i32 to vector<16xi32>
        %add3A_360 = arith.addi %iota3A, %add3A_359 : vector<16xi32>
        %mul3A_361 = arith.constant 5 : i32
        %mul3A_362 = arith.muli %scan3A_265, %mul3A_361 : i32
        %add3A_363 = arith.constant 4 : i32
        %add3A_364 = arith.addi %mul3A_362, %add3A_363 : i32
        %mul3A_365 = arith.constant 16 : i32
        %mul3A_366 = arith.muli %add3A_364, %mul3A_365 : i32
        %add3A_367 = arith.constant 1600 : i32
        %add3A_368 = arith.addi %add3A_367, %mul3A_366 : i32
        %get3A_369 = arith.index_cast %add3A_368 : i32 to index
        %get3A_370 = tpu.vector_load %arg9[%get3A_369] {strides = array<i32>} : memref<3200xf32, #tpu.memory_space<vmem>>, vector<16xf32>,
        tpu.vector_store_idx %arg12[%add3A_360, %broadcast_in_dim3A_3], %get3A_370 : memref<400x128xf32, #tpu.memory_space<vmem>>[vector<16xi32>, vector<16xi32>], vector<16xf32>,
        %get3A_371 = arith.index_cast %add3A_368 : i32 to index
        %get3A_372 = tpu.vector_load %arg10[%get3A_371] {strides = array<i32>} : memref<3200xf32, #tpu.memory_space<vmem>>, vector<16xf32>,
        tpu.vector_store_idx %arg12[%add3A_360, %broadcast_in_dim3A_5], %get3A_372 : memref<400x128xf32, #tpu.memory_space<vmem>>[vector<16xi32>, vector<16xi32>], vector<16xf32>,
        %get3A_373 = arith.index_cast %add3A_368 : i32 to index
        %get3A_374 = tpu.vector_load %arg11[%get3A_373] {strides = array<i32>} : memref<3200xf32, #tpu.memory_space<vmem>>, vector<16xf32>,
        tpu.vector_store_idx %arg12[%add3A_360, %broadcast_in_dim3A_7], %get3A_374 : memref<400x128xf32, #tpu.memory_space<vmem>>[vector<16xi32>, vector<16xi32>], vector<16xf32>,
      }
      %scan3A_180 = arith.constant 5 : i32
      %add3A_181 = arith.constant 4 : i32
      %add3A_182 = arith.addi %add3A_20, %add3A_181 : i32
      %dma_start3A_183 = arith.constant 0 : i32
      %dma_start3A_184 = arith.constant 0 : i32
      %dma_start3A_185 = tpu.memref_slice %arg7[%add3A_182, %dma_start3A_183, %dma_start3A_184] : memref<250x400x128xf32, #tpu.memory_space<hbm>> -> memref<1x400x128xf32, #tpu.memory_space<hbm>>
      %dma_start3A_186 = tpu.memref_squeeze %dma_start3A_185 : memref<1x400x128xf32, #tpu.memory_space<hbm>> -> memref<400x128xf32, #tpu.memory_space<hbm>>
      %dma_start3A_187 = arith.constant 0 : i32
      %dma_start3A_188 = arith.constant 0 : i32
      %dma_start3A_189 = tpu.memref_slice %arg7[%add3A_182, %dma_start3A_187, %dma_start3A_188] : memref<250x400x128xf32, #tpu.memory_space<hbm>> -> memref<1x400x128xf32, #tpu.memory_space<hbm>>
      %dma_start3A_190 = tpu.memref_squeeze %dma_start3A_189 : memref<1x400x128xf32, #tpu.memory_space<hbm>> -> memref<400x128xf32, #tpu.memory_space<hbm>>
      tpu.enqueue_dma source(%arg12 : memref<400x128xf32, #tpu.memory_space<vmem>>) target(%dma_start3A_190 : memref<400x128xf32, #tpu.memory_space<hbm>>) target_semaphore(%arg19 : memref<!tpu.dma_semaphore, #tpu.memory_space<semaphore_mem>>)
      %dma_wait3A_191 = arith.constant 2000 : i32
      %dma_wait3A_192 = tpu.memref_slice %arg8[%dma_wait3A_191] : memref<3200xi32, #tpu.memory_space<vmem>> -> memref<400xi32, #tpu.memory_space<vmem>>
      %dma_wait3A_193 = arith.constant 0 : i32
      %dma_wait3A_194 = arith.constant 0 : i32
      %dma_wait3A_195 = tpu.memref_slice %arg16[%dma_wait3A_193, %dma_wait3A_194] : memref<5x128xf32, #tpu.memory_space<vmem_shared>> -> memref<5x128xf32, #tpu.memory_space<vmem_shared>>
      tpu.wait_indirect_dma semaphore(%arg18 : memref<!tpu.dma_semaphore, #tpu.memory_space<semaphore_mem>>) src(%dma_wait3A_195 : memref<5x128xf32, #tpu.memory_space<vmem_shared>>) dst(%arg13 : memref<400x128xf32, #tpu.memory_space<vmem>>)
      %dma_wait3A_196 = arith.constant 0 : i32
      %dma_wait3A_197 = arith.constant 0 : i32
      %dma_wait3A_198 = arith.constant 0 : i32
      %dma_wait3A_199 = tpu.memref_slice %arg7[%dma_wait3A_196, %dma_wait3A_197, %dma_wait3A_198] : memref<250x400x128xf32, #tpu.memory_space<hbm>> -> memref<1x400x128xf32, #tpu.memory_space<hbm>>
      %dma_wait3A_200 = tpu.memref_squeeze %dma_wait3A_199 : memref<1x400x128xf32, #tpu.memory_space<hbm>> -> memref<400x128xf32, #tpu.memory_space<hbm>>
      %dma_wait3A_201 = arith.constant 0 : i32
      %dma_wait3A_202 = arith.constant 0 : i32
      %dma_wait3A_203 = tpu.memref_slice %arg7[%dma_wait3A_196, %dma_wait3A_201, %dma_wait3A_202] : memref<250x400x128xf32, #tpu.memory_space<hbm>> -> memref<1x400x128xf32, #tpu.memory_space<hbm>>
      %dma_wait3A_204 = tpu.memref_squeeze %dma_wait3A_203 : memref<1x400x128xf32, #tpu.memory_space<hbm>> -> memref<400x128xf32, #tpu.memory_space<hbm>>
      tpu.wait_dma2 semaphore(%arg19 : memref<!tpu.dma_semaphore, #tpu.memory_space<semaphore_mem>>) src(%arg12 : memref<400x128xf32, #tpu.memory_space<vmem>>) dst(%dma_wait3A_204 : memref<400x128xf32, #tpu.memory_space<hbm>>)
      %dma_start3A_205 = arith.constant 2400 : i32
      %dma_start3A_206 = tpu.memref_slice %arg8[%dma_start3A_205] : memref<3200xi32, #tpu.memory_space<vmem>> -> memref<400xi32, #tpu.memory_space<vmem>>
      %dma_start3A_207 = arith.constant 0 : i32
      %dma_start3A_208 = arith.constant 0 : i32
      %dma_start3A_209 = tpu.memref_slice %arg16[%dma_start3A_207, %dma_start3A_208] : memref<5x128xf32, #tpu.memory_space<vmem_shared>> -> memref<5x128xf32, #tpu.memory_space<vmem_shared>>
      tpu.enqueue_indirect_dma source(%dma_start3A_209 : memref<5x128xf32, #tpu.memory_space<vmem_shared>>) target(%arg12 : memref<400x128xf32, #tpu.memory_space<vmem>>) offsets(%dma_start3A_206 : memref<400xi32, #tpu.memory_space<vmem>>) semaphore(%arg17 : memref<!tpu.dma_semaphore, #tpu.memory_space<semaphore_mem>>)
      %scan3A_210 = arith.constant 0 : i32
      %scan3A_211 = arith.constant 0 : i32
      %scan3A_212 = arith.constant 5 : i32
      %scan3A_213 = arith.addi %scan3A_211, %scan3A_212 : i32
      %scan3A_214 = arith.constant 1 : i32
      scf.for %scan3A_265 = %scan3A_211 to %scan3A_213 step %scan3A_214  : i32 {
        %mul3A_266 = arith.constant 5 : i32
        %mul3A_267 = arith.muli %scan3A_265, %mul3A_266 : i32
        %add3A_268 = arith.constant 0 : i32
        %add3A_269 = arith.addi %mul3A_267, %add3A_268 : i32
        %mul3A_270 = arith.constant 16 : i32
        %mul3A_271 = arith.muli %add3A_269, %mul3A_270 : i32
        %add3A_272 = vector.broadcast %mul3A_271 : i32 to vector<16xi32>
        %add3A_273 = arith.addi %iota3A, %add3A_272 : vector<16xi32>
        %mul3A_274 = arith.constant 5 : i32
        %mul3A_275 = arith.muli %scan3A_265, %mul3A_274 : i32
        %add3A_276 = arith.constant 0 : i32
        %add3A_277 = arith.addi %mul3A_275, %add3A_276 : i32
        %mul3A_278 = arith.constant 16 : i32
        %mul3A_279 = arith.muli %add3A_277, %mul3A_278 : i32
        %add3A_280 = arith.constant 2000 : i32
        %add3A_281 = arith.addi %add3A_280, %mul3A_279 : i32
        %get3A = arith.index_cast %add3A_281 : i32 to index
        %get3A_282 = tpu.vector_load %arg9[%get3A] {strides = array<i32>} : memref<3200xf32, #tpu.memory_space<vmem>>, vector<16xf32>,
        tpu.vector_store_idx %arg13[%add3A_273, %broadcast_in_dim3A_3], %get3A_282 : memref<400x128xf32, #tpu.memory_space<vmem>>[vector<16xi32>, vector<16xi32>], vector<16xf32>,
        %get3A_283 = arith.index_cast %add3A_281 : i32 to index
        %get3A_284 = tpu.vector_load %arg10[%get3A_283] {strides = array<i32>} : memref<3200xf32, #tpu.memory_space<vmem>>, vector<16xf32>,
        tpu.vector_store_idx %arg13[%add3A_273, %broadcast_in_dim3A_5], %get3A_284 : memref<400x128xf32, #tpu.memory_space<vmem>>[vector<16xi32>, vector<16xi32>], vector<16xf32>,
        %get3A_285 = arith.index_cast %add3A_281 : i32 to index
        %get3A_286 = tpu.vector_load %arg11[%get3A_285] {strides = array<i32>} : memref<3200xf32, #tpu.memory_space<vmem>>, vector<16xf32>,
        tpu.vector_store_idx %arg13[%add3A_273, %broadcast_in_dim3A_7], %get3A_286 : memref<400x128xf32, #tpu.memory_space<vmem>>[vector<16xi32>, vector<16xi32>], vector<16xf32>,
        %mul3A_287 = arith.constant 5 : i32
        %mul3A_288 = arith.muli %scan3A_265, %mul3A_287 : i32
        %add3A_289 = arith.constant 1 : i32
        %add3A_290 = arith.addi %mul3A_288, %add3A_289 : i32
        %mul3A_291 = arith.constant 16 : i32
        %mul3A_292 = arith.muli %add3A_290, %mul3A_291 : i32
        %add3A_293 = vector.broadcast %mul3A_292 : i32 to vector<16xi32>
        %add3A_294 = arith.addi %iota3A, %add3A_293 : vector<16xi32>
        %mul3A_295 = arith.constant 5 : i32
        %mul3A_296 = arith.muli %scan3A_265, %mul3A_295 : i32
        %add3A_297 = arith.constant 1 : i32
        %add3A_298 = arith.addi %mul3A_296, %add3A_297 : i32
        %mul3A_299 = arith.constant 16 : i32
        %mul3A_300 = arith.muli %add3A_298, %mul3A_299 : i32
        %add3A_301 = arith.constant 2000 : i32
        %add3A_302 = arith.addi %add3A_301, %mul3A_300 : i32
        %get3A_303 = arith.index_cast %add3A_302 : i32 to index
        %get3A_304 = tpu.vector_load %arg9[%get3A_303] {strides = array<i32>} : memref<3200xf32, #tpu.memory_space<vmem>>, vector<16xf32>,
        tpu.vector_store_idx %arg13[%add3A_294, %broadcast_in_dim3A_3], %get3A_304 : memref<400x128xf32, #tpu.memory_space<vmem>>[vector<16xi32>, vector<16xi32>], vector<16xf32>,
        %get3A_305 = arith.index_cast %add3A_302 : i32 to index
        %get3A_306 = tpu.vector_load %arg10[%get3A_305] {strides = array<i32>} : memref<3200xf32, #tpu.memory_space<vmem>>, vector<16xf32>,
        tpu.vector_store_idx %arg13[%add3A_294, %broadcast_in_dim3A_5], %get3A_306 : memref<400x128xf32, #tpu.memory_space<vmem>>[vector<16xi32>, vector<16xi32>], vector<16xf32>,
        %get3A_307 = arith.index_cast %add3A_302 : i32 to index
        %get3A_308 = tpu.vector_load %arg11[%get3A_307] {strides = array<i32>} : memref<3200xf32, #tpu.memory_space<vmem>>, vector<16xf32>,
        tpu.vector_store_idx %arg13[%add3A_294, %broadcast_in_dim3A_7], %get3A_308 : memref<400x128xf32, #tpu.memory_space<vmem>>[vector<16xi32>, vector<16xi32>], vector<16xf32>,
        %mul3A_309 = arith.constant 5 : i32
        %mul3A_310 = arith.muli %scan3A_265, %mul3A_309 : i32
        %add3A_311 = arith.constant 2 : i32
        %add3A_312 = arith.addi %mul3A_310, %add3A_311 : i32
        %mul3A_313 = arith.constant 16 : i32
        %mul3A_314 = arith.muli %add3A_312, %mul3A_313 : i32
        %add3A_315 = vector.broadcast %mul3A_314 : i32 to vector<16xi32>
        %add3A_316 = arith.addi %iota3A, %add3A_315 : vector<16xi32>
        %mul3A_317 = arith.constant 5 : i32
        %mul3A_318 = arith.muli %scan3A_265, %mul3A_317 : i32
        %add3A_319 = arith.constant 2 : i32
        %add3A_320 = arith.addi %mul3A_318, %add3A_319 : i32
        %mul3A_321 = arith.constant 16 : i32
        %mul3A_322 = arith.muli %add3A_320, %mul3A_321 : i32
        %add3A_323 = arith.constant 2000 : i32
        %add3A_324 = arith.addi %add3A_323, %mul3A_322 : i32
        %get3A_325 = arith.index_cast %add3A_324 : i32 to index
        %get3A_326 = tpu.vector_load %arg9[%get3A_325] {strides = array<i32>} : memref<3200xf32, #tpu.memory_space<vmem>>, vector<16xf32>,
        tpu.vector_store_idx %arg13[%add3A_316, %broadcast_in_dim3A_3], %get3A_326 : memref<400x128xf32, #tpu.memory_space<vmem>>[vector<16xi32>, vector<16xi32>], vector<16xf32>,
        %get3A_327 = arith.index_cast %add3A_324 : i32 to index
        %get3A_328 = tpu.vector_load %arg10[%get3A_327] {strides = array<i32>} : memref<3200xf32, #tpu.memory_space<vmem>>, vector<16xf32>,
        tpu.vector_store_idx %arg13[%add3A_316, %broadcast_in_dim3A_5], %get3A_328 : memref<400x128xf32, #tpu.memory_space<vmem>>[vector<16xi32>, vector<16xi32>], vector<16xf32>,
        %get3A_329 = arith.index_cast %add3A_324 : i32 to index
        %get3A_330 = tpu.vector_load %arg11[%get3A_329] {strides = array<i32>} : memref<3200xf32, #tpu.memory_space<vmem>>, vector<16xf32>,
        tpu.vector_store_idx %arg13[%add3A_316, %broadcast_in_dim3A_7], %get3A_330 : memref<400x128xf32, #tpu.memory_space<vmem>>[vector<16xi32>, vector<16xi32>], vector<16xf32>,
        %mul3A_331 = arith.constant 5 : i32
        %mul3A_332 = arith.muli %scan3A_265, %mul3A_331 : i32
        %add3A_333 = arith.constant 3 : i32
        %add3A_334 = arith.addi %mul3A_332, %add3A_333 : i32
        %mul3A_335 = arith.constant 16 : i32
        %mul3A_336 = arith.muli %add3A_334, %mul3A_335 : i32
        %add3A_337 = vector.broadcast %mul3A_336 : i32 to vector<16xi32>
        %add3A_338 = arith.addi %iota3A, %add3A_337 : vector<16xi32>
        %mul3A_339 = arith.constant 5 : i32
        %mul3A_340 = arith.muli %scan3A_265, %mul3A_339 : i32
        %add3A_341 = arith.constant 3 : i32
        %add3A_342 = arith.addi %mul3A_340, %add3A_341 : i32
        %mul3A_343 = arith.constant 16 : i32
        %mul3A_344 = arith.muli %add3A_342, %mul3A_343 : i32
        %add3A_345 = arith.constant 2000 : i32
        %add3A_346 = arith.addi %add3A_345, %mul3A_344 : i32
        %get3A_347 = arith.index_cast %add3A_346 : i32 to index
        %get3A_348 = tpu.vector_load %arg9[%get3A_347] {strides = array<i32>} : memref<3200xf32, #tpu.memory_space<vmem>>, vector<16xf32>,
        tpu.vector_store_idx %arg13[%add3A_338, %broadcast_in_dim3A_3], %get3A_348 : memref<400x128xf32, #tpu.memory_space<vmem>>[vector<16xi32>, vector<16xi32>], vector<16xf32>,
        %get3A_349 = arith.index_cast %add3A_346 : i32 to index
        %get3A_350 = tpu.vector_load %arg10[%get3A_349] {strides = array<i32>} : memref<3200xf32, #tpu.memory_space<vmem>>, vector<16xf32>,
        tpu.vector_store_idx %arg13[%add3A_338, %broadcast_in_dim3A_5], %get3A_350 : memref<400x128xf32, #tpu.memory_space<vmem>>[vector<16xi32>, vector<16xi32>], vector<16xf32>,
        %get3A_351 = arith.index_cast %add3A_346 : i32 to index
        %get3A_352 = tpu.vector_load %arg11[%get3A_351] {strides = array<i32>} : memref<3200xf32, #tpu.memory_space<vmem>>, vector<16xf32>,
        tpu.vector_store_idx %arg13[%add3A_338, %broadcast_in_dim3A_7], %get3A_352 : memref<400x128xf32, #tpu.memory_space<vmem>>[vector<16xi32>, vector<16xi32>], vector<16xf32>,
        %mul3A_353 = arith.constant 5 : i32
        %mul3A_354 = arith.muli %scan3A_265, %mul3A_353 : i32
        %add3A_355 = arith.constant 4 : i32
        %add3A_356 = arith.addi %mul3A_354, %add3A_355 : i32
        %mul3A_357 = arith.constant 16 : i32
        %mul3A_358 = arith.muli %add3A_356, %mul3A_357 : i32
        %add3A_359 = vector.broadcast %mul3A_358 : i32 to vector<16xi32>
        %add3A_360 = arith.addi %iota3A, %add3A_359 : vector<16xi32>
        %mul3A_361 = arith.constant 5 : i32
        %mul3A_362 = arith.muli %scan3A_265, %mul3A_361 : i32
        %add3A_363 = arith.constant 4 : i32
        %add3A_364 = arith.addi %mul3A_362, %add3A_363 : i32
        %mul3A_365 = arith.constant 16 : i32
        %mul3A_366 = arith.muli %add3A_364, %mul3A_365 : i32
        %add3A_367 = arith.constant 2000 : i32
        %add3A_368 = arith.addi %add3A_367, %mul3A_366 : i32
        %get3A_369 = arith.index_cast %add3A_368 : i32 to index
        %get3A_370 = tpu.vector_load %arg9[%get3A_369] {strides = array<i32>} : memref<3200xf32, #tpu.memory_space<vmem>>, vector<16xf32>,
        tpu.vector_store_idx %arg13[%add3A_360, %broadcast_in_dim3A_3], %get3A_370 : memref<400x128xf32, #tpu.memory_space<vmem>>[vector<16xi32>, vector<16xi32>], vector<16xf32>,
        %get3A_371 = arith.index_cast %add3A_368 : i32 to index
        %get3A_372 = tpu.vector_load %arg10[%get3A_371] {strides = array<i32>} : memref<3200xf32, #tpu.memory_space<vmem>>, vector<16xf32>,
        tpu.vector_store_idx %arg13[%add3A_360, %broadcast_in_dim3A_5], %get3A_372 : memref<400x128xf32, #tpu.memory_space<vmem>>[vector<16xi32>, vector<16xi32>], vector<16xf32>,
        %get3A_373 = arith.index_cast %add3A_368 : i32 to index
        %get3A_374 = tpu.vector_load %arg11[%get3A_373] {strides = array<i32>} : memref<3200xf32, #tpu.memory_space<vmem>>, vector<16xf32>,
        tpu.vector_store_idx %arg13[%add3A_360, %broadcast_in_dim3A_7], %get3A_374 : memref<400x128xf32, #tpu.memory_space<vmem>>[vector<16xi32>, vector<16xi32>], vector<16xf32>,
      }
      %scan3A_215 = arith.constant 5 : i32
      %add3A_216 = arith.constant 5 : i32
      %add3A_217 = arith.addi %add3A_20, %add3A_216 : i32
      %dma_start3A_218 = arith.constant 0 : i32
      %dma_start3A_219 = arith.constant 0 : i32
      %dma_start3A_220 = tpu.memref_slice %arg7[%add3A_217, %dma_start3A_218, %dma_start3A_219] : memref<250x400x128xf32, #tpu.memory_space<hbm>> -> memref<1x400x128xf32, #tpu.memory_space<hbm>>
      %dma_start3A_221 = tpu.memref_squeeze %dma_start3A_220 : memref<1x400x128xf32, #tpu.memory_space<hbm>> -> memref<400x128xf32, #tpu.memory_space<hbm>>
      %dma_start3A_222 = arith.constant 0 : i32
      %dma_start3A_223 = arith.constant 0 : i32
      %dma_start3A_224 = tpu.memref_slice %arg7[%add3A_217, %dma_start3A_222, %dma_start3A_223] : memref<250x400x128xf32, #tpu.memory_space<hbm>> -> memref<1x400x128xf32, #tpu.memory_space<hbm>>
      %dma_start3A_225 = tpu.memref_squeeze %dma_start3A_224 : memref<1x400x128xf32, #tpu.memory_space<hbm>> -> memref<400x128xf32, #tpu.memory_space<hbm>>
      tpu.enqueue_dma source(%arg13 : memref<400x128xf32, #tpu.memory_space<vmem>>) target(%dma_start3A_225 : memref<400x128xf32, #tpu.memory_space<hbm>>) target_semaphore(%arg20 : memref<!tpu.dma_semaphore, #tpu.memory_space<semaphore_mem>>)
      %dma_wait3A_226 = arith.constant 2400 : i32
      %dma_wait3A_227 = tpu.memref_slice %arg8[%dma_wait3A_226] : memref<3200xi32, #tpu.memory_space<vmem>> -> memref<400xi32, #tpu.memory_space<vmem>>
      %dma_wait3A_228 = arith.constant 0 : i32
      %dma_wait3A_229 = arith.constant 0 : i32
      %dma_wait3A_230 = tpu.memref_slice %arg16[%dma_wait3A_228, %dma_wait3A_229] : memref<5x128xf32, #tpu.memory_space<vmem_shared>> -> memref<5x128xf32, #tpu.memory_space<vmem_shared>>
      tpu.wait_indirect_dma semaphore(%arg17 : memref<!tpu.dma_semaphore, #tpu.memory_space<semaphore_mem>>) src(%dma_wait3A_230 : memref<5x128xf32, #tpu.memory_space<vmem_shared>>) dst(%arg12 : memref<400x128xf32, #tpu.memory_space<vmem>>)
      %scan3A_231 = arith.constant 0 : i32
      %scan3A_232 = arith.constant 0 : i32
      %scan3A_233 = arith.constant 5 : i32
      %scan3A_234 = arith.addi %scan3A_232, %scan3A_233 : i32
      %scan3A_235 = arith.constant 1 : i32
      scf.for %scan3A_265 = %scan3A_232 to %scan3A_234 step %scan3A_235  : i32 {
        %mul3A_266 = arith.constant 5 : i32
        %mul3A_267 = arith.muli %scan3A_265, %mul3A_266 : i32
        %add3A_268 = arith.constant 0 : i32
        %add3A_269 = arith.addi %mul3A_267, %add3A_268 : i32
        %mul3A_270 = arith.constant 16 : i32
        %mul3A_271 = arith.muli %add3A_269, %mul3A_270 : i32
        %add3A_272 = vector.broadcast %mul3A_271 : i32 to vector<16xi32>
        %add3A_273 = arith.addi %iota3A, %add3A_272 : vector<16xi32>
        %mul3A_274 = arith.constant 5 : i32
        %mul3A_275 = arith.muli %scan3A_265, %mul3A_274 : i32
        %add3A_276 = arith.constant 0 : i32
        %add3A_277 = arith.addi %mul3A_275, %add3A_276 : i32
        %mul3A_278 = arith.constant 16 : i32
        %mul3A_279 = arith.muli %add3A_277, %mul3A_278 : i32
        %add3A_280 = arith.constant 2400 : i32
        %add3A_281 = arith.addi %add3A_280, %mul3A_279 : i32
        %get3A = arith.index_cast %add3A_281 : i32 to index
        %get3A_282 = tpu.vector_load %arg9[%get3A] {strides = array<i32>} : memref<3200xf32, #tpu.memory_space<vmem>>, vector<16xf32>,
        tpu.vector_store_idx %arg12[%add3A_273, %broadcast_in_dim3A_3], %get3A_282 : memref<400x128xf32, #tpu.memory_space<vmem>>[vector<16xi32>, vector<16xi32>], vector<16xf32>,
        %get3A_283 = arith.index_cast %add3A_281 : i32 to index
        %get3A_284 = tpu.vector_load %arg10[%get3A_283] {strides = array<i32>} : memref<3200xf32, #tpu.memory_space<vmem>>, vector<16xf32>,
        tpu.vector_store_idx %arg12[%add3A_273, %broadcast_in_dim3A_5], %get3A_284 : memref<400x128xf32, #tpu.memory_space<vmem>>[vector<16xi32>, vector<16xi32>], vector<16xf32>,
        %get3A_285 = arith.index_cast %add3A_281 : i32 to index
        %get3A_286 = tpu.vector_load %arg11[%get3A_285] {strides = array<i32>} : memref<3200xf32, #tpu.memory_space<vmem>>, vector<16xf32>,
        tpu.vector_store_idx %arg12[%add3A_273, %broadcast_in_dim3A_7], %get3A_286 : memref<400x128xf32, #tpu.memory_space<vmem>>[vector<16xi32>, vector<16xi32>], vector<16xf32>,
        %mul3A_287 = arith.constant 5 : i32
        %mul3A_288 = arith.muli %scan3A_265, %mul3A_287 : i32
        %add3A_289 = arith.constant 1 : i32
        %add3A_290 = arith.addi %mul3A_288, %add3A_289 : i32
        %mul3A_291 = arith.constant 16 : i32
        %mul3A_292 = arith.muli %add3A_290, %mul3A_291 : i32
        %add3A_293 = vector.broadcast %mul3A_292 : i32 to vector<16xi32>
        %add3A_294 = arith.addi %iota3A, %add3A_293 : vector<16xi32>
        %mul3A_295 = arith.constant 5 : i32
        %mul3A_296 = arith.muli %scan3A_265, %mul3A_295 : i32
        %add3A_297 = arith.constant 1 : i32
        %add3A_298 = arith.addi %mul3A_296, %add3A_297 : i32
        %mul3A_299 = arith.constant 16 : i32
        %mul3A_300 = arith.muli %add3A_298, %mul3A_299 : i32
        %add3A_301 = arith.constant 2400 : i32
        %add3A_302 = arith.addi %add3A_301, %mul3A_300 : i32
        %get3A_303 = arith.index_cast %add3A_302 : i32 to index
        %get3A_304 = tpu.vector_load %arg9[%get3A_303] {strides = array<i32>} : memref<3200xf32, #tpu.memory_space<vmem>>, vector<16xf32>,
        tpu.vector_store_idx %arg12[%add3A_294, %broadcast_in_dim3A_3], %get3A_304 : memref<400x128xf32, #tpu.memory_space<vmem>>[vector<16xi32>, vector<16xi32>], vector<16xf32>,
        %get3A_305 = arith.index_cast %add3A_302 : i32 to index
        %get3A_306 = tpu.vector_load %arg10[%get3A_305] {strides = array<i32>} : memref<3200xf32, #tpu.memory_space<vmem>>, vector<16xf32>,
        tpu.vector_store_idx %arg12[%add3A_294, %broadcast_in_dim3A_5], %get3A_306 : memref<400x128xf32, #tpu.memory_space<vmem>>[vector<16xi32>, vector<16xi32>], vector<16xf32>,
        %get3A_307 = arith.index_cast %add3A_302 : i32 to index
        %get3A_308 = tpu.vector_load %arg11[%get3A_307] {strides = array<i32>} : memref<3200xf32, #tpu.memory_space<vmem>>, vector<16xf32>,
        tpu.vector_store_idx %arg12[%add3A_294, %broadcast_in_dim3A_7], %get3A_308 : memref<400x128xf32, #tpu.memory_space<vmem>>[vector<16xi32>, vector<16xi32>], vector<16xf32>,
        %mul3A_309 = arith.constant 5 : i32
        %mul3A_310 = arith.muli %scan3A_265, %mul3A_309 : i32
        %add3A_311 = arith.constant 2 : i32
        %add3A_312 = arith.addi %mul3A_310, %add3A_311 : i32
        %mul3A_313 = arith.constant 16 : i32
        %mul3A_314 = arith.muli %add3A_312, %mul3A_313 : i32
        %add3A_315 = vector.broadcast %mul3A_314 : i32 to vector<16xi32>
        %add3A_316 = arith.addi %iota3A, %add3A_315 : vector<16xi32>
        %mul3A_317 = arith.constant 5 : i32
        %mul3A_318 = arith.muli %scan3A_265, %mul3A_317 : i32
        %add3A_319 = arith.constant 2 : i32
        %add3A_320 = arith.addi %mul3A_318, %add3A_319 : i32
        %mul3A_321 = arith.constant 16 : i32
        %mul3A_322 = arith.muli %add3A_320, %mul3A_321 : i32
        %add3A_323 = arith.constant 2400 : i32
        %add3A_324 = arith.addi %add3A_323, %mul3A_322 : i32
        %get3A_325 = arith.index_cast %add3A_324 : i32 to index
        %get3A_326 = tpu.vector_load %arg9[%get3A_325] {strides = array<i32>} : memref<3200xf32, #tpu.memory_space<vmem>>, vector<16xf32>,
        tpu.vector_store_idx %arg12[%add3A_316, %broadcast_in_dim3A_3], %get3A_326 : memref<400x128xf32, #tpu.memory_space<vmem>>[vector<16xi32>, vector<16xi32>], vector<16xf32>,
        %get3A_327 = arith.index_cast %add3A_324 : i32 to index
        %get3A_328 = tpu.vector_load %arg10[%get3A_327] {strides = array<i32>} : memref<3200xf32, #tpu.memory_space<vmem>>, vector<16xf32>,
        tpu.vector_store_idx %arg12[%add3A_316, %broadcast_in_dim3A_5], %get3A_328 : memref<400x128xf32, #tpu.memory_space<vmem>>[vector<16xi32>, vector<16xi32>], vector<16xf32>,
        %get3A_329 = arith.index_cast %add3A_324 : i32 to index
        %get3A_330 = tpu.vector_load %arg11[%get3A_329] {strides = array<i32>} : memref<3200xf32, #tpu.memory_space<vmem>>, vector<16xf32>,
        tpu.vector_store_idx %arg12[%add3A_316, %broadcast_in_dim3A_7], %get3A_330 : memref<400x128xf32, #tpu.memory_space<vmem>>[vector<16xi32>, vector<16xi32>], vector<16xf32>,
        %mul3A_331 = arith.constant 5 : i32
        %mul3A_332 = arith.muli %scan3A_265, %mul3A_331 : i32
        %add3A_333 = arith.constant 3 : i32
        %add3A_334 = arith.addi %mul3A_332, %add3A_333 : i32
        %mul3A_335 = arith.constant 16 : i32
        %mul3A_336 = arith.muli %add3A_334, %mul3A_335 : i32
        %add3A_337 = vector.broadcast %mul3A_336 : i32 to vector<16xi32>
        %add3A_338 = arith.addi %iota3A, %add3A_337 : vector<16xi32>
        %mul3A_339 = arith.constant 5 : i32
        %mul3A_340 = arith.muli %scan3A_265, %mul3A_339 : i32
        %add3A_341 = arith.constant 3 : i32
        %add3A_342 = arith.addi %mul3A_340, %add3A_341 : i32
        %mul3A_343 = arith.constant 16 : i32
        %mul3A_344 = arith.muli %add3A_342, %mul3A_343 : i32
        %add3A_345 = arith.constant 2400 : i32
        %add3A_346 = arith.addi %add3A_345, %mul3A_344 : i32
        %get3A_347 = arith.index_cast %add3A_346 : i32 to index
        %get3A_348 = tpu.vector_load %arg9[%get3A_347] {strides = array<i32>} : memref<3200xf32, #tpu.memory_space<vmem>>, vector<16xf32>,
        tpu.vector_store_idx %arg12[%add3A_338, %broadcast_in_dim3A_3], %get3A_348 : memref<400x128xf32, #tpu.memory_space<vmem>>[vector<16xi32>, vector<16xi32>], vector<16xf32>,
        %get3A_349 = arith.index_cast %add3A_346 : i32 to index
        %get3A_350 = tpu.vector_load %arg10[%get3A_349] {strides = array<i32>} : memref<3200xf32, #tpu.memory_space<vmem>>, vector<16xf32>,
        tpu.vector_store_idx %arg12[%add3A_338, %broadcast_in_dim3A_5], %get3A_350 : memref<400x128xf32, #tpu.memory_space<vmem>>[vector<16xi32>, vector<16xi32>], vector<16xf32>,
        %get3A_351 = arith.index_cast %add3A_346 : i32 to index
        %get3A_352 = tpu.vector_load %arg11[%get3A_351] {strides = array<i32>} : memref<3200xf32, #tpu.memory_space<vmem>>, vector<16xf32>,
        tpu.vector_store_idx %arg12[%add3A_338, %broadcast_in_dim3A_7], %get3A_352 : memref<400x128xf32, #tpu.memory_space<vmem>>[vector<16xi32>, vector<16xi32>], vector<16xf32>,
        %mul3A_353 = arith.constant 5 : i32
        %mul3A_354 = arith.muli %scan3A_265, %mul3A_353 : i32
        %add3A_355 = arith.constant 4 : i32
        %add3A_356 = arith.addi %mul3A_354, %add3A_355 : i32
        %mul3A_357 = arith.constant 16 : i32
        %mul3A_358 = arith.muli %add3A_356, %mul3A_357 : i32
        %add3A_359 = vector.broadcast %mul3A_358 : i32 to vector<16xi32>
        %add3A_360 = arith.addi %iota3A, %add3A_359 : vector<16xi32>
        %mul3A_361 = arith.constant 5 : i32
        %mul3A_362 = arith.muli %scan3A_265, %mul3A_361 : i32
        %add3A_363 = arith.constant 4 : i32
        %add3A_364 = arith.addi %mul3A_362, %add3A_363 : i32
        %mul3A_365 = arith.constant 16 : i32
        %mul3A_366 = arith.muli %add3A_364, %mul3A_365 : i32
        %add3A_367 = arith.constant 2400 : i32
        %add3A_368 = arith.addi %add3A_367, %mul3A_366 : i32
        %get3A_369 = arith.index_cast %add3A_368 : i32 to index
        %get3A_370 = tpu.vector_load %arg9[%get3A_369] {strides = array<i32>} : memref<3200xf32, #tpu.memory_space<vmem>>, vector<16xf32>,
        tpu.vector_store_idx %arg12[%add3A_360, %broadcast_in_dim3A_3], %get3A_370 : memref<400x128xf32, #tpu.memory_space<vmem>>[vector<16xi32>, vector<16xi32>], vector<16xf32>,
        %get3A_371 = arith.index_cast %add3A_368 : i32 to index
        %get3A_372 = tpu.vector_load %arg10[%get3A_371] {strides = array<i32>} : memref<3200xf32, #tpu.memory_space<vmem>>, vector<16xf32>,
        tpu.vector_store_idx %arg12[%add3A_360, %broadcast_in_dim3A_5], %get3A_372 : memref<400x128xf32, #tpu.memory_space<vmem>>[vector<16xi32>, vector<16xi32>], vector<16xf32>,
        %get3A_373 = arith.index_cast %add3A_368 : i32 to index
        %get3A_374 = tpu.vector_load %arg11[%get3A_373] {strides = array<i32>} : memref<3200xf32, #tpu.memory_space<vmem>>, vector<16xf32>,
        tpu.vector_store_idx %arg12[%add3A_360, %broadcast_in_dim3A_7], %get3A_374 : memref<400x128xf32, #tpu.memory_space<vmem>>[vector<16xi32>, vector<16xi32>], vector<16xf32>,
      }
      %scan3A_236 = arith.constant 5 : i32
      %add3A_237 = arith.constant 6 : i32
      %add3A_238 = arith.addi %add3A_20, %add3A_237 : i32
      %dma_start3A_239 = arith.constant 0 : i32
      %dma_start3A_240 = arith.constant 0 : i32
      %dma_start3A_241 = tpu.memref_slice %arg7[%add3A_238, %dma_start3A_239, %dma_start3A_240] : memref<250x400x128xf32, #tpu.memory_space<hbm>> -> memref<1x400x128xf32, #tpu.memory_space<hbm>>
      %dma_start3A_242 = tpu.memref_squeeze %dma_start3A_241 : memref<1x400x128xf32, #tpu.memory_space<hbm>> -> memref<400x128xf32, #tpu.memory_space<hbm>>
      %dma_start3A_243 = arith.constant 0 : i32
      %dma_start3A_244 = arith.constant 0 : i32
      %dma_start3A_245 = tpu.memref_slice %arg7[%add3A_238, %dma_start3A_243, %dma_start3A_244] : memref<250x400x128xf32, #tpu.memory_space<hbm>> -> memref<1x400x128xf32, #tpu.memory_space<hbm>>
      %dma_start3A_246 = tpu.memref_squeeze %dma_start3A_245 : memref<1x400x128xf32, #tpu.memory_space<hbm>> -> memref<400x128xf32, #tpu.memory_space<hbm>>
      tpu.enqueue_dma source(%arg12 : memref<400x128xf32, #tpu.memory_space<vmem>>) target(%dma_start3A_246 : memref<400x128xf32, #tpu.memory_space<hbm>>) target_semaphore(%arg19 : memref<!tpu.dma_semaphore, #tpu.memory_space<semaphore_mem>>)
      %dma_wait3A_247 = arith.constant 0 : i32
      %dma_wait3A_248 = arith.constant 0 : i32
      %dma_wait3A_249 = arith.constant 0 : i32
      %dma_wait3A_250 = tpu.memref_slice %arg7[%dma_wait3A_247, %dma_wait3A_248, %dma_wait3A_249] : memref<250x400x128xf32, #tpu.memory_space<hbm>> -> memref<1x400x128xf32, #tpu.memory_space<hbm>>
      %dma_wait3A_251 = tpu.memref_squeeze %dma_wait3A_250 : memref<1x400x128xf32, #tpu.memory_space<hbm>> -> memref<400x128xf32, #tpu.memory_space<hbm>>
      %dma_wait3A_252 = arith.constant 0 : i32
      %dma_wait3A_253 = arith.constant 0 : i32
      %dma_wait3A_254 = tpu.memref_slice %arg7[%dma_wait3A_247, %dma_wait3A_252, %dma_wait3A_253] : memref<250x400x128xf32, #tpu.memory_space<hbm>> -> memref<1x400x128xf32, #tpu.memory_space<hbm>>
      %dma_wait3A_255 = tpu.memref_squeeze %dma_wait3A_254 : memref<1x400x128xf32, #tpu.memory_space<hbm>> -> memref<400x128xf32, #tpu.memory_space<hbm>>
      tpu.wait_dma2 semaphore(%arg20 : memref<!tpu.dma_semaphore, #tpu.memory_space<semaphore_mem>>) src(%arg13 : memref<400x128xf32, #tpu.memory_space<vmem>>) dst(%dma_wait3A_255 : memref<400x128xf32, #tpu.memory_space<hbm>>)
      %dma_wait3A_256 = arith.constant 0 : i32
      %dma_wait3A_257 = arith.constant 0 : i32
      %dma_wait3A_258 = arith.constant 0 : i32
      %dma_wait3A_259 = tpu.memref_slice %arg7[%dma_wait3A_256, %dma_wait3A_257, %dma_wait3A_258] : memref<250x400x128xf32, #tpu.memory_space<hbm>> -> memref<1x400x128xf32, #tpu.memory_space<hbm>>
      %dma_wait3A_260 = tpu.memref_squeeze %dma_wait3A_259 : memref<1x400x128xf32, #tpu.memory_space<hbm>> -> memref<400x128xf32, #tpu.memory_space<hbm>>
      %dma_wait3A_261 = arith.constant 0 : i32
      %dma_wait3A_262 = arith.constant 0 : i32
      %dma_wait3A_263 = tpu.memref_slice %arg7[%dma_wait3A_256, %dma_wait3A_261, %dma_wait3A_262] : memref<250x400x128xf32, #tpu.memory_space<hbm>> -> memref<1x400x128xf32, #tpu.memory_space<hbm>>
      %dma_wait3A_264 = tpu.memref_squeeze %dma_wait3A_263 : memref<1x400x128xf32, #tpu.memory_space<hbm>> -> memref<400x128xf32, #tpu.memory_space<hbm>>
      tpu.wait_dma2 semaphore(%arg19 : memref<!tpu.dma_semaphore, #tpu.memory_space<semaphore_mem>>) src(%arg12 : memref<400x128xf32, #tpu.memory_space<vmem>>) dst(%dma_wait3A_264 : memref<400x128xf32, #tpu.memory_space<hbm>>)
    } else {
    }
    return
  }
}

</mosaic_0001>

<sc_bundles>
// kernel: kernel.3.cloned.1.call-start
scs
__scs_entry_jumppad:
0x0: {  	(pc) =	sbr.rel $0x88, $3  }
0x1: {  	(tag) =	ssettag $0x0;
	lr =	simm.s32 $0x1  }
0x2: {  	[smem:$0x3F9C] =	sst lr;
	_ =	strace $0xD0000000  }
0x3: {  	_ = 	snop  }
0x4: {  	_ = 	snop  }
0x5: {  	_ = 	snop  }
0x6: {  	_ = 	snop  }
0x7: {  	_ = 	snop  }
__scs_overlays_trampoline_lowered:
0x8: {  	[smem:$0x3FAB] =	sst s0  }
0x9: {  	[smem:$0x3FAC] =	sst s1  }
0xa: {  	[smem:$0x3FAD] =	sst s2  }
0xb: {  	[smem:$0x3FAE] =	sst s3  }
0xc: {  	[smem:$0x3FAF] =	sst s4  }
0xd: {  	[smem:$0x3FB0] =	sst s5  }
0xe: {  	[smem:$0x3FB1] =	sst s6  }
0xf: {  	[smem:$0x3FB2] =	sst s7  }
0x10: {  	[smem:$0x3FB3] =	sst s8  }
0x11: {  	[smem:$0x3FB4] =	sst s9;
	s0 =	simm.s32 @!p0 $0x0  }
0x12: {  	s1 =	sld [smem:$0x3F9A];
	s0 =	simm.s32 @p0 $0x1  }
0x13: {  	[smem:$0x3FB5] =	sst s0;
	s0 =	simm.s32 @!p1 $0x0  }
0x14: {  	s2 =	sld [smem:$0x3F99];
	s0 =	simm.s32 @p1 $0x1  }
0x15: {  	[smem:$0x3FB6] =	sst s0;
	s0 =	simm.s32 @!p2 $0x0  }
0x16: {  	s3 =	sld [smem:$0x3FDB];
	s0 =	simm.s32 @p2 $0x1  }
0x17: {  	s4 =	simm.s32 $0x1BF5;
	[smem:$0x3FB8] =	sst s0  }
0x18: {  	s0 =	sld [smem:$0x3F9B];
	_ =	swait.ge [sflag:s4], $0x0  }
0x19: {  	s7 =	sld [smem:$0x3F9C]  }
0x1a: {  	s8 =	sadd.s32 $0xFFFFE003, lr  }
0x1b: {  	s9 =	sadd.s32 $0xFFFFFEF7, lr;
	s5 =	simm.s32 $0xFFFFFFFF;
	p2 =	slt.u32 s8, $0xFFFFF086  }
0x1c: {  	p1 =	slt.u32 s9, $0xF7A;
	s5 =	simm.s32 @!p2 $0x0  }
0x1d: {  	s5 =	simm.s32 @p1 $0x1;
	p0 =	seq.s32 s7, s2  }
0x1e: {  	s7 =	smul.u32 @!p0 $0xF7A, s2;
	p2 =	seq.s32 @!p0 s5, $0x0  }
0x1f: {  	s9 =	smul.u32 $0xF7A, s1;
	s8 =	simm.s32 @!p0 $0x1BF5;
	p2 =	por !p2, p0  }
0x20: {  	[sflag:s8] =	ssyncset.s32 @!p0 $0xFFFFF086;
	s6 =	sadd.s32 @!p0 s3, s7;
	s7 =	simm.s32 @!p0 $0x108  }
0x21: {  	s3 =	sadd.s32 s3, s9;
	s6 =	sadd.s32 @!p0 $0x88, s6;
	s7 =	simm.s32 @p2 $0x1082  }
0x22: {  	[simem:s7], [sflag:s8] =	dma.local @!p0 [hbm:s6], $0xF7A  }
0x23: {  	s9 =	sor.u32 $0xD0000000, s2;
	s6 =	simm.s32 $0x108;
	_ =	swait.ge @!p0 [sflag:s8], $0x0  }
0x24: {  	s3 =	sadd.s32 $0x88, s3;
	s6 =	simm.s32 @!p1 $0x1082;
	[sflag:s4] =	ssyncset.s32 $0xFFFFF086  }
0x25: {  	[simem:s6], [sflag:s4] =	dma.local [hbm:s3], $0xF7A  }
0x26: {  	[smem:$0x3F9C] =	sst s1;
	(tag) =	ssettag s2;
	_ =	strace s9  }
0x27: {  	s1 =	sld [smem:$0x3FAC]  }
0x28: {  	s2 =	sld [smem:$0x3FAD]  }
0x29: {  	s4 =	sld [smem:$0x3FAF]  }
0x2a: {  	p0 =	seq.s32 s5, $0x0;
	s5 =	sld [smem:$0x3FB0]  }
0x2b: {  	s6 =	sld [smem:$0x3FB1]  }
0x2c: {  	s7 =	sld [smem:$0x3FB2]  }
0x2d: {  	s3 =	simm.s32 $0x108;
	s8 =	sld [smem:$0x3FB3]  }
0x2e: {  	s3 =	simm.s32 @!p0 $0x1082;
	s9 =	sld [smem:$0x3FB4]  }
0x2f: {  	lr =	sadd.s32 s0, s3;
	s0 =	sld [smem:$0x3FAB]  }
0x30: {  	s3 =	sld [smem:$0x3FAE]  }
0x31: {  	[smem:$0x3FB7] =	sst s10  }
0x32: {  	s10 =	sld [smem:$0x3FB5];
	_ =	sdelay $0x3  }
0x33: {  	p0 =	seq.s32 s10, $0x1;
	s10 =	sld [smem:$0x3FB7];
	_ =	sdelay $0x3  }
0x34: {  	[smem:$0x3FB7] =	sst s10  }
0x35: {  	s10 =	sld [smem:$0x3FB6];
	_ =	sdelay $0x3  }
0x36: {  	p1 =	seq.s32 s10, $0x1;
	s10 =	sld [smem:$0x3FB7];
	_ =	sdelay $0x3  }
0x37: {  	[smem:$0x3FB7] =	sst s10  }
0x38: {  	s10 =	sld [smem:$0x3FB8]  }
0x39: {  	_ = 	snop;
	(pc) =	sbr.ind lr, $3  }
0x3a: {  	_ = 	snop  }
0x3b: {  	_ = 	snop  }
0x3c: {  	p2 =	seq.s32 s10, $0x1;
	s10 =	sld [smem:$0x3FB7]  }
0x3d: {  	_ =	shalt  }
0x3e: {  	_ =	shalt  }
0x3f: {  	_ =	shalt  }
0x40: {  	_ =	shalt  }
0x41: {  	_ =	shalt  }
0x42: {  	_ =	shalt  }
0x43: {  	_ =	shalt  }
0x44: {  	_ =	shalt  }
0x45: {  	_ =	shalt  }
0x46: {  	_ =	shalt  }
0x47: {  	_ =	shalt  }
0x48: {  	_ =	shalt  }
0x49: {  	_ =	shalt  }
0x4a: {  	_ =	shalt  }
0x4b: {  	_ =	shalt  }
0x4c: {  	_ =	shalt  }
0x4d: {  	_ =	shalt  }
0x4e: {  	_ =	shalt  }
0x4f: {  	_ =	shalt  }
0x50: {  	_ =	shalt  }
0x51: {  	_ =	shalt  }
0x52: {  	_ =	shalt  }
0x53: {  	_ =	shalt  }
0x54: {  	_ =	shalt  }
0x55: {  	_ =	shalt  }
0x56: {  	_ =	shalt  }
0x57: {  	_ =	shalt  }
0x58: {  	_ =	shalt  }
0x59: {  	_ =	shalt  }
0x5a: {  	_ =	shalt  }
0x5b: {  	_ =	shalt  }
0x5c: {  	_ =	shalt  }
0x5d: {  	_ =	shalt  }
0x5e: {  	_ =	shalt  }
0x5f: {  	_ =	shalt  }
0x60: {  	_ =	shalt  }
0x61: {  	_ =	shalt  }
0x62: {  	_ =	shalt  }
0x63: {  	_ =	shalt  }
0x64: {  	_ =	shalt  }
0x65: {  	_ =	shalt  }
0x66: {  	_ =	shalt  }
0x67: {  	_ =	shalt  }
0x68: {  	_ =	shalt  }
0x69: {  	_ =	shalt  }
0x6a: {  	_ =	shalt  }
0x6b: {  	_ =	shalt  }
0x6c: {  	_ =	shalt  }
0x6d: {  	_ =	shalt  }
0x6e: {  	_ =	shalt  }
0x6f: {  	_ =	shalt  }
0x70: {  	_ =	shalt  }
0x71: {  	_ =	shalt  }
0x72: {  	_ =	shalt  }
0x73: {  	_ =	shalt  }
0x74: {  	_ =	shalt  }
0x75: {  	_ =	shalt  }
0x76: {  	_ =	shalt  }
0x77: {  	_ =	shalt  }
0x78: {  	_ =	shalt  }
0x79: {  	_ =	shalt  }
0x7a: {  	_ =	shalt  }
0x7b: {  	_ =	shalt  }
0x7c: {  	_ =	shalt  }
0x7d: {  	_ =	shalt  }
0x7e: {  	_ =	shalt  }
0x7f: {  	_ =	shalt  }
0x80: {  	_ =	shalt  }
0x81: {  	_ =	shalt  }
0x82: {  	_ =	shalt  }
0x83: {  	_ =	shalt  }
0x84: {  	_ =	shalt  }
0x85: {  	_ =	shalt  }
0x86: {  	_ =	shalt  }
0x87: {  	_ =	shalt  }
.Lfunc_end0:
.L_simem_size_0:
called_computation_lowered:
.L_overlay_start_0:
0x88: {  	s2 =	sld [smem:$0x3FD9]  }
0x89: {  	s3 =	sld [smem:$0x3FFE];
	_ =	sdelay $0x1  }
0x8a: {  	s1 =	srdreg.scid  }
0x8b: {  	s0 =	sand.u32 $0x1, s1  }
0x8c: {  	s18 =	sshll.u32 s0, $0xA;
	s2 =	sadd.s32 s3, s2  }
0x8d: {  	s2 =	sadd.s32 s2, s18  }
0x8e: {  	[smem:$0x3FC3] =	sst s2  }
0x8f: {  	_ = 	snop  }
0x90: {  	s2 =	sld [smem:$0x3FC9]  }
0x91: {  	s19 =	sld [smem:$0x3FC8]  }
0x92: {  	s4 =	sld [smem:$0x3FC7]  }
0x93: {  	s5 =	sld [smem:$0x3FC6]  }
0x94: {  	s6 =	sld [smem:$0x3FC5]  }
0x95: {  	s7 =	sld [smem:$0x3FD0];
	(tm) =	ssettm $0x1  }
0x96: {  	s8 =	sld [smem:$0x3FFB];
	_ =	sdelay $0x3  }
0x97: {  	_ =	strace s8  }
0x98: {  	s8 =	sld [smem:$0x3FFC];
	_ =	sdelay $0x3  }
0x99: {  	_ =	strace s8  }
0x9a: {  	s8 =	sld [smem:$0x3FFD];
	_ =	sdelay $0x3  }
0x9b: {  	_ =	strace s8  }
0x9c: {  	_ =	strace $0x8FFFFFFF  }
0x9d: {  	s20 =	sld [smem:$0x3FDB];
	_ =	sdelay $0x1  }
0x9e: {  	s9 =	simm.s32 $_scs_section_size  }
0x9f: {  	s10 =	simm.s32 $_size__tile_overlayer_lowered;
	s11 =	simm.s32 $_tile_overlayer_lowered  }
0xa0: {  	s23 =	simm.s32 $0x1BFF;
	s22 =	sshll.u32 s11, $0x1;
	s8 =	sadd.s32 s9, s20  }
0xa1: {  	s12 =	simm.s32 $0x0;
	s21 =	sshll.u32 s10, $0x1;
	s10 =	sadd.s32 s22, s8  }
0xa2: {  	[timem:s12], [sflag:s23] =	dma.local [hbm:s10], s21  }
0xa3: {  	_ =	swait.ge [sflag:s23], s21  }
0xa4: {  	s9 =	ssub.s32 $0x0, s21;
	[sflag:s23] =	ssyncset.done $0x0  }
0xa5: {  	[sflag:s23] =	ssyncadd.s32 s9;
	_ =	sdelay $0x1  }
0xa6: {  	s24 =	simm.s32 $0x1B8B  }
0xa7: {  	_ =	swait.ge [sflag:s24], $0x1  }
0xa8: {  	[sflag:s24] =	ssyncset.done $0x0  }
0xa9: {  	s25 =	simm.s32 $0x1B8E;
	[sflag:s24] =	ssyncadd.s32 $0xFFFFFFFF  }
0xaa: {  	s26 =	simm.s32 $execute0_lowered;
	[smem:$0x3FD2] =	sst s25  }
0xab: {  	s9 =	sshll.u32 s26, $0x1;
	_ =	strace $0x80000046;
	[dreg:$0x1] =	wrdreg $0xFFFFFFFF  }
0xac: {  	s28 =	simm.s32 $_size_execute0_lowered;
	s8 =	sadd.s32 s8, s9;
	[dreg:$0x0] =	wrdreg $0x0  }
0xad: {  	s9 =	sshll.u32 s28, $0x1;
	[dreg:$0x2] =	wrdreg s8  }
0xae: {  	[dreg:$0x3] =	wrdreg s9  }
0xaf: {  	[dreg:$0x4] =	wrdreg $0xC0  }
0xb0: {  	_ =	task [dreg:s12], $0x5FFFF  }
0xb1: {  	[dreg:$0x1] =	wrdreg $0xFFFFFFFF  }
0xb2: {  	[dreg:$0x0] =	wrdreg $0x60  }
0xb3: {  	[dreg:$0x2] =	wrdreg s2  }
0xb4: {  	[dreg:$0x3] =	wrdreg s19  }
0xb5: {  	[dreg:$0x4] =	wrdreg s4  }
0xb6: {  	[dreg:$0x5] =	wrdreg s5  }
0xb7: {  	[dreg:$0x6] =	wrdreg s6  }
0xb8: {  	[dreg:$0x7] =	wrdreg s7  }
0xb9: {  	[dreg:$0x8] =	wrdreg $0x1CA000  }
0xba: {  	[dreg:$0x9] =	wrdreg $0x9  }
0xbb: {  	_ =	task.clear_ibuf [dreg:s12], $0xAFFFF;
	_ =	strace $0x90000046  }
0xbc: {  	s29 =	simm.s32 $0x9;
	_ =	strace $0x80000048  }
0xbd: {  	_ =	swait.ge [sflag:s29], $0x1  }
0xbe: {  	[sflag:s29] =	ssyncadd.s32 $0xFFFFFFFF  }
0xbf: {  	_ =	strace $0x90000048  }
0xc0: {  	_ =	sfence  }
0xc1: {  	s30 =	sld [smem:$0x0];
	_ =	sdelay $0x2  }
0xc2: {  	s31 =	sshll.u32 s1, $0xD;
	s1 =	sshrl.u32 s1, $0x2  }
0xc3: {  	s3 =	sand.u32 $0x4000, s31;
	s1 =	sadd.s32 s1, s30  }
0xc4: {  	s0 =	sor.u32 s3, s0;
	s1 =	sshll.u32 s1, $0x11  }
0xc5: {  	s0 =	sor.u32 s1, s0  }
0xc6: {  	s0 =	sadd.s32 $0x8F2B, s0  }
0xc7: {  	[sflag:s0] =	ssyncadd.remote.s32 $0x1  }
0xc8: {  	_ =	sfence.sel $0xFFFF  }
0xc9: {  	[dreg:$0x0] =	wrdreg $0xFFFFFFFF;
	(pc) =	sbr.abs _section_cstart, $3  }
0xca: {  	[dreg:$0x1] =	wrdreg $0xFFFFFFFF  }
0xcb: {  	_ =	task.clear_ibuf [dreg:s12], $0x2FFFF;
	_ =	strace $0x9FFFFFFF  }
0xcc: {  	(tm) =	ssettm $0x7FFFFFFF  }
0xcd: {  	_ =	shalt  }
tec
execute0_lowered:
.L_overlay_start_1:
0x0: {  	(tag) =	ssettag $0x1  }
0x1: {  	s0 =	rddreg [dreg:$0x0]  }
0x2: {  	s1 =	rddreg [dreg:$0x1]  }
0x3: {  	s16 =	rddreg [dreg:$0x2]  }
0x4: {  	s17 =	rddreg [dreg:$0x3]  }
0x5: {  	s18 =	rddreg [dreg:$0x5]  }
0x6: {  	s3 =	srdreg.scid;
	s19 =	stileid.u32  }
0x7: {  	s2 =	rddreg [dreg:$0x6];
	s4 =	sand.u32 $0x1, s3;
	s5 =	sshll.u32 s19, $0x1  }
0x8: {  	s30 =	simm.s32 $0x5;
	s31 =	simm.s32 $0x190;
	s14 =	sor.u32 s4, s5  }
0x9: {  	s3 =	simm.s32 $0x0;
	p0 =	sne.s32 s19, $0x0;
	s7 =	smul.u32 $0x190, s14  }
0xa: {  	p1 =	sgt.u32 s19, $0xC;
	s19 =	simm.s32 $0x2;
	s6 =	smul.u32 $0x64000, s14  }
0xb: {  	[smem:$0x7FF] =	sst s3;
	s4 =	ssub.s32 $0x2, s4;
	s8 =	smul.u32 $0xC800, s14  }
0xc: {  	_ =	strace $0x80000047;
	s25 =	sshrl.u32 s4, $0x1;
	s10 =	smul.u32 $0x7, s14  }
0xd: {  	s23 =	smul.u32 $0x57800, s14;
	s20 =	ssub.s32 s4, s25;
	s4 =	sadd.s32 s17, s7  }
0xe: {  	s5 =	sadd.s32 s0, s7;
	s9 =	sshrl.u32 s6, $0x3;
	s6 =	sadd.s32 s1, s7  }
0xf: {  	s7 =	sadd.s32 s16, s7;
	s8 =	sadd.s32 s18, s8;
	s21 =	sadd.s32 $0x1A, s10  }
0x10: {  	s29 =	sshrl.u32 s23, $0x3;
	s28 =	smax.u32 s20, $0x1;
	s22 =	smul.u32 $0x32, s21  }
0x11: {  	s15 =	sadd.s32 s18, s9;
	s26 =	smul.u32 $0x1900, s21;
	s21 =	sadd.s32 s18, s29  }
0x12: {  	s20 =	simm.s32 $0x3;
	s9 =	sadd.s32 $0x1900, s15;
	s23 =	sadd.s32 $0x2BC00, s21  }
0x13: {  	s10 =	sadd.s32 $0x3200, s15;
	s24 =	sadd.s32 $0x2D500, s21;
	[dreg:$0xe] =	wrdreg s23  }
0x14: {  	s11 =	sadd.s32 $0x4B00, s15;
	s25 =	sadd.s32 $0x2EE00, s21;
	[dreg:$0xf] =	wrdreg s24  }
0x15: {  	s12 =	sadd.s32 $0x6400, s15;
	s29 =	sadd.s32 $0x32000, s21;
	[dreg:$0x10] =	wrdreg s25  }
0x16: {  	s13 =	sadd.s32 $0x7D00, s15;
	s17 =	sadd.s32 s17, s22;
	[dreg:$0x12] =	wrdreg s29  }
0x17: {  	s14 =	sadd.s32 $0x9600, s15;
	s0 =	sadd.s32 s0, s22;
	[dreg:$0x8] =	wrdreg s17  }
0x18: {  	s15 =	sadd.s32 $0xAF00, s15;
	s1 =	sadd.s32 s1, s22;
	[dreg:$0x9] =	wrdreg s0  }
.Ltmp0:
0x19: {  	s16 =	sadd.s32 s16, s22;
	[dreg:$0xa] =	wrdreg s1;
	(pc) =	sbr.rel .LBB2_1-.Ltmp0, $4  }
0x1a: {  	s22 =	sadd.s32 $0x2A300, s21;
	[dreg:$0xb] =	wrdreg s16;
	s0 =	sadd.s32 s18, s26  }
0x1b: {  	[dreg:$0xd] =	wrdreg s22;
	s26 =	sadd.s32 $0x30700, s21;
	s16 =	simm.s32 $0x3200  }
0x1c: {  	v1 =	vlaneseq.u32;
	s17 =	simm.s32 $0x1;
	s18 =	simm.s32 $0xFA00;
	[dreg:$0xc] =	wrdreg s0  }
0x1d: {  	v0 =	vimm.f32 $0.0e+00;
	v1 =	vmul.u32 $0x80, v1;
	s22 =	simm.s32 $0x4;
	s1 =	simm.s32 $0x0;
	[dreg:$0x11] =	wrdreg s26  }
.LBB2_36:
0x1e: {  	s1 =	sadd.s32 $0x1, s1  }
0x1f: {  	_ =	swait.ge [sflag:s21], $0xC800;
	p2 =	sne.s32 s1, s28  }
.Ltmp1:
0x20: {  	[sflag:s21] =	ssyncset.done $0x0;
	(pc) =	sbr.rel @!p2 .LBB2_37-.Ltmp1, $4  }
0x21: {  	[sflag:s21] =	ssyncadd.s32 $0xFFFF3800  }
0x22: {  	_ =	swait.ge [sflag:s0], $0xC800  }
0x23: {  	[sflag:s0] =	ssyncset.done $0x0  }
0x24: {  	[sflag:s0] =	ssyncadd.s32 $0xFFFF3800  }
.LBB2_1:
.Ltmp2:
0x25: {  	(pc) =	sbr.rel @!p0 .LBB2_2-.Ltmp2, $1  }
0x26: {  	_ =	sdelay $0x3  }
.Ltmp3:
0x27: {  	(pc) =	sbr.rel @!p1 .LBB2_4-.Ltmp3, $2  }
0x28: {  	_ =	sdelay $0x1  }
0x29: {  	[bflag:$0x0] =	sbarrier.arrive $0xFFFF;
	_ =	sdelay $0x1  }
0x2a: {  	s0 =	rddreg [dreg:$0x8]  }
0x2b: {  	[tilespmem:s3], [sflag:$0x5] =	stream.linear.gather [hbm4b:s0+s3], $0xAF0, $0x38;
	[tilespmem:$0x1CA28] =	vst v63  }
0x2c: {  	_ =	swait.ge [sflag:s30], $0xAF0  }
0x2d: {  	[sflag:s30] =	ssyncset.done $0x0  }
0x2e: {  	s21 =	simm.s32 $0xC80;
	s26 =	rddreg [dreg:$0x9];
	[sflag:s30] =	ssyncadd.s32 $0xFFFFF510  }
0x2f: {  	[tilespmem:s21], [sflag:$0x5] =	stream.linear.gather [hbm4b:s26+s3], $0xAF0, $0x38;
	[tilespmem:$0x1CA28] =	vst v63  }
0x30: {  	_ =	swait.ge [sflag:s30], $0xAF0  }
0x31: {  	[sflag:s30] =	ssyncset.done $0x0  }
0x32: {  	s24 =	simm.s32 $0x1900;
	s23 =	rddreg [dreg:$0xa];
	[sflag:s30] =	ssyncadd.s32 $0xFFFFF510  }
0x33: {  	[tilespmem:s24], [sflag:$0x5] =	stream.linear.gather [hbm4b:s23+s3], $0xAF0, $0x38;
	[tilespmem:$0x1CA28] =	vst v63  }
0x34: {  	_ =	swait.ge [sflag:s30], $0xAF0  }
0x35: {  	[sflag:s30] =	ssyncset.done $0x0  }
0x36: {  	s26 =	simm.s32 $0x2580;
	s25 =	rddreg [dreg:$0xb];
	[sflag:s30] =	ssyncadd.s32 $0xFFFFF510  }
0x37: {  	[tilespmem:s26], [sflag:$0x5] =	stream.linear.gather [hbm4b:s25+s3], $0xAF0, $0x38;
	[tilespmem:$0x1CA28] =	vst v63  }
0x38: {  	_ =	swait.ge [sflag:s30], $0xAF0  }
0x39: {  	[sflag:s30] =	ssyncset.done $0x0  }
0x3a: {  	[sflag:s30] =	ssyncadd.s32 $0xFFFFF510  }
0x3b: {  	[tilespmem:s16], [sflag:$0x1] =	stream.indirect.gather [spmem:s2], $0x80, s3, s31, $0xb8;
	[tilespmem:$0x1CA28] =	vst v63  }
0x3c: {  	_ =	swait.ge [sflag:s17], $0xC800  }
0x3d: {  	s23 =	simm.s32 $0x0;
	[sflag:s17] =	ssyncset.done $0x0  }
0x3e: {  	s0 =	simm.s32 $0xCA0;
	v2 =	vmov s23;
	[sflag:s17] =	ssyncadd.s32 $0xFFFF3800  }
0x3f: {  	v2 =	vshll.u32 v2, $0x7;
	[tilespmem:s18], [sflag:$0x2] =	stream.indirect.gather [spmem:s2], $0x80, s31, s31, $0xb8;
	[tilespmem:$0x1CA28] =	vst v63  }
0x40: {  	v2 =	vor.u32 v1, v2;
	v3 =	vld [tilespmem:s0+$0xFFFFFFE0];
	_ =	sdelay $0x4  }
0x41: {  	s21 =	simm.s32 $0x1920;
	[tilespmem:v2+s16+$0x0] =	vst.idx.msk $0xffff, v3  }
0x42: {  	v4 =	vor.u32 $0x1, v2;
	v3 =	vld [tilespmem:s21+$0xFFFFFFE0];
	_ =	sdelay $0x4  }
0x43: {  	s29 =	simm.s32 $0x25A0;
	[tilespmem:v4+s16+$0x0] =	vst.idx.msk $0xffff, v3  }
0x44: {  	v2 =	vor.u32 $0x2, v2;
	v3 =	vld [tilespmem:s29+$0xFFFFFFE0];
	_ =	sdelay $0x2  }
0x45: {  	s23 =	simm.s32 $0x10  }
0x46: {  	v4 =	vmov s23  }
0x47: {  	[tilespmem:v2+s16+$0x0] =	vst.idx.msk $0xffff, v3;
	v2 =	vshll.u32 v4, $0x7  }
0x48: {  	v3 =	vld [tilespmem:s0+$0xFFFFFFF0];
	v2 =	vor.u32 v1, v2;
	_ =	sdelay $0x4  }
0x49: {  	[tilespmem:v2+s16+$0x0] =	vst.idx.msk $0xffff, v3  }
0x4a: {  	v4 =	vor.u32 $0x1, v2;
	v3 =	vld [tilespmem:s21+$0xFFFFFFF0];
	_ =	sdelay $0x4  }
0x4b: {  	[tilespmem:v4+s16+$0x0] =	vst.idx.msk $0xffff, v3  }
0x4c: {  	v2 =	vor.u32 $0x2, v2;
	v3 =	vld [tilespmem:s29+$0xFFFFFFF0];
	_ =	sdelay $0x2  }
0x4d: {  	s24 =	simm.s32 $0x20  }
0x4e: {  	v4 =	vmov s24  }
0x4f: {  	[tilespmem:v2+s16+$0x0] =	vst.idx.msk $0xffff, v3;
	v2 =	vshll.u32 v4, $0x7  }
0x50: {  	v3 =	vld [tilespmem:s0+$0x0];
	v2 =	vor.u32 v1, v2;
	_ =	sdelay $0x4  }
0x51: {  	[tilespmem:v2+s16+$0x0] =	vst.idx.msk $0xffff, v3  }
0x52: {  	v4 =	vor.u32 $0x1, v2;
	v3 =	vld [tilespmem:s21+$0x0];
	_ =	sdelay $0x4  }
0x53: {  	[tilespmem:v4+s16+$0x0] =	vst.idx.msk $0xffff, v3  }
0x54: {  	v2 =	vor.u32 $0x2, v2;
	v3 =	vld [tilespmem:s29+$0x0];
	_ =	sdelay $0x2  }
0x55: {  	s25 =	simm.s32 $0x30  }
0x56: {  	v4 =	vmov s25  }
0x57: {  	[tilespmem:v2+s16+$0x0] =	vst.idx.msk $0xffff, v3;
	v2 =	vshll.u32 v4, $0x7  }
0x58: {  	v3 =	vld [tilespmem:s0+$0x10];
	v2 =	vor.u32 v1, v2;
	_ =	sdelay $0x4  }
0x59: {  	[tilespmem:v2+s16+$0x0] =	vst.idx.msk $0xffff, v3  }
0x5a: {  	v4 =	vor.u32 $0x1, v2;
	v3 =	vld [tilespmem:s21+$0x10];
	_ =	sdelay $0x4  }
0x5b: {  	[tilespmem:v4+s16+$0x0] =	vst.idx.msk $0xffff, v3  }
0x5c: {  	v2 =	vor.u32 $0x2, v2;
	v3 =	vld [tilespmem:s29+$0x10];
	_ =	sdelay $0x2  }
0x5d: {  	s26 =	simm.s32 $0x40  }
0x5e: {  	v4 =	vmov s26  }
0x5f: {  	[tilespmem:v2+s16+$0x0] =	vst.idx.msk $0xffff, v3;
	v2 =	vshll.u32 v4, $0x7  }
0x60: {  	v3 =	vld [tilespmem:s0+$0x20];
	v4 =	vor.u32 v1, v2;
	_ =	sdelay $0x4  }
0x61: {  	[tilespmem:v4+s16+$0x0] =	vst.idx.msk $0xffff, v3  }
0x62: {  	v3 =	vor.u32 $0x1, v4;
	v2 =	vld [tilespmem:s21+$0x20];
	_ =	sdelay $0x4  }
0x63: {  	[tilespmem:v3+s16+$0x0] =	vst.idx.msk $0xffff, v2  }
0x64: {  	v3 =	vor.u32 $0x2, v4;
	v2 =	vld [tilespmem:s29+$0x20];
	_ =	sdelay $0x2  }
0x65: {  	s23 =	simm.s32 $0x90;
	s24 =	simm.s32 $0xE0;
	s25 =	simm.s32 $0x50  }
.LBB2_22:
0x66: {  	p2 =	sne.s32 s24, $0x180;
	v4 =	vmov s25  }
0x67: {  	s0 =	sadd.s32 $0x50, s0;
	v4 =	vshll.u32 v4, $0x7;
	[tilespmem:v3+s16+$0x0] =	vst.idx.msk $0xffff, v2  }
0x68: {  	v2 =	vld [tilespmem:s0+$0xFFFFFFE0];
	v3 =	vor.u32 v1, v4;
	_ =	sdelay $0x4  }
0x69: {  	s21 =	sadd.s32 $0x50, s21;
	[tilespmem:v3+s16+$0x0] =	vst.idx.msk $0xffff, v2  }
0x6a: {  	v4 =	vor.u32 $0x1, v3;
	v2 =	vld [tilespmem:s21+$0xFFFFFFE0];
	_ =	sdelay $0x4  }
0x6b: {  	s29 =	sadd.s32 $0x50, s29;
	[tilespmem:v4+s16+$0x0] =	vst.idx.msk $0xffff, v2  }
0x6c: {  	v3 =	vor.u32 $0x2, v3;
	v2 =	vld [tilespmem:s29+$0xFFFFFFE0];
	_ =	sdelay $0x2  }
0x6d: {  	s25 =	sadd.s32 $0xFFFFFFD0, s23  }
0x6e: {  	v4 =	vmov s25  }
0x6f: {  	[tilespmem:v3+s16+$0x0] =	vst.idx.msk $0xffff, v2;
	v2 =	vshll.u32 v4, $0x7  }
0x70: {  	v3 =	vld [tilespmem:s0+$0xFFFFFFF0];
	v2 =	vor.u32 v1, v2;
	_ =	sdelay $0x4  }
0x71: {  	[tilespmem:v2+s16+$0x0] =	vst.idx.msk $0xffff, v3  }
0x72: {  	v4 =	vor.u32 $0x1, v2;
	v3 =	vld [tilespmem:s21+$0xFFFFFFF0];
	_ =	sdelay $0x4  }
0x73: {  	[tilespmem:v4+s16+$0x0] =	vst.idx.msk $0xffff, v3  }
0x74: {  	v2 =	vor.u32 $0x2, v2;
	v3 =	vld [tilespmem:s29+$0xFFFFFFF0];
	_ =	sdelay $0x2  }
0x75: {  	s25 =	sadd.s32 $0xFFFFFFE0, s23  }
0x76: {  	v4 =	vmov s25  }
0x77: {  	[tilespmem:v2+s16+$0x0] =	vst.idx.msk $0xffff, v3;
	v2 =	vshll.u32 v4, $0x7  }
0x78: {  	v3 =	vld [tilespmem:s0+$0x0];
	v2 =	vor.u32 v1, v2;
	_ =	sdelay $0x4  }
0x79: {  	[tilespmem:v2+s16+$0x0] =	vst.idx.msk $0xffff, v3  }
0x7a: {  	v4 =	vor.u32 $0x1, v2;
	v3 =	vld [tilespmem:s21+$0x0];
	_ =	sdelay $0x4  }
0x7b: {  	[tilespmem:v4+s16+$0x0] =	vst.idx.msk $0xffff, v3  }
0x7c: {  	v2 =	vor.u32 $0x2, v2;
	v3 =	vld [tilespmem:s29+$0x0];
	_ =	sdelay $0x2  }
0x7d: {  	s25 =	sadd.s32 $0xFFFFFFF0, s23  }
0x7e: {  	v4 =	vmov s25  }
0x7f: {  	[tilespmem:v2+s16+$0x0] =	vst.idx.msk $0xffff, v3;
	v2 =	vshll.u32 v4, $0x7  }
0x80: {  	v3 =	vld [tilespmem:s0+$0x10];
	v2 =	vor.u32 v1, v2;
	_ =	sdelay $0x4  }
0x81: {  	[tilespmem:v2+s16+$0x0] =	vst.idx.msk $0xffff, v3  }
0x82: {  	v4 =	vor.u32 $0x1, v2;
	v3 =	vld [tilespmem:s21+$0x10];
	_ =	sdelay $0x4  }
0x83: {  	[tilespmem:v4+s16+$0x0] =	vst.idx.msk $0xffff, v3  }
0x84: {  	v2 =	vor.u32 $0x2, v2;
	v3 =	vld [tilespmem:s29+$0x10];
	_ =	sdelay $0x3  }
0x85: {  	v4 =	vmov s23;
	s23 =	smov.u32 s24  }
0x86: {  	[tilespmem:v2+s16+$0x0] =	vst.idx.msk $0xffff, v3;
	v2 =	vshll.u32 v4, $0x7  }
0x87: {  	v3 =	vld [tilespmem:s0+$0x20];
	v4 =	vor.u32 v1, v2;
	_ =	sdelay $0x4  }
0x88: {  	[tilespmem:v4+s16+$0x0] =	vst.idx.msk $0xffff, v3  }
0x89: {  	v3 =	vor.u32 $0x1, v4;
	v2 =	vld [tilespmem:s21+$0x20];
	_ =	sdelay $0x4  }
.Ltmp4:
0x8a: {  	[tilespmem:v3+s16+$0x0] =	vst.idx.msk $0xffff, v2;
	(pc) =	sbr.rel @p2 .LBB2_22-.Ltmp4, $2  }
0x8b: {  	v3 =	vor.u32 $0x2, v4;
	v2 =	vld [tilespmem:s29+$0x20];
	_ =	sdelay $0x2  }
0x8c: {  	s24 =	sadd.s32 $0x50, s24;
	s25 =	sadd.s32 $0xFFFFFFC0, s23  }
0x8d: {  	_ =	sdelay $0x2  }
0x8e: {  	v4 =	vmov s25  }
0x8f: {  	s0 =	sadd.s32 $0x50, s0;
	v4 =	vshll.u32 v4, $0x7;
	[tilespmem:v3+s16+$0x0] =	vst.idx.msk $0xffff, v2  }
0x90: {  	v2 =	vld [tilespmem:s0+$0xFFFFFFE0];
	v3 =	vor.u32 v1, v4;
	_ =	sdelay $0x4  }
0x91: {  	s21 =	sadd.s32 $0x50, s21;
	[tilespmem:v3+s16+$0x0] =	vst.idx.msk $0xffff, v2  }
0x92: {  	v4 =	vor.u32 $0x1, v3;
	v2 =	vld [tilespmem:s21+$0xFFFFFFE0];
	_ =	sdelay $0x4  }
0x93: {  	s24 =	sadd.s32 $0x50, s29;
	[tilespmem:v4+s16+$0x0] =	vst.idx.msk $0xffff, v2  }
0x94: {  	v3 =	vor.u32 $0x2, v3;
	v2 =	vld [tilespmem:s24+$0xFFFFFFE0];
	_ =	sdelay $0x2  }
0x95: {  	s26 =	sadd.s32 $0xFFFFFFD0, s23  }
0x96: {  	v4 =	vmov s26  }
0x97: {  	[tilespmem:v3+s16+$0x0] =	vst.idx.msk $0xffff, v2;
	v2 =	vshll.u32 v4, $0x7  }
0x98: {  	v3 =	vld [tilespmem:s0+$0xFFFFFFF0];
	v2 =	vor.u32 v1, v2;
	_ =	sdelay $0x4  }
0x99: {  	[tilespmem:v2+s16+$0x0] =	vst.idx.msk $0xffff, v3  }
0x9a: {  	v4 =	vor.u32 $0x1, v2;
	v3 =	vld [tilespmem:s21+$0xFFFFFFF0];
	_ =	sdelay $0x4  }
0x9b: {  	[tilespmem:v4+s16+$0x0] =	vst.idx.msk $0xffff, v3  }
0x9c: {  	v2 =	vor.u32 $0x2, v2;
	v3 =	vld [tilespmem:s24+$0xFFFFFFF0];
	_ =	sdelay $0x2  }
0x9d: {  	s26 =	sadd.s32 $0xFFFFFFE0, s23  }
0x9e: {  	v4 =	vmov s26  }
0x9f: {  	[tilespmem:v2+s16+$0x0] =	vst.idx.msk $0xffff, v3;
	v2 =	vshll.u32 v4, $0x7  }
0xa0: {  	v3 =	vld [tilespmem:s0+$0x0];
	v2 =	vor.u32 v1, v2;
	_ =	sdelay $0x4  }
0xa1: {  	[tilespmem:v2+s16+$0x0] =	vst.idx.msk $0xffff, v3  }
0xa2: {  	v4 =	vor.u32 $0x1, v2;
	v3 =	vld [tilespmem:s21+$0x0];
	_ =	sdelay $0x4  }
0xa3: {  	[tilespmem:v4+s16+$0x0] =	vst.idx.msk $0xffff, v3  }
0xa4: {  	v2 =	vor.u32 $0x2, v2;
	v3 =	vld [tilespmem:s24+$0x0];
	_ =	sdelay $0x2  }
0xa5: {  	s26 =	sadd.s32 $0xFFFFFFF0, s23  }
0xa6: {  	v4 =	vmov s26  }
0xa7: {  	[tilespmem:v2+s16+$0x0] =	vst.idx.msk $0xffff, v3;
	v2 =	vshll.u32 v4, $0x7  }
0xa8: {  	v3 =	vld [tilespmem:s0+$0x10];
	v2 =	vor.u32 v1, v2;
	_ =	sdelay $0x4  }
0xa9: {  	[tilespmem:v2+s16+$0x0] =	vst.idx.msk $0xffff, v3  }
0xaa: {  	v4 =	vor.u32 $0x1, v2;
	v3 =	vld [tilespmem:s21+$0x10];
	_ =	sdelay $0x4  }
0xab: {  	[tilespmem:v4+s16+$0x0] =	vst.idx.msk $0xffff, v3  }
0xac: {  	v2 =	vor.u32 $0x2, v2;
	v3 =	vld [tilespmem:s24+$0x10];
	_ =	sdelay $0x3  }
0xad: {  	v4 =	vmov s23  }
0xae: {  	[tilespmem:v2+s16+$0x0] =	vst.idx.msk $0xffff, v3;
	v2 =	vshll.u32 v4, $0x7  }
0xaf: {  	v3 =	vld [tilespmem:s0+$0x20];
	v2 =	vor.u32 v1, v2;
	_ =	sdelay $0x4  }
0xb0: {  	[tilespmem:v2+s16+$0x0] =	vst.idx.msk $0xffff, v3  }
0xb1: {  	v4 =	vor.u32 $0x1, v2;
	v3 =	vld [tilespmem:s21+$0x20];
	_ =	sdelay $0x4  }
0xb2: {  	[tilespmem:v4+s16+$0x0] =	vst.idx.msk $0xffff, v3  }
0xb3: {  	v2 =	vor.u32 $0x2, v2;
	v3 =	vld [tilespmem:s24+$0x20];
	_ =	sdelay $0x4  }
0xb4: {  	s23 =	rddreg [dreg:$0xc];
	[tilespmem:v2+s16+$0x0] =	vst.idx.msk $0xffff, v3  }
0xb5: {  	[hbm4b:s23+s3] =	stream.linear.scatter [tilespmem:s16], [sflag:$0x3], $0xC800, $0x38;
	[tilespmem:$0x1CA28] =	vst v63  }
0xb6: {  	_ =	swait.ge [sflag:s19], $0xC800  }
0xb7: {  	[sflag:s19] =	ssyncset.done $0x0  }
0xb8: {  	[sflag:s19] =	ssyncadd.s32 $0xFFFF3800  }
0xb9: {  	_ =	swait.ge [sflag:s20], $0xC800  }
0xba: {  	s24 =	simm.s32 $0x0;
	[sflag:s20] =	ssyncset.done $0x0  }
0xbb: {  	s25 =	simm.s32 $0x320;
	s0 =	simm.s32 $0xE50;
	v2 =	vmov s24;
	[sflag:s20] =	ssyncadd.s32 $0xFFFF3800  }
0xbc: {  	v2 =	vshll.u32 v2, $0x7;
	[tilespmem:s16], [sflag:$0x1] =	stream.indirect.gather [spmem:s2], $0x80, s25, s31, $0xb8;
	[tilespmem:$0x1CA28] =	vst v63  }
0xbd: {  	v2 =	vor.u32 v1, v2;
	v3 =	vld [tilespmem:s0+$0xFFFFFFC0];
	_ =	sdelay $0x4  }
0xbe: {  	s21 =	simm.s32 $0x1AD0;
	[tilespmem:v2+s18+$0x0] =	vst.idx.msk $0xffff, v3  }
0xbf: {  	v4 =	vor.u32 $0x1, v2;
	v3 =	vld [tilespmem:s21+$0xFFFFFFC0];
	_ =	sdelay $0x4  }
0xc0: {  	s29 =	simm.s32 $0x2750;
	[tilespmem:v4+s18+$0x0] =	vst.idx.msk $0xffff, v3  }
0xc1: {  	v2 =	vor.u32 $0x2, v2;
	v3 =	vld [tilespmem:s29+$0xFFFFFFC0];
	_ =	sdelay $0x2  }
0xc2: {  	s26 =	simm.s32 $0x10  }
0xc3: {  	v4 =	vmov s26  }
0xc4: {  	[tilespmem:v2+s18+$0x0] =	vst.idx.msk $0xffff, v3;
	v2 =	vshll.u32 v4, $0x7  }
0xc5: {  	v3 =	vld [tilespmem:s0+$0xFFFFFFD0];
	v2 =	vor.u32 v1, v2;
	_ =	sdelay $0x4  }
0xc6: {  	[tilespmem:v2+s18+$0x0] =	vst.idx.msk $0xffff, v3  }
0xc7: {  	v4 =	vor.u32 $0x1, v2;
	v3 =	vld [tilespmem:s21+$0xFFFFFFD0];
	_ =	sdelay $0x4  }
0xc8: {  	[tilespmem:v4+s18+$0x0] =	vst.idx.msk $0xffff, v3  }
0xc9: {  	v2 =	vor.u32 $0x2, v2;
	v3 =	vld [tilespmem:s29+$0xFFFFFFD0];
	_ =	sdelay $0x2  }
0xca: {  	s24 =	simm.s32 $0x20  }
0xcb: {  	v4 =	vmov s24  }
0xcc: {  	[tilespmem:v2+s18+$0x0] =	vst.idx.msk $0xffff, v3;
	v2 =	vshll.u32 v4, $0x7  }
0xcd: {  	v3 =	vld [tilespmem:s0+$0xFFFFFFE0];
	v2 =	vor.u32 v1, v2;
	_ =	sdelay $0x4  }
0xce: {  	[tilespmem:v2+s18+$0x0] =	vst.idx.msk $0xffff, v3  }
0xcf: {  	v4 =	vor.u32 $0x1, v2;
	v3 =	vld [tilespmem:s21+$0xFFFFFFE0];
	_ =	sdelay $0x4  }
0xd0: {  	[tilespmem:v4+s18+$0x0] =	vst.idx.msk $0xffff, v3  }
0xd1: {  	v2 =	vor.u32 $0x2, v2;
	v3 =	vld [tilespmem:s29+$0xFFFFFFE0];
	_ =	sdelay $0x2  }
0xd2: {  	s25 =	simm.s32 $0x30  }
0xd3: {  	v4 =	vmov s25  }
0xd4: {  	[tilespmem:v2+s18+$0x0] =	vst.idx.msk $0xffff, v3;
	v2 =	vshll.u32 v4, $0x7  }
0xd5: {  	v3 =	vld [tilespmem:s0+$0xFFFFFFF0];
	v2 =	vor.u32 v1, v2;
	_ =	sdelay $0x4  }
0xd6: {  	[tilespmem:v2+s18+$0x0] =	vst.idx.msk $0xffff, v3  }
0xd7: {  	v4 =	vor.u32 $0x1, v2;
	v3 =	vld [tilespmem:s21+$0xFFFFFFF0];
	_ =	sdelay $0x4  }
0xd8: {  	[tilespmem:v4+s18+$0x0] =	vst.idx.msk $0xffff, v3  }
0xd9: {  	v2 =	vor.u32 $0x2, v2;
	v3 =	vld [tilespmem:s29+$0xFFFFFFF0];
	_ =	sdelay $0x2  }
0xda: {  	s26 =	simm.s32 $0x40  }
0xdb: {  	v4 =	vmov s26  }
0xdc: {  	[tilespmem:v2+s18+$0x0] =	vst.idx.msk $0xffff, v3;
	v2 =	vshll.u32 v4, $0x7  }
0xdd: {  	v3 =	vld [tilespmem:s0+$0x0];
	v4 =	vor.u32 v1, v2;
	_ =	sdelay $0x4  }
0xde: {  	[tilespmem:v4+s18+$0x0] =	vst.idx.msk $0xffff, v3  }
0xdf: {  	v3 =	vor.u32 $0x1, v4;
	v2 =	vld [tilespmem:s21+$0x0];
	_ =	sdelay $0x4  }
0xe0: {  	[tilespmem:v3+s18+$0x0] =	vst.idx.msk $0xffff, v2  }
0xe1: {  	v3 =	vor.u32 $0x2, v4;
	v2 =	vld [tilespmem:s29+$0x0];
	_ =	sdelay $0x2  }
0xe2: {  	s23 =	simm.s32 $0x90;
	s24 =	simm.s32 $0xE0;
	s25 =	simm.s32 $0x50  }
.LBB2_24:
0xe3: {  	p2 =	sne.s32 s24, $0x180;
	v4 =	vmov s25  }
0xe4: {  	s0 =	sadd.s32 $0x50, s0;
	v4 =	vshll.u32 v4, $0x7;
	[tilespmem:v3+s18+$0x0] =	vst.idx.msk $0xffff, v2  }
0xe5: {  	v2 =	vld [tilespmem:s0+$0xFFFFFFC0];
	v3 =	vor.u32 v1, v4;
	_ =	sdelay $0x4  }
0xe6: {  	s21 =	sadd.s32 $0x50, s21;
	[tilespmem:v3+s18+$0x0] =	vst.idx.msk $0xffff, v2  }
0xe7: {  	v4 =	vor.u32 $0x1, v3;
	v2 =	vld [tilespmem:s21+$0xFFFFFFC0];
	_ =	sdelay $0x4  }
0xe8: {  	s29 =	sadd.s32 $0x50, s29;
	[tilespmem:v4+s18+$0x0] =	vst.idx.msk $0xffff, v2  }
0xe9: {  	v3 =	vor.u32 $0x2, v3;
	v2 =	vld [tilespmem:s29+$0xFFFFFFC0];
	_ =	sdelay $0x2  }
0xea: {  	s25 =	sadd.s32 $0xFFFFFFD0, s23  }
0xeb: {  	v4 =	vmov s25  }
0xec: {  	[tilespmem:v3+s18+$0x0] =	vst.idx.msk $0xffff, v2;
	v2 =	vshll.u32 v4, $0x7  }
0xed: {  	v3 =	vld [tilespmem:s0+$0xFFFFFFD0];
	v2 =	vor.u32 v1, v2;
	_ =	sdelay $0x4  }
0xee: {  	[tilespmem:v2+s18+$0x0] =	vst.idx.msk $0xffff, v3  }
0xef: {  	v4 =	vor.u32 $0x1, v2;
	v3 =	vld [tilespmem:s21+$0xFFFFFFD0];
	_ =	sdelay $0x4  }
0xf0: {  	[tilespmem:v4+s18+$0x0] =	vst.idx.msk $0xffff, v3  }
0xf1: {  	v2 =	vor.u32 $0x2, v2;
	v3 =	vld [tilespmem:s29+$0xFFFFFFD0];
	_ =	sdelay $0x2  }
0xf2: {  	s25 =	sadd.s32 $0xFFFFFFE0, s23  }
0xf3: {  	v4 =	vmov s25  }
0xf4: {  	[tilespmem:v2+s18+$0x0] =	vst.idx.msk $0xffff, v3;
	v2 =	vshll.u32 v4, $0x7  }
0xf5: {  	v3 =	vld [tilespmem:s0+$0xFFFFFFE0];
	v2 =	vor.u32 v1, v2;
	_ =	sdelay $0x4  }
0xf6: {  	[tilespmem:v2+s18+$0x0] =	vst.idx.msk $0xffff, v3  }
0xf7: {  	v4 =	vor.u32 $0x1, v2;
	v3 =	vld [tilespmem:s21+$0xFFFFFFE0];
	_ =	sdelay $0x4  }
0xf8: {  	[tilespmem:v4+s18+$0x0] =	vst.idx.msk $0xffff, v3  }
0xf9: {  	v2 =	vor.u32 $0x2, v2;
	v3 =	vld [tilespmem:s29+$0xFFFFFFE0];
	_ =	sdelay $0x2  }
0xfa: {  	s25 =	sadd.s32 $0xFFFFFFF0, s23  }
0xfb: {  	v4 =	vmov s25  }
0xfc: {  	[tilespmem:v2+s18+$0x0] =	vst.idx.msk $0xffff, v3;
	v2 =	vshll.u32 v4, $0x7  }
0xfd: {  	v3 =	vld [tilespmem:s0+$0xFFFFFFF0];
	v2 =	vor.u32 v1, v2;
	_ =	sdelay $0x4  }
0xfe: {  	[tilespmem:v2+s18+$0x0] =	vst.idx.msk $0xffff, v3  }
0xff: {  	v4 =	vor.u32 $0x1, v2;
	v3 =	vld [tilespmem:s21+$0xFFFFFFF0];
	_ =	sdelay $0x4  }
0x100: {  	[tilespmem:v4+s18+$0x0] =	vst.idx.msk $0xffff, v3  }
0x101: {  	v2 =	vor.u32 $0x2, v2;
	v3 =	vld [tilespmem:s29+$0xFFFFFFF0];
	_ =	sdelay $0x3  }
0x102: {  	v4 =	vmov s23;
	s23 =	smov.u32 s24  }
0x103: {  	[tilespmem:v2+s18+$0x0] =	vst.idx.msk $0xffff, v3;
	v2 =	vshll.u32 v4, $0x7  }
0x104: {  	v3 =	vld [tilespmem:s0+$0x0];
	v4 =	vor.u32 v1, v2;
	_ =	sdelay $0x4  }
0x105: {  	[tilespmem:v4+s18+$0x0] =	vst.idx.msk $0xffff, v3  }
0x106: {  	v3 =	vor.u32 $0x1, v4;
	v2 =	vld [tilespmem:s21+$0x0];
	_ =	sdelay $0x4  }
.Ltmp5:
0x107: {  	[tilespmem:v3+s18+$0x0] =	vst.idx.msk $0xffff, v2;
	(pc) =	sbr.rel @p2 .LBB2_24-.Ltmp5, $2  }
0x108: {  	v3 =	vor.u32 $0x2, v4;
	v2 =	vld [tilespmem:s29+$0x0];
	_ =	sdelay $0x2  }
0x109: {  	s24 =	sadd.s32 $0x50, s24;
	s25 =	sadd.s32 $0xFFFFFFC0, s23  }
0x10a: {  	_ =	sdelay $0x2  }
0x10b: {  	v4 =	vmov s25  }
0x10c: {  	s0 =	sadd.s32 $0x50, s0;
	v4 =	vshll.u32 v4, $0x7;
	[tilespmem:v3+s18+$0x0] =	vst.idx.msk $0xffff, v2  }
0x10d: {  	v2 =	vld [tilespmem:s0+$0xFFFFFFC0];
	v3 =	vor.u32 v1, v4;
	_ =	sdelay $0x4  }
0x10e: {  	s21 =	sadd.s32 $0x50, s21;
	[tilespmem:v3+s18+$0x0] =	vst.idx.msk $0xffff, v2  }
0x10f: {  	v4 =	vor.u32 $0x1, v3;
	v2 =	vld [tilespmem:s21+$0xFFFFFFC0];
	_ =	sdelay $0x4  }
0x110: {  	s24 =	sadd.s32 $0x50, s29;
	[tilespmem:v4+s18+$0x0] =	vst.idx.msk $0xffff, v2  }
0x111: {  	v3 =	vor.u32 $0x2, v3;
	v2 =	vld [tilespmem:s24+$0xFFFFFFC0];
	_ =	sdelay $0x2  }
0x112: {  	s26 =	sadd.s32 $0xFFFFFFD0, s23  }
0x113: {  	v4 =	vmov s26  }
0x114: {  	[tilespmem:v3+s18+$0x0] =	vst.idx.msk $0xffff, v2;
	v2 =	vshll.u32 v4, $0x7  }
0x115: {  	v3 =	vld [tilespmem:s0+$0xFFFFFFD0];
	v2 =	vor.u32 v1, v2;
	_ =	sdelay $0x4  }
0x116: {  	[tilespmem:v2+s18+$0x0] =	vst.idx.msk $0xffff, v3  }
0x117: {  	v4 =	vor.u32 $0x1, v2;
	v3 =	vld [tilespmem:s21+$0xFFFFFFD0];
	_ =	sdelay $0x4  }
0x118: {  	[tilespmem:v4+s18+$0x0] =	vst.idx.msk $0xffff, v3  }
0x119: {  	v2 =	vor.u32 $0x2, v2;
	v3 =	vld [tilespmem:s24+$0xFFFFFFD0];
	_ =	sdelay $0x2  }
0x11a: {  	s26 =	sadd.s32 $0xFFFFFFE0, s23  }
0x11b: {  	v4 =	vmov s26  }
0x11c: {  	[tilespmem:v2+s18+$0x0] =	vst.idx.msk $0xffff, v3;
	v2 =	vshll.u32 v4, $0x7  }
0x11d: {  	v3 =	vld [tilespmem:s0+$0xFFFFFFE0];
	v2 =	vor.u32 v1, v2;
	_ =	sdelay $0x4  }
0x11e: {  	[tilespmem:v2+s18+$0x0] =	vst.idx.msk $0xffff, v3  }
0x11f: {  	v4 =	vor.u32 $0x1, v2;
	v3 =	vld [tilespmem:s21+$0xFFFFFFE0];
	_ =	sdelay $0x4  }
0x120: {  	[tilespmem:v4+s18+$0x0] =	vst.idx.msk $0xffff, v3  }
0x121: {  	v2 =	vor.u32 $0x2, v2;
	v3 =	vld [tilespmem:s24+$0xFFFFFFE0];
	_ =	sdelay $0x2  }
0x122: {  	s26 =	sadd.s32 $0xFFFFFFF0, s23  }
0x123: {  	v4 =	vmov s26  }
0x124: {  	[tilespmem:v2+s18+$0x0] =	vst.idx.msk $0xffff, v3;
	v2 =	vshll.u32 v4, $0x7  }
0x125: {  	v3 =	vld [tilespmem:s0+$0xFFFFFFF0];
	v2 =	vor.u32 v1, v2;
	_ =	sdelay $0x4  }
0x126: {  	[tilespmem:v2+s18+$0x0] =	vst.idx.msk $0xffff, v3  }
0x127: {  	v4 =	vor.u32 $0x1, v2;
	v3 =	vld [tilespmem:s21+$0xFFFFFFF0];
	_ =	sdelay $0x4  }
0x128: {  	[tilespmem:v4+s18+$0x0] =	vst.idx.msk $0xffff, v3  }
0x129: {  	v2 =	vor.u32 $0x2, v2;
	v3 =	vld [tilespmem:s24+$0xFFFFFFF0];
	_ =	sdelay $0x3  }
0x12a: {  	v4 =	vmov s23  }
0x12b: {  	[tilespmem:v2+s18+$0x0] =	vst.idx.msk $0xffff, v3;
	v2 =	vshll.u32 v4, $0x7  }
0x12c: {  	v3 =	vld [tilespmem:s0+$0x0];
	v2 =	vor.u32 v1, v2;
	_ =	sdelay $0x4  }
0x12d: {  	[tilespmem:v2+s18+$0x0] =	vst.idx.msk $0xffff, v3  }
0x12e: {  	v4 =	vor.u32 $0x1, v2;
	v3 =	vld [tilespmem:s21+$0x0];
	_ =	sdelay $0x4  }
0x12f: {  	[tilespmem:v4+s18+$0x0] =	vst.idx.msk $0xffff, v3  }
0x130: {  	v2 =	vor.u32 $0x2, v2;
	v3 =	vld [tilespmem:s24+$0x0];
	_ =	sdelay $0x4  }
0x131: {  	s23 =	rddreg [dreg:$0xd];
	[tilespmem:v2+s18+$0x0] =	vst.idx.msk $0xffff, v3  }
0x132: {  	[hbm4b:s23+s3] =	stream.linear.scatter [tilespmem:s18], [sflag:$0x4], $0xC800, $0x38;
	[tilespmem:$0x1CA28] =	vst v63  }
0x133: {  	_ =	swait.ge [sflag:s17], $0xC800  }
0x134: {  	[sflag:s17] =	ssyncset.done $0x0  }
0x135: {  	[sflag:s17] =	ssyncadd.s32 $0xFFFF3800  }
0x136: {  	_ =	swait.ge [sflag:s22], $0xC800  }
0x137: {  	s24 =	simm.s32 $0x0;
	[sflag:s22] =	ssyncset.done $0x0  }
0x138: {  	s25 =	simm.s32 $0x4B0;
	s0 =	simm.s32 $0xFE0;
	v2 =	vmov s24;
	[sflag:s22] =	ssyncadd.s32 $0xFFFF3800  }
0x139: {  	v2 =	vshll.u32 v2, $0x7;
	[tilespmem:s18], [sflag:$0x2] =	stream.indirect.gather [spmem:s2], $0x80, s25, s31, $0xb8;
	[tilespmem:$0x1CA28] =	vst v63  }
0x13a: {  	v2 =	vor.u32 v1, v2;
	v3 =	vld [tilespmem:s0+$0xFFFFFFC0];
	_ =	sdelay $0x4  }
0x13b: {  	s21 =	simm.s32 $0x1C60;
	[tilespmem:v2+s16+$0x0] =	vst.idx.msk $0xffff, v3  }
0x13c: {  	v4 =	vor.u32 $0x1, v2;
	v3 =	vld [tilespmem:s21+$0xFFFFFFC0];
	_ =	sdelay $0x4  }
0x13d: {  	s29 =	simm.s32 $0x28E0;
	[tilespmem:v4+s16+$0x0] =	vst.idx.msk $0xffff, v3  }
0x13e: {  	v2 =	vor.u32 $0x2, v2;
	v3 =	vld [tilespmem:s29+$0xFFFFFFC0];
	_ =	sdelay $0x2  }
0x13f: {  	s26 =	simm.s32 $0x10  }
0x140: {  	v4 =	vmov s26  }
0x141: {  	[tilespmem:v2+s16+$0x0] =	vst.idx.msk $0xffff, v3;
	v2 =	vshll.u32 v4, $0x7  }
0x142: {  	v3 =	vld [tilespmem:s0+$0xFFFFFFD0];
	v2 =	vor.u32 v1, v2;
	_ =	sdelay $0x4  }
0x143: {  	[tilespmem:v2+s16+$0x0] =	vst.idx.msk $0xffff, v3  }
0x144: {  	v4 =	vor.u32 $0x1, v2;
	v3 =	vld [tilespmem:s21+$0xFFFFFFD0];
	_ =	sdelay $0x4  }
0x145: {  	[tilespmem:v4+s16+$0x0] =	vst.idx.msk $0xffff, v3  }
0x146: {  	v2 =	vor.u32 $0x2, v2;
	v3 =	vld [tilespmem:s29+$0xFFFFFFD0];
	_ =	sdelay $0x2  }
0x147: {  	s24 =	simm.s32 $0x20  }
0x148: {  	v4 =	vmov s24  }
0x149: {  	[tilespmem:v2+s16+$0x0] =	vst.idx.msk $0xffff, v3;
	v2 =	vshll.u32 v4, $0x7  }
0x14a: {  	v3 =	vld [tilespmem:s0+$0xFFFFFFE0];
	v2 =	vor.u32 v1, v2;
	_ =	sdelay $0x4  }
0x14b: {  	[tilespmem:v2+s16+$0x0] =	vst.idx.msk $0xffff, v3  }
0x14c: {  	v4 =	vor.u32 $0x1, v2;
	v3 =	vld [tilespmem:s21+$0xFFFFFFE0];
	_ =	sdelay $0x4  }
0x14d: {  	[tilespmem:v4+s16+$0x0] =	vst.idx.msk $0xffff, v3  }
0x14e: {  	v2 =	vor.u32 $0x2, v2;
	v3 =	vld [tilespmem:s29+$0xFFFFFFE0];
	_ =	sdelay $0x2  }
0x14f: {  	s25 =	simm.s32 $0x30  }
0x150: {  	v4 =	vmov s25  }
0x151: {  	[tilespmem:v2+s16+$0x0] =	vst.idx.msk $0xffff, v3;
	v2 =	vshll.u32 v4, $0x7  }
0x152: {  	v3 =	vld [tilespmem:s0+$0xFFFFFFF0];
	v2 =	vor.u32 v1, v2;
	_ =	sdelay $0x4  }
0x153: {  	[tilespmem:v2+s16+$0x0] =	vst.idx.msk $0xffff, v3  }
0x154: {  	v4 =	vor.u32 $0x1, v2;
	v3 =	vld [tilespmem:s21+$0xFFFFFFF0];
	_ =	sdelay $0x4  }
0x155: {  	[tilespmem:v4+s16+$0x0] =	vst.idx.msk $0xffff, v3  }
0x156: {  	v2 =	vor.u32 $0x2, v2;
	v3 =	vld [tilespmem:s29+$0xFFFFFFF0];
	_ =	sdelay $0x2  }
0x157: {  	s26 =	simm.s32 $0x40  }
0x158: {  	v4 =	vmov s26  }
0x159: {  	[tilespmem:v2+s16+$0x0] =	vst.idx.msk $0xffff, v3;
	v2 =	vshll.u32 v4, $0x7  }
0x15a: {  	v3 =	vld [tilespmem:s0+$0x0];
	v4 =	vor.u32 v1, v2;
	_ =	sdelay $0x4  }
0x15b: {  	[tilespmem:v4+s16+$0x0] =	vst.idx.msk $0xffff, v3  }
0x15c: {  	v3 =	vor.u32 $0x1, v4;
	v2 =	vld [tilespmem:s21+$0x0];
	_ =	sdelay $0x4  }
0x15d: {  	[tilespmem:v3+s16+$0x0] =	vst.idx.msk $0xffff, v2  }
0x15e: {  	v3 =	vor.u32 $0x2, v4;
	v2 =	vld [tilespmem:s29+$0x0];
	_ =	sdelay $0x2  }
0x15f: {  	s23 =	simm.s32 $0x90;
	s24 =	simm.s32 $0xE0;
	s25 =	simm.s32 $0x50  }
.LBB2_26:
0x160: {  	p2 =	sne.s32 s24, $0x180;
	v4 =	vmov s25  }
0x161: {  	s0 =	sadd.s32 $0x50, s0;
	v4 =	vshll.u32 v4, $0x7;
	[tilespmem:v3+s16+$0x0] =	vst.idx.msk $0xffff, v2  }
0x162: {  	v2 =	vld [tilespmem:s0+$0xFFFFFFC0];
	v3 =	vor.u32 v1, v4;
	_ =	sdelay $0x4  }
0x163: {  	s21 =	sadd.s32 $0x50, s21;
	[tilespmem:v3+s16+$0x0] =	vst.idx.msk $0xffff, v2  }
0x164: {  	v4 =	vor.u32 $0x1, v3;
	v2 =	vld [tilespmem:s21+$0xFFFFFFC0];
	_ =	sdelay $0x4  }
0x165: {  	s29 =	sadd.s32 $0x50, s29;
	[tilespmem:v4+s16+$0x0] =	vst.idx.msk $0xffff, v2  }
0x166: {  	v3 =	vor.u32 $0x2, v3;
	v2 =	vld [tilespmem:s29+$0xFFFFFFC0];
	_ =	sdelay $0x2  }
0x167: {  	s25 =	sadd.s32 $0xFFFFFFD0, s23  }
0x168: {  	v4 =	vmov s25  }
0x169: {  	[tilespmem:v3+s16+$0x0] =	vst.idx.msk $0xffff, v2;
	v2 =	vshll.u32 v4, $0x7  }
0x16a: {  	v3 =	vld [tilespmem:s0+$0xFFFFFFD0];
	v2 =	vor.u32 v1, v2;
	_ =	sdelay $0x4  }
0x16b: {  	[tilespmem:v2+s16+$0x0] =	vst.idx.msk $0xffff, v3  }
0x16c: {  	v4 =	vor.u32 $0x1, v2;
	v3 =	vld [tilespmem:s21+$0xFFFFFFD0];
	_ =	sdelay $0x4  }
0x16d: {  	[tilespmem:v4+s16+$0x0] =	vst.idx.msk $0xffff, v3  }
0x16e: {  	v2 =	vor.u32 $0x2, v2;
	v3 =	vld [tilespmem:s29+$0xFFFFFFD0];
	_ =	sdelay $0x2  }
0x16f: {  	s25 =	sadd.s32 $0xFFFFFFE0, s23  }
0x170: {  	v4 =	vmov s25  }
0x171: {  	[tilespmem:v2+s16+$0x0] =	vst.idx.msk $0xffff, v3;
	v2 =	vshll.u32 v4, $0x7  }
0x172: {  	v3 =	vld [tilespmem:s0+$0xFFFFFFE0];
	v2 =	vor.u32 v1, v2;
	_ =	sdelay $0x4  }
0x173: {  	[tilespmem:v2+s16+$0x0] =	vst.idx.msk $0xffff, v3  }
0x174: {  	v4 =	vor.u32 $0x1, v2;
	v3 =	vld [tilespmem:s21+$0xFFFFFFE0];
	_ =	sdelay $0x4  }
0x175: {  	[tilespmem:v4+s16+$0x0] =	vst.idx.msk $0xffff, v3  }
0x176: {  	v2 =	vor.u32 $0x2, v2;
	v3 =	vld [tilespmem:s29+$0xFFFFFFE0];
	_ =	sdelay $0x2  }
0x177: {  	s25 =	sadd.s32 $0xFFFFFFF0, s23  }
0x178: {  	v4 =	vmov s25  }
0x179: {  	[tilespmem:v2+s16+$0x0] =	vst.idx.msk $0xffff, v3;
	v2 =	vshll.u32 v4, $0x7  }
0x17a: {  	v3 =	vld [tilespmem:s0+$0xFFFFFFF0];
	v2 =	vor.u32 v1, v2;
	_ =	sdelay $0x4  }
0x17b: {  	[tilespmem:v2+s16+$0x0] =	vst.idx.msk $0xffff, v3  }
0x17c: {  	v4 =	vor.u32 $0x1, v2;
	v3 =	vld [tilespmem:s21+$0xFFFFFFF0];
	_ =	sdelay $0x4  }
0x17d: {  	[tilespmem:v4+s16+$0x0] =	vst.idx.msk $0xffff, v3  }
0x17e: {  	v2 =	vor.u32 $0x2, v2;
	v3 =	vld [tilespmem:s29+$0xFFFFFFF0];
	_ =	sdelay $0x3  }
0x17f: {  	v4 =	vmov s23;
	s23 =	smov.u32 s24  }
0x180: {  	[tilespmem:v2+s16+$0x0] =	vst.idx.msk $0xffff, v3;
	v2 =	vshll.u32 v4, $0x7  }
0x181: {  	v3 =	vld [tilespmem:s0+$0x0];
	v4 =	vor.u32 v1, v2;
	_ =	sdelay $0x4  }
0x182: {  	[tilespmem:v4+s16+$0x0] =	vst.idx.msk $0xffff, v3  }
0x183: {  	v3 =	vor.u32 $0x1, v4;
	v2 =	vld [tilespmem:s21+$0x0];
	_ =	sdelay $0x4  }
.Ltmp6:
0x184: {  	[tilespmem:v3+s16+$0x0] =	vst.idx.msk $0xffff, v2;
	(pc) =	sbr.rel @p2 .LBB2_26-.Ltmp6, $2  }
0x185: {  	v3 =	vor.u32 $0x2, v4;
	v2 =	vld [tilespmem:s29+$0x0];
	_ =	sdelay $0x2  }
0x186: {  	s24 =	sadd.s32 $0x50, s24;
	s25 =	sadd.s32 $0xFFFFFFC0, s23  }
0x187: {  	_ =	sdelay $0x2  }
0x188: {  	v4 =	vmov s25  }
0x189: {  	s0 =	sadd.s32 $0x50, s0;
	v4 =	vshll.u32 v4, $0x7;
	[tilespmem:v3+s16+$0x0] =	vst.idx.msk $0xffff, v2  }
0x18a: {  	v2 =	vld [tilespmem:s0+$0xFFFFFFC0];
	v3 =	vor.u32 v1, v4;
	_ =	sdelay $0x4  }
0x18b: {  	s21 =	sadd.s32 $0x50, s21;
	[tilespmem:v3+s16+$0x0] =	vst.idx.msk $0xffff, v2  }
0x18c: {  	v4 =	vor.u32 $0x1, v3;
	v2 =	vld [tilespmem:s21+$0xFFFFFFC0];
	_ =	sdelay $0x4  }
0x18d: {  	s24 =	sadd.s32 $0x50, s29;
	[tilespmem:v4+s16+$0x0] =	vst.idx.msk $0xffff, v2  }
0x18e: {  	v3 =	vor.u32 $0x2, v3;
	v2 =	vld [tilespmem:s24+$0xFFFFFFC0];
	_ =	sdelay $0x2  }
0x18f: {  	s26 =	sadd.s32 $0xFFFFFFD0, s23  }
0x190: {  	v4 =	vmov s26  }
0x191: {  	[tilespmem:v3+s16+$0x0] =	vst.idx.msk $0xffff, v2;
	v2 =	vshll.u32 v4, $0x7  }
0x192: {  	v3 =	vld [tilespmem:s0+$0xFFFFFFD0];
	v2 =	vor.u32 v1, v2;
	_ =	sdelay $0x4  }
0x193: {  	[tilespmem:v2+s16+$0x0] =	vst.idx.msk $0xffff, v3  }
0x194: {  	v4 =	vor.u32 $0x1, v2;
	v3 =	vld [tilespmem:s21+$0xFFFFFFD0];
	_ =	sdelay $0x4  }
0x195: {  	[tilespmem:v4+s16+$0x0] =	vst.idx.msk $0xffff, v3  }
0x196: {  	v2 =	vor.u32 $0x2, v2;
	v3 =	vld [tilespmem:s24+$0xFFFFFFD0];
	_ =	sdelay $0x2  }
0x197: {  	s26 =	sadd.s32 $0xFFFFFFE0, s23  }
0x198: {  	v4 =	vmov s26  }
0x199: {  	[tilespmem:v2+s16+$0x0] =	vst.idx.msk $0xffff, v3;
	v2 =	vshll.u32 v4, $0x7  }
0x19a: {  	v3 =	vld [tilespmem:s0+$0xFFFFFFE0];
	v2 =	vor.u32 v1, v2;
	_ =	sdelay $0x4  }
0x19b: {  	[tilespmem:v2+s16+$0x0] =	vst.idx.msk $0xffff, v3  }
0x19c: {  	v4 =	vor.u32 $0x1, v2;
	v3 =	vld [tilespmem:s21+$0xFFFFFFE0];
	_ =	sdelay $0x4  }
0x19d: {  	[tilespmem:v4+s16+$0x0] =	vst.idx.msk $0xffff, v3  }
0x19e: {  	v2 =	vor.u32 $0x2, v2;
	v3 =	vld [tilespmem:s24+$0xFFFFFFE0];
	_ =	sdelay $0x2  }
0x19f: {  	s26 =	sadd.s32 $0xFFFFFFF0, s23  }
0x1a0: {  	v4 =	vmov s26  }
0x1a1: {  	[tilespmem:v2+s16+$0x0] =	vst.idx.msk $0xffff, v3;
	v2 =	vshll.u32 v4, $0x7  }
0x1a2: {  	v3 =	vld [tilespmem:s0+$0xFFFFFFF0];
	v2 =	vor.u32 v1, v2;
	_ =	sdelay $0x4  }
0x1a3: {  	[tilespmem:v2+s16+$0x0] =	vst.idx.msk $0xffff, v3  }
0x1a4: {  	v4 =	vor.u32 $0x1, v2;
	v3 =	vld [tilespmem:s21+$0xFFFFFFF0];
	_ =	sdelay $0x4  }
0x1a5: {  	[tilespmem:v4+s16+$0x0] =	vst.idx.msk $0xffff, v3  }
0x1a6: {  	v2 =	vor.u32 $0x2, v2;
	v3 =	vld [tilespmem:s24+$0xFFFFFFF0];
	_ =	sdelay $0x3  }
0x1a7: {  	v4 =	vmov s23  }
0x1a8: {  	[tilespmem:v2+s16+$0x0] =	vst.idx.msk $0xffff, v3;
	v2 =	vshll.u32 v4, $0x7  }
0x1a9: {  	v3 =	vld [tilespmem:s0+$0x0];
	v2 =	vor.u32 v1, v2;
	_ =	sdelay $0x4  }
0x1aa: {  	[tilespmem:v2+s16+$0x0] =	vst.idx.msk $0xffff, v3  }
0x1ab: {  	v4 =	vor.u32 $0x1, v2;
	v3 =	vld [tilespmem:s21+$0x0];
	_ =	sdelay $0x4  }
0x1ac: {  	[tilespmem:v4+s16+$0x0] =	vst.idx.msk $0xffff, v3  }
0x1ad: {  	v2 =	vor.u32 $0x2, v2;
	v3 =	vld [tilespmem:s24+$0x0];
	_ =	sdelay $0x4  }
0x1ae: {  	s23 =	rddreg [dreg:$0xe];
	[tilespmem:v2+s16+$0x0] =	vst.idx.msk $0xffff, v3  }
0x1af: {  	[hbm4b:s23+s3] =	stream.linear.scatter [tilespmem:s16], [sflag:$0x3], $0xC800, $0x38;
	[tilespmem:$0x1CA28] =	vst v63  }
0x1b0: {  	_ =	swait.ge [sflag:s19], $0xC800  }
0x1b1: {  	[sflag:s19] =	ssyncset.done $0x0  }
0x1b2: {  	[sflag:s19] =	ssyncadd.s32 $0xFFFF3800  }
0x1b3: {  	_ =	swait.ge [sflag:s20], $0xC800  }
0x1b4: {  	s24 =	simm.s32 $0x0;
	[sflag:s20] =	ssyncset.done $0x0  }
0x1b5: {  	s25 =	simm.s32 $0x640;
	s0 =	simm.s32 $0x1170;
	v2 =	vmov s24;
	[sflag:s20] =	ssyncadd.s32 $0xFFFF3800  }
0x1b6: {  	v2 =	vshll.u32 v2, $0x7;
	[tilespmem:s16], [sflag:$0x1] =	stream.indirect.gather [spmem:s2], $0x80, s25, s31, $0xb8;
	[tilespmem:$0x1CA28] =	vst v63  }
0x1b7: {  	v2 =	vor.u32 v1, v2;
	v3 =	vld [tilespmem:s0+$0xFFFFFFC0];
	_ =	sdelay $0x4  }
0x1b8: {  	s21 =	simm.s32 $0x1DF0;
	[tilespmem:v2+s18+$0x0] =	vst.idx.msk $0xffff, v3  }
0x1b9: {  	v4 =	vor.u32 $0x1, v2;
	v3 =	vld [tilespmem:s21+$0xFFFFFFC0];
	_ =	sdelay $0x4  }
0x1ba: {  	s29 =	simm.s32 $0x2A70;
	[tilespmem:v4+s18+$0x0] =	vst.idx.msk $0xffff, v3  }
0x1bb: {  	v2 =	vor.u32 $0x2, v2;
	v3 =	vld [tilespmem:s29+$0xFFFFFFC0];
	_ =	sdelay $0x2  }
0x1bc: {  	s26 =	simm.s32 $0x10  }
0x1bd: {  	v4 =	vmov s26  }
0x1be: {  	[tilespmem:v2+s18+$0x0] =	vst.idx.msk $0xffff, v3;
	v2 =	vshll.u32 v4, $0x7  }
0x1bf: {  	v3 =	vld [tilespmem:s0+$0xFFFFFFD0];
	v2 =	vor.u32 v1, v2;
	_ =	sdelay $0x4  }
0x1c0: {  	[tilespmem:v2+s18+$0x0] =	vst.idx.msk $0xffff, v3  }
0x1c1: {  	v4 =	vor.u32 $0x1, v2;
	v3 =	vld [tilespmem:s21+$0xFFFFFFD0];
	_ =	sdelay $0x4  }
0x1c2: {  	[tilespmem:v4+s18+$0x0] =	vst.idx.msk $0xffff, v3  }
0x1c3: {  	v2 =	vor.u32 $0x2, v2;
	v3 =	vld [tilespmem:s29+$0xFFFFFFD0];
	_ =	sdelay $0x2  }
0x1c4: {  	s24 =	simm.s32 $0x20  }
0x1c5: {  	v4 =	vmov s24  }
0x1c6: {  	[tilespmem:v2+s18+$0x0] =	vst.idx.msk $0xffff, v3;
	v2 =	vshll.u32 v4, $0x7  }
0x1c7: {  	v3 =	vld [tilespmem:s0+$0xFFFFFFE0];
	v2 =	vor.u32 v1, v2;
	_ =	sdelay $0x4  }
0x1c8: {  	[tilespmem:v2+s18+$0x0] =	vst.idx.msk $0xffff, v3  }
0x1c9: {  	v4 =	vor.u32 $0x1, v2;
	v3 =	vld [tilespmem:s21+$0xFFFFFFE0];
	_ =	sdelay $0x4  }
0x1ca: {  	[tilespmem:v4+s18+$0x0] =	vst.idx.msk $0xffff, v3  }
0x1cb: {  	v2 =	vor.u32 $0x2, v2;
	v3 =	vld [tilespmem:s29+$0xFFFFFFE0];
	_ =	sdelay $0x2  }
0x1cc: {  	s25 =	simm.s32 $0x30  }
0x1cd: {  	v4 =	vmov s25  }
0x1ce: {  	[tilespmem:v2+s18+$0x0] =	vst.idx.msk $0xffff, v3;
	v2 =	vshll.u32 v4, $0x7  }
0x1cf: {  	v3 =	vld [tilespmem:s0+$0xFFFFFFF0];
	v2 =	vor.u32 v1, v2;
	_ =	sdelay $0x4  }
0x1d0: {  	[tilespmem:v2+s18+$0x0] =	vst.idx.msk $0xffff, v3  }
0x1d1: {  	v4 =	vor.u32 $0x1, v2;
	v3 =	vld [tilespmem:s21+$0xFFFFFFF0];
	_ =	sdelay $0x4  }
0x1d2: {  	[tilespmem:v4+s18+$0x0] =	vst.idx.msk $0xffff, v3  }
0x1d3: {  	v2 =	vor.u32 $0x2, v2;
	v3 =	vld [tilespmem:s29+$0xFFFFFFF0];
	_ =	sdelay $0x2  }
0x1d4: {  	s26 =	simm.s32 $0x40  }
0x1d5: {  	v4 =	vmov s26  }
0x1d6: {  	[tilespmem:v2+s18+$0x0] =	vst.idx.msk $0xffff, v3;
	v2 =	vshll.u32 v4, $0x7  }
0x1d7: {  	v3 =	vld [tilespmem:s0+$0x0];
	v4 =	vor.u32 v1, v2;
	_ =	sdelay $0x4  }
0x1d8: {  	[tilespmem:v4+s18+$0x0] =	vst.idx.msk $0xffff, v3  }
0x1d9: {  	v3 =	vor.u32 $0x1, v4;
	v2 =	vld [tilespmem:s21+$0x0];
	_ =	sdelay $0x4  }
0x1da: {  	[tilespmem:v3+s18+$0x0] =	vst.idx.msk $0xffff, v2  }
0x1db: {  	v3 =	vor.u32 $0x2, v4;
	v2 =	vld [tilespmem:s29+$0x0];
	_ =	sdelay $0x2  }
0x1dc: {  	s23 =	simm.s32 $0x90;
	s24 =	simm.s32 $0xE0;
	s25 =	simm.s32 $0x50  }
.LBB2_28:
0x1dd: {  	p2 =	sne.s32 s24, $0x180;
	v4 =	vmov s25  }
0x1de: {  	s0 =	sadd.s32 $0x50, s0;
	v4 =	vshll.u32 v4, $0x7;
	[tilespmem:v3+s18+$0x0] =	vst.idx.msk $0xffff, v2  }
0x1df: {  	v2 =	vld [tilespmem:s0+$0xFFFFFFC0];
	v3 =	vor.u32 v1, v4;
	_ =	sdelay $0x4  }
0x1e0: {  	s21 =	sadd.s32 $0x50, s21;
	[tilespmem:v3+s18+$0x0] =	vst.idx.msk $0xffff, v2  }
0x1e1: {  	v4 =	vor.u32 $0x1, v3;
	v2 =	vld [tilespmem:s21+$0xFFFFFFC0];
	_ =	sdelay $0x4  }
0x1e2: {  	s29 =	sadd.s32 $0x50, s29;
	[tilespmem:v4+s18+$0x0] =	vst.idx.msk $0xffff, v2  }
0x1e3: {  	v3 =	vor.u32 $0x2, v3;
	v2 =	vld [tilespmem:s29+$0xFFFFFFC0];
	_ =	sdelay $0x2  }
0x1e4: {  	s25 =	sadd.s32 $0xFFFFFFD0, s23  }
0x1e5: {  	v4 =	vmov s25  }
0x1e6: {  	[tilespmem:v3+s18+$0x0] =	vst.idx.msk $0xffff, v2;
	v2 =	vshll.u32 v4, $0x7  }
0x1e7: {  	v3 =	vld [tilespmem:s0+$0xFFFFFFD0];
	v2 =	vor.u32 v1, v2;
	_ =	sdelay $0x4  }
0x1e8: {  	[tilespmem:v2+s18+$0x0] =	vst.idx.msk $0xffff, v3  }
0x1e9: {  	v4 =	vor.u32 $0x1, v2;
	v3 =	vld [tilespmem:s21+$0xFFFFFFD0];
	_ =	sdelay $0x4  }
0x1ea: {  	[tilespmem:v4+s18+$0x0] =	vst.idx.msk $0xffff, v3  }
0x1eb: {  	v2 =	vor.u32 $0x2, v2;
	v3 =	vld [tilespmem:s29+$0xFFFFFFD0];
	_ =	sdelay $0x2  }
0x1ec: {  	s25 =	sadd.s32 $0xFFFFFFE0, s23  }
0x1ed: {  	v4 =	vmov s25  }
0x1ee: {  	[tilespmem:v2+s18+$0x0] =	vst.idx.msk $0xffff, v3;
	v2 =	vshll.u32 v4, $0x7  }
0x1ef: {  	v3 =	vld [tilespmem:s0+$0xFFFFFFE0];
	v2 =	vor.u32 v1, v2;
	_ =	sdelay $0x4  }
0x1f0: {  	[tilespmem:v2+s18+$0x0] =	vst.idx.msk $0xffff, v3  }
0x1f1: {  	v4 =	vor.u32 $0x1, v2;
	v3 =	vld [tilespmem:s21+$0xFFFFFFE0];
	_ =	sdelay $0x4  }
0x1f2: {  	[tilespmem:v4+s18+$0x0] =	vst.idx.msk $0xffff, v3  }
0x1f3: {  	v2 =	vor.u32 $0x2, v2;
	v3 =	vld [tilespmem:s29+$0xFFFFFFE0];
	_ =	sdelay $0x2  }
0x1f4: {  	s25 =	sadd.s32 $0xFFFFFFF0, s23  }
0x1f5: {  	v4 =	vmov s25  }
0x1f6: {  	[tilespmem:v2+s18+$0x0] =	vst.idx.msk $0xffff, v3;
	v2 =	vshll.u32 v4, $0x7  }
0x1f7: {  	v3 =	vld [tilespmem:s0+$0xFFFFFFF0];
	v2 =	vor.u32 v1, v2;
	_ =	sdelay $0x4  }
0x1f8: {  	[tilespmem:v2+s18+$0x0] =	vst.idx.msk $0xffff, v3  }
0x1f9: {  	v4 =	vor.u32 $0x1, v2;
	v3 =	vld [tilespmem:s21+$0xFFFFFFF0];
	_ =	sdelay $0x4  }
0x1fa: {  	[tilespmem:v4+s18+$0x0] =	vst.idx.msk $0xffff, v3  }
0x1fb: {  	v2 =	vor.u32 $0x2, v2;
	v3 =	vld [tilespmem:s29+$0xFFFFFFF0];
	_ =	sdelay $0x3  }
0x1fc: {  	v4 =	vmov s23;
	s23 =	smov.u32 s24  }
0x1fd: {  	[tilespmem:v2+s18+$0x0] =	vst.idx.msk $0xffff, v3;
	v2 =	vshll.u32 v4, $0x7  }
0x1fe: {  	v3 =	vld [tilespmem:s0+$0x0];
	v4 =	vor.u32 v1, v2;
	_ =	sdelay $0x4  }
0x1ff: {  	[tilespmem:v4+s18+$0x0] =	vst.idx.msk $0xffff, v3  }
0x200: {  	v3 =	vor.u32 $0x1, v4;
	v2 =	vld [tilespmem:s21+$0x0];
	_ =	sdelay $0x4  }
.Ltmp7:
0x201: {  	[tilespmem:v3+s18+$0x0] =	vst.idx.msk $0xffff, v2;
	(pc) =	sbr.rel @p2 .LBB2_28-.Ltmp7, $2  }
0x202: {  	v3 =	vor.u32 $0x2, v4;
	v2 =	vld [tilespmem:s29+$0x0];
	_ =	sdelay $0x2  }
0x203: {  	s24 =	sadd.s32 $0x50, s24;
	s25 =	sadd.s32 $0xFFFFFFC0, s23  }
0x204: {  	_ =	sdelay $0x2  }
0x205: {  	v4 =	vmov s25  }
0x206: {  	s0 =	sadd.s32 $0x50, s0;
	v4 =	vshll.u32 v4, $0x7;
	[tilespmem:v3+s18+$0x0] =	vst.idx.msk $0xffff, v2  }
0x207: {  	v2 =	vld [tilespmem:s0+$0xFFFFFFC0];
	v3 =	vor.u32 v1, v4;
	_ =	sdelay $0x4  }
0x208: {  	s21 =	sadd.s32 $0x50, s21;
	[tilespmem:v3+s18+$0x0] =	vst.idx.msk $0xffff, v2  }
0x209: {  	v4 =	vor.u32 $0x1, v3;
	v2 =	vld [tilespmem:s21+$0xFFFFFFC0];
	_ =	sdelay $0x4  }
0x20a: {  	s24 =	sadd.s32 $0x50, s29;
	[tilespmem:v4+s18+$0x0] =	vst.idx.msk $0xffff, v2  }
0x20b: {  	v3 =	vor.u32 $0x2, v3;
	v2 =	vld [tilespmem:s24+$0xFFFFFFC0];
	_ =	sdelay $0x2  }
0x20c: {  	s26 =	sadd.s32 $0xFFFFFFD0, s23  }
0x20d: {  	v4 =	vmov s26  }
0x20e: {  	[tilespmem:v3+s18+$0x0] =	vst.idx.msk $0xffff, v2;
	v2 =	vshll.u32 v4, $0x7  }
0x20f: {  	v3 =	vld [tilespmem:s0+$0xFFFFFFD0];
	v2 =	vor.u32 v1, v2;
	_ =	sdelay $0x4  }
0x210: {  	[tilespmem:v2+s18+$0x0] =	vst.idx.msk $0xffff, v3  }
0x211: {  	v4 =	vor.u32 $0x1, v2;
	v3 =	vld [tilespmem:s21+$0xFFFFFFD0];
	_ =	sdelay $0x4  }
0x212: {  	[tilespmem:v4+s18+$0x0] =	vst.idx.msk $0xffff, v3  }
0x213: {  	v2 =	vor.u32 $0x2, v2;
	v3 =	vld [tilespmem:s24+$0xFFFFFFD0];
	_ =	sdelay $0x2  }
0x214: {  	s26 =	sadd.s32 $0xFFFFFFE0, s23  }
0x215: {  	v4 =	vmov s26  }
0x216: {  	[tilespmem:v2+s18+$0x0] =	vst.idx.msk $0xffff, v3;
	v2 =	vshll.u32 v4, $0x7  }
0x217: {  	v3 =	vld [tilespmem:s0+$0xFFFFFFE0];
	v2 =	vor.u32 v1, v2;
	_ =	sdelay $0x4  }
0x218: {  	[tilespmem:v2+s18+$0x0] =	vst.idx.msk $0xffff, v3  }
0x219: {  	v4 =	vor.u32 $0x1, v2;
	v3 =	vld [tilespmem:s21+$0xFFFFFFE0];
	_ =	sdelay $0x4  }
0x21a: {  	[tilespmem:v4+s18+$0x0] =	vst.idx.msk $0xffff, v3  }
0x21b: {  	v2 =	vor.u32 $0x2, v2;
	v3 =	vld [tilespmem:s24+$0xFFFFFFE0];
	_ =	sdelay $0x2  }
0x21c: {  	s26 =	sadd.s32 $0xFFFFFFF0, s23  }
0x21d: {  	v4 =	vmov s26  }
0x21e: {  	[tilespmem:v2+s18+$0x0] =	vst.idx.msk $0xffff, v3;
	v2 =	vshll.u32 v4, $0x7  }
0x21f: {  	v3 =	vld [tilespmem:s0+$0xFFFFFFF0];
	v2 =	vor.u32 v1, v2;
	_ =	sdelay $0x4  }
0x220: {  	[tilespmem:v2+s18+$0x0] =	vst.idx.msk $0xffff, v3  }
0x221: {  	v4 =	vor.u32 $0x1, v2;
	v3 =	vld [tilespmem:s21+$0xFFFFFFF0];
	_ =	sdelay $0x4  }
0x222: {  	[tilespmem:v4+s18+$0x0] =	vst.idx.msk $0xffff, v3  }
0x223: {  	v2 =	vor.u32 $0x2, v2;
	v3 =	vld [tilespmem:s24+$0xFFFFFFF0];
	_ =	sdelay $0x3  }
0x224: {  	v4 =	vmov s23  }
0x225: {  	[tilespmem:v2+s18+$0x0] =	vst.idx.msk $0xffff, v3;
	v2 =	vshll.u32 v4, $0x7  }
0x226: {  	v3 =	vld [tilespmem:s0+$0x0];
	v2 =	vor.u32 v1, v2;
	_ =	sdelay $0x4  }
0x227: {  	[tilespmem:v2+s18+$0x0] =	vst.idx.msk $0xffff, v3  }
0x228: {  	v4 =	vor.u32 $0x1, v2;
	v3 =	vld [tilespmem:s21+$0x0];
	_ =	sdelay $0x4  }
0x229: {  	[tilespmem:v4+s18+$0x0] =	vst.idx.msk $0xffff, v3  }
0x22a: {  	v2 =	vor.u32 $0x2, v2;
	v3 =	vld [tilespmem:s24+$0x0];
	_ =	sdelay $0x4  }
0x22b: {  	s24 =	rddreg [dreg:$0xf];
	[tilespmem:v2+s18+$0x0] =	vst.idx.msk $0xffff, v3  }
0x22c: {  	[hbm4b:s24+s3] =	stream.linear.scatter [tilespmem:s18], [sflag:$0x4], $0xC800, $0x38;
	[tilespmem:$0x1CA28] =	vst v63  }
0x22d: {  	_ =	swait.ge [sflag:s17], $0xC800  }
0x22e: {  	[sflag:s17] =	ssyncset.done $0x0  }
0x22f: {  	[sflag:s17] =	ssyncadd.s32 $0xFFFF3800  }
0x230: {  	_ =	swait.ge [sflag:s22], $0xC800  }
0x231: {  	s23 =	simm.s32 $0x0;
	[sflag:s22] =	ssyncset.done $0x0  }
0x232: {  	s25 =	simm.s32 $0x7D0;
	s0 =	simm.s32 $0x12F0;
	v2 =	vmov s23;
	[sflag:s22] =	ssyncadd.s32 $0xFFFF3800  }
0x233: {  	v2 =	vshll.u32 v2, $0x7;
	[tilespmem:s18], [sflag:$0x2] =	stream.indirect.gather [spmem:s2], $0x80, s25, s31, $0xb8;
	[tilespmem:$0x1CA28] =	vst v63  }
0x234: {  	v2 =	vor.u32 v1, v2;
	v3 =	vld [tilespmem:s0+$0xFFFFFFD0];
	_ =	sdelay $0x4  }
0x235: {  	s21 =	simm.s32 $0x1F70;
	[tilespmem:v2+s16+$0x0] =	vst.idx.msk $0xffff, v3  }
0x236: {  	v4 =	vor.u32 $0x1, v2;
	v3 =	vld [tilespmem:s21+$0xFFFFFFD0];
	_ =	sdelay $0x4  }
0x237: {  	s29 =	simm.s32 $0x2BF0;
	[tilespmem:v4+s16+$0x0] =	vst.idx.msk $0xffff, v3  }
0x238: {  	v2 =	vor.u32 $0x2, v2;
	v3 =	vld [tilespmem:s29+$0xFFFFFFD0];
	_ =	sdelay $0x2  }
0x239: {  	s26 =	simm.s32 $0x10  }
0x23a: {  	v4 =	vmov s26  }
0x23b: {  	[tilespmem:v2+s16+$0x0] =	vst.idx.msk $0xffff, v3;
	v2 =	vshll.u32 v4, $0x7  }
0x23c: {  	v3 =	vld [tilespmem:s0+$0xFFFFFFE0];
	v2 =	vor.u32 v1, v2;
	_ =	sdelay $0x4  }
0x23d: {  	[tilespmem:v2+s16+$0x0] =	vst.idx.msk $0xffff, v3  }
0x23e: {  	v4 =	vor.u32 $0x1, v2;
	v3 =	vld [tilespmem:s21+$0xFFFFFFE0];
	_ =	sdelay $0x4  }
0x23f: {  	[tilespmem:v4+s16+$0x0] =	vst.idx.msk $0xffff, v3  }
0x240: {  	v2 =	vor.u32 $0x2, v2;
	v3 =	vld [tilespmem:s29+$0xFFFFFFE0];
	_ =	sdelay $0x2  }
0x241: {  	s25 =	simm.s32 $0x20  }
0x242: {  	v4 =	vmov s25  }
0x243: {  	[tilespmem:v2+s16+$0x0] =	vst.idx.msk $0xffff, v3;
	v2 =	vshll.u32 v4, $0x7  }
0x244: {  	v3 =	vld [tilespmem:s0+$0xFFFFFFF0];
	v2 =	vor.u32 v1, v2;
	_ =	sdelay $0x4  }
0x245: {  	[tilespmem:v2+s16+$0x0] =	vst.idx.msk $0xffff, v3  }
0x246: {  	v4 =	vor.u32 $0x1, v2;
	v3 =	vld [tilespmem:s21+$0xFFFFFFF0];
	_ =	sdelay $0x4  }
0x247: {  	[tilespmem:v4+s16+$0x0] =	vst.idx.msk $0xffff, v3  }
0x248: {  	v2 =	vor.u32 $0x2, v2;
	v3 =	vld [tilespmem:s29+$0xFFFFFFF0];
	_ =	sdelay $0x2  }
0x249: {  	s26 =	simm.s32 $0x30  }
0x24a: {  	v4 =	vmov s26  }
0x24b: {  	[tilespmem:v2+s16+$0x0] =	vst.idx.msk $0xffff, v3;
	v2 =	vshll.u32 v4, $0x7  }
0x24c: {  	v3 =	vld [tilespmem:s0+$0x0];
	v2 =	vor.u32 v1, v2;
	_ =	sdelay $0x4  }
0x24d: {  	[tilespmem:v2+s16+$0x0] =	vst.idx.msk $0xffff, v3  }
0x24e: {  	v4 =	vor.u32 $0x1, v2;
	v3 =	vld [tilespmem:s21+$0x0];
	_ =	sdelay $0x4  }
0x24f: {  	[tilespmem:v4+s16+$0x0] =	vst.idx.msk $0xffff, v3  }
0x250: {  	v2 =	vor.u32 $0x2, v2;
	v3 =	vld [tilespmem:s29+$0x0];
	_ =	sdelay $0x2  }
0x251: {  	s25 =	simm.s32 $0x40  }
0x252: {  	v4 =	vmov s25  }
0x253: {  	s26 =	sand.u32 $0x3F0, s23;
	[tilespmem:v2+s16+$0x0] =	vst.idx.msk $0xffff, v3;
	v2 =	vshll.u32 v4, $0x7  }
0x254: {  	v3 =	vld [tilespmem:s26+$0x1300];
	v4 =	vor.u32 v1, v2;
	_ =	sdelay $0x4  }
0x255: {  	[tilespmem:v4+s16+$0x0] =	vst.idx.msk $0xffff, v3  }
0x256: {  	v3 =	vor.u32 $0x1, v4;
	v2 =	vld [tilespmem:s26+$0x1F80];
	_ =	sdelay $0x4  }
0x257: {  	[tilespmem:v3+s16+$0x0] =	vst.idx.msk $0xffff, v2  }
0x258: {  	v3 =	vor.u32 $0x2, v4;
	v2 =	vld [tilespmem:s26+$0x2C00];
	_ =	sdelay $0x2  }
0x259: {  	s24 =	simm.s32 $0x50;
	s23 =	simm.s32 $0x90;
	s25 =	simm.s32 $0xE0  }
.LBB2_30:
0x25a: {  	p2 =	sne.s32 s25, $0x180;
	v4 =	vmov s24  }
0x25b: {  	s0 =	sadd.s32 $0x50, s0;
	v4 =	vshll.u32 v4, $0x7;
	[tilespmem:v3+s16+$0x0] =	vst.idx.msk $0xffff, v2  }
0x25c: {  	v2 =	vld [tilespmem:s0+$0xFFFFFFD0];
	v3 =	vor.u32 v1, v4;
	_ =	sdelay $0x4  }
0x25d: {  	s21 =	sadd.s32 $0x50, s21;
	[tilespmem:v3+s16+$0x0] =	vst.idx.msk $0xffff, v2  }
0x25e: {  	v4 =	vor.u32 $0x1, v3;
	v2 =	vld [tilespmem:s21+$0xFFFFFFD0];
	_ =	sdelay $0x4  }
0x25f: {  	s29 =	sadd.s32 $0x50, s29;
	[tilespmem:v4+s16+$0x0] =	vst.idx.msk $0xffff, v2  }
0x260: {  	v3 =	vor.u32 $0x2, v3;
	v2 =	vld [tilespmem:s29+$0xFFFFFFD0];
	_ =	sdelay $0x2  }
0x261: {  	s26 =	sadd.s32 $0xFFFFFFD0, s23  }
0x262: {  	v4 =	vmov s26  }
0x263: {  	[tilespmem:v3+s16+$0x0] =	vst.idx.msk $0xffff, v2;
	v2 =	vshll.u32 v4, $0x7  }
0x264: {  	v3 =	vld [tilespmem:s0+$0xFFFFFFE0];
	v2 =	vor.u32 v1, v2;
	_ =	sdelay $0x4  }
0x265: {  	[tilespmem:v2+s16+$0x0] =	vst.idx.msk $0xffff, v3  }
0x266: {  	v4 =	vor.u32 $0x1, v2;
	v3 =	vld [tilespmem:s21+$0xFFFFFFE0];
	_ =	sdelay $0x4  }
0x267: {  	[tilespmem:v4+s16+$0x0] =	vst.idx.msk $0xffff, v3  }
0x268: {  	v2 =	vor.u32 $0x2, v2;
	v3 =	vld [tilespmem:s29+$0xFFFFFFE0];
	_ =	sdelay $0x2  }
0x269: {  	s26 =	sadd.s32 $0xFFFFFFE0, s23  }
0x26a: {  	v4 =	vmov s26  }
0x26b: {  	[tilespmem:v2+s16+$0x0] =	vst.idx.msk $0xffff, v3;
	v2 =	vshll.u32 v4, $0x7  }
0x26c: {  	v3 =	vld [tilespmem:s0+$0xFFFFFFF0];
	v2 =	vor.u32 v1, v2;
	_ =	sdelay $0x4  }
0x26d: {  	[tilespmem:v2+s16+$0x0] =	vst.idx.msk $0xffff, v3  }
0x26e: {  	v4 =	vor.u32 $0x1, v2;
	v3 =	vld [tilespmem:s21+$0xFFFFFFF0];
	_ =	sdelay $0x4  }
0x26f: {  	[tilespmem:v4+s16+$0x0] =	vst.idx.msk $0xffff, v3  }
0x270: {  	v2 =	vor.u32 $0x2, v2;
	v3 =	vld [tilespmem:s29+$0xFFFFFFF0];
	_ =	sdelay $0x2  }
0x271: {  	s26 =	sadd.s32 $0xFFFFFFF0, s23  }
0x272: {  	v4 =	vmov s26  }
0x273: {  	[tilespmem:v2+s16+$0x0] =	vst.idx.msk $0xffff, v3;
	v2 =	vshll.u32 v4, $0x7  }
0x274: {  	v3 =	vld [tilespmem:s0+$0x0];
	v2 =	vor.u32 v1, v2;
	_ =	sdelay $0x4  }
0x275: {  	[tilespmem:v2+s16+$0x0] =	vst.idx.msk $0xffff, v3  }
0x276: {  	v4 =	vor.u32 $0x1, v2;
	v3 =	vld [tilespmem:s21+$0x0];
	_ =	sdelay $0x4  }
0x277: {  	[tilespmem:v4+s16+$0x0] =	vst.idx.msk $0xffff, v3  }
0x278: {  	v2 =	vor.u32 $0x2, v2;
	v3 =	vld [tilespmem:s29+$0x0];
	_ =	sdelay $0x3  }
0x279: {  	v4 =	vmov s23;
	s23 =	smov.u32 s25  }
0x27a: {  	s24 =	sand.u32 $0x3F0, s24;
	[tilespmem:v2+s16+$0x0] =	vst.idx.msk $0xffff, v3;
	v2 =	vshll.u32 v4, $0x7  }
0x27b: {  	v3 =	vld [tilespmem:s24+$0x1300];
	v4 =	vor.u32 v1, v2;
	_ =	sdelay $0x4  }
0x27c: {  	[tilespmem:v4+s16+$0x0] =	vst.idx.msk $0xffff, v3  }
0x27d: {  	v3 =	vor.u32 $0x1, v4;
	v2 =	vld [tilespmem:s24+$0x1F80];
	_ =	sdelay $0x4  }
.Ltmp8:
0x27e: {  	[tilespmem:v3+s16+$0x0] =	vst.idx.msk $0xffff, v2;
	(pc) =	sbr.rel @p2 .LBB2_30-.Ltmp8, $2  }
0x27f: {  	v3 =	vor.u32 $0x2, v4;
	v2 =	vld [tilespmem:s24+$0x2C00];
	_ =	sdelay $0x2  }
0x280: {  	s25 =	sadd.s32 $0x50, s25;
	s24 =	sadd.s32 $0xFFFFFFC0, s23  }
0x281: {  	_ =	sdelay $0x2  }
0x282: {  	v4 =	vmov s24  }
0x283: {  	s0 =	sadd.s32 $0x50, s0;
	v4 =	vshll.u32 v4, $0x7;
	[tilespmem:v3+s16+$0x0] =	vst.idx.msk $0xffff, v2  }
0x284: {  	v2 =	vld [tilespmem:s0+$0xFFFFFFD0];
	v3 =	vor.u32 v1, v4;
	_ =	sdelay $0x4  }
0x285: {  	s21 =	sadd.s32 $0x50, s21;
	[tilespmem:v3+s16+$0x0] =	vst.idx.msk $0xffff, v2  }
0x286: {  	v4 =	vor.u32 $0x1, v3;
	v2 =	vld [tilespmem:s21+$0xFFFFFFD0];
	_ =	sdelay $0x4  }
0x287: {  	s25 =	sadd.s32 $0x50, s29;
	[tilespmem:v4+s16+$0x0] =	vst.idx.msk $0xffff, v2  }
0x288: {  	v3 =	vor.u32 $0x2, v3;
	v2 =	vld [tilespmem:s25+$0xFFFFFFD0];
	_ =	sdelay $0x2  }
0x289: {  	s26 =	sadd.s32 $0xFFFFFFD0, s23  }
0x28a: {  	v4 =	vmov s26  }
0x28b: {  	[tilespmem:v3+s16+$0x0] =	vst.idx.msk $0xffff, v2;
	v2 =	vshll.u32 v4, $0x7  }
0x28c: {  	v3 =	vld [tilespmem:s0+$0xFFFFFFE0];
	v2 =	vor.u32 v1, v2;
	_ =	sdelay $0x4  }
0x28d: {  	[tilespmem:v2+s16+$0x0] =	vst.idx.msk $0xffff, v3  }
0x28e: {  	v4 =	vor.u32 $0x1, v2;
	v3 =	vld [tilespmem:s21+$0xFFFFFFE0];
	_ =	sdelay $0x4  }
0x28f: {  	[tilespmem:v4+s16+$0x0] =	vst.idx.msk $0xffff, v3  }
0x290: {  	v2 =	vor.u32 $0x2, v2;
	v3 =	vld [tilespmem:s25+$0xFFFFFFE0];
	_ =	sdelay $0x2  }
0x291: {  	s26 =	sadd.s32 $0xFFFFFFE0, s23  }
0x292: {  	v4 =	vmov s26  }
0x293: {  	[tilespmem:v2+s16+$0x0] =	vst.idx.msk $0xffff, v3;
	v2 =	vshll.u32 v4, $0x7  }
0x294: {  	v3 =	vld [tilespmem:s0+$0xFFFFFFF0];
	v2 =	vor.u32 v1, v2;
	_ =	sdelay $0x4  }
0x295: {  	[tilespmem:v2+s16+$0x0] =	vst.idx.msk $0xffff, v3  }
0x296: {  	v4 =	vor.u32 $0x1, v2;
	v3 =	vld [tilespmem:s21+$0xFFFFFFF0];
	_ =	sdelay $0x4  }
0x297: {  	[tilespmem:v4+s16+$0x0] =	vst.idx.msk $0xffff, v3  }
0x298: {  	v2 =	vor.u32 $0x2, v2;
	v3 =	vld [tilespmem:s25+$0xFFFFFFF0];
	_ =	sdelay $0x2  }
0x299: {  	s26 =	sadd.s32 $0xFFFFFFF0, s23  }
0x29a: {  	v4 =	vmov s26  }
0x29b: {  	[tilespmem:v2+s16+$0x0] =	vst.idx.msk $0xffff, v3;
	v2 =	vshll.u32 v4, $0x7  }
0x29c: {  	v3 =	vld [tilespmem:s0+$0x0];
	v2 =	vor.u32 v1, v2;
	_ =	sdelay $0x4  }
0x29d: {  	[tilespmem:v2+s16+$0x0] =	vst.idx.msk $0xffff, v3  }
0x29e: {  	v4 =	vor.u32 $0x1, v2;
	v3 =	vld [tilespmem:s21+$0x0];
	_ =	sdelay $0x4  }
0x29f: {  	[tilespmem:v4+s16+$0x0] =	vst.idx.msk $0xffff, v3  }
0x2a0: {  	v2 =	vor.u32 $0x2, v2;
	v3 =	vld [tilespmem:s25+$0x0];
	_ =	sdelay $0x3  }
0x2a1: {  	v4 =	vmov s23  }
0x2a2: {  	s21 =	sand.u32 $0x3F0, s24;
	[tilespmem:v2+s16+$0x0] =	vst.idx.msk $0xffff, v3;
	v2 =	vshll.u32 v4, $0x7  }
0x2a3: {  	v3 =	vld [tilespmem:s21+$0x1300];
	v2 =	vor.u32 v1, v2;
	_ =	sdelay $0x4  }
0x2a4: {  	[tilespmem:v2+s16+$0x0] =	vst.idx.msk $0xffff, v3  }
0x2a5: {  	v4 =	vor.u32 $0x1, v2;
	v3 =	vld [tilespmem:s21+$0x1F80];
	_ =	sdelay $0x4  }
0x2a6: {  	[tilespmem:v4+s16+$0x0] =	vst.idx.msk $0xffff, v3  }
0x2a7: {  	v2 =	vor.u32 $0x2, v2;
	v3 =	vld [tilespmem:s21+$0x2C00];
	_ =	sdelay $0x4  }
0x2a8: {  	s23 =	rddreg [dreg:$0x10];
	[tilespmem:v2+s16+$0x0] =	vst.idx.msk $0xffff, v3  }
0x2a9: {  	[hbm4b:s23+s3] =	stream.linear.scatter [tilespmem:s16], [sflag:$0x3], $0xC800, $0x38;
	[tilespmem:$0x1CA28] =	vst v63  }
0x2aa: {  	_ =	swait.ge [sflag:s19], $0xC800  }
0x2ab: {  	[sflag:s19] =	ssyncset.done $0x0  }
0x2ac: {  	[sflag:s19] =	ssyncadd.s32 $0xFFFF3800  }
0x2ad: {  	_ =	swait.ge [sflag:s20], $0xC800  }
0x2ae: {  	s24 =	simm.s32 $0x0;
	[sflag:s20] =	ssyncset.done $0x0  }
0x2af: {  	s0 =	simm.s32 $0x1490;
	s25 =	simm.s32 $0x960;
	v2 =	vmov s24;
	[sflag:s20] =	ssyncadd.s32 $0xFFFF3800  }
0x2b0: {  	v2 =	vshll.u32 v2, $0x7;
	[tilespmem:s16], [sflag:$0x1] =	stream.indirect.gather [spmem:s2], $0x80, s25, s31, $0xb8;
	[tilespmem:$0x1CA28] =	vst v63  }
0x2b1: {  	v2 =	vor.u32 v1, v2;
	v3 =	vld [tilespmem:s0+$0xFFFFFFC0];
	_ =	sdelay $0x4  }
0x2b2: {  	s21 =	simm.s32 $0x2110;
	[tilespmem:v2+s18+$0x0] =	vst.idx.msk $0xffff, v3  }
0x2b3: {  	v4 =	vor.u32 $0x1, v2;
	v3 =	vld [tilespmem:s21+$0xFFFFFFC0];
	_ =	sdelay $0x4  }
0x2b4: {  	s29 =	simm.s32 $0x2D90;
	[tilespmem:v4+s18+$0x0] =	vst.idx.msk $0xffff, v3  }
0x2b5: {  	v2 =	vor.u32 $0x2, v2;
	v3 =	vld [tilespmem:s29+$0xFFFFFFC0];
	_ =	sdelay $0x2  }
0x2b6: {  	s26 =	simm.s32 $0x10  }
0x2b7: {  	v4 =	vmov s26  }
0x2b8: {  	[tilespmem:v2+s18+$0x0] =	vst.idx.msk $0xffff, v3;
	v2 =	vshll.u32 v4, $0x7  }
0x2b9: {  	v3 =	vld [tilespmem:s0+$0xFFFFFFD0];
	v2 =	vor.u32 v1, v2;
	_ =	sdelay $0x4  }
0x2ba: {  	[tilespmem:v2+s18+$0x0] =	vst.idx.msk $0xffff, v3  }
0x2bb: {  	v4 =	vor.u32 $0x1, v2;
	v3 =	vld [tilespmem:s21+$0xFFFFFFD0];
	_ =	sdelay $0x4  }
0x2bc: {  	[tilespmem:v4+s18+$0x0] =	vst.idx.msk $0xffff, v3  }
0x2bd: {  	v2 =	vor.u32 $0x2, v2;
	v3 =	vld [tilespmem:s29+$0xFFFFFFD0];
	_ =	sdelay $0x2  }
0x2be: {  	s24 =	simm.s32 $0x20  }
0x2bf: {  	v4 =	vmov s24  }
0x2c0: {  	[tilespmem:v2+s18+$0x0] =	vst.idx.msk $0xffff, v3;
	v2 =	vshll.u32 v4, $0x7  }
0x2c1: {  	v3 =	vld [tilespmem:s0+$0xFFFFFFE0];
	v2 =	vor.u32 v1, v2;
	_ =	sdelay $0x4  }
0x2c2: {  	[tilespmem:v2+s18+$0x0] =	vst.idx.msk $0xffff, v3  }
0x2c3: {  	v4 =	vor.u32 $0x1, v2;
	v3 =	vld [tilespmem:s21+$0xFFFFFFE0];
	_ =	sdelay $0x4  }
0x2c4: {  	[tilespmem:v4+s18+$0x0] =	vst.idx.msk $0xffff, v3  }
0x2c5: {  	v2 =	vor.u32 $0x2, v2;
	v3 =	vld [tilespmem:s29+$0xFFFFFFE0];
	_ =	sdelay $0x2  }
0x2c6: {  	s25 =	simm.s32 $0x30  }
0x2c7: {  	v4 =	vmov s25  }
0x2c8: {  	[tilespmem:v2+s18+$0x0] =	vst.idx.msk $0xffff, v3;
	v2 =	vshll.u32 v4, $0x7  }
0x2c9: {  	v3 =	vld [tilespmem:s0+$0xFFFFFFF0];
	v2 =	vor.u32 v1, v2;
	_ =	sdelay $0x4  }
0x2ca: {  	[tilespmem:v2+s18+$0x0] =	vst.idx.msk $0xffff, v3  }
0x2cb: {  	v4 =	vor.u32 $0x1, v2;
	v3 =	vld [tilespmem:s21+$0xFFFFFFF0];
	_ =	sdelay $0x4  }
0x2cc: {  	[tilespmem:v4+s18+$0x0] =	vst.idx.msk $0xffff, v3  }
0x2cd: {  	v2 =	vor.u32 $0x2, v2;
	v3 =	vld [tilespmem:s29+$0xFFFFFFF0];
	_ =	sdelay $0x2  }
0x2ce: {  	s26 =	simm.s32 $0x40  }
0x2cf: {  	v4 =	vmov s26  }
0x2d0: {  	[tilespmem:v2+s18+$0x0] =	vst.idx.msk $0xffff, v3;
	v2 =	vshll.u32 v4, $0x7  }
0x2d1: {  	v3 =	vld [tilespmem:s0+$0x0];
	v4 =	vor.u32 v1, v2;
	_ =	sdelay $0x4  }
0x2d2: {  	[tilespmem:v4+s18+$0x0] =	vst.idx.msk $0xffff, v3  }
0x2d3: {  	v3 =	vor.u32 $0x1, v4;
	v2 =	vld [tilespmem:s21+$0x0];
	_ =	sdelay $0x4  }
0x2d4: {  	[tilespmem:v3+s18+$0x0] =	vst.idx.msk $0xffff, v2  }
0x2d5: {  	v3 =	vor.u32 $0x2, v4;
	v2 =	vld [tilespmem:s29+$0x0];
	_ =	sdelay $0x2  }
0x2d6: {  	s23 =	simm.s32 $0x90;
	s24 =	simm.s32 $0xE0;
	s25 =	simm.s32 $0x50  }
.LBB2_32:
0x2d7: {  	p2 =	sne.s32 s24, $0x180;
	v4 =	vmov s25  }
0x2d8: {  	s0 =	sadd.s32 $0x50, s0;
	v4 =	vshll.u32 v4, $0x7;
	[tilespmem:v3+s18+$0x0] =	vst.idx.msk $0xffff, v2  }
0x2d9: {  	v2 =	vld [tilespmem:s0+$0xFFFFFFC0];
	v3 =	vor.u32 v1, v4;
	_ =	sdelay $0x4  }
0x2da: {  	s21 =	sadd.s32 $0x50, s21;
	[tilespmem:v3+s18+$0x0] =	vst.idx.msk $0xffff, v2  }
0x2db: {  	v4 =	vor.u32 $0x1, v3;
	v2 =	vld [tilespmem:s21+$0xFFFFFFC0];
	_ =	sdelay $0x4  }
0x2dc: {  	s29 =	sadd.s32 $0x50, s29;
	[tilespmem:v4+s18+$0x0] =	vst.idx.msk $0xffff, v2  }
0x2dd: {  	v3 =	vor.u32 $0x2, v3;
	v2 =	vld [tilespmem:s29+$0xFFFFFFC0];
	_ =	sdelay $0x2  }
0x2de: {  	s25 =	sadd.s32 $0xFFFFFFD0, s23  }
0x2df: {  	v4 =	vmov s25  }
0x2e0: {  	[tilespmem:v3+s18+$0x0] =	vst.idx.msk $0xffff, v2;
	v2 =	vshll.u32 v4, $0x7  }
0x2e1: {  	v3 =	vld [tilespmem:s0+$0xFFFFFFD0];
	v2 =	vor.u32 v1, v2;
	_ =	sdelay $0x4  }
0x2e2: {  	[tilespmem:v2+s18+$0x0] =	vst.idx.msk $0xffff, v3  }
0x2e3: {  	v4 =	vor.u32 $0x1, v2;
	v3 =	vld [tilespmem:s21+$0xFFFFFFD0];
	_ =	sdelay $0x4  }
0x2e4: {  	[tilespmem:v4+s18+$0x0] =	vst.idx.msk $0xffff, v3  }
0x2e5: {  	v2 =	vor.u32 $0x2, v2;
	v3 =	vld [tilespmem:s29+$0xFFFFFFD0];
	_ =	sdelay $0x2  }
0x2e6: {  	s25 =	sadd.s32 $0xFFFFFFE0, s23  }
0x2e7: {  	v4 =	vmov s25  }
0x2e8: {  	[tilespmem:v2+s18+$0x0] =	vst.idx.msk $0xffff, v3;
	v2 =	vshll.u32 v4, $0x7  }
0x2e9: {  	v3 =	vld [tilespmem:s0+$0xFFFFFFE0];
	v2 =	vor.u32 v1, v2;
	_ =	sdelay $0x4  }
0x2ea: {  	[tilespmem:v2+s18+$0x0] =	vst.idx.msk $0xffff, v3  }
0x2eb: {  	v4 =	vor.u32 $0x1, v2;
	v3 =	vld [tilespmem:s21+$0xFFFFFFE0];
	_ =	sdelay $0x4  }
0x2ec: {  	[tilespmem:v4+s18+$0x0] =	vst.idx.msk $0xffff, v3  }
0x2ed: {  	v2 =	vor.u32 $0x2, v2;
	v3 =	vld [tilespmem:s29+$0xFFFFFFE0];
	_ =	sdelay $0x2  }
0x2ee: {  	s25 =	sadd.s32 $0xFFFFFFF0, s23  }
0x2ef: {  	v4 =	vmov s25  }
0x2f0: {  	[tilespmem:v2+s18+$0x0] =	vst.idx.msk $0xffff, v3;
	v2 =	vshll.u32 v4, $0x7  }
0x2f1: {  	v3 =	vld [tilespmem:s0+$0xFFFFFFF0];
	v2 =	vor.u32 v1, v2;
	_ =	sdelay $0x4  }
0x2f2: {  	[tilespmem:v2+s18+$0x0] =	vst.idx.msk $0xffff, v3  }
0x2f3: {  	v4 =	vor.u32 $0x1, v2;
	v3 =	vld [tilespmem:s21+$0xFFFFFFF0];
	_ =	sdelay $0x4  }
0x2f4: {  	[tilespmem:v4+s18+$0x0] =	vst.idx.msk $0xffff, v3  }
0x2f5: {  	v2 =	vor.u32 $0x2, v2;
	v3 =	vld [tilespmem:s29+$0xFFFFFFF0];
	_ =	sdelay $0x3  }
0x2f6: {  	v4 =	vmov s23;
	s23 =	smov.u32 s24  }
0x2f7: {  	[tilespmem:v2+s18+$0x0] =	vst.idx.msk $0xffff, v3;
	v2 =	vshll.u32 v4, $0x7  }
0x2f8: {  	v3 =	vld [tilespmem:s0+$0x0];
	v4 =	vor.u32 v1, v2;
	_ =	sdelay $0x4  }
0x2f9: {  	[tilespmem:v4+s18+$0x0] =	vst.idx.msk $0xffff, v3  }
0x2fa: {  	v3 =	vor.u32 $0x1, v4;
	v2 =	vld [tilespmem:s21+$0x0];
	_ =	sdelay $0x4  }
.Ltmp9:
0x2fb: {  	[tilespmem:v3+s18+$0x0] =	vst.idx.msk $0xffff, v2;
	(pc) =	sbr.rel @p2 .LBB2_32-.Ltmp9, $2  }
0x2fc: {  	v3 =	vor.u32 $0x2, v4;
	v2 =	vld [tilespmem:s29+$0x0];
	_ =	sdelay $0x2  }
0x2fd: {  	s24 =	sadd.s32 $0x50, s24;
	s25 =	sadd.s32 $0xFFFFFFC0, s23  }
0x2fe: {  	_ =	sdelay $0x2  }
0x2ff: {  	v4 =	vmov s25  }
0x300: {  	s0 =	sadd.s32 $0x50, s0;
	v4 =	vshll.u32 v4, $0x7;
	[tilespmem:v3+s18+$0x0] =	vst.idx.msk $0xffff, v2  }
0x301: {  	v2 =	vld [tilespmem:s0+$0xFFFFFFC0];
	v3 =	vor.u32 v1, v4;
	_ =	sdelay $0x4  }
0x302: {  	s21 =	sadd.s32 $0x50, s21;
	[tilespmem:v3+s18+$0x0] =	vst.idx.msk $0xffff, v2  }
0x303: {  	v4 =	vor.u32 $0x1, v3;
	v2 =	vld [tilespmem:s21+$0xFFFFFFC0];
	_ =	sdelay $0x4  }
0x304: {  	s24 =	sadd.s32 $0x50, s29;
	[tilespmem:v4+s18+$0x0] =	vst.idx.msk $0xffff, v2  }
0x305: {  	v3 =	vor.u32 $0x2, v3;
	v2 =	vld [tilespmem:s24+$0xFFFFFFC0];
	_ =	sdelay $0x2  }
0x306: {  	s26 =	sadd.s32 $0xFFFFFFD0, s23  }
0x307: {  	v4 =	vmov s26  }
0x308: {  	[tilespmem:v3+s18+$0x0] =	vst.idx.msk $0xffff, v2;
	v2 =	vshll.u32 v4, $0x7  }
0x309: {  	v3 =	vld [tilespmem:s0+$0xFFFFFFD0];
	v2 =	vor.u32 v1, v2;
	_ =	sdelay $0x4  }
0x30a: {  	[tilespmem:v2+s18+$0x0] =	vst.idx.msk $0xffff, v3  }
0x30b: {  	v4 =	vor.u32 $0x1, v2;
	v3 =	vld [tilespmem:s21+$0xFFFFFFD0];
	_ =	sdelay $0x4  }
0x30c: {  	[tilespmem:v4+s18+$0x0] =	vst.idx.msk $0xffff, v3  }
0x30d: {  	v2 =	vor.u32 $0x2, v2;
	v3 =	vld [tilespmem:s24+$0xFFFFFFD0];
	_ =	sdelay $0x2  }
0x30e: {  	s26 =	sadd.s32 $0xFFFFFFE0, s23  }
0x30f: {  	v4 =	vmov s26  }
0x310: {  	[tilespmem:v2+s18+$0x0] =	vst.idx.msk $0xffff, v3;
	v2 =	vshll.u32 v4, $0x7  }
0x311: {  	v3 =	vld [tilespmem:s0+$0xFFFFFFE0];
	v2 =	vor.u32 v1, v2;
	_ =	sdelay $0x4  }
0x312: {  	[tilespmem:v2+s18+$0x0] =	vst.idx.msk $0xffff, v3  }
0x313: {  	v4 =	vor.u32 $0x1, v2;
	v3 =	vld [tilespmem:s21+$0xFFFFFFE0];
	_ =	sdelay $0x4  }
0x314: {  	[tilespmem:v4+s18+$0x0] =	vst.idx.msk $0xffff, v3  }
0x315: {  	v2 =	vor.u32 $0x2, v2;
	v3 =	vld [tilespmem:s24+$0xFFFFFFE0];
	_ =	sdelay $0x2  }
0x316: {  	s26 =	sadd.s32 $0xFFFFFFF0, s23  }
0x317: {  	v4 =	vmov s26  }
0x318: {  	[tilespmem:v2+s18+$0x0] =	vst.idx.msk $0xffff, v3;
	v2 =	vshll.u32 v4, $0x7  }
0x319: {  	v3 =	vld [tilespmem:s0+$0xFFFFFFF0];
	v2 =	vor.u32 v1, v2;
	_ =	sdelay $0x4  }
0x31a: {  	[tilespmem:v2+s18+$0x0] =	vst.idx.msk $0xffff, v3  }
0x31b: {  	v4 =	vor.u32 $0x1, v2;
	v3 =	vld [tilespmem:s21+$0xFFFFFFF0];
	_ =	sdelay $0x4  }
0x31c: {  	[tilespmem:v4+s18+$0x0] =	vst.idx.msk $0xffff, v3  }
0x31d: {  	v2 =	vor.u32 $0x2, v2;
	v3 =	vld [tilespmem:s24+$0xFFFFFFF0];
	_ =	sdelay $0x3  }
0x31e: {  	v4 =	vmov s23  }
0x31f: {  	[tilespmem:v2+s18+$0x0] =	vst.idx.msk $0xffff, v3;
	v2 =	vshll.u32 v4, $0x7  }
0x320: {  	v3 =	vld [tilespmem:s0+$0x0];
	v2 =	vor.u32 v1, v2;
	_ =	sdelay $0x4  }
0x321: {  	[tilespmem:v2+s18+$0x0] =	vst.idx.msk $0xffff, v3  }
0x322: {  	v4 =	vor.u32 $0x1, v2;
	v3 =	vld [tilespmem:s21+$0x0];
	_ =	sdelay $0x4  }
0x323: {  	[tilespmem:v4+s18+$0x0] =	vst.idx.msk $0xffff, v3  }
0x324: {  	v2 =	vor.u32 $0x2, v2;
	v3 =	vld [tilespmem:s24+$0x0];
	_ =	sdelay $0x4  }
0x325: {  	s24 =	rddreg [dreg:$0x11];
	[tilespmem:v2+s18+$0x0] =	vst.idx.msk $0xffff, v3  }
0x326: {  	[hbm4b:s24+s3] =	stream.linear.scatter [tilespmem:s18], [sflag:$0x4], $0xC800, $0x38;
	[tilespmem:$0x1CA28] =	vst v63  }
0x327: {  	s23 =	simm.s32 $0x0;
	_ =	swait.ge [sflag:s17], $0xC800  }
0x328: {  	v2 =	vmov s23;
	[sflag:s17] =	ssyncset.done $0x0  }
0x329: {  	s0 =	simm.s32 $0x1620;
	v2 =	vshll.u32 v2, $0x7;
	[sflag:s17] =	ssyncadd.s32 $0xFFFF3800  }
0x32a: {  	v2 =	vor.u32 v1, v2;
	v3 =	vld [tilespmem:s0+$0xFFFFFFC0];
	_ =	sdelay $0x4  }
0x32b: {  	s21 =	simm.s32 $0x22A0;
	[tilespmem:v2+s16+$0x0] =	vst.idx.msk $0xffff, v3  }
0x32c: {  	v4 =	vor.u32 $0x1, v2;
	v3 =	vld [tilespmem:s21+$0xFFFFFFC0];
	_ =	sdelay $0x4  }
0x32d: {  	s29 =	simm.s32 $0x2F20;
	[tilespmem:v4+s16+$0x0] =	vst.idx.msk $0xffff, v3  }
0x32e: {  	v2 =	vor.u32 $0x2, v2;
	v3 =	vld [tilespmem:s29+$0xFFFFFFC0];
	_ =	sdelay $0x2  }
0x32f: {  	s25 =	simm.s32 $0x10  }
0x330: {  	v4 =	vmov s25  }
0x331: {  	[tilespmem:v2+s16+$0x0] =	vst.idx.msk $0xffff, v3;
	v2 =	vshll.u32 v4, $0x7  }
0x332: {  	v3 =	vld [tilespmem:s0+$0xFFFFFFD0];
	v2 =	vor.u32 v1, v2;
	_ =	sdelay $0x4  }
0x333: {  	[tilespmem:v2+s16+$0x0] =	vst.idx.msk $0xffff, v3  }
0x334: {  	v4 =	vor.u32 $0x1, v2;
	v3 =	vld [tilespmem:s21+$0xFFFFFFD0];
	_ =	sdelay $0x4  }
0x335: {  	[tilespmem:v4+s16+$0x0] =	vst.idx.msk $0xffff, v3  }
0x336: {  	v2 =	vor.u32 $0x2, v2;
	v3 =	vld [tilespmem:s29+$0xFFFFFFD0];
	_ =	sdelay $0x2  }
0x337: {  	s26 =	simm.s32 $0x20  }
0x338: {  	v4 =	vmov s26  }
0x339: {  	s23 =	sand.u32 $0x3F0, s23;
	[tilespmem:v2+s16+$0x0] =	vst.idx.msk $0xffff, v3;
	v2 =	vshll.u32 v4, $0x7  }
0x33a: {  	v3 =	vld [tilespmem:s23+$0x1600];
	v2 =	vor.u32 v1, v2;
	_ =	sdelay $0x4  }
0x33b: {  	[tilespmem:v2+s16+$0x0] =	vst.idx.msk $0xffff, v3  }
0x33c: {  	v4 =	vor.u32 $0x1, v2;
	v3 =	vld [tilespmem:s23+$0x2280];
	_ =	sdelay $0x4  }
0x33d: {  	[tilespmem:v4+s16+$0x0] =	vst.idx.msk $0xffff, v3  }
0x33e: {  	v2 =	vor.u32 $0x2, v2;
	v3 =	vld [tilespmem:s23+$0x2F00];
	_ =	sdelay $0x2  }
0x33f: {  	s25 =	simm.s32 $0x30  }
0x340: {  	v4 =	vmov s25  }
0x341: {  	[tilespmem:v2+s16+$0x0] =	vst.idx.msk $0xffff, v3;
	v2 =	vshll.u32 v4, $0x7  }
0x342: {  	v3 =	vld [tilespmem:s0+$0xFFFFFFF0];
	v2 =	vor.u32 v1, v2;
	_ =	sdelay $0x4  }
0x343: {  	[tilespmem:v2+s16+$0x0] =	vst.idx.msk $0xffff, v3  }
0x344: {  	v4 =	vor.u32 $0x1, v2;
	v3 =	vld [tilespmem:s21+$0xFFFFFFF0];
	_ =	sdelay $0x4  }
0x345: {  	[tilespmem:v4+s16+$0x0] =	vst.idx.msk $0xffff, v3  }
0x346: {  	v2 =	vor.u32 $0x2, v2;
	v3 =	vld [tilespmem:s29+$0xFFFFFFF0];
	_ =	sdelay $0x2  }
0x347: {  	s26 =	simm.s32 $0x40  }
0x348: {  	v4 =	vmov s26  }
0x349: {  	[tilespmem:v2+s16+$0x0] =	vst.idx.msk $0xffff, v3;
	v2 =	vshll.u32 v4, $0x7  }
0x34a: {  	v3 =	vld [tilespmem:s0+$0x0];
	v4 =	vor.u32 v1, v2;
	_ =	sdelay $0x4  }
0x34b: {  	[tilespmem:v4+s16+$0x0] =	vst.idx.msk $0xffff, v3  }
0x34c: {  	v3 =	vor.u32 $0x1, v4;
	v2 =	vld [tilespmem:s21+$0x0];
	_ =	sdelay $0x4  }
0x34d: {  	[tilespmem:v3+s16+$0x0] =	vst.idx.msk $0xffff, v2  }
0x34e: {  	v3 =	vor.u32 $0x2, v4;
	v2 =	vld [tilespmem:s29+$0x0];
	_ =	sdelay $0x2  }
0x34f: {  	s24 =	simm.s32 $0xE0;
	s25 =	simm.s32 $0x50;
	s23 =	simm.s32 $0x90  }
.LBB2_34:
0x350: {  	p2 =	sne.s32 s24, $0x180;
	v4 =	vmov s25  }
0x351: {  	s0 =	sadd.s32 $0x50, s0;
	v4 =	vshll.u32 v4, $0x7;
	[tilespmem:v3+s16+$0x0] =	vst.idx.msk $0xffff, v2  }
0x352: {  	v2 =	vld [tilespmem:s0+$0xFFFFFFC0];
	v3 =	vor.u32 v1, v4;
	_ =	sdelay $0x4  }
0x353: {  	s21 =	sadd.s32 $0x50, s21;
	[tilespmem:v3+s16+$0x0] =	vst.idx.msk $0xffff, v2  }
0x354: {  	v4 =	vor.u32 $0x1, v3;
	v2 =	vld [tilespmem:s21+$0xFFFFFFC0];
	_ =	sdelay $0x4  }
0x355: {  	s29 =	sadd.s32 $0x50, s29;
	[tilespmem:v4+s16+$0x0] =	vst.idx.msk $0xffff, v2  }
0x356: {  	v3 =	vor.u32 $0x2, v3;
	v2 =	vld [tilespmem:s29+$0xFFFFFFC0];
	_ =	sdelay $0x2  }
0x357: {  	s26 =	sadd.s32 $0xFFFFFFD0, s23  }
0x358: {  	v4 =	vmov s26  }
0x359: {  	[tilespmem:v3+s16+$0x0] =	vst.idx.msk $0xffff, v2;
	v2 =	vshll.u32 v4, $0x7  }
0x35a: {  	v3 =	vld [tilespmem:s0+$0xFFFFFFD0];
	v2 =	vor.u32 v1, v2;
	_ =	sdelay $0x4  }
0x35b: {  	[tilespmem:v2+s16+$0x0] =	vst.idx.msk $0xffff, v3  }
0x35c: {  	v4 =	vor.u32 $0x1, v2;
	v3 =	vld [tilespmem:s21+$0xFFFFFFD0];
	_ =	sdelay $0x4  }
0x35d: {  	[tilespmem:v4+s16+$0x0] =	vst.idx.msk $0xffff, v3  }
0x35e: {  	v2 =	vor.u32 $0x2, v2;
	v3 =	vld [tilespmem:s29+$0xFFFFFFD0];
	_ =	sdelay $0x2  }
0x35f: {  	s26 =	sadd.s32 $0xFFFFFFE0, s23  }
0x360: {  	v4 =	vmov s26  }
0x361: {  	s25 =	sand.u32 $0x3F0, s25;
	[tilespmem:v2+s16+$0x0] =	vst.idx.msk $0xffff, v3;
	v2 =	vshll.u32 v4, $0x7  }
0x362: {  	v3 =	vld [tilespmem:s25+$0x1600];
	v2 =	vor.u32 v1, v2;
	_ =	sdelay $0x4  }
0x363: {  	[tilespmem:v2+s16+$0x0] =	vst.idx.msk $0xffff, v3  }
0x364: {  	v4 =	vor.u32 $0x1, v2;
	v3 =	vld [tilespmem:s25+$0x2280];
	_ =	sdelay $0x4  }
0x365: {  	[tilespmem:v4+s16+$0x0] =	vst.idx.msk $0xffff, v3  }
0x366: {  	v2 =	vor.u32 $0x2, v2;
	v3 =	vld [tilespmem:s25+$0x2F00];
	_ =	sdelay $0x2  }
0x367: {  	s25 =	sadd.s32 $0xFFFFFFF0, s23  }
0x368: {  	v4 =	vmov s25  }
0x369: {  	[tilespmem:v2+s16+$0x0] =	vst.idx.msk $0xffff, v3;
	v2 =	vshll.u32 v4, $0x7  }
0x36a: {  	v3 =	vld [tilespmem:s0+$0xFFFFFFF0];
	v2 =	vor.u32 v1, v2;
	_ =	sdelay $0x4  }
0x36b: {  	[tilespmem:v2+s16+$0x0] =	vst.idx.msk $0xffff, v3  }
0x36c: {  	v4 =	vor.u32 $0x1, v2;
	v3 =	vld [tilespmem:s21+$0xFFFFFFF0];
	_ =	sdelay $0x4  }
0x36d: {  	[tilespmem:v4+s16+$0x0] =	vst.idx.msk $0xffff, v3  }
0x36e: {  	v2 =	vor.u32 $0x2, v2;
	v3 =	vld [tilespmem:s29+$0xFFFFFFF0];
	_ =	sdelay $0x3  }
0x36f: {  	v4 =	vmov s23;
	s23 =	smov.u32 s24  }
0x370: {  	[tilespmem:v2+s16+$0x0] =	vst.idx.msk $0xffff, v3;
	v2 =	vshll.u32 v4, $0x7  }
0x371: {  	v3 =	vld [tilespmem:s0+$0x0];
	v4 =	vor.u32 v1, v2;
	_ =	sdelay $0x4  }
0x372: {  	[tilespmem:v4+s16+$0x0] =	vst.idx.msk $0xffff, v3  }
0x373: {  	v3 =	vor.u32 $0x1, v4;
	v2 =	vld [tilespmem:s21+$0x0];
	_ =	sdelay $0x4  }
.Ltmp10:
0x374: {  	[tilespmem:v3+s16+$0x0] =	vst.idx.msk $0xffff, v2;
	(pc) =	sbr.rel @p2 .LBB2_34-.Ltmp10, $2  }
0x375: {  	v3 =	vor.u32 $0x2, v4;
	v2 =	vld [tilespmem:s29+$0x0];
	_ =	sdelay $0x2  }
0x376: {  	s24 =	sadd.s32 $0x50, s24;
	s25 =	sadd.s32 $0xFFFFFFC0, s23  }
0x377: {  	_ =	sdelay $0x2  }
0x378: {  	v4 =	vmov s25  }
0x379: {  	s0 =	sadd.s32 $0x50, s0;
	v4 =	vshll.u32 v4, $0x7;
	[tilespmem:v3+s16+$0x0] =	vst.idx.msk $0xffff, v2  }
0x37a: {  	v2 =	vld [tilespmem:s0+$0xFFFFFFC0];
	v3 =	vor.u32 v1, v4;
	_ =	sdelay $0x4  }
0x37b: {  	s21 =	sadd.s32 $0x50, s21;
	[tilespmem:v3+s16+$0x0] =	vst.idx.msk $0xffff, v2  }
0x37c: {  	v4 =	vor.u32 $0x1, v3;
	v2 =	vld [tilespmem:s21+$0xFFFFFFC0];
	_ =	sdelay $0x4  }
0x37d: {  	s24 =	sadd.s32 $0x50, s29;
	[tilespmem:v4+s16+$0x0] =	vst.idx.msk $0xffff, v2  }
0x37e: {  	v3 =	vor.u32 $0x2, v3;
	v2 =	vld [tilespmem:s24+$0xFFFFFFC0];
	_ =	sdelay $0x2  }
0x37f: {  	s26 =	sadd.s32 $0xFFFFFFD0, s23  }
0x380: {  	v56 =	vmov s26  }
0x381: {  	[tilespmem:v3+s16+$0x0] =	vst.idx.msk $0xffff, v2;
	v2 =	vshll.u32 v56, $0x7  }
0x382: {  	v3 =	vld [tilespmem:s0+$0xFFFFFFD0];
	v2 =	vor.u32 v1, v2;
	_ =	sdelay $0x4  }
0x383: {  	[tilespmem:v2+s16+$0x0] =	vst.idx.msk $0xffff, v3  }
0x384: {  	v57 =	vor.u32 $0x1, v2;
	v3 =	vld [tilespmem:s21+$0xFFFFFFD0];
	_ =	sdelay $0x4  }
0x385: {  	[tilespmem:v57+s16+$0x0] =	vst.idx.msk $0xffff, v3  }
0x386: {  	v2 =	vor.u32 $0x2, v2;
	v3 =	vld [tilespmem:s24+$0xFFFFFFD0];
	_ =	sdelay $0x2  }
0x387: {  	s29 =	sadd.s32 $0xFFFFFFE0, s23  }
0x388: {  	v58 =	vmov s29  }
0x389: {  	s29 =	sand.u32 $0x3F0, s25;
	[tilespmem:v2+s16+$0x0] =	vst.idx.msk $0xffff, v3;
	v2 =	vshll.u32 v58, $0x7  }
0x38a: {  	v3 =	vld [tilespmem:s29+$0x1600];
	v2 =	vor.u32 v1, v2;
	_ =	sdelay $0x4  }
0x38b: {  	[tilespmem:v2+s16+$0x0] =	vst.idx.msk $0xffff, v3  }
0x38c: {  	v59 =	vor.u32 $0x1, v2;
	v3 =	vld [tilespmem:s29+$0x2280];
	_ =	sdelay $0x4  }
0x38d: {  	[tilespmem:v59+s16+$0x0] =	vst.idx.msk $0xffff, v3  }
0x38e: {  	v2 =	vor.u32 $0x2, v2;
	v3 =	vld [tilespmem:s29+$0x2F00];
	_ =	sdelay $0x2  }
0x38f: {  	s26 =	sadd.s32 $0xFFFFFFF0, s23  }
0x390: {  	v60 =	vmov s26  }
0x391: {  	[tilespmem:v2+s16+$0x0] =	vst.idx.msk $0xffff, v3;
	v2 =	vshll.u32 v60, $0x7  }
0x392: {  	v3 =	vld [tilespmem:s0+$0xFFFFFFF0];
	v2 =	vor.u32 v1, v2;
	_ =	sdelay $0x4  }
0x393: {  	[tilespmem:v2+s16+$0x0] =	vst.idx.msk $0xffff, v3  }
0x394: {  	v61 =	vor.u32 $0x1, v2;
	v3 =	vld [tilespmem:s21+$0xFFFFFFF0];
	_ =	sdelay $0x4  }
0x395: {  	[tilespmem:v61+s16+$0x0] =	vst.idx.msk $0xffff, v3  }
0x396: {  	v2 =	vor.u32 $0x2, v2;
	v3 =	vld [tilespmem:s24+$0xFFFFFFF0];
	_ =	sdelay $0x3  }
0x397: {  	v62 =	vmov s23  }
0x398: {  	[tilespmem:v2+s16+$0x0] =	vst.idx.msk $0xffff, v3;
	v2 =	vshll.u32 v62, $0x7  }
0x399: {  	v3 =	vld [tilespmem:s0+$0x0];
	v2 =	vor.u32 v1, v2;
	_ =	sdelay $0x4  }
0x39a: {  	[tilespmem:v2+s16+$0x0] =	vst.idx.msk $0xffff, v3  }
0x39b: {  	v63 =	vor.u32 $0x1, v2;
	v3 =	vld [tilespmem:s21+$0x0];
	_ =	sdelay $0x4  }
0x39c: {  	[tilespmem:v63+s16+$0x0] =	vst.idx.msk $0xffff, v3  }
0x39d: {  	v2 =	vor.u32 $0x2, v2;
	v3 =	vld [tilespmem:s24+$0x0];
	_ =	sdelay $0x1  }
.Ltmp11:
0x39e: {  	_ = 	snop;
	(pc) =	sbr.rel .LBB2_36-.Ltmp11, $3  }
0x39f: {  	_ =	sdelay $0x1  }
0x3a0: {  	s29 =	rddreg [dreg:$0x12];
	s0 =	simm.s32 $0x3;
	s21 =	simm.s32 $0x4;
	[tilespmem:v2+s16+$0x0] =	vst.idx.msk $0xffff, v3  }
0x3a1: {  	[hbm4b:s29+s3] =	stream.linear.scatter [tilespmem:s16], [sflag:$0x3], $0xC800, $0x38;
	[tilespmem:$0x1CA28] =	vst v63  }
.LBB2_2:
0x3a2: {  	s0 =	rddreg [dreg:$0x4];
	s21 =	simm.s32 $0x1C200  }
0x3a3: {  	[tilespmem:s21], [sflag:$0x5] =	stream.linear.gather [hbm4b:s0+s3], $0x280, $0x38;
	[tilespmem:$0x1CA28] =	vst v63  }
0x3a4: {  	_ =	swait.ge [sflag:s30], $0x280  }
0x3a5: {  	[sflag:s30] =	ssyncset.done $0x0  }
0x3a6: {  	[sflag:s30] =	ssyncadd.s32 $0xFFFFFD80  }
0x3a7: {  	v2 =	vld [tilespmem:$0x1C200]  }
0x3a8: {  	v3 =	vld [tilespmem:$0x1C210];
	_ =	sdelay $0x1  }
0x3a9: {  	[tilespmem:$0x1C600] =	vst v0  }
0x3aa: {  	[tilespmem:$0x1C680] =	vst v0  }
0x3ab: {  	[tilespmem:$0x1C603] =	vst v2;
	v2 =	vld [tilespmem:$0x1C250]  }
0x3ac: {  	[tilespmem:$0x1C613] =	vst v3;
	v3 =	vld [tilespmem:$0x1C260]  }
0x3ad: {  	v4 =	vld [tilespmem:$0x1C220];
	[tilespmem:$0x1C700] =	vst v0  }
0x3ae: {  	v5 =	vld [tilespmem:$0x1C230];
	[tilespmem:$0x1C780] =	vst v0  }
0x3af: {  	v6 =	vld [tilespmem:$0x1C240];
	[tilespmem:$0x1C800] =	vst v0  }
0x3b0: {  	[tilespmem:$0x1C653] =	vst v2;
	v2 =	vld [tilespmem:$0x1C290]  }
0x3b1: {  	[tilespmem:$0x1C663] =	vst v3;
	v3 =	vld [tilespmem:$0x1C2A0]  }
0x3b2: {  	v46 =	vld [tilespmem:$0x1C280];
	[tilespmem:$0x1C623] =	vst v4  }
0x3b3: {  	v47 =	vld [tilespmem:$0x1C2B0];
	[tilespmem:$0x1C633] =	vst v5  }
0x3b4: {  	v48 =	vld [tilespmem:$0x1C2C0];
	[tilespmem:$0x1C643] =	vst v6  }
0x3b5: {  	[tilespmem:$0x1C693] =	vst v2;
	v2 =	vld [tilespmem:$0x1C2E0]  }
0x3b6: {  	[tilespmem:$0x1C6A3] =	vst v3;
	v3 =	vld [tilespmem:$0x1C2ED]  }
0x3b7: {  	v49 =	vld [tilespmem:$0x1C2D0];
	[tilespmem:$0x1C683] =	vst v46  }
0x3b8: {  	v50 =	vld [tilespmem:$0x1C300];
	[tilespmem:$0x1C6B3] =	vst v47  }
0x3b9: {  	v51 =	vld [tilespmem:$0x1C310];
	[tilespmem:$0x1C6C3] =	vst v48  }
0x3ba: {  	[tilespmem:$0x1C6E3] =	vst v2;
	v2 =	vld [tilespmem:$0x1C320]  }
0x3bb: {  	[tilespmem:$0x1C6F0] =	vst v3;
	v3 =	vld [tilespmem:$0x1C330]  }
0x3bc: {  	v52 =	vld [tilespmem:$0x1C340];
	[tilespmem:$0x1C6D3] =	vst v49  }
0x3bd: {  	v53 =	vld [tilespmem:$0x1C350];
	[tilespmem:$0x1C703] =	vst v50  }
0x3be: {  	v54 =	vld [tilespmem:$0x1C360];
	[tilespmem:$0x1C713] =	vst v51  }
0x3bf: {  	[tilespmem:$0x1C723] =	vst v2;
	v2 =	vld [tilespmem:$0x1C36D]  }
0x3c0: {  	[tilespmem:$0x1C733] =	vst v3;
	v3 =	vld [tilespmem:$0x1C380]  }
0x3c1: {  	v55 =	vld [tilespmem:$0x1C390];
	[tilespmem:$0x1C743] =	vst v52  }
0x3c2: {  	v56 =	vld [tilespmem:$0x1C3A0];
	[tilespmem:$0x1C753] =	vst v53  }
0x3c3: {  	v57 =	vld [tilespmem:$0x1C3C0];
	[tilespmem:$0x1C763] =	vst v54  }
0x3c4: {  	[tilespmem:$0x1C770] =	vst v2;
	v2 =	vld [tilespmem:$0x1C3B0]  }
0x3c5: {  	[tilespmem:$0x1C783] =	vst v3;
	v3 =	vld [tilespmem:$0x1C3D0]  }
0x3c6: {  	v58 =	vld [tilespmem:$0x1C3E0];
	[tilespmem:$0x1C793] =	vst v55  }
0x3c7: {  	v60 =	vld [tilespmem:$0x1C420];
	[tilespmem:$0x1C7A3] =	vst v56  }
0x3c8: {  	v61 =	vld [tilespmem:$0x1C430];
	[tilespmem:$0x1C7C3] =	vst v57  }
0x3c9: {  	[tilespmem:$0x1C7B3] =	vst v2;
	v2 =	vld [tilespmem:$0x1C400]  }
0x3ca: {  	[tilespmem:$0x1C7D3] =	vst v3;
	v3 =	vld [tilespmem:$0x1C410]  }
0x3cb: {  	v62 =	vld [tilespmem:$0x1C440];
	[tilespmem:$0x1C7E3] =	vst v58  }
0x3cc: {  	v59 =	vld [tilespmem:$0x1C3ED];
	[tilespmem:$0x1C823] =	vst v60  }
0x3cd: {  	v45 =	vld [tilespmem:$0x1C26D];
	[tilespmem:$0x1C833] =	vst v61  }
0x3ce: {  	[tilespmem:$0x1C803] =	vst v2;
	v2 =	vld [tilespmem:$0x1C450]  }
0x3cf: {  	[tilespmem:$0x1C813] =	vst v3;
	v3 =	vld [tilespmem:$0x1C460]  }
0x3d0: {  	v63 =	vld [tilespmem:$0x1C46D];
	[tilespmem:$0x1C843] =	vst v62  }
0x3d1: {  	[tilespmem:$0x1C7F0] =	vst v59  }
0x3d2: {  	[tilespmem:$0x1C670] =	vst v45  }
0x3d3: {  	[tilespmem:$0x1C853] =	vst v2  }
0x3d4: {  	[tilespmem:$0x1C863] =	vst v3  }
0x3d5: {  	s29 =	simm.s32 $0x1C600;
	[tilespmem:$0x1C870] =	vst v63  }
0x3d6: {  	[spmem:s2] =	stream.linear.scatter [tilespmem:s29], [sflag:$0x5], $0x280, $0x38;
	[tilespmem:$0x1CA28] =	vst v63  }
0x3d7: {  	_ =	swait.ge [sflag:s30], $0x280  }
0x3d8: {  	[sflag:s30] =	ssyncset.done $0x0  }
0x3d9: {  	[sflag:s30] =	ssyncadd.s32 $0xFFFFFD80  }
0x3da: {  	[bflag:$0x0] =	sbarrier.arrive $0xFFFF  }
.LBB2_4:
0x3db: {  	[tilespmem:s3], [sflag:$0x5] =	stream.linear.gather [hbm4b:s4+s3], $0xC80, $0x38;
	[tilespmem:$0x1CA28] =	vst v63  }
0x3dc: {  	_ =	swait.ge [sflag:s30], $0xC80  }
0x3dd: {  	[sflag:s30] =	ssyncset.done $0x0  }
0x3de: {  	s0 =	simm.s32 $0xC80;
	[sflag:s30] =	ssyncadd.s32 $0xFFFFF380  }
0x3df: {  	[tilespmem:s0], [sflag:$0x5] =	stream.linear.gather [hbm4b:s5+s3], $0xC80, $0x38;
	[tilespmem:$0x1CA28] =	vst v63  }
0x3e0: {  	_ =	swait.ge [sflag:s30], $0xC80  }
0x3e1: {  	[sflag:s30] =	ssyncset.done $0x0  }
0x3e2: {  	s26 =	simm.s32 $0x1900;
	[sflag:s30] =	ssyncadd.s32 $0xFFFFF380  }
0x3e3: {  	[tilespmem:s26], [sflag:$0x5] =	stream.linear.gather [hbm4b:s6+s3], $0xC80, $0x38;
	[tilespmem:$0x1CA28] =	vst v63  }
0x3e4: {  	_ =	swait.ge [sflag:s30], $0xC80  }
0x3e5: {  	[sflag:s30] =	ssyncset.done $0x0  }
0x3e6: {  	s21 =	simm.s32 $0x2580;
	[sflag:s30] =	ssyncadd.s32 $0xFFFFF380  }
0x3e7: {  	[tilespmem:s21], [sflag:$0x5] =	stream.linear.gather [hbm4b:s7+s3], $0xC80, $0x38;
	[tilespmem:$0x1CA28] =	vst v63  }
0x3e8: {  	_ =	swait.ge [sflag:s30], $0xC80  }
0x3e9: {  	[sflag:s30] =	ssyncset.done $0x0  }
0x3ea: {  	[sflag:s30] =	ssyncadd.s32 $0xFFFFF380  }
0x3eb: {  	[tilespmem:s16], [sflag:$0x1] =	stream.indirect.gather [spmem:s2], $0x80, s3, s31, $0xb8;
	[tilespmem:$0x1CA28] =	vst v63  }
0x3ec: {  	_ =	swait.ge [sflag:s17], $0xC800  }
0x3ed: {  	s23 =	simm.s32 $0x0;
	[sflag:s17] =	ssyncset.done $0x0  }
0x3ee: {  	v2 =	vmov s23;
	s0 =	simm.s32 $0xCA0;
	[sflag:s17] =	ssyncadd.s32 $0xFFFF3800  }
0x3ef: {  	v2 =	vshll.u32 v2, $0x7;
	[tilespmem:s18], [sflag:$0x2] =	stream.indirect.gather [spmem:s2], $0x80, s31, s31, $0xb8;
	[tilespmem:$0x1CA28] =	vst v63  }
0x3f0: {  	v2 =	vor.u32 v1, v2;
	v3 =	vld [tilespmem:s0+$0xFFFFFFE0];
	_ =	sdelay $0x4  }
0x3f1: {  	s21 =	simm.s32 $0x1920;
	[tilespmem:v2+s16+$0x0] =	vst.idx.msk $0xffff, v3  }
0x3f2: {  	v4 =	vor.u32 $0x1, v2;
	v3 =	vld [tilespmem:s21+$0xFFFFFFE0];
	_ =	sdelay $0x4  }
0x3f3: {  	s29 =	simm.s32 $0x25A0;
	[tilespmem:v4+s16+$0x0] =	vst.idx.msk $0xffff, v3  }
0x3f4: {  	v2 =	vor.u32 $0x2, v2;
	v3 =	vld [tilespmem:s29+$0xFFFFFFE0];
	_ =	sdelay $0x2  }
0x3f5: {  	s23 =	simm.s32 $0x10  }
0x3f6: {  	v4 =	vmov s23  }
0x3f7: {  	[tilespmem:v2+s16+$0x0] =	vst.idx.msk $0xffff, v3;
	v2 =	vshll.u32 v4, $0x7  }
0x3f8: {  	v3 =	vld [tilespmem:s0+$0xFFFFFFF0];
	v2 =	vor.u32 v1, v2;
	_ =	sdelay $0x4  }
0x3f9: {  	[tilespmem:v2+s16+$0x0] =	vst.idx.msk $0xffff, v3  }
0x3fa: {  	v4 =	vor.u32 $0x1, v2;
	v3 =	vld [tilespmem:s21+$0xFFFFFFF0];
	_ =	sdelay $0x4  }
0x3fb: {  	[tilespmem:v4+s16+$0x0] =	vst.idx.msk $0xffff, v3  }
0x3fc: {  	v2 =	vor.u32 $0x2, v2;
	v3 =	vld [tilespmem:s29+$0xFFFFFFF0];
	_ =	sdelay $0x2  }
0x3fd: {  	s24 =	simm.s32 $0x20  }
0x3fe: {  	v4 =	vmov s24  }
0x3ff: {  	[tilespmem:v2+s16+$0x0] =	vst.idx.msk $0xffff, v3;
	v2 =	vshll.u32 v4, $0x7  }
0x400: {  	v3 =	vld [tilespmem:s0+$0x0];
	v2 =	vor.u32 v1, v2;
	_ =	sdelay $0x4  }
0x401: {  	[tilespmem:v2+s16+$0x0] =	vst.idx.msk $0xffff, v3  }
0x402: {  	v4 =	vor.u32 $0x1, v2;
	v3 =	vld [tilespmem:s21+$0x0];
	_ =	sdelay $0x4  }
0x403: {  	[tilespmem:v4+s16+$0x0] =	vst.idx.msk $0xffff, v3  }
0x404: {  	v2 =	vor.u32 $0x2, v2;
	v3 =	vld [tilespmem:s29+$0x0];
	_ =	sdelay $0x2  }
0x405: {  	s25 =	simm.s32 $0x30  }
0x406: {  	v4 =	vmov s25  }
0x407: {  	[tilespmem:v2+s16+$0x0] =	vst.idx.msk $0xffff, v3;
	v2 =	vshll.u32 v4, $0x7  }
0x408: {  	v3 =	vld [tilespmem:s0+$0x10];
	v2 =	vor.u32 v1, v2;
	_ =	sdelay $0x4  }
0x409: {  	[tilespmem:v2+s16+$0x0] =	vst.idx.msk $0xffff, v3  }
0x40a: {  	v4 =	vor.u32 $0x1, v2;
	v3 =	vld [tilespmem:s21+$0x10];
	_ =	sdelay $0x4  }
0x40b: {  	[tilespmem:v4+s16+$0x0] =	vst.idx.msk $0xffff, v3  }
0x40c: {  	v2 =	vor.u32 $0x2, v2;
	v3 =	vld [tilespmem:s29+$0x10];
	_ =	sdelay $0x2  }
0x40d: {  	s26 =	simm.s32 $0x40  }
0x40e: {  	v4 =	vmov s26  }
0x40f: {  	[tilespmem:v2+s16+$0x0] =	vst.idx.msk $0xffff, v3;
	v2 =	vshll.u32 v4, $0x7  }
0x410: {  	v3 =	vld [tilespmem:s0+$0x20];
	v4 =	vor.u32 v1, v2;
	_ =	sdelay $0x4  }
0x411: {  	[tilespmem:v4+s16+$0x0] =	vst.idx.msk $0xffff, v3  }
0x412: {  	v3 =	vor.u32 $0x1, v4;
	v2 =	vld [tilespmem:s21+$0x20];
	_ =	sdelay $0x4  }
0x413: {  	[tilespmem:v3+s16+$0x0] =	vst.idx.msk $0xffff, v2  }
0x414: {  	v3 =	vor.u32 $0x2, v4;
	v2 =	vld [tilespmem:s29+$0x20];
	_ =	sdelay $0x2  }
0x415: {  	s23 =	simm.s32 $0x90;
	s24 =	simm.s32 $0xE0;
	s25 =	simm.s32 $0x50  }
.LBB2_5:
0x416: {  	p2 =	sne.s32 s24, $0x180;
	v4 =	vmov s25  }
0x417: {  	s0 =	sadd.s32 $0x50, s0;
	v4 =	vshll.u32 v4, $0x7;
	[tilespmem:v3+s16+$0x0] =	vst.idx.msk $0xffff, v2  }
0x418: {  	v2 =	vld [tilespmem:s0+$0xFFFFFFE0];
	v3 =	vor.u32 v1, v4;
	_ =	sdelay $0x4  }
0x419: {  	s21 =	sadd.s32 $0x50, s21;
	[tilespmem:v3+s16+$0x0] =	vst.idx.msk $0xffff, v2  }
0x41a: {  	v4 =	vor.u32 $0x1, v3;
	v2 =	vld [tilespmem:s21+$0xFFFFFFE0];
	_ =	sdelay $0x4  }
0x41b: {  	s29 =	sadd.s32 $0x50, s29;
	[tilespmem:v4+s16+$0x0] =	vst.idx.msk $0xffff, v2  }
0x41c: {  	v3 =	vor.u32 $0x2, v3;
	v2 =	vld [tilespmem:s29+$0xFFFFFFE0];
	_ =	sdelay $0x2  }
0x41d: {  	s25 =	sadd.s32 $0xFFFFFFD0, s23  }
0x41e: {  	v4 =	vmov s25  }
0x41f: {  	[tilespmem:v3+s16+$0x0] =	vst.idx.msk $0xffff, v2;
	v2 =	vshll.u32 v4, $0x7  }
0x420: {  	v3 =	vld [tilespmem:s0+$0xFFFFFFF0];
	v2 =	vor.u32 v1, v2;
	_ =	sdelay $0x4  }
0x421: {  	[tilespmem:v2+s16+$0x0] =	vst.idx.msk $0xffff, v3  }
0x422: {  	v4 =	vor.u32 $0x1, v2;
	v3 =	vld [tilespmem:s21+$0xFFFFFFF0];
	_ =	sdelay $0x4  }
0x423: {  	[tilespmem:v4+s16+$0x0] =	vst.idx.msk $0xffff, v3  }
0x424: {  	v2 =	vor.u32 $0x2, v2;
	v3 =	vld [tilespmem:s29+$0xFFFFFFF0];
	_ =	sdelay $0x2  }
0x425: {  	s25 =	sadd.s32 $0xFFFFFFE0, s23  }
0x426: {  	v4 =	vmov s25  }
0x427: {  	[tilespmem:v2+s16+$0x0] =	vst.idx.msk $0xffff, v3;
	v2 =	vshll.u32 v4, $0x7  }
0x428: {  	v3 =	vld [tilespmem:s0+$0x0];
	v2 =	vor.u32 v1, v2;
	_ =	sdelay $0x4  }
0x429: {  	[tilespmem:v2+s16+$0x0] =	vst.idx.msk $0xffff, v3  }
0x42a: {  	v4 =	vor.u32 $0x1, v2;
	v3 =	vld [tilespmem:s21+$0x0];
	_ =	sdelay $0x4  }
0x42b: {  	[tilespmem:v4+s16+$0x0] =	vst.idx.msk $0xffff, v3  }
0x42c: {  	v2 =	vor.u32 $0x2, v2;
	v3 =	vld [tilespmem:s29+$0x0];
	_ =	sdelay $0x2  }
0x42d: {  	s25 =	sadd.s32 $0xFFFFFFF0, s23  }
0x42e: {  	v4 =	vmov s25  }
0x42f: {  	[tilespmem:v2+s16+$0x0] =	vst.idx.msk $0xffff, v3;
	v2 =	vshll.u32 v4, $0x7  }
0x430: {  	v3 =	vld [tilespmem:s0+$0x10];
	v2 =	vor.u32 v1, v2;
	_ =	sdelay $0x4  }
0x431: {  	[tilespmem:v2+s16+$0x0] =	vst.idx.msk $0xffff, v3  }
0x432: {  	v4 =	vor.u32 $0x1, v2;
	v3 =	vld [tilespmem:s21+$0x10];
	_ =	sdelay $0x4  }
0x433: {  	[tilespmem:v4+s16+$0x0] =	vst.idx.msk $0xffff, v3  }
0x434: {  	v2 =	vor.u32 $0x2, v2;
	v3 =	vld [tilespmem:s29+$0x10];
	_ =	sdelay $0x3  }
0x435: {  	v4 =	vmov s23;
	s23 =	smov.u32 s24  }
0x436: {  	[tilespmem:v2+s16+$0x0] =	vst.idx.msk $0xffff, v3;
	v2 =	vshll.u32 v4, $0x7  }
0x437: {  	v3 =	vld [tilespmem:s0+$0x20];
	v4 =	vor.u32 v1, v2;
	_ =	sdelay $0x4  }
0x438: {  	[tilespmem:v4+s16+$0x0] =	vst.idx.msk $0xffff, v3  }
0x439: {  	v3 =	vor.u32 $0x1, v4;
	v2 =	vld [tilespmem:s21+$0x20];
	_ =	sdelay $0x4  }
.Ltmp12:
0x43a: {  	[tilespmem:v3+s16+$0x0] =	vst.idx.msk $0xffff, v2;
	(pc) =	sbr.rel @p2 .LBB2_5-.Ltmp12, $2  }
0x43b: {  	v3 =	vor.u32 $0x2, v4;
	v2 =	vld [tilespmem:s29+$0x20];
	_ =	sdelay $0x2  }
0x43c: {  	s24 =	sadd.s32 $0x50, s24;
	s25 =	sadd.s32 $0xFFFFFFC0, s23  }
0x43d: {  	_ =	sdelay $0x2  }
0x43e: {  	v4 =	vmov s25  }
0x43f: {  	s0 =	sadd.s32 $0x50, s0;
	v4 =	vshll.u32 v4, $0x7;
	[tilespmem:v3+s16+$0x0] =	vst.idx.msk $0xffff, v2  }
0x440: {  	v2 =	vld [tilespmem:s0+$0xFFFFFFE0];
	v3 =	vor.u32 v1, v4;
	_ =	sdelay $0x4  }
0x441: {  	s21 =	sadd.s32 $0x50, s21;
	[tilespmem:v3+s16+$0x0] =	vst.idx.msk $0xffff, v2  }
0x442: {  	v4 =	vor.u32 $0x1, v3;
	v2 =	vld [tilespmem:s21+$0xFFFFFFE0];
	_ =	sdelay $0x4  }
0x443: {  	s24 =	sadd.s32 $0x50, s29;
	[tilespmem:v4+s16+$0x0] =	vst.idx.msk $0xffff, v2  }
0x444: {  	v3 =	vor.u32 $0x2, v3;
	v2 =	vld [tilespmem:s24+$0xFFFFFFE0];
	_ =	sdelay $0x2  }
0x445: {  	s26 =	sadd.s32 $0xFFFFFFD0, s23  }
0x446: {  	v4 =	vmov s26  }
0x447: {  	[tilespmem:v3+s16+$0x0] =	vst.idx.msk $0xffff, v2;
	v2 =	vshll.u32 v4, $0x7  }
0x448: {  	v3 =	vld [tilespmem:s0+$0xFFFFFFF0];
	v2 =	vor.u32 v1, v2;
	_ =	sdelay $0x4  }
0x449: {  	[tilespmem:v2+s16+$0x0] =	vst.idx.msk $0xffff, v3  }
0x44a: {  	v4 =	vor.u32 $0x1, v2;
	v3 =	vld [tilespmem:s21+$0xFFFFFFF0];
	_ =	sdelay $0x4  }
0x44b: {  	[tilespmem:v4+s16+$0x0] =	vst.idx.msk $0xffff, v3  }
0x44c: {  	v2 =	vor.u32 $0x2, v2;
	v3 =	vld [tilespmem:s24+$0xFFFFFFF0];
	_ =	sdelay $0x2  }
0x44d: {  	s26 =	sadd.s32 $0xFFFFFFE0, s23  }
0x44e: {  	v4 =	vmov s26  }
0x44f: {  	[tilespmem:v2+s16+$0x0] =	vst.idx.msk $0xffff, v3;
	v2 =	vshll.u32 v4, $0x7  }
0x450: {  	v3 =	vld [tilespmem:s0+$0x0];
	v2 =	vor.u32 v1, v2;
	_ =	sdelay $0x4  }
0x451: {  	[tilespmem:v2+s16+$0x0] =	vst.idx.msk $0xffff, v3  }
0x452: {  	v4 =	vor.u32 $0x1, v2;
	v3 =	vld [tilespmem:s21+$0x0];
	_ =	sdelay $0x4  }
0x453: {  	[tilespmem:v4+s16+$0x0] =	vst.idx.msk $0xffff, v3  }
0x454: {  	v2 =	vor.u32 $0x2, v2;
	v3 =	vld [tilespmem:s24+$0x0];
	_ =	sdelay $0x2  }
0x455: {  	s26 =	sadd.s32 $0xFFFFFFF0, s23  }
0x456: {  	v4 =	vmov s26  }
0x457: {  	[tilespmem:v2+s16+$0x0] =	vst.idx.msk $0xffff, v3;
	v2 =	vshll.u32 v4, $0x7  }
0x458: {  	v3 =	vld [tilespmem:s0+$0x10];
	v2 =	vor.u32 v1, v2;
	_ =	sdelay $0x4  }
0x459: {  	[tilespmem:v2+s16+$0x0] =	vst.idx.msk $0xffff, v3  }
0x45a: {  	v4 =	vor.u32 $0x1, v2;
	v3 =	vld [tilespmem:s21+$0x10];
	_ =	sdelay $0x4  }
0x45b: {  	[tilespmem:v4+s16+$0x0] =	vst.idx.msk $0xffff, v3  }
0x45c: {  	v2 =	vor.u32 $0x2, v2;
	v3 =	vld [tilespmem:s24+$0x10];
	_ =	sdelay $0x3  }
0x45d: {  	v4 =	vmov s23  }
0x45e: {  	[tilespmem:v2+s16+$0x0] =	vst.idx.msk $0xffff, v3;
	v2 =	vshll.u32 v4, $0x7  }
0x45f: {  	v3 =	vld [tilespmem:s0+$0x20];
	v2 =	vor.u32 v1, v2;
	_ =	sdelay $0x4  }
0x460: {  	[tilespmem:v2+s16+$0x0] =	vst.idx.msk $0xffff, v3  }
0x461: {  	v4 =	vor.u32 $0x1, v2;
	v3 =	vld [tilespmem:s21+$0x20];
	_ =	sdelay $0x4  }
0x462: {  	[tilespmem:v4+s16+$0x0] =	vst.idx.msk $0xffff, v3  }
0x463: {  	v2 =	vor.u32 $0x2, v2;
	v3 =	vld [tilespmem:s24+$0x20];
	_ =	sdelay $0x4  }
0x464: {  	[tilespmem:v2+s16+$0x0] =	vst.idx.msk $0xffff, v3  }
0x465: {  	[hbm4b:s8+s3] =	stream.linear.scatter [tilespmem:s16], [sflag:$0x3], $0xC800, $0x38;
	[tilespmem:$0x1CA28] =	vst v63  }
0x466: {  	_ =	swait.ge [sflag:s19], $0xC800  }
0x467: {  	[sflag:s19] =	ssyncset.done $0x0  }
0x468: {  	[sflag:s19] =	ssyncadd.s32 $0xFFFF3800  }
0x469: {  	_ =	swait.ge [sflag:s20], $0xC800  }
0x46a: {  	s24 =	simm.s32 $0x0;
	[sflag:s20] =	ssyncset.done $0x0  }
0x46b: {  	s25 =	simm.s32 $0x320;
	s0 =	simm.s32 $0xE50;
	v2 =	vmov s24;
	[sflag:s20] =	ssyncadd.s32 $0xFFFF3800  }
0x46c: {  	v2 =	vshll.u32 v2, $0x7;
	[tilespmem:s16], [sflag:$0x1] =	stream.indirect.gather [spmem:s2], $0x80, s25, s31, $0xb8;
	[tilespmem:$0x1CA28] =	vst v63  }
0x46d: {  	v2 =	vor.u32 v1, v2;
	v3 =	vld [tilespmem:s0+$0xFFFFFFC0];
	_ =	sdelay $0x4  }
0x46e: {  	s21 =	simm.s32 $0x1AD0;
	[tilespmem:v2+s18+$0x0] =	vst.idx.msk $0xffff, v3  }
0x46f: {  	v4 =	vor.u32 $0x1, v2;
	v3 =	vld [tilespmem:s21+$0xFFFFFFC0];
	_ =	sdelay $0x4  }
0x470: {  	s29 =	simm.s32 $0x2750;
	[tilespmem:v4+s18+$0x0] =	vst.idx.msk $0xffff, v3  }
0x471: {  	v2 =	vor.u32 $0x2, v2;
	v3 =	vld [tilespmem:s29+$0xFFFFFFC0];
	_ =	sdelay $0x2  }
0x472: {  	s26 =	simm.s32 $0x10  }
0x473: {  	v4 =	vmov s26  }
0x474: {  	[tilespmem:v2+s18+$0x0] =	vst.idx.msk $0xffff, v3;
	v2 =	vshll.u32 v4, $0x7  }
0x475: {  	v3 =	vld [tilespmem:s0+$0xFFFFFFD0];
	v2 =	vor.u32 v1, v2;
	_ =	sdelay $0x4  }
0x476: {  	[tilespmem:v2+s18+$0x0] =	vst.idx.msk $0xffff, v3  }
0x477: {  	v4 =	vor.u32 $0x1, v2;
	v3 =	vld [tilespmem:s21+$0xFFFFFFD0];
	_ =	sdelay $0x4  }
0x478: {  	[tilespmem:v4+s18+$0x0] =	vst.idx.msk $0xffff, v3  }
0x479: {  	v2 =	vor.u32 $0x2, v2;
	v3 =	vld [tilespmem:s29+$0xFFFFFFD0];
	_ =	sdelay $0x2  }
0x47a: {  	s24 =	simm.s32 $0x20  }
0x47b: {  	v4 =	vmov s24  }
0x47c: {  	[tilespmem:v2+s18+$0x0] =	vst.idx.msk $0xffff, v3;
	v2 =	vshll.u32 v4, $0x7  }
0x47d: {  	v3 =	vld [tilespmem:s0+$0xFFFFFFE0];
	v2 =	vor.u32 v1, v2;
	_ =	sdelay $0x4  }
0x47e: {  	[tilespmem:v2+s18+$0x0] =	vst.idx.msk $0xffff, v3  }
0x47f: {  	v4 =	vor.u32 $0x1, v2;
	v3 =	vld [tilespmem:s21+$0xFFFFFFE0];
	_ =	sdelay $0x4  }
0x480: {  	[tilespmem:v4+s18+$0x0] =	vst.idx.msk $0xffff, v3  }
0x481: {  	v2 =	vor.u32 $0x2, v2;
	v3 =	vld [tilespmem:s29+$0xFFFFFFE0];
	_ =	sdelay $0x2  }
0x482: {  	s25 =	simm.s32 $0x30  }
0x483: {  	v4 =	vmov s25  }
0x484: {  	[tilespmem:v2+s18+$0x0] =	vst.idx.msk $0xffff, v3;
	v2 =	vshll.u32 v4, $0x7  }
0x485: {  	v3 =	vld [tilespmem:s0+$0xFFFFFFF0];
	v2 =	vor.u32 v1, v2;
	_ =	sdelay $0x4  }
0x486: {  	[tilespmem:v2+s18+$0x0] =	vst.idx.msk $0xffff, v3  }
0x487: {  	v4 =	vor.u32 $0x1, v2;
	v3 =	vld [tilespmem:s21+$0xFFFFFFF0];
	_ =	sdelay $0x4  }
0x488: {  	[tilespmem:v4+s18+$0x0] =	vst.idx.msk $0xffff, v3  }
0x489: {  	v2 =	vor.u32 $0x2, v2;
	v3 =	vld [tilespmem:s29+$0xFFFFFFF0];
	_ =	sdelay $0x2  }
0x48a: {  	s26 =	simm.s32 $0x40  }
0x48b: {  	v4 =	vmov s26  }
0x48c: {  	[tilespmem:v2+s18+$0x0] =	vst.idx.msk $0xffff, v3;
	v2 =	vshll.u32 v4, $0x7  }
0x48d: {  	v3 =	vld [tilespmem:s0+$0x0];
	v4 =	vor.u32 v1, v2;
	_ =	sdelay $0x4  }
0x48e: {  	[tilespmem:v4+s18+$0x0] =	vst.idx.msk $0xffff, v3  }
0x48f: {  	v3 =	vor.u32 $0x1, v4;
	v2 =	vld [tilespmem:s21+$0x0];
	_ =	sdelay $0x4  }
0x490: {  	[tilespmem:v3+s18+$0x0] =	vst.idx.msk $0xffff, v2  }
0x491: {  	v3 =	vor.u32 $0x2, v4;
	v2 =	vld [tilespmem:s29+$0x0];
	_ =	sdelay $0x2  }
0x492: {  	s23 =	simm.s32 $0x90;
	s24 =	simm.s32 $0xE0;
	s25 =	simm.s32 $0x50  }
.LBB2_7:
0x493: {  	p2 =	sne.s32 s24, $0x180;
	v4 =	vmov s25  }
0x494: {  	s0 =	sadd.s32 $0x50, s0;
	v4 =	vshll.u32 v4, $0x7;
	[tilespmem:v3+s18+$0x0] =	vst.idx.msk $0xffff, v2  }
0x495: {  	v2 =	vld [tilespmem:s0+$0xFFFFFFC0];
	v3 =	vor.u32 v1, v4;
	_ =	sdelay $0x4  }
0x496: {  	s21 =	sadd.s32 $0x50, s21;
	[tilespmem:v3+s18+$0x0] =	vst.idx.msk $0xffff, v2  }
0x497: {  	v4 =	vor.u32 $0x1, v3;
	v2 =	vld [tilespmem:s21+$0xFFFFFFC0];
	_ =	sdelay $0x4  }
0x498: {  	s29 =	sadd.s32 $0x50, s29;
	[tilespmem:v4+s18+$0x0] =	vst.idx.msk $0xffff, v2  }
0x499: {  	v3 =	vor.u32 $0x2, v3;
	v2 =	vld [tilespmem:s29+$0xFFFFFFC0];
	_ =	sdelay $0x2  }
0x49a: {  	s25 =	sadd.s32 $0xFFFFFFD0, s23  }
0x49b: {  	v4 =	vmov s25  }
0x49c: {  	[tilespmem:v3+s18+$0x0] =	vst.idx.msk $0xffff, v2;
	v2 =	vshll.u32 v4, $0x7  }
0x49d: {  	v3 =	vld [tilespmem:s0+$0xFFFFFFD0];
	v2 =	vor.u32 v1, v2;
	_ =	sdelay $0x4  }
0x49e: {  	[tilespmem:v2+s18+$0x0] =	vst.idx.msk $0xffff, v3  }
0x49f: {  	v4 =	vor.u32 $0x1, v2;
	v3 =	vld [tilespmem:s21+$0xFFFFFFD0];
	_ =	sdelay $0x4  }
0x4a0: {  	[tilespmem:v4+s18+$0x0] =	vst.idx.msk $0xffff, v3  }
0x4a1: {  	v2 =	vor.u32 $0x2, v2;
	v3 =	vld [tilespmem:s29+$0xFFFFFFD0];
	_ =	sdelay $0x2  }
0x4a2: {  	s25 =	sadd.s32 $0xFFFFFFE0, s23  }
0x4a3: {  	v4 =	vmov s25  }
0x4a4: {  	[tilespmem:v2+s18+$0x0] =	vst.idx.msk $0xffff, v3;
	v2 =	vshll.u32 v4, $0x7  }
0x4a5: {  	v3 =	vld [tilespmem:s0+$0xFFFFFFE0];
	v2 =	vor.u32 v1, v2;
	_ =	sdelay $0x4  }
0x4a6: {  	[tilespmem:v2+s18+$0x0] =	vst.idx.msk $0xffff, v3  }
0x4a7: {  	v4 =	vor.u32 $0x1, v2;
	v3 =	vld [tilespmem:s21+$0xFFFFFFE0];
	_ =	sdelay $0x4  }
0x4a8: {  	[tilespmem:v4+s18+$0x0] =	vst.idx.msk $0xffff, v3  }
0x4a9: {  	v2 =	vor.u32 $0x2, v2;
	v3 =	vld [tilespmem:s29+$0xFFFFFFE0];
	_ =	sdelay $0x2  }
0x4aa: {  	s25 =	sadd.s32 $0xFFFFFFF0, s23  }
0x4ab: {  	v4 =	vmov s25  }
0x4ac: {  	[tilespmem:v2+s18+$0x0] =	vst.idx.msk $0xffff, v3;
	v2 =	vshll.u32 v4, $0x7  }
0x4ad: {  	v3 =	vld [tilespmem:s0+$0xFFFFFFF0];
	v2 =	vor.u32 v1, v2;
	_ =	sdelay $0x4  }
0x4ae: {  	[tilespmem:v2+s18+$0x0] =	vst.idx.msk $0xffff, v3  }
0x4af: {  	v4 =	vor.u32 $0x1, v2;
	v3 =	vld [tilespmem:s21+$0xFFFFFFF0];
	_ =	sdelay $0x4  }
0x4b0: {  	[tilespmem:v4+s18+$0x0] =	vst.idx.msk $0xffff, v3  }
0x4b1: {  	v2 =	vor.u32 $0x2, v2;
	v3 =	vld [tilespmem:s29+$0xFFFFFFF0];
	_ =	sdelay $0x3  }
0x4b2: {  	v4 =	vmov s23;
	s23 =	smov.u32 s24  }
0x4b3: {  	[tilespmem:v2+s18+$0x0] =	vst.idx.msk $0xffff, v3;
	v2 =	vshll.u32 v4, $0x7  }
0x4b4: {  	v3 =	vld [tilespmem:s0+$0x0];
	v4 =	vor.u32 v1, v2;
	_ =	sdelay $0x4  }
0x4b5: {  	[tilespmem:v4+s18+$0x0] =	vst.idx.msk $0xffff, v3  }
0x4b6: {  	v3 =	vor.u32 $0x1, v4;
	v2 =	vld [tilespmem:s21+$0x0];
	_ =	sdelay $0x4  }
.Ltmp13:
0x4b7: {  	[tilespmem:v3+s18+$0x0] =	vst.idx.msk $0xffff, v2;
	(pc) =	sbr.rel @p2 .LBB2_7-.Ltmp13, $2  }
0x4b8: {  	v3 =	vor.u32 $0x2, v4;
	v2 =	vld [tilespmem:s29+$0x0];
	_ =	sdelay $0x2  }
0x4b9: {  	s24 =	sadd.s32 $0x50, s24;
	s25 =	sadd.s32 $0xFFFFFFC0, s23  }
0x4ba: {  	_ =	sdelay $0x2  }
0x4bb: {  	v4 =	vmov s25  }
0x4bc: {  	s0 =	sadd.s32 $0x50, s0;
	v4 =	vshll.u32 v4, $0x7;
	[tilespmem:v3+s18+$0x0] =	vst.idx.msk $0xffff, v2  }
0x4bd: {  	v2 =	vld [tilespmem:s0+$0xFFFFFFC0];
	v3 =	vor.u32 v1, v4;
	_ =	sdelay $0x4  }
0x4be: {  	s21 =	sadd.s32 $0x50, s21;
	[tilespmem:v3+s18+$0x0] =	vst.idx.msk $0xffff, v2  }
0x4bf: {  	v4 =	vor.u32 $0x1, v3;
	v2 =	vld [tilespmem:s21+$0xFFFFFFC0];
	_ =	sdelay $0x4  }
0x4c0: {  	s24 =	sadd.s32 $0x50, s29;
	[tilespmem:v4+s18+$0x0] =	vst.idx.msk $0xffff, v2  }
0x4c1: {  	v3 =	vor.u32 $0x2, v3;
	v2 =	vld [tilespmem:s24+$0xFFFFFFC0];
	_ =	sdelay $0x2  }
0x4c2: {  	s26 =	sadd.s32 $0xFFFFFFD0, s23  }
0x4c3: {  	v4 =	vmov s26  }
0x4c4: {  	[tilespmem:v3+s18+$0x0] =	vst.idx.msk $0xffff, v2;
	v2 =	vshll.u32 v4, $0x7  }
0x4c5: {  	v3 =	vld [tilespmem:s0+$0xFFFFFFD0];
	v2 =	vor.u32 v1, v2;
	_ =	sdelay $0x4  }
0x4c6: {  	[tilespmem:v2+s18+$0x0] =	vst.idx.msk $0xffff, v3  }
0x4c7: {  	v4 =	vor.u32 $0x1, v2;
	v3 =	vld [tilespmem:s21+$0xFFFFFFD0];
	_ =	sdelay $0x4  }
0x4c8: {  	[tilespmem:v4+s18+$0x0] =	vst.idx.msk $0xffff, v3  }
0x4c9: {  	v2 =	vor.u32 $0x2, v2;
	v3 =	vld [tilespmem:s24+$0xFFFFFFD0];
	_ =	sdelay $0x2  }
0x4ca: {  	s26 =	sadd.s32 $0xFFFFFFE0, s23  }
0x4cb: {  	v4 =	vmov s26  }
0x4cc: {  	[tilespmem:v2+s18+$0x0] =	vst.idx.msk $0xffff, v3;
	v2 =	vshll.u32 v4, $0x7  }
0x4cd: {  	v3 =	vld [tilespmem:s0+$0xFFFFFFE0];
	v2 =	vor.u32 v1, v2;
	_ =	sdelay $0x4  }
0x4ce: {  	[tilespmem:v2+s18+$0x0] =	vst.idx.msk $0xffff, v3  }
0x4cf: {  	v4 =	vor.u32 $0x1, v2;
	v3 =	vld [tilespmem:s21+$0xFFFFFFE0];
	_ =	sdelay $0x4  }
0x4d0: {  	[tilespmem:v4+s18+$0x0] =	vst.idx.msk $0xffff, v3  }
0x4d1: {  	v2 =	vor.u32 $0x2, v2;
	v3 =	vld [tilespmem:s24+$0xFFFFFFE0];
	_ =	sdelay $0x2  }
0x4d2: {  	s26 =	sadd.s32 $0xFFFFFFF0, s23  }
0x4d3: {  	v4 =	vmov s26  }
0x4d4: {  	[tilespmem:v2+s18+$0x0] =	vst.idx.msk $0xffff, v3;
	v2 =	vshll.u32 v4, $0x7  }
0x4d5: {  	v3 =	vld [tilespmem:s0+$0xFFFFFFF0];
	v2 =	vor.u32 v1, v2;
	_ =	sdelay $0x4  }
0x4d6: {  	[tilespmem:v2+s18+$0x0] =	vst.idx.msk $0xffff, v3  }
0x4d7: {  	v4 =	vor.u32 $0x1, v2;
	v3 =	vld [tilespmem:s21+$0xFFFFFFF0];
	_ =	sdelay $0x4  }
0x4d8: {  	[tilespmem:v4+s18+$0x0] =	vst.idx.msk $0xffff, v3  }
0x4d9: {  	v2 =	vor.u32 $0x2, v2;
	v3 =	vld [tilespmem:s24+$0xFFFFFFF0];
	_ =	sdelay $0x3  }
0x4da: {  	v4 =	vmov s23  }
0x4db: {  	[tilespmem:v2+s18+$0x0] =	vst.idx.msk $0xffff, v3;
	v2 =	vshll.u32 v4, $0x7  }
0x4dc: {  	v3 =	vld [tilespmem:s0+$0x0];
	v2 =	vor.u32 v1, v2;
	_ =	sdelay $0x4  }
0x4dd: {  	[tilespmem:v2+s18+$0x0] =	vst.idx.msk $0xffff, v3  }
0x4de: {  	v4 =	vor.u32 $0x1, v2;
	v3 =	vld [tilespmem:s21+$0x0];
	_ =	sdelay $0x4  }
0x4df: {  	[tilespmem:v4+s18+$0x0] =	vst.idx.msk $0xffff, v3  }
0x4e0: {  	v2 =	vor.u32 $0x2, v2;
	v3 =	vld [tilespmem:s24+$0x0];
	_ =	sdelay $0x4  }
0x4e1: {  	[tilespmem:v2+s18+$0x0] =	vst.idx.msk $0xffff, v3  }
0x4e2: {  	[hbm4b:s9+s3] =	stream.linear.scatter [tilespmem:s18], [sflag:$0x4], $0xC800, $0x38;
	[tilespmem:$0x1CA28] =	vst v63  }
0x4e3: {  	_ =	swait.ge [sflag:s17], $0xC800  }
0x4e4: {  	[sflag:s17] =	ssyncset.done $0x0  }
0x4e5: {  	[sflag:s17] =	ssyncadd.s32 $0xFFFF3800  }
0x4e6: {  	_ =	swait.ge [sflag:s22], $0xC800  }
0x4e7: {  	s24 =	simm.s32 $0x0;
	[sflag:s22] =	ssyncset.done $0x0  }
0x4e8: {  	s25 =	simm.s32 $0x4B0;
	s0 =	simm.s32 $0xFE0;
	v2 =	vmov s24;
	[sflag:s22] =	ssyncadd.s32 $0xFFFF3800  }
0x4e9: {  	v2 =	vshll.u32 v2, $0x7;
	[tilespmem:s18], [sflag:$0x2] =	stream.indirect.gather [spmem:s2], $0x80, s25, s31, $0xb8;
	[tilespmem:$0x1CA28] =	vst v63  }
0x4ea: {  	v2 =	vor.u32 v1, v2;
	v3 =	vld [tilespmem:s0+$0xFFFFFFC0];
	_ =	sdelay $0x4  }
0x4eb: {  	s21 =	simm.s32 $0x1C60;
	[tilespmem:v2+s16+$0x0] =	vst.idx.msk $0xffff, v3  }
0x4ec: {  	v4 =	vor.u32 $0x1, v2;
	v3 =	vld [tilespmem:s21+$0xFFFFFFC0];
	_ =	sdelay $0x4  }
0x4ed: {  	s29 =	simm.s32 $0x28E0;
	[tilespmem:v4+s16+$0x0] =	vst.idx.msk $0xffff, v3  }
0x4ee: {  	v2 =	vor.u32 $0x2, v2;
	v3 =	vld [tilespmem:s29+$0xFFFFFFC0];
	_ =	sdelay $0x2  }
0x4ef: {  	s26 =	simm.s32 $0x10  }
0x4f0: {  	v4 =	vmov s26  }
0x4f1: {  	[tilespmem:v2+s16+$0x0] =	vst.idx.msk $0xffff, v3;
	v2 =	vshll.u32 v4, $0x7  }
0x4f2: {  	v3 =	vld [tilespmem:s0+$0xFFFFFFD0];
	v2 =	vor.u32 v1, v2;
	_ =	sdelay $0x4  }
0x4f3: {  	[tilespmem:v2+s16+$0x0] =	vst.idx.msk $0xffff, v3  }
0x4f4: {  	v4 =	vor.u32 $0x1, v2;
	v3 =	vld [tilespmem:s21+$0xFFFFFFD0];
	_ =	sdelay $0x4  }
0x4f5: {  	[tilespmem:v4+s16+$0x0] =	vst.idx.msk $0xffff, v3  }
0x4f6: {  	v2 =	vor.u32 $0x2, v2;
	v3 =	vld [tilespmem:s29+$0xFFFFFFD0];
	_ =	sdelay $0x2  }
0x4f7: {  	s24 =	simm.s32 $0x20  }
0x4f8: {  	v4 =	vmov s24  }
0x4f9: {  	[tilespmem:v2+s16+$0x0] =	vst.idx.msk $0xffff, v3;
	v2 =	vshll.u32 v4, $0x7  }
0x4fa: {  	v3 =	vld [tilespmem:s0+$0xFFFFFFE0];
	v2 =	vor.u32 v1, v2;
	_ =	sdelay $0x4  }
0x4fb: {  	[tilespmem:v2+s16+$0x0] =	vst.idx.msk $0xffff, v3  }
0x4fc: {  	v4 =	vor.u32 $0x1, v2;
	v3 =	vld [tilespmem:s21+$0xFFFFFFE0];
	_ =	sdelay $0x4  }
0x4fd: {  	[tilespmem:v4+s16+$0x0] =	vst.idx.msk $0xffff, v3  }
0x4fe: {  	v2 =	vor.u32 $0x2, v2;
	v3 =	vld [tilespmem:s29+$0xFFFFFFE0];
	_ =	sdelay $0x2  }
0x4ff: {  	s25 =	simm.s32 $0x30  }
0x500: {  	v4 =	vmov s25  }
0x501: {  	[tilespmem:v2+s16+$0x0] =	vst.idx.msk $0xffff, v3;
	v2 =	vshll.u32 v4, $0x7  }
0x502: {  	v3 =	vld [tilespmem:s0+$0xFFFFFFF0];
	v2 =	vor.u32 v1, v2;
	_ =	sdelay $0x4  }
0x503: {  	[tilespmem:v2+s16+$0x0] =	vst.idx.msk $0xffff, v3  }
0x504: {  	v4 =	vor.u32 $0x1, v2;
	v3 =	vld [tilespmem:s21+$0xFFFFFFF0];
	_ =	sdelay $0x4  }
0x505: {  	[tilespmem:v4+s16+$0x0] =	vst.idx.msk $0xffff, v3  }
0x506: {  	v2 =	vor.u32 $0x2, v2;
	v3 =	vld [tilespmem:s29+$0xFFFFFFF0];
	_ =	sdelay $0x2  }
0x507: {  	s26 =	simm.s32 $0x40  }
0x508: {  	v4 =	vmov s26  }
0x509: {  	[tilespmem:v2+s16+$0x0] =	vst.idx.msk $0xffff, v3;
	v2 =	vshll.u32 v4, $0x7  }
0x50a: {  	v3 =	vld [tilespmem:s0+$0x0];
	v4 =	vor.u32 v1, v2;
	_ =	sdelay $0x4  }
0x50b: {  	[tilespmem:v4+s16+$0x0] =	vst.idx.msk $0xffff, v3  }
0x50c: {  	v3 =	vor.u32 $0x1, v4;
	v2 =	vld [tilespmem:s21+$0x0];
	_ =	sdelay $0x4  }
0x50d: {  	[tilespmem:v3+s16+$0x0] =	vst.idx.msk $0xffff, v2  }
0x50e: {  	v3 =	vor.u32 $0x2, v4;
	v2 =	vld [tilespmem:s29+$0x0];
	_ =	sdelay $0x2  }
0x50f: {  	s23 =	simm.s32 $0x90;
	s24 =	simm.s32 $0xE0;
	s25 =	simm.s32 $0x50  }
.LBB2_9:
0x510: {  	p2 =	sne.s32 s24, $0x180;
	v4 =	vmov s25  }
0x511: {  	s0 =	sadd.s32 $0x50, s0;
	v4 =	vshll.u32 v4, $0x7;
	[tilespmem:v3+s16+$0x0] =	vst.idx.msk $0xffff, v2  }
0x512: {  	v2 =	vld [tilespmem:s0+$0xFFFFFFC0];
	v3 =	vor.u32 v1, v4;
	_ =	sdelay $0x4  }
0x513: {  	s21 =	sadd.s32 $0x50, s21;
	[tilespmem:v3+s16+$0x0] =	vst.idx.msk $0xffff, v2  }
0x514: {  	v4 =	vor.u32 $0x1, v3;
	v2 =	vld [tilespmem:s21+$0xFFFFFFC0];
	_ =	sdelay $0x4  }
0x515: {  	s29 =	sadd.s32 $0x50, s29;
	[tilespmem:v4+s16+$0x0] =	vst.idx.msk $0xffff, v2  }
0x516: {  	v3 =	vor.u32 $0x2, v3;
	v2 =	vld [tilespmem:s29+$0xFFFFFFC0];
	_ =	sdelay $0x2  }
0x517: {  	s25 =	sadd.s32 $0xFFFFFFD0, s23  }
0x518: {  	v4 =	vmov s25  }
0x519: {  	[tilespmem:v3+s16+$0x0] =	vst.idx.msk $0xffff, v2;
	v2 =	vshll.u32 v4, $0x7  }
0x51a: {  	v3 =	vld [tilespmem:s0+$0xFFFFFFD0];
	v2 =	vor.u32 v1, v2;
	_ =	sdelay $0x4  }
0x51b: {  	[tilespmem:v2+s16+$0x0] =	vst.idx.msk $0xffff, v3  }
0x51c: {  	v4 =	vor.u32 $0x1, v2;
	v3 =	vld [tilespmem:s21+$0xFFFFFFD0];
	_ =	sdelay $0x4  }
0x51d: {  	[tilespmem:v4+s16+$0x0] =	vst.idx.msk $0xffff, v3  }
0x51e: {  	v2 =	vor.u32 $0x2, v2;
	v3 =	vld [tilespmem:s29+$0xFFFFFFD0];
	_ =	sdelay $0x2  }
0x51f: {  	s25 =	sadd.s32 $0xFFFFFFE0, s23  }
0x520: {  	v4 =	vmov s25  }
0x521: {  	[tilespmem:v2+s16+$0x0] =	vst.idx.msk $0xffff, v3;
	v2 =	vshll.u32 v4, $0x7  }
0x522: {  	v3 =	vld [tilespmem:s0+$0xFFFFFFE0];
	v2 =	vor.u32 v1, v2;
	_ =	sdelay $0x4  }
0x523: {  	[tilespmem:v2+s16+$0x0] =	vst.idx.msk $0xffff, v3  }
0x524: {  	v4 =	vor.u32 $0x1, v2;
	v3 =	vld [tilespmem:s21+$0xFFFFFFE0];
	_ =	sdelay $0x4  }
0x525: {  	[tilespmem:v4+s16+$0x0] =	vst.idx.msk $0xffff, v3  }
0x526: {  	v2 =	vor.u32 $0x2, v2;
	v3 =	vld [tilespmem:s29+$0xFFFFFFE0];
	_ =	sdelay $0x2  }
0x527: {  	s25 =	sadd.s32 $0xFFFFFFF0, s23  }
0x528: {  	v4 =	vmov s25  }
0x529: {  	[tilespmem:v2+s16+$0x0] =	vst.idx.msk $0xffff, v3;
	v2 =	vshll.u32 v4, $0x7  }
0x52a: {  	v3 =	vld [tilespmem:s0+$0xFFFFFFF0];
	v2 =	vor.u32 v1, v2;
	_ =	sdelay $0x4  }
0x52b: {  	[tilespmem:v2+s16+$0x0] =	vst.idx.msk $0xffff, v3  }
0x52c: {  	v4 =	vor.u32 $0x1, v2;
	v3 =	vld [tilespmem:s21+$0xFFFFFFF0];
	_ =	sdelay $0x4  }
0x52d: {  	[tilespmem:v4+s16+$0x0] =	vst.idx.msk $0xffff, v3  }
0x52e: {  	v2 =	vor.u32 $0x2, v2;
	v3 =	vld [tilespmem:s29+$0xFFFFFFF0];
	_ =	sdelay $0x3  }
0x52f: {  	v4 =	vmov s23;
	s23 =	smov.u32 s24  }
0x530: {  	[tilespmem:v2+s16+$0x0] =	vst.idx.msk $0xffff, v3;
	v2 =	vshll.u32 v4, $0x7  }
0x531: {  	v3 =	vld [tilespmem:s0+$0x0];
	v4 =	vor.u32 v1, v2;
	_ =	sdelay $0x4  }
0x532: {  	[tilespmem:v4+s16+$0x0] =	vst.idx.msk $0xffff, v3  }
0x533: {  	v3 =	vor.u32 $0x1, v4;
	v2 =	vld [tilespmem:s21+$0x0];
	_ =	sdelay $0x4  }
.Ltmp14:
0x534: {  	[tilespmem:v3+s16+$0x0] =	vst.idx.msk $0xffff, v2;
	(pc) =	sbr.rel @p2 .LBB2_9-.Ltmp14, $2  }
0x535: {  	v3 =	vor.u32 $0x2, v4;
	v2 =	vld [tilespmem:s29+$0x0];
	_ =	sdelay $0x2  }
0x536: {  	s24 =	sadd.s32 $0x50, s24;
	s25 =	sadd.s32 $0xFFFFFFC0, s23  }
0x537: {  	_ =	sdelay $0x2  }
0x538: {  	v4 =	vmov s25  }
0x539: {  	s0 =	sadd.s32 $0x50, s0;
	v4 =	vshll.u32 v4, $0x7;
	[tilespmem:v3+s16+$0x0] =	vst.idx.msk $0xffff, v2  }
0x53a: {  	v2 =	vld [tilespmem:s0+$0xFFFFFFC0];
	v3 =	vor.u32 v1, v4;
	_ =	sdelay $0x4  }
0x53b: {  	s21 =	sadd.s32 $0x50, s21;
	[tilespmem:v3+s16+$0x0] =	vst.idx.msk $0xffff, v2  }
0x53c: {  	v4 =	vor.u32 $0x1, v3;
	v2 =	vld [tilespmem:s21+$0xFFFFFFC0];
	_ =	sdelay $0x4  }
0x53d: {  	s24 =	sadd.s32 $0x50, s29;
	[tilespmem:v4+s16+$0x0] =	vst.idx.msk $0xffff, v2  }
0x53e: {  	v3 =	vor.u32 $0x2, v3;
	v2 =	vld [tilespmem:s24+$0xFFFFFFC0];
	_ =	sdelay $0x2  }
0x53f: {  	s26 =	sadd.s32 $0xFFFFFFD0, s23  }
0x540: {  	v4 =	vmov s26  }
0x541: {  	[tilespmem:v3+s16+$0x0] =	vst.idx.msk $0xffff, v2;
	v2 =	vshll.u32 v4, $0x7  }
0x542: {  	v3 =	vld [tilespmem:s0+$0xFFFFFFD0];
	v2 =	vor.u32 v1, v2;
	_ =	sdelay $0x4  }
0x543: {  	[tilespmem:v2+s16+$0x0] =	vst.idx.msk $0xffff, v3  }
0x544: {  	v4 =	vor.u32 $0x1, v2;
	v3 =	vld [tilespmem:s21+$0xFFFFFFD0];
	_ =	sdelay $0x4  }
0x545: {  	[tilespmem:v4+s16+$0x0] =	vst.idx.msk $0xffff, v3  }
0x546: {  	v2 =	vor.u32 $0x2, v2;
	v3 =	vld [tilespmem:s24+$0xFFFFFFD0];
	_ =	sdelay $0x2  }
0x547: {  	s26 =	sadd.s32 $0xFFFFFFE0, s23  }
0x548: {  	v4 =	vmov s26  }
0x549: {  	[tilespmem:v2+s16+$0x0] =	vst.idx.msk $0xffff, v3;
	v2 =	vshll.u32 v4, $0x7  }
0x54a: {  	v3 =	vld [tilespmem:s0+$0xFFFFFFE0];
	v2 =	vor.u32 v1, v2;
	_ =	sdelay $0x4  }
0x54b: {  	[tilespmem:v2+s16+$0x0] =	vst.idx.msk $0xffff, v3  }
0x54c: {  	v4 =	vor.u32 $0x1, v2;
	v3 =	vld [tilespmem:s21+$0xFFFFFFE0];
	_ =	sdelay $0x4  }
0x54d: {  	[tilespmem:v4+s16+$0x0] =	vst.idx.msk $0xffff, v3  }
0x54e: {  	v2 =	vor.u32 $0x2, v2;
	v3 =	vld [tilespmem:s24+$0xFFFFFFE0];
	_ =	sdelay $0x2  }
0x54f: {  	s26 =	sadd.s32 $0xFFFFFFF0, s23  }
0x550: {  	v4 =	vmov s26  }
0x551: {  	[tilespmem:v2+s16+$0x0] =	vst.idx.msk $0xffff, v3;
	v2 =	vshll.u32 v4, $0x7  }
0x552: {  	v3 =	vld [tilespmem:s0+$0xFFFFFFF0];
	v2 =	vor.u32 v1, v2;
	_ =	sdelay $0x4  }
0x553: {  	[tilespmem:v2+s16+$0x0] =	vst.idx.msk $0xffff, v3  }
0x554: {  	v4 =	vor.u32 $0x1, v2;
	v3 =	vld [tilespmem:s21+$0xFFFFFFF0];
	_ =	sdelay $0x4  }
0x555: {  	[tilespmem:v4+s16+$0x0] =	vst.idx.msk $0xffff, v3  }
0x556: {  	v2 =	vor.u32 $0x2, v2;
	v3 =	vld [tilespmem:s24+$0xFFFFFFF0];
	_ =	sdelay $0x3  }
0x557: {  	v4 =	vmov s23  }
0x558: {  	[tilespmem:v2+s16+$0x0] =	vst.idx.msk $0xffff, v3;
	v2 =	vshll.u32 v4, $0x7  }
0x559: {  	v3 =	vld [tilespmem:s0+$0x0];
	v2 =	vor.u32 v1, v2;
	_ =	sdelay $0x4  }
0x55a: {  	[tilespmem:v2+s16+$0x0] =	vst.idx.msk $0xffff, v3  }
0x55b: {  	v4 =	vor.u32 $0x1, v2;
	v3 =	vld [tilespmem:s21+$0x0];
	_ =	sdelay $0x4  }
0x55c: {  	[tilespmem:v4+s16+$0x0] =	vst.idx.msk $0xffff, v3  }
0x55d: {  	v2 =	vor.u32 $0x2, v2;
	v3 =	vld [tilespmem:s24+$0x0];
	_ =	sdelay $0x4  }
0x55e: {  	[tilespmem:v2+s16+$0x0] =	vst.idx.msk $0xffff, v3  }
0x55f: {  	[hbm4b:s10+s3] =	stream.linear.scatter [tilespmem:s16], [sflag:$0x3], $0xC800, $0x38;
	[tilespmem:$0x1CA28] =	vst v63  }
0x560: {  	_ =	swait.ge [sflag:s19], $0xC800  }
0x561: {  	[sflag:s19] =	ssyncset.done $0x0  }
0x562: {  	[sflag:s19] =	ssyncadd.s32 $0xFFFF3800  }
0x563: {  	_ =	swait.ge [sflag:s20], $0xC800  }
0x564: {  	s24 =	simm.s32 $0x0;
	[sflag:s20] =	ssyncset.done $0x0  }
0x565: {  	s25 =	simm.s32 $0x640;
	s0 =	simm.s32 $0x1170;
	v2 =	vmov s24;
	[sflag:s20] =	ssyncadd.s32 $0xFFFF3800  }
0x566: {  	v2 =	vshll.u32 v2, $0x7;
	[tilespmem:s16], [sflag:$0x1] =	stream.indirect.gather [spmem:s2], $0x80, s25, s31, $0xb8;
	[tilespmem:$0x1CA28] =	vst v63  }
0x567: {  	v2 =	vor.u32 v1, v2;
	v3 =	vld [tilespmem:s0+$0xFFFFFFC0];
	_ =	sdelay $0x4  }
0x568: {  	s21 =	simm.s32 $0x1DF0;
	[tilespmem:v2+s18+$0x0] =	vst.idx.msk $0xffff, v3  }
0x569: {  	v4 =	vor.u32 $0x1, v2;
	v3 =	vld [tilespmem:s21+$0xFFFFFFC0];
	_ =	sdelay $0x4  }
0x56a: {  	s29 =	simm.s32 $0x2A70;
	[tilespmem:v4+s18+$0x0] =	vst.idx.msk $0xffff, v3  }
0x56b: {  	v2 =	vor.u32 $0x2, v2;
	v3 =	vld [tilespmem:s29+$0xFFFFFFC0];
	_ =	sdelay $0x2  }
0x56c: {  	s26 =	simm.s32 $0x10  }
0x56d: {  	v4 =	vmov s26  }
0x56e: {  	[tilespmem:v2+s18+$0x0] =	vst.idx.msk $0xffff, v3;
	v2 =	vshll.u32 v4, $0x7  }
0x56f: {  	v3 =	vld [tilespmem:s0+$0xFFFFFFD0];
	v2 =	vor.u32 v1, v2;
	_ =	sdelay $0x4  }
0x570: {  	[tilespmem:v2+s18+$0x0] =	vst.idx.msk $0xffff, v3  }
0x571: {  	v4 =	vor.u32 $0x1, v2;
	v3 =	vld [tilespmem:s21+$0xFFFFFFD0];
	_ =	sdelay $0x4  }
0x572: {  	[tilespmem:v4+s18+$0x0] =	vst.idx.msk $0xffff, v3  }
0x573: {  	v2 =	vor.u32 $0x2, v2;
	v3 =	vld [tilespmem:s29+$0xFFFFFFD0];
	_ =	sdelay $0x2  }
0x574: {  	s24 =	simm.s32 $0x20  }
0x575: {  	v4 =	vmov s24  }
0x576: {  	[tilespmem:v2+s18+$0x0] =	vst.idx.msk $0xffff, v3;
	v2 =	vshll.u32 v4, $0x7  }
0x577: {  	v3 =	vld [tilespmem:s0+$0xFFFFFFE0];
	v2 =	vor.u32 v1, v2;
	_ =	sdelay $0x4  }
0x578: {  	[tilespmem:v2+s18+$0x0] =	vst.idx.msk $0xffff, v3  }
0x579: {  	v4 =	vor.u32 $0x1, v2;
	v3 =	vld [tilespmem:s21+$0xFFFFFFE0];
	_ =	sdelay $0x4  }
0x57a: {  	[tilespmem:v4+s18+$0x0] =	vst.idx.msk $0xffff, v3  }
0x57b: {  	v2 =	vor.u32 $0x2, v2;
	v3 =	vld [tilespmem:s29+$0xFFFFFFE0];
	_ =	sdelay $0x2  }
0x57c: {  	s25 =	simm.s32 $0x30  }
0x57d: {  	v4 =	vmov s25  }
0x57e: {  	[tilespmem:v2+s18+$0x0] =	vst.idx.msk $0xffff, v3;
	v2 =	vshll.u32 v4, $0x7  }
0x57f: {  	v3 =	vld [tilespmem:s0+$0xFFFFFFF0];
	v2 =	vor.u32 v1, v2;
	_ =	sdelay $0x4  }
0x580: {  	[tilespmem:v2+s18+$0x0] =	vst.idx.msk $0xffff, v3  }
0x581: {  	v4 =	vor.u32 $0x1, v2;
	v3 =	vld [tilespmem:s21+$0xFFFFFFF0];
	_ =	sdelay $0x4  }
0x582: {  	[tilespmem:v4+s18+$0x0] =	vst.idx.msk $0xffff, v3  }
0x583: {  	v2 =	vor.u32 $0x2, v2;
	v3 =	vld [tilespmem:s29+$0xFFFFFFF0];
	_ =	sdelay $0x2  }
0x584: {  	s26 =	simm.s32 $0x40  }
0x585: {  	v4 =	vmov s26  }
0x586: {  	[tilespmem:v2+s18+$0x0] =	vst.idx.msk $0xffff, v3;
	v2 =	vshll.u32 v4, $0x7  }
0x587: {  	v3 =	vld [tilespmem:s0+$0x0];
	v4 =	vor.u32 v1, v2;
	_ =	sdelay $0x4  }
0x588: {  	[tilespmem:v4+s18+$0x0] =	vst.idx.msk $0xffff, v3  }
0x589: {  	v3 =	vor.u32 $0x1, v4;
	v2 =	vld [tilespmem:s21+$0x0];
	_ =	sdelay $0x4  }
0x58a: {  	[tilespmem:v3+s18+$0x0] =	vst.idx.msk $0xffff, v2  }
0x58b: {  	v3 =	vor.u32 $0x2, v4;
	v2 =	vld [tilespmem:s29+$0x0];
	_ =	sdelay $0x2  }
0x58c: {  	s23 =	simm.s32 $0x90;
	s24 =	simm.s32 $0xE0;
	s25 =	simm.s32 $0x50  }
.LBB2_11:
0x58d: {  	p2 =	sne.s32 s24, $0x180;
	v4 =	vmov s25  }
0x58e: {  	s0 =	sadd.s32 $0x50, s0;
	v4 =	vshll.u32 v4, $0x7;
	[tilespmem:v3+s18+$0x0] =	vst.idx.msk $0xffff, v2  }
0x58f: {  	v2 =	vld [tilespmem:s0+$0xFFFFFFC0];
	v3 =	vor.u32 v1, v4;
	_ =	sdelay $0x4  }
0x590: {  	s21 =	sadd.s32 $0x50, s21;
	[tilespmem:v3+s18+$0x0] =	vst.idx.msk $0xffff, v2  }
0x591: {  	v4 =	vor.u32 $0x1, v3;
	v2 =	vld [tilespmem:s21+$0xFFFFFFC0];
	_ =	sdelay $0x4  }
0x592: {  	s29 =	sadd.s32 $0x50, s29;
	[tilespmem:v4+s18+$0x0] =	vst.idx.msk $0xffff, v2  }
0x593: {  	v3 =	vor.u32 $0x2, v3;
	v2 =	vld [tilespmem:s29+$0xFFFFFFC0];
	_ =	sdelay $0x2  }
0x594: {  	s25 =	sadd.s32 $0xFFFFFFD0, s23  }
0x595: {  	v4 =	vmov s25  }
0x596: {  	[tilespmem:v3+s18+$0x0] =	vst.idx.msk $0xffff, v2;
	v2 =	vshll.u32 v4, $0x7  }
0x597: {  	v3 =	vld [tilespmem:s0+$0xFFFFFFD0];
	v2 =	vor.u32 v1, v2;
	_ =	sdelay $0x4  }
0x598: {  	[tilespmem:v2+s18+$0x0] =	vst.idx.msk $0xffff, v3  }
0x599: {  	v4 =	vor.u32 $0x1, v2;
	v3 =	vld [tilespmem:s21+$0xFFFFFFD0];
	_ =	sdelay $0x4  }
0x59a: {  	[tilespmem:v4+s18+$0x0] =	vst.idx.msk $0xffff, v3  }
0x59b: {  	v2 =	vor.u32 $0x2, v2;
	v3 =	vld [tilespmem:s29+$0xFFFFFFD0];
	_ =	sdelay $0x2  }
0x59c: {  	s25 =	sadd.s32 $0xFFFFFFE0, s23  }
0x59d: {  	v4 =	vmov s25  }
0x59e: {  	[tilespmem:v2+s18+$0x0] =	vst.idx.msk $0xffff, v3;
	v2 =	vshll.u32 v4, $0x7  }
0x59f: {  	v3 =	vld [tilespmem:s0+$0xFFFFFFE0];
	v2 =	vor.u32 v1, v2;
	_ =	sdelay $0x4  }
0x5a0: {  	[tilespmem:v2+s18+$0x0] =	vst.idx.msk $0xffff, v3  }
0x5a1: {  	v4 =	vor.u32 $0x1, v2;
	v3 =	vld [tilespmem:s21+$0xFFFFFFE0];
	_ =	sdelay $0x4  }
0x5a2: {  	[tilespmem:v4+s18+$0x0] =	vst.idx.msk $0xffff, v3  }
0x5a3: {  	v2 =	vor.u32 $0x2, v2;
	v3 =	vld [tilespmem:s29+$0xFFFFFFE0];
	_ =	sdelay $0x2  }
0x5a4: {  	s25 =	sadd.s32 $0xFFFFFFF0, s23  }
0x5a5: {  	v4 =	vmov s25  }
0x5a6: {  	[tilespmem:v2+s18+$0x0] =	vst.idx.msk $0xffff, v3;
	v2 =	vshll.u32 v4, $0x7  }
0x5a7: {  	v3 =	vld [tilespmem:s0+$0xFFFFFFF0];
	v2 =	vor.u32 v1, v2;
	_ =	sdelay $0x4  }
0x5a8: {  	[tilespmem:v2+s18+$0x0] =	vst.idx.msk $0xffff, v3  }
0x5a9: {  	v4 =	vor.u32 $0x1, v2;
	v3 =	vld [tilespmem:s21+$0xFFFFFFF0];
	_ =	sdelay $0x4  }
0x5aa: {  	[tilespmem:v4+s18+$0x0] =	vst.idx.msk $0xffff, v3  }
0x5ab: {  	v2 =	vor.u32 $0x2, v2;
	v3 =	vld [tilespmem:s29+$0xFFFFFFF0];
	_ =	sdelay $0x3  }
0x5ac: {  	v4 =	vmov s23;
	s23 =	smov.u32 s24  }
0x5ad: {  	[tilespmem:v2+s18+$0x0] =	vst.idx.msk $0xffff, v3;
	v2 =	vshll.u32 v4, $0x7  }
0x5ae: {  	v3 =	vld [tilespmem:s0+$0x0];
	v4 =	vor.u32 v1, v2;
	_ =	sdelay $0x4  }
0x5af: {  	[tilespmem:v4+s18+$0x0] =	vst.idx.msk $0xffff, v3  }
0x5b0: {  	v3 =	vor.u32 $0x1, v4;
	v2 =	vld [tilespmem:s21+$0x0];
	_ =	sdelay $0x4  }
.Ltmp15:
0x5b1: {  	[tilespmem:v3+s18+$0x0] =	vst.idx.msk $0xffff, v2;
	(pc) =	sbr.rel @p2 .LBB2_11-.Ltmp15, $2  }
0x5b2: {  	v3 =	vor.u32 $0x2, v4;
	v2 =	vld [tilespmem:s29+$0x0];
	_ =	sdelay $0x2  }
0x5b3: {  	s24 =	sadd.s32 $0x50, s24;
	s25 =	sadd.s32 $0xFFFFFFC0, s23  }
0x5b4: {  	_ =	sdelay $0x2  }
0x5b5: {  	v4 =	vmov s25  }
0x5b6: {  	s0 =	sadd.s32 $0x50, s0;
	v4 =	vshll.u32 v4, $0x7;
	[tilespmem:v3+s18+$0x0] =	vst.idx.msk $0xffff, v2  }
0x5b7: {  	v2 =	vld [tilespmem:s0+$0xFFFFFFC0];
	v3 =	vor.u32 v1, v4;
	_ =	sdelay $0x4  }
0x5b8: {  	s21 =	sadd.s32 $0x50, s21;
	[tilespmem:v3+s18+$0x0] =	vst.idx.msk $0xffff, v2  }
0x5b9: {  	v4 =	vor.u32 $0x1, v3;
	v2 =	vld [tilespmem:s21+$0xFFFFFFC0];
	_ =	sdelay $0x4  }
0x5ba: {  	s24 =	sadd.s32 $0x50, s29;
	[tilespmem:v4+s18+$0x0] =	vst.idx.msk $0xffff, v2  }
0x5bb: {  	v3 =	vor.u32 $0x2, v3;
	v2 =	vld [tilespmem:s24+$0xFFFFFFC0];
	_ =	sdelay $0x2  }
0x5bc: {  	s26 =	sadd.s32 $0xFFFFFFD0, s23  }
0x5bd: {  	v4 =	vmov s26  }
0x5be: {  	[tilespmem:v3+s18+$0x0] =	vst.idx.msk $0xffff, v2;
	v2 =	vshll.u32 v4, $0x7  }
0x5bf: {  	v3 =	vld [tilespmem:s0+$0xFFFFFFD0];
	v2 =	vor.u32 v1, v2;
	_ =	sdelay $0x4  }
0x5c0: {  	[tilespmem:v2+s18+$0x0] =	vst.idx.msk $0xffff, v3  }
0x5c1: {  	v4 =	vor.u32 $0x1, v2;
	v3 =	vld [tilespmem:s21+$0xFFFFFFD0];
	_ =	sdelay $0x4  }
0x5c2: {  	[tilespmem:v4+s18+$0x0] =	vst.idx.msk $0xffff, v3  }
0x5c3: {  	v2 =	vor.u32 $0x2, v2;
	v3 =	vld [tilespmem:s24+$0xFFFFFFD0];
	_ =	sdelay $0x2  }
0x5c4: {  	s26 =	sadd.s32 $0xFFFFFFE0, s23  }
0x5c5: {  	v4 =	vmov s26  }
0x5c6: {  	[tilespmem:v2+s18+$0x0] =	vst.idx.msk $0xffff, v3;
	v2 =	vshll.u32 v4, $0x7  }
0x5c7: {  	v3 =	vld [tilespmem:s0+$0xFFFFFFE0];
	v2 =	vor.u32 v1, v2;
	_ =	sdelay $0x4  }
0x5c8: {  	[tilespmem:v2+s18+$0x0] =	vst.idx.msk $0xffff, v3  }
0x5c9: {  	v4 =	vor.u32 $0x1, v2;
	v3 =	vld [tilespmem:s21+$0xFFFFFFE0];
	_ =	sdelay $0x4  }
0x5ca: {  	[tilespmem:v4+s18+$0x0] =	vst.idx.msk $0xffff, v3  }
0x5cb: {  	v2 =	vor.u32 $0x2, v2;
	v3 =	vld [tilespmem:s24+$0xFFFFFFE0];
	_ =	sdelay $0x2  }
0x5cc: {  	s26 =	sadd.s32 $0xFFFFFFF0, s23  }
0x5cd: {  	v4 =	vmov s26  }
0x5ce: {  	[tilespmem:v2+s18+$0x0] =	vst.idx.msk $0xffff, v3;
	v2 =	vshll.u32 v4, $0x7  }
0x5cf: {  	v3 =	vld [tilespmem:s0+$0xFFFFFFF0];
	v2 =	vor.u32 v1, v2;
	_ =	sdelay $0x4  }
0x5d0: {  	[tilespmem:v2+s18+$0x0] =	vst.idx.msk $0xffff, v3  }
0x5d1: {  	v4 =	vor.u32 $0x1, v2;
	v3 =	vld [tilespmem:s21+$0xFFFFFFF0];
	_ =	sdelay $0x4  }
0x5d2: {  	[tilespmem:v4+s18+$0x0] =	vst.idx.msk $0xffff, v3  }
0x5d3: {  	v2 =	vor.u32 $0x2, v2;
	v3 =	vld [tilespmem:s24+$0xFFFFFFF0];
	_ =	sdelay $0x3  }
0x5d4: {  	v4 =	vmov s23  }
0x5d5: {  	[tilespmem:v2+s18+$0x0] =	vst.idx.msk $0xffff, v3;
	v2 =	vshll.u32 v4, $0x7  }
0x5d6: {  	v3 =	vld [tilespmem:s0+$0x0];
	v2 =	vor.u32 v1, v2;
	_ =	sdelay $0x4  }
0x5d7: {  	[tilespmem:v2+s18+$0x0] =	vst.idx.msk $0xffff, v3  }
0x5d8: {  	v4 =	vor.u32 $0x1, v2;
	v3 =	vld [tilespmem:s21+$0x0];
	_ =	sdelay $0x4  }
0x5d9: {  	[tilespmem:v4+s18+$0x0] =	vst.idx.msk $0xffff, v3  }
0x5da: {  	v2 =	vor.u32 $0x2, v2;
	v3 =	vld [tilespmem:s24+$0x0];
	_ =	sdelay $0x4  }
0x5db: {  	[tilespmem:v2+s18+$0x0] =	vst.idx.msk $0xffff, v3  }
0x5dc: {  	[hbm4b:s11+s3] =	stream.linear.scatter [tilespmem:s18], [sflag:$0x4], $0xC800, $0x38;
	[tilespmem:$0x1CA28] =	vst v63  }
0x5dd: {  	_ =	swait.ge [sflag:s17], $0xC800  }
0x5de: {  	[sflag:s17] =	ssyncset.done $0x0  }
0x5df: {  	[sflag:s17] =	ssyncadd.s32 $0xFFFF3800  }
0x5e0: {  	_ =	swait.ge [sflag:s22], $0xC800  }
0x5e1: {  	s23 =	simm.s32 $0x0;
	[sflag:s22] =	ssyncset.done $0x0  }
0x5e2: {  	s25 =	simm.s32 $0x7D0;
	s0 =	simm.s32 $0x12F0;
	v2 =	vmov s23;
	[sflag:s22] =	ssyncadd.s32 $0xFFFF3800  }
0x5e3: {  	v2 =	vshll.u32 v2, $0x7;
	[tilespmem:s18], [sflag:$0x2] =	stream.indirect.gather [spmem:s2], $0x80, s25, s31, $0xb8;
	[tilespmem:$0x1CA28] =	vst v63  }
0x5e4: {  	v2 =	vor.u32 v1, v2;
	v3 =	vld [tilespmem:s0+$0xFFFFFFD0];
	_ =	sdelay $0x4  }
0x5e5: {  	s29 =	simm.s32 $0x1F70;
	[tilespmem:v2+s16+$0x0] =	vst.idx.msk $0xffff, v3  }
0x5e6: {  	v4 =	vor.u32 $0x1, v2;
	v3 =	vld [tilespmem:s29+$0xFFFFFFD0];
	_ =	sdelay $0x4  }
0x5e7: {  	s21 =	simm.s32 $0x2BF0;
	[tilespmem:v4+s16+$0x0] =	vst.idx.msk $0xffff, v3  }
0x5e8: {  	v2 =	vor.u32 $0x2, v2;
	v3 =	vld [tilespmem:s21+$0xFFFFFFD0];
	_ =	sdelay $0x2  }
0x5e9: {  	s26 =	simm.s32 $0x10  }
0x5ea: {  	v4 =	vmov s26  }
0x5eb: {  	[tilespmem:v2+s16+$0x0] =	vst.idx.msk $0xffff, v3;
	v2 =	vshll.u32 v4, $0x7  }
0x5ec: {  	v3 =	vld [tilespmem:s0+$0xFFFFFFE0];
	v2 =	vor.u32 v1, v2;
	_ =	sdelay $0x4  }
0x5ed: {  	[tilespmem:v2+s16+$0x0] =	vst.idx.msk $0xffff, v3  }
0x5ee: {  	v4 =	vor.u32 $0x1, v2;
	v3 =	vld [tilespmem:s29+$0xFFFFFFE0];
	_ =	sdelay $0x4  }
0x5ef: {  	[tilespmem:v4+s16+$0x0] =	vst.idx.msk $0xffff, v3  }
0x5f0: {  	v2 =	vor.u32 $0x2, v2;
	v3 =	vld [tilespmem:s21+$0xFFFFFFE0];
	_ =	sdelay $0x2  }
0x5f1: {  	s25 =	simm.s32 $0x20  }
0x5f2: {  	v4 =	vmov s25  }
0x5f3: {  	[tilespmem:v2+s16+$0x0] =	vst.idx.msk $0xffff, v3;
	v2 =	vshll.u32 v4, $0x7  }
0x5f4: {  	v3 =	vld [tilespmem:s0+$0xFFFFFFF0];
	v2 =	vor.u32 v1, v2;
	_ =	sdelay $0x4  }
0x5f5: {  	[tilespmem:v2+s16+$0x0] =	vst.idx.msk $0xffff, v3  }
0x5f6: {  	v4 =	vor.u32 $0x1, v2;
	v3 =	vld [tilespmem:s29+$0xFFFFFFF0];
	_ =	sdelay $0x4  }
0x5f7: {  	[tilespmem:v4+s16+$0x0] =	vst.idx.msk $0xffff, v3  }
0x5f8: {  	v2 =	vor.u32 $0x2, v2;
	v3 =	vld [tilespmem:s21+$0xFFFFFFF0];
	_ =	sdelay $0x2  }
0x5f9: {  	s26 =	simm.s32 $0x30  }
0x5fa: {  	v4 =	vmov s26  }
0x5fb: {  	[tilespmem:v2+s16+$0x0] =	vst.idx.msk $0xffff, v3;
	v2 =	vshll.u32 v4, $0x7  }
0x5fc: {  	v3 =	vld [tilespmem:s0+$0x0];
	v2 =	vor.u32 v1, v2;
	_ =	sdelay $0x4  }
0x5fd: {  	[tilespmem:v2+s16+$0x0] =	vst.idx.msk $0xffff, v3  }
0x5fe: {  	v4 =	vor.u32 $0x1, v2;
	v3 =	vld [tilespmem:s29+$0x0];
	_ =	sdelay $0x4  }
0x5ff: {  	[tilespmem:v4+s16+$0x0] =	vst.idx.msk $0xffff, v3  }
0x600: {  	v2 =	vor.u32 $0x2, v2;
	v3 =	vld [tilespmem:s21+$0x0];
	_ =	sdelay $0x2  }
0x601: {  	s25 =	simm.s32 $0x40  }
0x602: {  	v4 =	vmov s25  }
0x603: {  	s26 =	sand.u32 $0x3F0, s23;
	[tilespmem:v2+s16+$0x0] =	vst.idx.msk $0xffff, v3;
	v2 =	vshll.u32 v4, $0x7  }
0x604: {  	v3 =	vld [tilespmem:s26+$0x1300];
	v4 =	vor.u32 v1, v2;
	_ =	sdelay $0x4  }
0x605: {  	[tilespmem:v4+s16+$0x0] =	vst.idx.msk $0xffff, v3  }
0x606: {  	v3 =	vor.u32 $0x1, v4;
	v2 =	vld [tilespmem:s26+$0x1F80];
	_ =	sdelay $0x4  }
0x607: {  	[tilespmem:v3+s16+$0x0] =	vst.idx.msk $0xffff, v2  }
0x608: {  	v3 =	vor.u32 $0x2, v4;
	v2 =	vld [tilespmem:s26+$0x2C00];
	_ =	sdelay $0x2  }
0x609: {  	s24 =	simm.s32 $0x50;
	s23 =	simm.s32 $0x90;
	s25 =	simm.s32 $0xE0  }
.LBB2_13:
0x60a: {  	p2 =	sne.s32 s25, $0x180;
	v4 =	vmov s24  }
0x60b: {  	s0 =	sadd.s32 $0x50, s0;
	v4 =	vshll.u32 v4, $0x7;
	[tilespmem:v3+s16+$0x0] =	vst.idx.msk $0xffff, v2  }
0x60c: {  	v2 =	vld [tilespmem:s0+$0xFFFFFFD0];
	v3 =	vor.u32 v1, v4;
	_ =	sdelay $0x4  }
0x60d: {  	s29 =	sadd.s32 $0x50, s29;
	[tilespmem:v3+s16+$0x0] =	vst.idx.msk $0xffff, v2  }
0x60e: {  	v4 =	vor.u32 $0x1, v3;
	v2 =	vld [tilespmem:s29+$0xFFFFFFD0];
	_ =	sdelay $0x4  }
0x60f: {  	s21 =	sadd.s32 $0x50, s21;
	[tilespmem:v4+s16+$0x0] =	vst.idx.msk $0xffff, v2  }
0x610: {  	v3 =	vor.u32 $0x2, v3;
	v2 =	vld [tilespmem:s21+$0xFFFFFFD0];
	_ =	sdelay $0x2  }
0x611: {  	s26 =	sadd.s32 $0xFFFFFFD0, s23  }
0x612: {  	v4 =	vmov s26  }
0x613: {  	[tilespmem:v3+s16+$0x0] =	vst.idx.msk $0xffff, v2;
	v2 =	vshll.u32 v4, $0x7  }
0x614: {  	v3 =	vld [tilespmem:s0+$0xFFFFFFE0];
	v2 =	vor.u32 v1, v2;
	_ =	sdelay $0x4  }
0x615: {  	[tilespmem:v2+s16+$0x0] =	vst.idx.msk $0xffff, v3  }
0x616: {  	v4 =	vor.u32 $0x1, v2;
	v3 =	vld [tilespmem:s29+$0xFFFFFFE0];
	_ =	sdelay $0x4  }
0x617: {  	[tilespmem:v4+s16+$0x0] =	vst.idx.msk $0xffff, v3  }
0x618: {  	v2 =	vor.u32 $0x2, v2;
	v3 =	vld [tilespmem:s21+$0xFFFFFFE0];
	_ =	sdelay $0x2  }
0x619: {  	s26 =	sadd.s32 $0xFFFFFFE0, s23  }
0x61a: {  	v4 =	vmov s26  }
0x61b: {  	[tilespmem:v2+s16+$0x0] =	vst.idx.msk $0xffff, v3;
	v2 =	vshll.u32 v4, $0x7  }
0x61c: {  	v3 =	vld [tilespmem:s0+$0xFFFFFFF0];
	v2 =	vor.u32 v1, v2;
	_ =	sdelay $0x4  }
0x61d: {  	[tilespmem:v2+s16+$0x0] =	vst.idx.msk $0xffff, v3  }
0x61e: {  	v4 =	vor.u32 $0x1, v2;
	v3 =	vld [tilespmem:s29+$0xFFFFFFF0];
	_ =	sdelay $0x4  }
0x61f: {  	[tilespmem:v4+s16+$0x0] =	vst.idx.msk $0xffff, v3  }
0x620: {  	v2 =	vor.u32 $0x2, v2;
	v3 =	vld [tilespmem:s21+$0xFFFFFFF0];
	_ =	sdelay $0x2  }
0x621: {  	s26 =	sadd.s32 $0xFFFFFFF0, s23  }
0x622: {  	v4 =	vmov s26  }
0x623: {  	[tilespmem:v2+s16+$0x0] =	vst.idx.msk $0xffff, v3;
	v2 =	vshll.u32 v4, $0x7  }
0x624: {  	v3 =	vld [tilespmem:s0+$0x0];
	v2 =	vor.u32 v1, v2;
	_ =	sdelay $0x4  }
0x625: {  	[tilespmem:v2+s16+$0x0] =	vst.idx.msk $0xffff, v3  }
0x626: {  	v4 =	vor.u32 $0x1, v2;
	v3 =	vld [tilespmem:s29+$0x0];
	_ =	sdelay $0x4  }
0x627: {  	[tilespmem:v4+s16+$0x0] =	vst.idx.msk $0xffff, v3  }
0x628: {  	v2 =	vor.u32 $0x2, v2;
	v3 =	vld [tilespmem:s21+$0x0];
	_ =	sdelay $0x3  }
0x629: {  	v4 =	vmov s23;
	s23 =	smov.u32 s25  }
0x62a: {  	s24 =	sand.u32 $0x3F0, s24;
	[tilespmem:v2+s16+$0x0] =	vst.idx.msk $0xffff, v3;
	v2 =	vshll.u32 v4, $0x7  }
0x62b: {  	v3 =	vld [tilespmem:s24+$0x1300];
	v4 =	vor.u32 v1, v2;
	_ =	sdelay $0x4  }
0x62c: {  	[tilespmem:v4+s16+$0x0] =	vst.idx.msk $0xffff, v3  }
0x62d: {  	v3 =	vor.u32 $0x1, v4;
	v2 =	vld [tilespmem:s24+$0x1F80];
	_ =	sdelay $0x4  }
.Ltmp16:
0x62e: {  	[tilespmem:v3+s16+$0x0] =	vst.idx.msk $0xffff, v2;
	(pc) =	sbr.rel @p2 .LBB2_13-.Ltmp16, $2  }
0x62f: {  	v3 =	vor.u32 $0x2, v4;
	v2 =	vld [tilespmem:s24+$0x2C00];
	_ =	sdelay $0x2  }
0x630: {  	s25 =	sadd.s32 $0x50, s25;
	s24 =	sadd.s32 $0xFFFFFFC0, s23  }
0x631: {  	_ =	sdelay $0x2  }
0x632: {  	v4 =	vmov s24  }
0x633: {  	s0 =	sadd.s32 $0x50, s0;
	v4 =	vshll.u32 v4, $0x7;
	[tilespmem:v3+s16+$0x0] =	vst.idx.msk $0xffff, v2  }
0x634: {  	v2 =	vld [tilespmem:s0+$0xFFFFFFD0];
	v3 =	vor.u32 v1, v4;
	_ =	sdelay $0x4  }
0x635: {  	s25 =	sadd.s32 $0x50, s29;
	[tilespmem:v3+s16+$0x0] =	vst.idx.msk $0xffff, v2  }
0x636: {  	v4 =	vor.u32 $0x1, v3;
	v2 =	vld [tilespmem:s25+$0xFFFFFFD0];
	_ =	sdelay $0x4  }
0x637: {  	s21 =	sadd.s32 $0x50, s21;
	[tilespmem:v4+s16+$0x0] =	vst.idx.msk $0xffff, v2  }
0x638: {  	v3 =	vor.u32 $0x2, v3;
	v2 =	vld [tilespmem:s21+$0xFFFFFFD0];
	_ =	sdelay $0x2  }
0x639: {  	s26 =	sadd.s32 $0xFFFFFFD0, s23  }
0x63a: {  	v4 =	vmov s26  }
0x63b: {  	[tilespmem:v3+s16+$0x0] =	vst.idx.msk $0xffff, v2;
	v2 =	vshll.u32 v4, $0x7  }
0x63c: {  	v3 =	vld [tilespmem:s0+$0xFFFFFFE0];
	v2 =	vor.u32 v1, v2;
	_ =	sdelay $0x4  }
0x63d: {  	[tilespmem:v2+s16+$0x0] =	vst.idx.msk $0xffff, v3  }
0x63e: {  	v4 =	vor.u32 $0x1, v2;
	v3 =	vld [tilespmem:s25+$0xFFFFFFE0];
	_ =	sdelay $0x4  }
0x63f: {  	[tilespmem:v4+s16+$0x0] =	vst.idx.msk $0xffff, v3  }
0x640: {  	v2 =	vor.u32 $0x2, v2;
	v3 =	vld [tilespmem:s21+$0xFFFFFFE0];
	_ =	sdelay $0x2  }
0x641: {  	s26 =	sadd.s32 $0xFFFFFFE0, s23  }
0x642: {  	v4 =	vmov s26  }
0x643: {  	[tilespmem:v2+s16+$0x0] =	vst.idx.msk $0xffff, v3;
	v2 =	vshll.u32 v4, $0x7  }
0x644: {  	v3 =	vld [tilespmem:s0+$0xFFFFFFF0];
	v2 =	vor.u32 v1, v2;
	_ =	sdelay $0x4  }
0x645: {  	[tilespmem:v2+s16+$0x0] =	vst.idx.msk $0xffff, v3  }
0x646: {  	v4 =	vor.u32 $0x1, v2;
	v3 =	vld [tilespmem:s25+$0xFFFFFFF0];
	_ =	sdelay $0x4  }
0x647: {  	[tilespmem:v4+s16+$0x0] =	vst.idx.msk $0xffff, v3  }
0x648: {  	v2 =	vor.u32 $0x2, v2;
	v3 =	vld [tilespmem:s21+$0xFFFFFFF0];
	_ =	sdelay $0x2  }
0x649: {  	s26 =	sadd.s32 $0xFFFFFFF0, s23  }
0x64a: {  	v4 =	vmov s26  }
0x64b: {  	[tilespmem:v2+s16+$0x0] =	vst.idx.msk $0xffff, v3;
	v2 =	vshll.u32 v4, $0x7  }
0x64c: {  	v3 =	vld [tilespmem:s0+$0x0];
	v2 =	vor.u32 v1, v2;
	_ =	sdelay $0x4  }
0x64d: {  	[tilespmem:v2+s16+$0x0] =	vst.idx.msk $0xffff, v3  }
0x64e: {  	v4 =	vor.u32 $0x1, v2;
	v3 =	vld [tilespmem:s25+$0x0];
	_ =	sdelay $0x4  }
0x64f: {  	[tilespmem:v4+s16+$0x0] =	vst.idx.msk $0xffff, v3  }
0x650: {  	v2 =	vor.u32 $0x2, v2;
	v3 =	vld [tilespmem:s21+$0x0];
	_ =	sdelay $0x3  }
0x651: {  	v4 =	vmov s23  }
0x652: {  	s23 =	sand.u32 $0x3F0, s24;
	[tilespmem:v2+s16+$0x0] =	vst.idx.msk $0xffff, v3;
	v2 =	vshll.u32 v4, $0x7  }
0x653: {  	v3 =	vld [tilespmem:s23+$0x1300];
	v2 =	vor.u32 v1, v2;
	_ =	sdelay $0x4  }
0x654: {  	[tilespmem:v2+s16+$0x0] =	vst.idx.msk $0xffff, v3  }
0x655: {  	v4 =	vor.u32 $0x1, v2;
	v3 =	vld [tilespmem:s23+$0x1F80];
	_ =	sdelay $0x4  }
0x656: {  	[tilespmem:v4+s16+$0x0] =	vst.idx.msk $0xffff, v3  }
0x657: {  	v2 =	vor.u32 $0x2, v2;
	v3 =	vld [tilespmem:s23+$0x2C00];
	_ =	sdelay $0x4  }
0x658: {  	[tilespmem:v2+s16+$0x0] =	vst.idx.msk $0xffff, v3  }
0x659: {  	[hbm4b:s12+s3] =	stream.linear.scatter [tilespmem:s16], [sflag:$0x3], $0xC800, $0x38;
	[tilespmem:$0x1CA28] =	vst v63  }
0x65a: {  	_ =	swait.ge [sflag:s19], $0xC800  }
0x65b: {  	[sflag:s19] =	ssyncset.done $0x0  }
0x65c: {  	[sflag:s19] =	ssyncadd.s32 $0xFFFF3800  }
0x65d: {  	_ =	swait.ge [sflag:s20], $0xC800  }
0x65e: {  	s24 =	simm.s32 $0x0;
	[sflag:s20] =	ssyncset.done $0x0  }
0x65f: {  	s0 =	simm.s32 $0x1490;
	s25 =	simm.s32 $0x960;
	v2 =	vmov s24;
	[sflag:s20] =	ssyncadd.s32 $0xFFFF3800  }
0x660: {  	v2 =	vshll.u32 v2, $0x7;
	[tilespmem:s16], [sflag:$0x1] =	stream.indirect.gather [spmem:s2], $0x80, s25, s31, $0xb8;
	[tilespmem:$0x1CA28] =	vst v63  }
0x661: {  	v2 =	vor.u32 v1, v2;
	v3 =	vld [tilespmem:s0+$0xFFFFFFC0];
	_ =	sdelay $0x4  }
0x662: {  	s21 =	simm.s32 $0x2110;
	[tilespmem:v2+s18+$0x0] =	vst.idx.msk $0xffff, v3  }
0x663: {  	v4 =	vor.u32 $0x1, v2;
	v3 =	vld [tilespmem:s21+$0xFFFFFFC0];
	_ =	sdelay $0x4  }
0x664: {  	s29 =	simm.s32 $0x2D90;
	[tilespmem:v4+s18+$0x0] =	vst.idx.msk $0xffff, v3  }
0x665: {  	v2 =	vor.u32 $0x2, v2;
	v3 =	vld [tilespmem:s29+$0xFFFFFFC0];
	_ =	sdelay $0x2  }
0x666: {  	s26 =	simm.s32 $0x10  }
0x667: {  	v4 =	vmov s26  }
0x668: {  	[tilespmem:v2+s18+$0x0] =	vst.idx.msk $0xffff, v3;
	v2 =	vshll.u32 v4, $0x7  }
0x669: {  	v3 =	vld [tilespmem:s0+$0xFFFFFFD0];
	v2 =	vor.u32 v1, v2;
	_ =	sdelay $0x4  }
0x66a: {  	[tilespmem:v2+s18+$0x0] =	vst.idx.msk $0xffff, v3  }
0x66b: {  	v4 =	vor.u32 $0x1, v2;
	v3 =	vld [tilespmem:s21+$0xFFFFFFD0];
	_ =	sdelay $0x4  }
0x66c: {  	[tilespmem:v4+s18+$0x0] =	vst.idx.msk $0xffff, v3  }
0x66d: {  	v2 =	vor.u32 $0x2, v2;
	v3 =	vld [tilespmem:s29+$0xFFFFFFD0];
	_ =	sdelay $0x2  }
0x66e: {  	s24 =	simm.s32 $0x20  }
0x66f: {  	v4 =	vmov s24  }
0x670: {  	[tilespmem:v2+s18+$0x0] =	vst.idx.msk $0xffff, v3;
	v2 =	vshll.u32 v4, $0x7  }
0x671: {  	v3 =	vld [tilespmem:s0+$0xFFFFFFE0];
	v2 =	vor.u32 v1, v2;
	_ =	sdelay $0x4  }
0x672: {  	[tilespmem:v2+s18+$0x0] =	vst.idx.msk $0xffff, v3  }
0x673: {  	v4 =	vor.u32 $0x1, v2;
	v3 =	vld [tilespmem:s21+$0xFFFFFFE0];
	_ =	sdelay $0x4  }
0x674: {  	[tilespmem:v4+s18+$0x0] =	vst.idx.msk $0xffff, v3  }
0x675: {  	v2 =	vor.u32 $0x2, v2;
	v3 =	vld [tilespmem:s29+$0xFFFFFFE0];
	_ =	sdelay $0x2  }
0x676: {  	s25 =	simm.s32 $0x30  }
0x677: {  	v4 =	vmov s25  }
0x678: {  	[tilespmem:v2+s18+$0x0] =	vst.idx.msk $0xffff, v3;
	v2 =	vshll.u32 v4, $0x7  }
0x679: {  	v3 =	vld [tilespmem:s0+$0xFFFFFFF0];
	v2 =	vor.u32 v1, v2;
	_ =	sdelay $0x4  }
0x67a: {  	[tilespmem:v2+s18+$0x0] =	vst.idx.msk $0xffff, v3  }
0x67b: {  	v4 =	vor.u32 $0x1, v2;
	v3 =	vld [tilespmem:s21+$0xFFFFFFF0];
	_ =	sdelay $0x4  }
0x67c: {  	[tilespmem:v4+s18+$0x0] =	vst.idx.msk $0xffff, v3  }
0x67d: {  	v2 =	vor.u32 $0x2, v2;
	v3 =	vld [tilespmem:s29+$0xFFFFFFF0];
	_ =	sdelay $0x2  }
0x67e: {  	s26 =	simm.s32 $0x40  }
0x67f: {  	v4 =	vmov s26  }
0x680: {  	[tilespmem:v2+s18+$0x0] =	vst.idx.msk $0xffff, v3;
	v2 =	vshll.u32 v4, $0x7  }
0x681: {  	v3 =	vld [tilespmem:s0+$0x0];
	v4 =	vor.u32 v1, v2;
	_ =	sdelay $0x4  }
0x682: {  	[tilespmem:v4+s18+$0x0] =	vst.idx.msk $0xffff, v3  }
0x683: {  	v3 =	vor.u32 $0x1, v4;
	v2 =	vld [tilespmem:s21+$0x0];
	_ =	sdelay $0x4  }
0x684: {  	[tilespmem:v3+s18+$0x0] =	vst.idx.msk $0xffff, v2  }
0x685: {  	v3 =	vor.u32 $0x2, v4;
	v2 =	vld [tilespmem:s29+$0x0];
	_ =	sdelay $0x2  }
0x686: {  	s23 =	simm.s32 $0x90;
	s24 =	simm.s32 $0xE0;
	s25 =	simm.s32 $0x50  }
.LBB2_15:
0x687: {  	p2 =	sne.s32 s24, $0x180;
	v4 =	vmov s25  }
0x688: {  	s0 =	sadd.s32 $0x50, s0;
	v4 =	vshll.u32 v4, $0x7;
	[tilespmem:v3+s18+$0x0] =	vst.idx.msk $0xffff, v2  }
0x689: {  	v2 =	vld [tilespmem:s0+$0xFFFFFFC0];
	v3 =	vor.u32 v1, v4;
	_ =	sdelay $0x4  }
0x68a: {  	s21 =	sadd.s32 $0x50, s21;
	[tilespmem:v3+s18+$0x0] =	vst.idx.msk $0xffff, v2  }
0x68b: {  	v4 =	vor.u32 $0x1, v3;
	v2 =	vld [tilespmem:s21+$0xFFFFFFC0];
	_ =	sdelay $0x4  }
0x68c: {  	s29 =	sadd.s32 $0x50, s29;
	[tilespmem:v4+s18+$0x0] =	vst.idx.msk $0xffff, v2  }
0x68d: {  	v3 =	vor.u32 $0x2, v3;
	v2 =	vld [tilespmem:s29+$0xFFFFFFC0];
	_ =	sdelay $0x2  }
0x68e: {  	s25 =	sadd.s32 $0xFFFFFFD0, s23  }
0x68f: {  	v4 =	vmov s25  }
0x690: {  	[tilespmem:v3+s18+$0x0] =	vst.idx.msk $0xffff, v2;
	v2 =	vshll.u32 v4, $0x7  }
0x691: {  	v3 =	vld [tilespmem:s0+$0xFFFFFFD0];
	v2 =	vor.u32 v1, v2;
	_ =	sdelay $0x4  }
0x692: {  	[tilespmem:v2+s18+$0x0] =	vst.idx.msk $0xffff, v3  }
0x693: {  	v4 =	vor.u32 $0x1, v2;
	v3 =	vld [tilespmem:s21+$0xFFFFFFD0];
	_ =	sdelay $0x4  }
0x694: {  	[tilespmem:v4+s18+$0x0] =	vst.idx.msk $0xffff, v3  }
0x695: {  	v2 =	vor.u32 $0x2, v2;
	v3 =	vld [tilespmem:s29+$0xFFFFFFD0];
	_ =	sdelay $0x2  }
0x696: {  	s25 =	sadd.s32 $0xFFFFFFE0, s23  }
0x697: {  	v4 =	vmov s25  }
0x698: {  	[tilespmem:v2+s18+$0x0] =	vst.idx.msk $0xffff, v3;
	v2 =	vshll.u32 v4, $0x7  }
0x699: {  	v3 =	vld [tilespmem:s0+$0xFFFFFFE0];
	v2 =	vor.u32 v1, v2;
	_ =	sdelay $0x4  }
0x69a: {  	[tilespmem:v2+s18+$0x0] =	vst.idx.msk $0xffff, v3  }
0x69b: {  	v4 =	vor.u32 $0x1, v2;
	v3 =	vld [tilespmem:s21+$0xFFFFFFE0];
	_ =	sdelay $0x4  }
0x69c: {  	[tilespmem:v4+s18+$0x0] =	vst.idx.msk $0xffff, v3  }
0x69d: {  	v2 =	vor.u32 $0x2, v2;
	v3 =	vld [tilespmem:s29+$0xFFFFFFE0];
	_ =	sdelay $0x2  }
0x69e: {  	s25 =	sadd.s32 $0xFFFFFFF0, s23  }
0x69f: {  	v4 =	vmov s25  }
0x6a0: {  	[tilespmem:v2+s18+$0x0] =	vst.idx.msk $0xffff, v3;
	v2 =	vshll.u32 v4, $0x7  }
0x6a1: {  	v3 =	vld [tilespmem:s0+$0xFFFFFFF0];
	v2 =	vor.u32 v1, v2;
	_ =	sdelay $0x4  }
0x6a2: {  	[tilespmem:v2+s18+$0x0] =	vst.idx.msk $0xffff, v3  }
0x6a3: {  	v4 =	vor.u32 $0x1, v2;
	v3 =	vld [tilespmem:s21+$0xFFFFFFF0];
	_ =	sdelay $0x4  }
0x6a4: {  	[tilespmem:v4+s18+$0x0] =	vst.idx.msk $0xffff, v3  }
0x6a5: {  	v2 =	vor.u32 $0x2, v2;
	v3 =	vld [tilespmem:s29+$0xFFFFFFF0];
	_ =	sdelay $0x3  }
0x6a6: {  	v4 =	vmov s23;
	s23 =	smov.u32 s24  }
0x6a7: {  	[tilespmem:v2+s18+$0x0] =	vst.idx.msk $0xffff, v3;
	v2 =	vshll.u32 v4, $0x7  }
0x6a8: {  	v3 =	vld [tilespmem:s0+$0x0];
	v4 =	vor.u32 v1, v2;
	_ =	sdelay $0x4  }
0x6a9: {  	[tilespmem:v4+s18+$0x0] =	vst.idx.msk $0xffff, v3  }
0x6aa: {  	v3 =	vor.u32 $0x1, v4;
	v2 =	vld [tilespmem:s21+$0x0];
	_ =	sdelay $0x4  }
.Ltmp17:
0x6ab: {  	[tilespmem:v3+s18+$0x0] =	vst.idx.msk $0xffff, v2;
	(pc) =	sbr.rel @p2 .LBB2_15-.Ltmp17, $2  }
0x6ac: {  	v3 =	vor.u32 $0x2, v4;
	v2 =	vld [tilespmem:s29+$0x0];
	_ =	sdelay $0x2  }
0x6ad: {  	s24 =	sadd.s32 $0x50, s24;
	s25 =	sadd.s32 $0xFFFFFFC0, s23  }
0x6ae: {  	_ =	sdelay $0x2  }
0x6af: {  	v4 =	vmov s25  }
0x6b0: {  	s0 =	sadd.s32 $0x50, s0;
	v4 =	vshll.u32 v4, $0x7;
	[tilespmem:v3+s18+$0x0] =	vst.idx.msk $0xffff, v2  }
0x6b1: {  	v2 =	vld [tilespmem:s0+$0xFFFFFFC0];
	v3 =	vor.u32 v1, v4;
	_ =	sdelay $0x4  }
0x6b2: {  	s21 =	sadd.s32 $0x50, s21;
	[tilespmem:v3+s18+$0x0] =	vst.idx.msk $0xffff, v2  }
0x6b3: {  	v4 =	vor.u32 $0x1, v3;
	v2 =	vld [tilespmem:s21+$0xFFFFFFC0];
	_ =	sdelay $0x4  }
0x6b4: {  	s24 =	sadd.s32 $0x50, s29;
	[tilespmem:v4+s18+$0x0] =	vst.idx.msk $0xffff, v2  }
0x6b5: {  	v3 =	vor.u32 $0x2, v3;
	v2 =	vld [tilespmem:s24+$0xFFFFFFC0];
	_ =	sdelay $0x2  }
0x6b6: {  	s26 =	sadd.s32 $0xFFFFFFD0, s23  }
0x6b7: {  	v4 =	vmov s26  }
0x6b8: {  	[tilespmem:v3+s18+$0x0] =	vst.idx.msk $0xffff, v2;
	v2 =	vshll.u32 v4, $0x7  }
0x6b9: {  	v3 =	vld [tilespmem:s0+$0xFFFFFFD0];
	v2 =	vor.u32 v1, v2;
	_ =	sdelay $0x4  }
0x6ba: {  	[tilespmem:v2+s18+$0x0] =	vst.idx.msk $0xffff, v3  }
0x6bb: {  	v4 =	vor.u32 $0x1, v2;
	v3 =	vld [tilespmem:s21+$0xFFFFFFD0];
	_ =	sdelay $0x4  }
0x6bc: {  	[tilespmem:v4+s18+$0x0] =	vst.idx.msk $0xffff, v3  }
0x6bd: {  	v2 =	vor.u32 $0x2, v2;
	v3 =	vld [tilespmem:s24+$0xFFFFFFD0];
	_ =	sdelay $0x2  }
0x6be: {  	s26 =	sadd.s32 $0xFFFFFFE0, s23  }
0x6bf: {  	v4 =	vmov s26  }
0x6c0: {  	[tilespmem:v2+s18+$0x0] =	vst.idx.msk $0xffff, v3;
	v2 =	vshll.u32 v4, $0x7  }
0x6c1: {  	v3 =	vld [tilespmem:s0+$0xFFFFFFE0];
	v2 =	vor.u32 v1, v2;
	_ =	sdelay $0x4  }
0x6c2: {  	[tilespmem:v2+s18+$0x0] =	vst.idx.msk $0xffff, v3  }
0x6c3: {  	v4 =	vor.u32 $0x1, v2;
	v3 =	vld [tilespmem:s21+$0xFFFFFFE0];
	_ =	sdelay $0x4  }
0x6c4: {  	[tilespmem:v4+s18+$0x0] =	vst.idx.msk $0xffff, v3  }
0x6c5: {  	v2 =	vor.u32 $0x2, v2;
	v3 =	vld [tilespmem:s24+$0xFFFFFFE0];
	_ =	sdelay $0x2  }
0x6c6: {  	s26 =	sadd.s32 $0xFFFFFFF0, s23  }
0x6c7: {  	v4 =	vmov s26  }
0x6c8: {  	[tilespmem:v2+s18+$0x0] =	vst.idx.msk $0xffff, v3;
	v2 =	vshll.u32 v4, $0x7  }
0x6c9: {  	v3 =	vld [tilespmem:s0+$0xFFFFFFF0];
	v2 =	vor.u32 v1, v2;
	_ =	sdelay $0x4  }
0x6ca: {  	[tilespmem:v2+s18+$0x0] =	vst.idx.msk $0xffff, v3  }
0x6cb: {  	v4 =	vor.u32 $0x1, v2;
	v3 =	vld [tilespmem:s21+$0xFFFFFFF0];
	_ =	sdelay $0x4  }
0x6cc: {  	[tilespmem:v4+s18+$0x0] =	vst.idx.msk $0xffff, v3  }
0x6cd: {  	v2 =	vor.u32 $0x2, v2;
	v3 =	vld [tilespmem:s24+$0xFFFFFFF0];
	_ =	sdelay $0x3  }
0x6ce: {  	v4 =	vmov s23  }
0x6cf: {  	[tilespmem:v2+s18+$0x0] =	vst.idx.msk $0xffff, v3;
	v2 =	vshll.u32 v4, $0x7  }
0x6d0: {  	v3 =	vld [tilespmem:s0+$0x0];
	v2 =	vor.u32 v1, v2;
	_ =	sdelay $0x4  }
0x6d1: {  	[tilespmem:v2+s18+$0x0] =	vst.idx.msk $0xffff, v3  }
0x6d2: {  	v4 =	vor.u32 $0x1, v2;
	v3 =	vld [tilespmem:s21+$0x0];
	_ =	sdelay $0x4  }
0x6d3: {  	[tilespmem:v4+s18+$0x0] =	vst.idx.msk $0xffff, v3  }
0x6d4: {  	v2 =	vor.u32 $0x2, v2;
	v3 =	vld [tilespmem:s24+$0x0];
	_ =	sdelay $0x4  }
0x6d5: {  	[tilespmem:v2+s18+$0x0] =	vst.idx.msk $0xffff, v3  }
0x6d6: {  	[hbm4b:s13+s3] =	stream.linear.scatter [tilespmem:s18], [sflag:$0x4], $0xC800, $0x38;
	[tilespmem:$0x1CA28] =	vst v63  }
0x6d7: {  	_ =	swait.ge [sflag:s17], $0xC800  }
0x6d8: {  	[sflag:s17] =	ssyncset.done $0x0  }
0x6d9: {  	[sflag:s17] =	ssyncadd.s32 $0xFFFF3800  }
0x6da: {  	_ =	swait.ge [sflag:s22], $0xC800  }
0x6db: {  	s23 =	simm.s32 $0x0;
	[sflag:s22] =	ssyncset.done $0x0  }
0x6dc: {  	s0 =	simm.s32 $0x1620;
	s24 =	simm.s32 $0xAF0;
	v2 =	vmov s23;
	[sflag:s22] =	ssyncadd.s32 $0xFFFF3800  }
0x6dd: {  	v2 =	vshll.u32 v2, $0x7;
	[tilespmem:s18], [sflag:$0x2] =	stream.indirect.gather [spmem:s2], $0x80, s24, s31, $0xb8;
	[tilespmem:$0x1CA28] =	vst v63  }
0x6de: {  	v2 =	vor.u32 v1, v2;
	v3 =	vld [tilespmem:s0+$0xFFFFFFC0];
	_ =	sdelay $0x4  }
0x6df: {  	s21 =	simm.s32 $0x22A0;
	[tilespmem:v2+s16+$0x0] =	vst.idx.msk $0xffff, v3  }
0x6e0: {  	v4 =	vor.u32 $0x1, v2;
	v3 =	vld [tilespmem:s21+$0xFFFFFFC0];
	_ =	sdelay $0x4  }
0x6e1: {  	s29 =	simm.s32 $0x2F20;
	[tilespmem:v4+s16+$0x0] =	vst.idx.msk $0xffff, v3  }
0x6e2: {  	v2 =	vor.u32 $0x2, v2;
	v3 =	vld [tilespmem:s29+$0xFFFFFFC0];
	_ =	sdelay $0x2  }
0x6e3: {  	s25 =	simm.s32 $0x10  }
0x6e4: {  	v4 =	vmov s25  }
0x6e5: {  	[tilespmem:v2+s16+$0x0] =	vst.idx.msk $0xffff, v3;
	v2 =	vshll.u32 v4, $0x7  }
0x6e6: {  	v3 =	vld [tilespmem:s0+$0xFFFFFFD0];
	v2 =	vor.u32 v1, v2;
	_ =	sdelay $0x4  }
0x6e7: {  	[tilespmem:v2+s16+$0x0] =	vst.idx.msk $0xffff, v3  }
0x6e8: {  	v4 =	vor.u32 $0x1, v2;
	v3 =	vld [tilespmem:s21+$0xFFFFFFD0];
	_ =	sdelay $0x4  }
0x6e9: {  	[tilespmem:v4+s16+$0x0] =	vst.idx.msk $0xffff, v3  }
0x6ea: {  	v2 =	vor.u32 $0x2, v2;
	v3 =	vld [tilespmem:s29+$0xFFFFFFD0];
	_ =	sdelay $0x2  }
0x6eb: {  	s26 =	simm.s32 $0x20  }
0x6ec: {  	v4 =	vmov s26  }
0x6ed: {  	s23 =	sand.u32 $0x3F0, s23;
	[tilespmem:v2+s16+$0x0] =	vst.idx.msk $0xffff, v3;
	v2 =	vshll.u32 v4, $0x7  }
0x6ee: {  	v3 =	vld [tilespmem:s23+$0x1600];
	v2 =	vor.u32 v1, v2;
	_ =	sdelay $0x4  }
0x6ef: {  	[tilespmem:v2+s16+$0x0] =	vst.idx.msk $0xffff, v3  }
0x6f0: {  	v4 =	vor.u32 $0x1, v2;
	v3 =	vld [tilespmem:s23+$0x2280];
	_ =	sdelay $0x4  }
0x6f1: {  	[tilespmem:v4+s16+$0x0] =	vst.idx.msk $0xffff, v3  }
0x6f2: {  	v2 =	vor.u32 $0x2, v2;
	v3 =	vld [tilespmem:s23+$0x2F00];
	_ =	sdelay $0x2  }
0x6f3: {  	s25 =	simm.s32 $0x30  }
0x6f4: {  	v4 =	vmov s25  }
0x6f5: {  	[tilespmem:v2+s16+$0x0] =	vst.idx.msk $0xffff, v3;
	v2 =	vshll.u32 v4, $0x7  }
0x6f6: {  	v3 =	vld [tilespmem:s0+$0xFFFFFFF0];
	v2 =	vor.u32 v1, v2;
	_ =	sdelay $0x4  }
0x6f7: {  	[tilespmem:v2+s16+$0x0] =	vst.idx.msk $0xffff, v3  }
0x6f8: {  	v4 =	vor.u32 $0x1, v2;
	v3 =	vld [tilespmem:s21+$0xFFFFFFF0];
	_ =	sdelay $0x4  }
0x6f9: {  	[tilespmem:v4+s16+$0x0] =	vst.idx.msk $0xffff, v3  }
0x6fa: {  	v2 =	vor.u32 $0x2, v2;
	v3 =	vld [tilespmem:s29+$0xFFFFFFF0];
	_ =	sdelay $0x2  }
0x6fb: {  	s26 =	simm.s32 $0x40  }
0x6fc: {  	v4 =	vmov s26  }
0x6fd: {  	[tilespmem:v2+s16+$0x0] =	vst.idx.msk $0xffff, v3;
	v2 =	vshll.u32 v4, $0x7  }
0x6fe: {  	v3 =	vld [tilespmem:s0+$0x0];
	v4 =	vor.u32 v1, v2;
	_ =	sdelay $0x4  }
0x6ff: {  	[tilespmem:v4+s16+$0x0] =	vst.idx.msk $0xffff, v3  }
0x700: {  	v3 =	vor.u32 $0x1, v4;
	v2 =	vld [tilespmem:s21+$0x0];
	_ =	sdelay $0x4  }
0x701: {  	[tilespmem:v3+s16+$0x0] =	vst.idx.msk $0xffff, v2  }
0x702: {  	v3 =	vor.u32 $0x2, v4;
	v2 =	vld [tilespmem:s29+$0x0];
	_ =	sdelay $0x2  }
0x703: {  	s24 =	simm.s32 $0xE0;
	s25 =	simm.s32 $0x50;
	s23 =	simm.s32 $0x90  }
.LBB2_17:
0x704: {  	p2 =	sne.s32 s24, $0x180;
	v4 =	vmov s25  }
0x705: {  	s0 =	sadd.s32 $0x50, s0;
	v4 =	vshll.u32 v4, $0x7;
	[tilespmem:v3+s16+$0x0] =	vst.idx.msk $0xffff, v2  }
0x706: {  	v2 =	vld [tilespmem:s0+$0xFFFFFFC0];
	v3 =	vor.u32 v1, v4;
	_ =	sdelay $0x4  }
0x707: {  	s21 =	sadd.s32 $0x50, s21;
	[tilespmem:v3+s16+$0x0] =	vst.idx.msk $0xffff, v2  }
0x708: {  	v4 =	vor.u32 $0x1, v3;
	v2 =	vld [tilespmem:s21+$0xFFFFFFC0];
	_ =	sdelay $0x4  }
0x709: {  	s29 =	sadd.s32 $0x50, s29;
	[tilespmem:v4+s16+$0x0] =	vst.idx.msk $0xffff, v2  }
0x70a: {  	v3 =	vor.u32 $0x2, v3;
	v2 =	vld [tilespmem:s29+$0xFFFFFFC0];
	_ =	sdelay $0x2  }
0x70b: {  	s26 =	sadd.s32 $0xFFFFFFD0, s23  }
0x70c: {  	v4 =	vmov s26  }
0x70d: {  	[tilespmem:v3+s16+$0x0] =	vst.idx.msk $0xffff, v2;
	v2 =	vshll.u32 v4, $0x7  }
0x70e: {  	v3 =	vld [tilespmem:s0+$0xFFFFFFD0];
	v2 =	vor.u32 v1, v2;
	_ =	sdelay $0x4  }
0x70f: {  	[tilespmem:v2+s16+$0x0] =	vst.idx.msk $0xffff, v3  }
0x710: {  	v4 =	vor.u32 $0x1, v2;
	v3 =	vld [tilespmem:s21+$0xFFFFFFD0];
	_ =	sdelay $0x4  }
0x711: {  	[tilespmem:v4+s16+$0x0] =	vst.idx.msk $0xffff, v3  }
0x712: {  	v2 =	vor.u32 $0x2, v2;
	v3 =	vld [tilespmem:s29+$0xFFFFFFD0];
	_ =	sdelay $0x2  }
0x713: {  	s26 =	sadd.s32 $0xFFFFFFE0, s23  }
0x714: {  	v4 =	vmov s26  }
0x715: {  	s25 =	sand.u32 $0x3F0, s25;
	[tilespmem:v2+s16+$0x0] =	vst.idx.msk $0xffff, v3;
	v2 =	vshll.u32 v4, $0x7  }
0x716: {  	v3 =	vld [tilespmem:s25+$0x1600];
	v2 =	vor.u32 v1, v2;
	_ =	sdelay $0x4  }
0x717: {  	[tilespmem:v2+s16+$0x0] =	vst.idx.msk $0xffff, v3  }
0x718: {  	v4 =	vor.u32 $0x1, v2;
	v3 =	vld [tilespmem:s25+$0x2280];
	_ =	sdelay $0x4  }
0x719: {  	[tilespmem:v4+s16+$0x0] =	vst.idx.msk $0xffff, v3  }
0x71a: {  	v2 =	vor.u32 $0x2, v2;
	v3 =	vld [tilespmem:s25+$0x2F00];
	_ =	sdelay $0x2  }
0x71b: {  	s25 =	sadd.s32 $0xFFFFFFF0, s23  }
0x71c: {  	v4 =	vmov s25  }
0x71d: {  	[tilespmem:v2+s16+$0x0] =	vst.idx.msk $0xffff, v3;
	v2 =	vshll.u32 v4, $0x7  }
0x71e: {  	v3 =	vld [tilespmem:s0+$0xFFFFFFF0];
	v2 =	vor.u32 v1, v2;
	_ =	sdelay $0x4  }
0x71f: {  	[tilespmem:v2+s16+$0x0] =	vst.idx.msk $0xffff, v3  }
0x720: {  	v4 =	vor.u32 $0x1, v2;
	v3 =	vld [tilespmem:s21+$0xFFFFFFF0];
	_ =	sdelay $0x4  }
0x721: {  	[tilespmem:v4+s16+$0x0] =	vst.idx.msk $0xffff, v3  }
0x722: {  	v2 =	vor.u32 $0x2, v2;
	v3 =	vld [tilespmem:s29+$0xFFFFFFF0];
	_ =	sdelay $0x3  }
0x723: {  	v4 =	vmov s23;
	s23 =	smov.u32 s24  }
0x724: {  	[tilespmem:v2+s16+$0x0] =	vst.idx.msk $0xffff, v3;
	v2 =	vshll.u32 v4, $0x7  }
0x725: {  	v3 =	vld [tilespmem:s0+$0x0];
	v4 =	vor.u32 v1, v2;
	_ =	sdelay $0x4  }
0x726: {  	[tilespmem:v4+s16+$0x0] =	vst.idx.msk $0xffff, v3  }
0x727: {  	v3 =	vor.u32 $0x1, v4;
	v2 =	vld [tilespmem:s21+$0x0];
	_ =	sdelay $0x4  }
.Ltmp18:
0x728: {  	[tilespmem:v3+s16+$0x0] =	vst.idx.msk $0xffff, v2;
	(pc) =	sbr.rel @p2 .LBB2_17-.Ltmp18, $2  }
0x729: {  	v3 =	vor.u32 $0x2, v4;
	v2 =	vld [tilespmem:s29+$0x0];
	_ =	sdelay $0x2  }
0x72a: {  	s24 =	sadd.s32 $0x50, s24;
	s25 =	sadd.s32 $0xFFFFFFC0, s23  }
0x72b: {  	_ =	sdelay $0x2  }
0x72c: {  	v4 =	vmov s25  }
0x72d: {  	s0 =	sadd.s32 $0x50, s0;
	v4 =	vshll.u32 v4, $0x7;
	[tilespmem:v3+s16+$0x0] =	vst.idx.msk $0xffff, v2  }
0x72e: {  	v2 =	vld [tilespmem:s0+$0xFFFFFFC0];
	v3 =	vor.u32 v1, v4;
	_ =	sdelay $0x4  }
0x72f: {  	s21 =	sadd.s32 $0x50, s21;
	[tilespmem:v3+s16+$0x0] =	vst.idx.msk $0xffff, v2  }
0x730: {  	v4 =	vor.u32 $0x1, v3;
	v2 =	vld [tilespmem:s21+$0xFFFFFFC0];
	_ =	sdelay $0x4  }
0x731: {  	s24 =	sadd.s32 $0x50, s29;
	[tilespmem:v4+s16+$0x0] =	vst.idx.msk $0xffff, v2  }
0x732: {  	v3 =	vor.u32 $0x2, v3;
	v2 =	vld [tilespmem:s24+$0xFFFFFFC0];
	_ =	sdelay $0x2  }
0x733: {  	s26 =	sadd.s32 $0xFFFFFFD0, s23  }
0x734: {  	v4 =	vmov s26  }
0x735: {  	[tilespmem:v3+s16+$0x0] =	vst.idx.msk $0xffff, v2;
	v2 =	vshll.u32 v4, $0x7  }
0x736: {  	v3 =	vld [tilespmem:s0+$0xFFFFFFD0];
	v2 =	vor.u32 v1, v2;
	_ =	sdelay $0x4  }
0x737: {  	[tilespmem:v2+s16+$0x0] =	vst.idx.msk $0xffff, v3  }
0x738: {  	v4 =	vor.u32 $0x1, v2;
	v3 =	vld [tilespmem:s21+$0xFFFFFFD0];
	_ =	sdelay $0x4  }
0x739: {  	[tilespmem:v4+s16+$0x0] =	vst.idx.msk $0xffff, v3  }
0x73a: {  	v2 =	vor.u32 $0x2, v2;
	v3 =	vld [tilespmem:s24+$0xFFFFFFD0];
	_ =	sdelay $0x2  }
0x73b: {  	s26 =	sadd.s32 $0xFFFFFFE0, s23  }
0x73c: {  	v4 =	vmov s26  }
0x73d: {  	s26 =	sand.u32 $0x3F0, s25;
	[tilespmem:v2+s16+$0x0] =	vst.idx.msk $0xffff, v3;
	v2 =	vshll.u32 v4, $0x7  }
0x73e: {  	v3 =	vld [tilespmem:s26+$0x1600];
	v2 =	vor.u32 v1, v2;
	_ =	sdelay $0x4  }
0x73f: {  	[tilespmem:v2+s16+$0x0] =	vst.idx.msk $0xffff, v3  }
0x740: {  	v4 =	vor.u32 $0x1, v2;
	v3 =	vld [tilespmem:s26+$0x2280];
	_ =	sdelay $0x4  }
0x741: {  	[tilespmem:v4+s16+$0x0] =	vst.idx.msk $0xffff, v3  }
0x742: {  	v2 =	vor.u32 $0x2, v2;
	v3 =	vld [tilespmem:s26+$0x2F00];
	_ =	sdelay $0x2  }
0x743: {  	s26 =	sadd.s32 $0xFFFFFFF0, s23  }
0x744: {  	v4 =	vmov s26  }
0x745: {  	[tilespmem:v2+s16+$0x0] =	vst.idx.msk $0xffff, v3;
	v2 =	vshll.u32 v4, $0x7  }
0x746: {  	v3 =	vld [tilespmem:s0+$0xFFFFFFF0];
	v2 =	vor.u32 v1, v2;
	_ =	sdelay $0x4  }
0x747: {  	[tilespmem:v2+s16+$0x0] =	vst.idx.msk $0xffff, v3  }
0x748: {  	v4 =	vor.u32 $0x1, v2;
	v3 =	vld [tilespmem:s21+$0xFFFFFFF0];
	_ =	sdelay $0x4  }
0x749: {  	[tilespmem:v4+s16+$0x0] =	vst.idx.msk $0xffff, v3  }
0x74a: {  	v2 =	vor.u32 $0x2, v2;
	v3 =	vld [tilespmem:s24+$0xFFFFFFF0];
	_ =	sdelay $0x3  }
0x74b: {  	v4 =	vmov s23  }
0x74c: {  	[tilespmem:v2+s16+$0x0] =	vst.idx.msk $0xffff, v3;
	v2 =	vshll.u32 v4, $0x7  }
0x74d: {  	v3 =	vld [tilespmem:s0+$0x0];
	v2 =	vor.u32 v1, v2;
	_ =	sdelay $0x4  }
0x74e: {  	[tilespmem:v2+s16+$0x0] =	vst.idx.msk $0xffff, v3  }
0x74f: {  	v4 =	vor.u32 $0x1, v2;
	v3 =	vld [tilespmem:s21+$0x0];
	_ =	sdelay $0x4  }
0x750: {  	[tilespmem:v4+s16+$0x0] =	vst.idx.msk $0xffff, v3  }
0x751: {  	v2 =	vor.u32 $0x2, v2;
	v3 =	vld [tilespmem:s24+$0x0];
	_ =	sdelay $0x4  }
0x752: {  	[tilespmem:v2+s16+$0x0] =	vst.idx.msk $0xffff, v3  }
0x753: {  	[hbm4b:s14+s3] =	stream.linear.scatter [tilespmem:s16], [sflag:$0x3], $0xC800, $0x38;
	[tilespmem:$0x1CA28] =	vst v63  }
0x754: {  	s25 =	simm.s32 $0x0;
	_ =	swait.ge [sflag:s19], $0xC800  }
0x755: {  	v2 =	vmov s25;
	[sflag:s19] =	ssyncset.done $0x0  }
0x756: {  	s0 =	simm.s32 $0x17B0;
	v2 =	vshll.u32 v2, $0x7;
	[sflag:s19] =	ssyncadd.s32 $0xFFFF3800  }
0x757: {  	v2 =	vor.u32 v1, v2;
	v3 =	vld [tilespmem:s0+$0xFFFFFFC0];
	_ =	sdelay $0x4  }
0x758: {  	s21 =	simm.s32 $0x2430;
	[tilespmem:v2+s18+$0x0] =	vst.idx.msk $0xffff, v3  }
0x759: {  	v4 =	vor.u32 $0x1, v2;
	v3 =	vld [tilespmem:s21+$0xFFFFFFC0];
	_ =	sdelay $0x4  }
0x75a: {  	s29 =	simm.s32 $0x30B0;
	[tilespmem:v4+s18+$0x0] =	vst.idx.msk $0xffff, v3  }
0x75b: {  	v2 =	vor.u32 $0x2, v2;
	v3 =	vld [tilespmem:s29+$0xFFFFFFC0];
	_ =	sdelay $0x2  }
0x75c: {  	s26 =	simm.s32 $0x10  }
0x75d: {  	v4 =	vmov s26  }
0x75e: {  	s23 =	sand.u32 $0x3F0, s25;
	[tilespmem:v2+s18+$0x0] =	vst.idx.msk $0xffff, v3;
	v2 =	vshll.u32 v4, $0x7  }
0x75f: {  	v3 =	vld [tilespmem:s23+$0x1780];
	v2 =	vor.u32 v1, v2;
	_ =	sdelay $0x4  }
0x760: {  	[tilespmem:v2+s18+$0x0] =	vst.idx.msk $0xffff, v3  }
0x761: {  	v4 =	vor.u32 $0x1, v2;
	v3 =	vld [tilespmem:s23+$0x2400];
	_ =	sdelay $0x4  }
0x762: {  	[tilespmem:v4+s18+$0x0] =	vst.idx.msk $0xffff, v3  }
0x763: {  	v2 =	vor.u32 $0x2, v2;
	v3 =	vld [tilespmem:s23+$0x3080];
	_ =	sdelay $0x2  }
0x764: {  	s24 =	simm.s32 $0x20  }
0x765: {  	v4 =	vmov s24  }
0x766: {  	[tilespmem:v2+s18+$0x0] =	vst.idx.msk $0xffff, v3;
	v2 =	vshll.u32 v4, $0x7  }
0x767: {  	v3 =	vld [tilespmem:s0+$0xFFFFFFE0];
	v2 =	vor.u32 v1, v2;
	_ =	sdelay $0x4  }
0x768: {  	[tilespmem:v2+s18+$0x0] =	vst.idx.msk $0xffff, v3  }
0x769: {  	v4 =	vor.u32 $0x1, v2;
	v3 =	vld [tilespmem:s21+$0xFFFFFFE0];
	_ =	sdelay $0x4  }
0x76a: {  	[tilespmem:v4+s18+$0x0] =	vst.idx.msk $0xffff, v3  }
0x76b: {  	v2 =	vor.u32 $0x2, v2;
	v3 =	vld [tilespmem:s29+$0xFFFFFFE0];
	_ =	sdelay $0x2  }
0x76c: {  	s25 =	simm.s32 $0x30  }
0x76d: {  	v4 =	vmov s25  }
0x76e: {  	[tilespmem:v2+s18+$0x0] =	vst.idx.msk $0xffff, v3;
	v2 =	vshll.u32 v4, $0x7  }
0x76f: {  	v3 =	vld [tilespmem:s0+$0xFFFFFFF0];
	v2 =	vor.u32 v1, v2;
	_ =	sdelay $0x4  }
0x770: {  	[tilespmem:v2+s18+$0x0] =	vst.idx.msk $0xffff, v3  }
0x771: {  	v4 =	vor.u32 $0x1, v2;
	v3 =	vld [tilespmem:s21+$0xFFFFFFF0];
	_ =	sdelay $0x4  }
0x772: {  	[tilespmem:v4+s18+$0x0] =	vst.idx.msk $0xffff, v3  }
0x773: {  	v2 =	vor.u32 $0x2, v2;
	v3 =	vld [tilespmem:s29+$0xFFFFFFF0];
	_ =	sdelay $0x2  }
0x774: {  	s26 =	simm.s32 $0x40  }
0x775: {  	v4 =	vmov s26  }
0x776: {  	[tilespmem:v2+s18+$0x0] =	vst.idx.msk $0xffff, v3;
	v2 =	vshll.u32 v4, $0x7  }
0x777: {  	v3 =	vld [tilespmem:s0+$0x0];
	v4 =	vor.u32 v1, v2;
	_ =	sdelay $0x4  }
0x778: {  	[tilespmem:v4+s18+$0x0] =	vst.idx.msk $0xffff, v3  }
0x779: {  	v3 =	vor.u32 $0x1, v4;
	v2 =	vld [tilespmem:s21+$0x0];
	_ =	sdelay $0x4  }
0x77a: {  	[tilespmem:v3+s18+$0x0] =	vst.idx.msk $0xffff, v2  }
0x77b: {  	v3 =	vor.u32 $0x2, v4;
	v2 =	vld [tilespmem:s29+$0x0];
	_ =	sdelay $0x2  }
0x77c: {  	s24 =	simm.s32 $0xE0;
	s23 =	simm.s32 $0x90;
	s25 =	simm.s32 $0x50  }
.LBB2_19:
0x77d: {  	p2 =	sne.s32 s24, $0x180;
	v4 =	vmov s25  }
0x77e: {  	s0 =	sadd.s32 $0x50, s0;
	v4 =	vshll.u32 v4, $0x7;
	[tilespmem:v3+s18+$0x0] =	vst.idx.msk $0xffff, v2  }
0x77f: {  	v2 =	vld [tilespmem:s0+$0xFFFFFFC0];
	v3 =	vor.u32 v1, v4;
	_ =	sdelay $0x4  }
0x780: {  	s21 =	sadd.s32 $0x50, s21;
	[tilespmem:v3+s18+$0x0] =	vst.idx.msk $0xffff, v2  }
0x781: {  	v4 =	vor.u32 $0x1, v3;
	v2 =	vld [tilespmem:s21+$0xFFFFFFC0];
	_ =	sdelay $0x4  }
0x782: {  	s29 =	sadd.s32 $0x50, s29;
	[tilespmem:v4+s18+$0x0] =	vst.idx.msk $0xffff, v2  }
0x783: {  	v3 =	vor.u32 $0x2, v3;
	v2 =	vld [tilespmem:s29+$0xFFFFFFC0];
	_ =	sdelay $0x2  }
0x784: {  	s26 =	sadd.s32 $0xFFFFFFD0, s23  }
0x785: {  	v4 =	vmov s26  }
0x786: {  	s25 =	sand.u32 $0x3F0, s25;
	[tilespmem:v3+s18+$0x0] =	vst.idx.msk $0xffff, v2;
	v2 =	vshll.u32 v4, $0x7  }
0x787: {  	v3 =	vld [tilespmem:s25+$0x1780];
	v2 =	vor.u32 v1, v2;
	_ =	sdelay $0x4  }
0x788: {  	[tilespmem:v2+s18+$0x0] =	vst.idx.msk $0xffff, v3  }
0x789: {  	v4 =	vor.u32 $0x1, v2;
	v3 =	vld [tilespmem:s25+$0x2400];
	_ =	sdelay $0x4  }
0x78a: {  	[tilespmem:v4+s18+$0x0] =	vst.idx.msk $0xffff, v3  }
0x78b: {  	v2 =	vor.u32 $0x2, v2;
	v3 =	vld [tilespmem:s25+$0x3080];
	_ =	sdelay $0x2  }
0x78c: {  	s25 =	sadd.s32 $0xFFFFFFE0, s23  }
0x78d: {  	v4 =	vmov s25  }
0x78e: {  	[tilespmem:v2+s18+$0x0] =	vst.idx.msk $0xffff, v3;
	v2 =	vshll.u32 v4, $0x7  }
0x78f: {  	v3 =	vld [tilespmem:s0+$0xFFFFFFE0];
	v2 =	vor.u32 v1, v2;
	_ =	sdelay $0x4  }
0x790: {  	[tilespmem:v2+s18+$0x0] =	vst.idx.msk $0xffff, v3  }
0x791: {  	v4 =	vor.u32 $0x1, v2;
	v3 =	vld [tilespmem:s21+$0xFFFFFFE0];
	_ =	sdelay $0x4  }
0x792: {  	[tilespmem:v4+s18+$0x0] =	vst.idx.msk $0xffff, v3  }
0x793: {  	v2 =	vor.u32 $0x2, v2;
	v3 =	vld [tilespmem:s29+$0xFFFFFFE0];
	_ =	sdelay $0x2  }
0x794: {  	s25 =	sadd.s32 $0xFFFFFFF0, s23  }
0x795: {  	v4 =	vmov s25  }
0x796: {  	[tilespmem:v2+s18+$0x0] =	vst.idx.msk $0xffff, v3;
	v2 =	vshll.u32 v4, $0x7  }
0x797: {  	v3 =	vld [tilespmem:s0+$0xFFFFFFF0];
	v2 =	vor.u32 v1, v2;
	_ =	sdelay $0x4  }
0x798: {  	[tilespmem:v2+s18+$0x0] =	vst.idx.msk $0xffff, v3  }
0x799: {  	v4 =	vor.u32 $0x1, v2;
	v3 =	vld [tilespmem:s21+$0xFFFFFFF0];
	_ =	sdelay $0x4  }
0x79a: {  	[tilespmem:v4+s18+$0x0] =	vst.idx.msk $0xffff, v3  }
0x79b: {  	v2 =	vor.u32 $0x2, v2;
	v3 =	vld [tilespmem:s29+$0xFFFFFFF0];
	_ =	sdelay $0x3  }
0x79c: {  	v4 =	vmov s23;
	s23 =	smov.u32 s24  }
0x79d: {  	[tilespmem:v2+s18+$0x0] =	vst.idx.msk $0xffff, v3;
	v2 =	vshll.u32 v4, $0x7  }
0x79e: {  	v3 =	vld [tilespmem:s0+$0x0];
	v4 =	vor.u32 v1, v2;
	_ =	sdelay $0x4  }
0x79f: {  	[tilespmem:v4+s18+$0x0] =	vst.idx.msk $0xffff, v3  }
0x7a0: {  	v3 =	vor.u32 $0x1, v4;
	v2 =	vld [tilespmem:s21+$0x0];
	_ =	sdelay $0x4  }
.Ltmp19:
0x7a1: {  	[tilespmem:v3+s18+$0x0] =	vst.idx.msk $0xffff, v2;
	(pc) =	sbr.rel @p2 .LBB2_19-.Ltmp19, $2  }
0x7a2: {  	v3 =	vor.u32 $0x2, v4;
	v2 =	vld [tilespmem:s29+$0x0];
	_ =	sdelay $0x2  }
0x7a3: {  	s24 =	sadd.s32 $0x50, s24;
	s25 =	sadd.s32 $0xFFFFFFC0, s23  }
0x7a4: {  	_ =	sdelay $0x2  }
0x7a5: {  	v4 =	vmov s25  }
0x7a6: {  	s0 =	sadd.s32 $0x50, s0;
	v4 =	vshll.u32 v4, $0x7;
	[tilespmem:v3+s18+$0x0] =	vst.idx.msk $0xffff, v2  }
0x7a7: {  	v2 =	vld [tilespmem:s0+$0xFFFFFFC0];
	v3 =	vor.u32 v1, v4;
	_ =	sdelay $0x4  }
0x7a8: {  	s21 =	sadd.s32 $0x50, s21;
	[tilespmem:v3+s18+$0x0] =	vst.idx.msk $0xffff, v2  }
0x7a9: {  	v4 =	vor.u32 $0x1, v3;
	v2 =	vld [tilespmem:s21+$0xFFFFFFC0];
	_ =	sdelay $0x4  }
0x7aa: {  	s24 =	sadd.s32 $0x50, s29;
	[tilespmem:v4+s18+$0x0] =	vst.idx.msk $0xffff, v2  }
0x7ab: {  	v3 =	vor.u32 $0x2, v3;
	v2 =	vld [tilespmem:s24+$0xFFFFFFC0];
	_ =	sdelay $0x2  }
0x7ac: {  	s26 =	sadd.s32 $0xFFFFFFD0, s23  }
0x7ad: {  	v56 =	vmov s26  }
0x7ae: {  	s29 =	sand.u32 $0x3F0, s25;
	[tilespmem:v3+s18+$0x0] =	vst.idx.msk $0xffff, v2;
	v2 =	vshll.u32 v56, $0x7  }
0x7af: {  	v3 =	vld [tilespmem:s29+$0x1780];
	v2 =	vor.u32 v1, v2;
	_ =	sdelay $0x4  }
0x7b0: {  	[tilespmem:v2+s18+$0x0] =	vst.idx.msk $0xffff, v3  }
0x7b1: {  	v57 =	vor.u32 $0x1, v2;
	v3 =	vld [tilespmem:s29+$0x2400];
	_ =	sdelay $0x4  }
0x7b2: {  	[tilespmem:v57+s18+$0x0] =	vst.idx.msk $0xffff, v3  }
0x7b3: {  	v2 =	vor.u32 $0x2, v2;
	v3 =	vld [tilespmem:s29+$0x3080];
	_ =	sdelay $0x2  }
0x7b4: {  	s26 =	sadd.s32 $0xFFFFFFE0, s23  }
0x7b5: {  	v58 =	vmov s26  }
0x7b6: {  	[tilespmem:v2+s18+$0x0] =	vst.idx.msk $0xffff, v3;
	v2 =	vshll.u32 v58, $0x7  }
0x7b7: {  	v3 =	vld [tilespmem:s0+$0xFFFFFFE0];
	v2 =	vor.u32 v1, v2;
	_ =	sdelay $0x4  }
0x7b8: {  	[tilespmem:v2+s18+$0x0] =	vst.idx.msk $0xffff, v3  }
0x7b9: {  	v59 =	vor.u32 $0x1, v2;
	v3 =	vld [tilespmem:s21+$0xFFFFFFE0];
	_ =	sdelay $0x4  }
0x7ba: {  	[tilespmem:v59+s18+$0x0] =	vst.idx.msk $0xffff, v3  }
0x7bb: {  	v2 =	vor.u32 $0x2, v2;
	v3 =	vld [tilespmem:s24+$0xFFFFFFE0];
	_ =	sdelay $0x2  }
0x7bc: {  	s29 =	sadd.s32 $0xFFFFFFF0, s23  }
0x7bd: {  	v60 =	vmov s29  }
0x7be: {  	[tilespmem:v2+s18+$0x0] =	vst.idx.msk $0xffff, v3;
	v2 =	vshll.u32 v60, $0x7  }
0x7bf: {  	v3 =	vld [tilespmem:s0+$0xFFFFFFF0];
	v2 =	vor.u32 v1, v2;
	_ =	sdelay $0x4  }
0x7c0: {  	[tilespmem:v2+s18+$0x0] =	vst.idx.msk $0xffff, v3  }
0x7c1: {  	v61 =	vor.u32 $0x1, v2;
	v3 =	vld [tilespmem:s21+$0xFFFFFFF0];
	_ =	sdelay $0x4  }
0x7c2: {  	[tilespmem:v61+s18+$0x0] =	vst.idx.msk $0xffff, v3  }
0x7c3: {  	v2 =	vor.u32 $0x2, v2;
	v3 =	vld [tilespmem:s24+$0xFFFFFFF0];
	_ =	sdelay $0x3  }
0x7c4: {  	v62 =	vmov s23  }
0x7c5: {  	[tilespmem:v2+s18+$0x0] =	vst.idx.msk $0xffff, v3;
	v2 =	vshll.u32 v62, $0x7  }
0x7c6: {  	v3 =	vld [tilespmem:s0+$0x0];
	v2 =	vor.u32 v1, v2;
	_ =	sdelay $0x4  }
0x7c7: {  	[tilespmem:v2+s18+$0x0] =	vst.idx.msk $0xffff, v3  }
0x7c8: {  	v63 =	vor.u32 $0x1, v2;
	v3 =	vld [tilespmem:s21+$0x0];
	_ =	sdelay $0x4  }
0x7c9: {  	[tilespmem:v63+s18+$0x0] =	vst.idx.msk $0xffff, v3  }
0x7ca: {  	v2 =	vor.u32 $0x2, v2;
	v3 =	vld [tilespmem:s24+$0x0];
	_ =	sdelay $0x1  }
.Ltmp20:
0x7cb: {  	_ = 	snop;
	(pc) =	sbr.rel .LBB2_36-.Ltmp20, $3  }
0x7cc: {  	_ =	sdelay $0x1  }
0x7cd: {  	s0 =	simm.s32 $0x4;
	s21 =	simm.s32 $0x3;
	[tilespmem:v2+s18+$0x0] =	vst.idx.msk $0xffff, v3  }
0x7ce: {  	[hbm4b:s15+s3] =	stream.linear.scatter [tilespmem:s18], [sflag:$0x4], $0xC800, $0x38;
	[tilespmem:$0x1CA28] =	vst v63  }
.LBB2_37:
0x7cf: {  	_ =	sfence.sel $0x180000  }
0x7d0: {  	[bflag:$0x0] =	sbarrier.arrive $0xFFFF  }
0x7d1: {  	_ =	strace $0x90000047  }
0x7d2: {  	[bflag:$0x2] =	sbarrier.arrive $0xFFFF  }
0x7d3: {  	s0 =	rddreg [dreg:$0x7]  }
0x7d4: {  	s0 =	sadd.s32 @!p0 $0x100000, s0  }
0x7d5: {  	[sflag:s0] =	ssyncadd.tile.s32 @!p0 $0x1;
	_ =	shalt  }
.Lfunc_end2:
_tile_overlayer_lowered:
.L_overlay_start_2:
0x7d6: {  	(tag) =	ssettag $0x2  }
0x7d7: {  	s0 =	rddreg [dreg:$0x0];
	s2 =	stileid.u32  }
0x7d8: {  	s1 =	rddreg [dreg:$0x1];
	p0 =	sne.s32 s2, $0x0  }
0x7d9: {  	s3 =	rddreg [dreg:$0x2];
	[bflag:$0x3] =	sbarrier.arrive $0xFFFF;
	s2 =	simm.s32 @!p0 $0x1C05  }
0x7da: {  	[timem:s3], [sflag:s2] =	dma.local @!p0 [hbm:s0], s1  }
0x7db: {  	s0 =	simm.s32 @!p0 $0x5  }
0x7dc: {  	_ =	swait.ge @!p0 [sflag:s0], s1  }
0x7dd: {  	s1 =	ssub.s32 @!p0 $0x0, s1;
	[sflag:s0] =	ssyncset.done @!p0 $0x0  }
0x7de: {  	[sflag:s0] =	ssyncadd.s32 @!p0 s1  }
0x7df: {  	[bflag:$0x3] =	sbarrier.arrive $0xFFFF  }
0x7e0: {  	_ =	shalt  }

</sc_bundles>
